<compile_context>
chip_gen: v7x
topology: tpu7x:2x2x1
jax: 0.10.2.dev20260603
libtpu: 0.0.44.dev20260713+nightly
codegen_flags: <defaults>
</compile_context>

<pallas_src>
import functools

import jax
import jax.numpy as jnp
from jax import lax
from jax.experimental import pallas as pl
from jax.experimental.pallas import tpu as pltpu
from jax.experimental.pallas import tpu_sc as plsc

_LANES = 16


def _rsqrt(x):
    i = lax.bitcast_convert_type(x, jnp.int32)
    i = jnp.int32(0x5F3759DF) - lax.shift_right_logical(i, jnp.int32(1))
    y = lax.bitcast_convert_type(i, jnp.float32)
    for _ in range(2):
        y = y * (jnp.float32(1.5) - jnp.float32(0.5) * x * y * y)
    return y


def _lane_sum(v):
    lane = lax.iota(jnp.int32, _LANES)
    for k in (8, 4, 2, 1):
        v = v + v.at[lane ^ k].get(mode="promise_in_bounds")
    return v


def _make_kernel(N, S, D, CH):
    info = plsc.get_sparse_core_info()
    NW = info.num_cores * info.num_subcores
    n_per_w = N // NW
    n_chunks = n_per_w // CH
    JV = D // _LANES

    NB = 4
    assert n_chunks % NB == 0 and n_chunks >= 2 * NB

    mesh = plsc.VectorSubcoreMesh(core_axis_name="c", subcore_axis_name="s")

    @functools.partial(
        pl.kernel,
        out_type=jax.ShapeDtypeStruct((N, D), jnp.float32),
        mesh=mesh,
        scratch_types=[
            pltpu.VMEM((n_per_w,), jnp.int32),
            pltpu.VMEM((NB, CH, D), jnp.float32),
            pltpu.VMEM((CH, _LANES), jnp.float32),
            pltpu.VMEM((CH, _LANES), jnp.float32),
            pltpu.VMEM((D,), jnp.float32),
            pltpu.VMEM((D,), jnp.float32),
            pltpu.SemaphoreType.DMA((NB,)),
        ],
    )
    def k(x_hbm, w_hbm, pos_hbm, gamma_hbm, beta_hbm, out_hbm,
          idx_v, rows_v, a_v, m_v, gamma_v, beta_v, sem_arr):
        wid = lax.axis_index("c") * info.num_subcores + lax.axis_index("s")
        base = wid * n_per_w
        s0 = lax.rem(base, S)

        pltpu.sync_copy(x_hbm.at[pl.ds(base, n_per_w)], idx_v)
        pltpu.sync_copy(gamma_hbm, gamma_v)
        pltpu.sync_copy(beta_hbm, beta_v)

        def pos_start(c, p):
            pltpu.async_copy(pos_hbm.at[pl.ds(s0 + c * CH, CH)],
                             rows_v.at[p], sem_arr.at[p])

        def gather_start(c, p):
            pltpu.async_copy(w_hbm.at[idx_v.at[pl.ds(c * CH, CH)]],
                             rows_v.at[p], sem_arr.at[p], add=True)

        def store_start(c, p):
            pltpu.async_copy(rows_v.at[p], out_hbm.at[pl.ds(base + c * CH, CH)],
                             sem_arr.at[p])

        def dma_wait(p):
            pltpu.make_async_copy(pos_hbm.at[pl.ds(0, CH)],
                                  rows_v.at[p], sem_arr.at[p]).wait()

        def compute(p):
            rows_b = rows_v.at[p]

            @plsc.parallel_loop(0, CH, 1, unroll=2)
            def stats_body(r):
                acc_s = [jnp.zeros((_LANES,), jnp.float32) for _ in range(4)]
                acc_q = [jnp.zeros((_LANES,), jnp.float32) for _ in range(4)]
                for j in range(JV):
                    v = rows_b[r, pl.ds(j * _LANES, _LANES)]
                    acc_s[j % 4] = acc_s[j % 4] + v
                    acc_q[j % 4] = acc_q[j % 4] + v * v
                tot_s = (acc_s[0] + acc_s[1]) + (acc_s[2] + acc_s[3])
                tot_q = (acc_q[0] + acc_q[1]) + (acc_q[2] + acc_q[3])
                mvec = _lane_sum(tot_s) * jnp.float32(1.0 / D)
                msq = _lane_sum(tot_q) * jnp.float32(1.0 / D)
                var = msq - mvec * mvec
                rsig = _rsqrt(var + jnp.float32(1e-5))
                a_v[r, :] = rsig
                m_v[r, :] = mvec * rsig

            GW = 16
            for jg in range(JV // GW):
                gs = [gamma_v[pl.ds((jg * GW + t) * _LANES, _LANES)]
                      for t in range(GW)]
                bs = [beta_v[pl.ds((jg * GW + t) * _LANES, _LANES)]
                      for t in range(GW)]

                @plsc.parallel_loop(0, CH, 1, unroll=2)
                def apply_body(r, jg=jg, gs=gs, bs=bs):
                    a = a_v[r, :]
                    m = m_v[r, :]
                    for t in range(GW):
                        j = jg * GW + t
                        v = rows_b[r, pl.ds(j * _LANES, _LANES)]
                        rows_b[r, pl.ds(j * _LANES, _LANES)] = (
                            (v * a - m) * gs[t] + bs[t])

        pos_start(0, 0)
        pos_start(1, 1)
        dma_wait(0)
        gather_start(0, 0)

        def chunk_iter(c, _):
            p = lax.bitwise_and(c, NB - 1)
            p1 = lax.bitwise_and(c + 1, NB - 1)
            p2 = lax.bitwise_and(c + 2, NB - 1)
            dma_wait(p)

            @pl.when(c >= 2)
            def _():
                dma_wait(p2)

            @pl.when(c + 2 < n_chunks)
            def _():
                pos_start(c + 2, p2)

            @pl.when(c + 1 < n_chunks)
            def _():
                dma_wait(p1)
                gather_start(c + 1, p1)

            compute(p)
            store_start(c, p)
            return 0

        lax.fori_loop(0, n_chunks, chunk_iter, 0)
        dma_wait((n_chunks - 2) % NB)
        dma_wait((n_chunks - 1) % NB)

    return k


def kernel(x, W, pos, gamma, beta):
    B, S = x.shape
    V, D = W.shape
    N = B * S
    x_flat = x.reshape(N).astype(jnp.int32)
    pos_s = pos[0, :S, :]
    k = _make_kernel(N, S, D, CH=32)
    out = k(x_flat, W, pos_s, gamma, beta)
    return out.reshape(B, S, D)

# --- scband reference (transcript-rebuilt; emitter-appended) ---
"""Pipeline reference for scband-embeddings-16492674417066 (READ-ONLY COPY).

The authoritative reference and input builder live on the scoring server;
editing this copy changes nothing except your own understanding.
"""

import jax, jax.numpy as jnp
import numpy as np

VOCAB = 100000
D_MODEL = 768
MAX_SEQ = 8192
BATCH = 4
SEQ = 4096


def setup_inputs(seed: int = 0) -> dict:
    key = jax.random.key(seed)
    k1, k2, k3 = jax.random.split(key, 3)
    x = jax.random.randint(k1, (BATCH, SEQ), 0, VOCAB, dtype=jnp.int64 if jax.config.jax_enable_x64 else jnp.int32)
    W = jax.random.normal(k2, (VOCAB, D_MODEL), dtype=jnp.float32)
    pos = jnp.zeros((1, MAX_SEQ, D_MODEL), dtype=jnp.float32)
    # nn.Parameter initialized to zeros in the torch module; keep zeros but add tiny noise-free zeros.
    gamma = jnp.ones((D_MODEL,), dtype=jnp.float32)
    beta = jnp.zeros((D_MODEL,), dtype=jnp.float32)
    return {"x": x, "W": W, "pos": pos, "gamma": gamma, "beta": beta}


def reference(x, W, pos, gamma, beta):
    seq_len = x.shape[1]
    # word embedding lookup (gather)
    emb = jnp.take(W, x, axis=0)  # [B, S, D]
    emb = emb + pos[:, :seq_len, :]
    # LayerNorm over last dim, eps=1e-5 (torch default)
    mean = jnp.mean(emb, axis=-1, keepdims=True)
    var = jnp.mean(jnp.square(emb - mean), axis=-1, keepdims=True)
    normed = (emb - mean) / jnp.sqrt(var + 1e-5)
    out = normed * gamma + beta
    # dropout is identity in eval mode
    return out

if __name__ == "__main__":
    import jax
    _d = setup_inputs()
    print(jax.jit(kernel)(*tuple(_d.values())))

</pallas_src>

<mosaic_0001>
#map = affine_map<(d0, d1) -> (0)>
#map1 = affine_map<(d0, d1) -> (0, 0)>
module attributes {stable_mosaic.version = 14 : i64} {
  func.func @k(%arg0: i32, %arg1: i32, %arg2: memref<16384xi32, #tpu.memory_space<hbm>>, %arg3: memref<100000x768xf32, #tpu.memory_space<hbm>>, %arg4: memref<4096x768xf32, #tpu.memory_space<hbm>>, %arg5: memref<768xf32, #tpu.memory_space<hbm>>, %arg6: memref<768xf32, #tpu.memory_space<hbm>>, %arg7: memref<16384x768xf32, #tpu.memory_space<hbm>>, %arg8: memref<512xi32, #tpu.memory_space<vmem>>, %arg9: memref<4x32x768xf32, #tpu.memory_space<vmem>>, %arg10: memref<32x16xf32, #tpu.memory_space<vmem>>, %arg11: memref<32x16xf32, #tpu.memory_space<vmem>>, %arg12: memref<768xf32, #tpu.memory_space<vmem>>, %arg13: memref<768xf32, #tpu.memory_space<vmem>>, %arg14: memref<4x!tpu.dma_semaphore, #tpu.memory_space<semaphore_mem>>) attributes {dimension_semantics = [#tpu.dimension_semantics<core_parallel>, #tpu.dimension_semantics<subcore_parallel>], iteration_bounds = array<i64: 2, 16>, scalar_prefetch = 0 : i64, scratch_operands = 7 : i64, tpu.core_type = #tpu.core_type<sc_vector_subcore>, window_params = [{transform_indices = #map}, {transform_indices = #map1}, {transform_indices = #map1}, {transform_indices = #map}, {transform_indices = #map}, {transform_indices = #map1}]} {
    %mul3A = arith.constant 16 : i32
    %mul3A_0 = arith.muli %arg0, %mul3A : i32
    %add3A = arith.addi %mul3A_0, %arg1 : i32
    %mul3A_1 = arith.constant 512 : i32
    %mul3A_2 = arith.muli %add3A, %mul3A_1 : i32
    %rem3A = arith.constant 4096 : i32
    %rem3A_3 = arith.remsi %mul3A_2, %rem3A : i32
    "tpu.region"() ({
      %run_scoped3A = tpu.sem_alloc : memref<!tpu.dma_semaphore, #tpu.memory_space<semaphore_mem>>
      %dma_start3A_111 = tpu.memref_slice %arg2[%mul3A_2] : memref<16384xi32, #tpu.memory_space<hbm>> -> memref<512xi32, #tpu.memory_space<hbm>>
      %dma_start3A_112 = tpu.memref_slice %arg2[%mul3A_2] : memref<16384xi32, #tpu.memory_space<hbm>> -> memref<512xi32, #tpu.memory_space<hbm>>
      tpu.enqueue_dma source(%dma_start3A_112 : memref<512xi32, #tpu.memory_space<hbm>>) target(%arg8 : memref<512xi32, #tpu.memory_space<vmem>>) target_semaphore(%run_scoped3A : memref<!tpu.dma_semaphore, #tpu.memory_space<semaphore_mem>>)
      %dma_wait3A_113 = tpu.memref_slice %arg2[%mul3A_2] : memref<16384xi32, #tpu.memory_space<hbm>> -> memref<512xi32, #tpu.memory_space<hbm>>
      %dma_wait3A_114 = tpu.memref_slice %arg2[%mul3A_2] : memref<16384xi32, #tpu.memory_space<hbm>> -> memref<512xi32, #tpu.memory_space<hbm>>
      tpu.wait_dma2 semaphore(%run_scoped3A : memref<!tpu.dma_semaphore, #tpu.memory_space<semaphore_mem>>) src(%dma_wait3A_114 : memref<512xi32, #tpu.memory_space<hbm>>) dst(%arg8 : memref<512xi32, #tpu.memory_space<vmem>>)
      tpu.yield
    }) : () -> ()
    "tpu.region"() ({
      %run_scoped3A = tpu.sem_alloc : memref<!tpu.dma_semaphore, #tpu.memory_space<semaphore_mem>>
      tpu.enqueue_dma source(%arg5 : memref<768xf32, #tpu.memory_space<hbm>>) target(%arg12 : memref<768xf32, #tpu.memory_space<vmem>>) target_semaphore(%run_scoped3A : memref<!tpu.dma_semaphore, #tpu.memory_space<semaphore_mem>>)
      tpu.wait_dma2 semaphore(%run_scoped3A : memref<!tpu.dma_semaphore, #tpu.memory_space<semaphore_mem>>) src(%arg5 : memref<768xf32, #tpu.memory_space<hbm>>) dst(%arg12 : memref<768xf32, #tpu.memory_space<vmem>>)
      tpu.yield
    }) : () -> ()
    "tpu.region"() ({
      %run_scoped3A = tpu.sem_alloc : memref<!tpu.dma_semaphore, #tpu.memory_space<semaphore_mem>>
      tpu.enqueue_dma source(%arg6 : memref<768xf32, #tpu.memory_space<hbm>>) target(%arg13 : memref<768xf32, #tpu.memory_space<vmem>>) target_semaphore(%run_scoped3A : memref<!tpu.dma_semaphore, #tpu.memory_space<semaphore_mem>>)
      tpu.wait_dma2 semaphore(%run_scoped3A : memref<!tpu.dma_semaphore, #tpu.memory_space<semaphore_mem>>) src(%arg6 : memref<768xf32, #tpu.memory_space<hbm>>) dst(%arg13 : memref<768xf32, #tpu.memory_space<vmem>>)
      tpu.yield
    }) : () -> ()
    %add3A_4 = arith.constant 0 : i32
    %add3A_5 = arith.addi %rem3A_3, %add3A_4 : i32
    %dma_start3A = arith.constant 0 : i32
    %dma_start3A_6 = arith.constant 0 : i32
    %dma_start3A_7 = arith.constant 0 : i32
    %dma_start3A_8 = arith.constant 0 : i32
    %dma_start3A_9 = tpu.memref_slice %arg9[%dma_start3A, %dma_start3A_7, %dma_start3A_8] : memref<4x32x768xf32, #tpu.memory_space<vmem>> -> memref<1x32x768xf32, #tpu.memory_space<vmem>>
    %dma_start3A_10 = tpu.memref_squeeze %dma_start3A_9 : memref<1x32x768xf32, #tpu.memory_space<vmem>> -> memref<32x768xf32, #tpu.memory_space<vmem>>
    %dma_start3A_11 = arith.constant 0 : i32
    %dma_start3A_12 = tpu.memref_slice %arg4[%add3A_5, %dma_start3A_11] : memref<4096x768xf32, #tpu.memory_space<hbm>> -> memref<32x768xf32, #tpu.memory_space<hbm>>
    %dma_start3A_13 = tpu.memref_slice %arg14[%dma_start3A_6] : memref<4x!tpu.dma_semaphore, #tpu.memory_space<semaphore_mem>> -> memref<1x!tpu.dma_semaphore, #tpu.memory_space<semaphore_mem>>
    %dma_start3A_14 = tpu.memref_squeeze %dma_start3A_13 : memref<1x!tpu.dma_semaphore, #tpu.memory_space<semaphore_mem>> -> memref<!tpu.dma_semaphore, #tpu.memory_space<semaphore_mem>>
    %dma_start3A_15 = arith.constant 0 : i32
    %dma_start3A_16 = arith.constant 0 : i32
    %dma_start3A_17 = tpu.memref_slice %arg9[%dma_start3A, %dma_start3A_15, %dma_start3A_16] : memref<4x32x768xf32, #tpu.memory_space<vmem>> -> memref<1x32x768xf32, #tpu.memory_space<vmem>>
    %dma_start3A_18 = tpu.memref_squeeze %dma_start3A_17 : memref<1x32x768xf32, #tpu.memory_space<vmem>> -> memref<32x768xf32, #tpu.memory_space<vmem>>
    %dma_start3A_19 = arith.constant 0 : i32
    %dma_start3A_20 = tpu.memref_slice %arg4[%add3A_5, %dma_start3A_19] : memref<4096x768xf32, #tpu.memory_space<hbm>> -> memref<32x768xf32, #tpu.memory_space<hbm>>
    tpu.enqueue_dma source(%dma_start3A_20 : memref<32x768xf32, #tpu.memory_space<hbm>>) target(%dma_start3A_18 : memref<32x768xf32, #tpu.memory_space<vmem>>) target_semaphore(%dma_start3A_14 : memref<!tpu.dma_semaphore, #tpu.memory_space<semaphore_mem>>)
    %add3A_21 = arith.constant 32 : i32
    %add3A_22 = arith.addi %rem3A_3, %add3A_21 : i32
    %dma_start3A_23 = arith.constant 1 : i32
    %dma_start3A_24 = arith.constant 1 : i32
    %dma_start3A_25 = arith.constant 0 : i32
    %dma_start3A_26 = arith.constant 0 : i32
    %dma_start3A_27 = tpu.memref_slice %arg9[%dma_start3A_23, %dma_start3A_25, %dma_start3A_26] : memref<4x32x768xf32, #tpu.memory_space<vmem>> -> memref<1x32x768xf32, #tpu.memory_space<vmem>>
    %dma_start3A_28 = tpu.memref_squeeze %dma_start3A_27 : memref<1x32x768xf32, #tpu.memory_space<vmem>> -> memref<32x768xf32, #tpu.memory_space<vmem>>
    %dma_start3A_29 = arith.constant 0 : i32
    %dma_start3A_30 = tpu.memref_slice %arg4[%add3A_22, %dma_start3A_29] : memref<4096x768xf32, #tpu.memory_space<hbm>> -> memref<32x768xf32, #tpu.memory_space<hbm>>
    %dma_start3A_31 = tpu.memref_slice %arg14[%dma_start3A_24] : memref<4x!tpu.dma_semaphore, #tpu.memory_space<semaphore_mem>> -> memref<1x!tpu.dma_semaphore, #tpu.memory_space<semaphore_mem>>
    %dma_start3A_32 = tpu.memref_squeeze %dma_start3A_31 : memref<1x!tpu.dma_semaphore, #tpu.memory_space<semaphore_mem>> -> memref<!tpu.dma_semaphore, #tpu.memory_space<semaphore_mem>>
    %dma_start3A_33 = arith.constant 0 : i32
    %dma_start3A_34 = arith.constant 0 : i32
    %dma_start3A_35 = tpu.memref_slice %arg9[%dma_start3A_23, %dma_start3A_33, %dma_start3A_34] : memref<4x32x768xf32, #tpu.memory_space<vmem>> -> memref<1x32x768xf32, #tpu.memory_space<vmem>>
    %dma_start3A_36 = tpu.memref_squeeze %dma_start3A_35 : memref<1x32x768xf32, #tpu.memory_space<vmem>> -> memref<32x768xf32, #tpu.memory_space<vmem>>
    %dma_start3A_37 = arith.constant 0 : i32
    %dma_start3A_38 = tpu.memref_slice %arg4[%add3A_22, %dma_start3A_37] : memref<4096x768xf32, #tpu.memory_space<hbm>> -> memref<32x768xf32, #tpu.memory_space<hbm>>
    tpu.enqueue_dma source(%dma_start3A_38 : memref<32x768xf32, #tpu.memory_space<hbm>>) target(%dma_start3A_36 : memref<32x768xf32, #tpu.memory_space<vmem>>) target_semaphore(%dma_start3A_32 : memref<!tpu.dma_semaphore, #tpu.memory_space<semaphore_mem>>)
    %dma_wait3A = arith.constant 0 : i32
    %dma_wait3A_39 = arith.constant 0 : i32
    %dma_wait3A_40 = arith.constant 0 : i32
    %dma_wait3A_41 = arith.constant 0 : i32
    %dma_wait3A_42 = tpu.memref_slice %arg9[%dma_wait3A, %dma_wait3A_40, %dma_wait3A_41] : memref<4x32x768xf32, #tpu.memory_space<vmem>> -> memref<1x32x768xf32, #tpu.memory_space<vmem>>
    %dma_wait3A_43 = tpu.memref_squeeze %dma_wait3A_42 : memref<1x32x768xf32, #tpu.memory_space<vmem>> -> memref<32x768xf32, #tpu.memory_space<vmem>>
    %dma_wait3A_44 = arith.constant 0 : i32
    %dma_wait3A_45 = arith.constant 0 : i32
    %dma_wait3A_46 = tpu.memref_slice %arg4[%dma_wait3A_44, %dma_wait3A_45] : memref<4096x768xf32, #tpu.memory_space<hbm>> -> memref<32x768xf32, #tpu.memory_space<hbm>>
    %dma_wait3A_47 = tpu.memref_slice %arg14[%dma_wait3A_39] : memref<4x!tpu.dma_semaphore, #tpu.memory_space<semaphore_mem>> -> memref<1x!tpu.dma_semaphore, #tpu.memory_space<semaphore_mem>>
    %dma_wait3A_48 = tpu.memref_squeeze %dma_wait3A_47 : memref<1x!tpu.dma_semaphore, #tpu.memory_space<semaphore_mem>> -> memref<!tpu.dma_semaphore, #tpu.memory_space<semaphore_mem>>
    %dma_wait3A_49 = arith.constant 0 : i32
    %dma_wait3A_50 = arith.constant 0 : i32
    %dma_wait3A_51 = tpu.memref_slice %arg9[%dma_wait3A, %dma_wait3A_49, %dma_wait3A_50] : memref<4x32x768xf32, #tpu.memory_space<vmem>> -> memref<1x32x768xf32, #tpu.memory_space<vmem>>
    %dma_wait3A_52 = tpu.memref_squeeze %dma_wait3A_51 : memref<1x32x768xf32, #tpu.memory_space<vmem>> -> memref<32x768xf32, #tpu.memory_space<vmem>>
    %dma_wait3A_53 = arith.constant 0 : i32
    %dma_wait3A_54 = arith.constant 0 : i32
    %dma_wait3A_55 = tpu.memref_slice %arg4[%dma_wait3A_53, %dma_wait3A_54] : memref<4096x768xf32, #tpu.memory_space<hbm>> -> memref<32x768xf32, #tpu.memory_space<hbm>>
    tpu.wait_dma2 semaphore(%dma_wait3A_48 : memref<!tpu.dma_semaphore, #tpu.memory_space<semaphore_mem>>) src(%dma_wait3A_55 : memref<32x768xf32, #tpu.memory_space<hbm>>) dst(%dma_wait3A_52 : memref<32x768xf32, #tpu.memory_space<vmem>>)
    %dma_start3A_56 = arith.constant 0 : i32
    %dma_start3A_57 = arith.constant 0 : i32
    %dma_start3A_58 = arith.constant 0 : i32
    %dma_start3A_59 = arith.constant 0 : i32
    %dma_start3A_60 = tpu.memref_slice %arg9[%dma_start3A_56, %dma_start3A_58, %dma_start3A_59] : memref<4x32x768xf32, #tpu.memory_space<vmem>> -> memref<1x32x768xf32, #tpu.memory_space<vmem>>
    %dma_start3A_61 = tpu.memref_squeeze %dma_start3A_60 : memref<1x32x768xf32, #tpu.memory_space<vmem>> -> memref<32x768xf32, #tpu.memory_space<vmem>>
    %dma_start3A_62 = arith.constant 0 : i32
    %dma_start3A_63 = tpu.memref_slice %arg8[%dma_start3A_62] : memref<512xi32, #tpu.memory_space<vmem>> -> memref<32xi32, #tpu.memory_space<vmem>>
    %dma_start3A_64 = arith.constant 0 : i32
    %dma_start3A_65 = arith.constant 0 : i32
    %dma_start3A_66 = tpu.memref_slice %arg3[%dma_start3A_64, %dma_start3A_65] : memref<100000x768xf32, #tpu.memory_space<hbm>> -> memref<100000x768xf32, #tpu.memory_space<hbm>>
    %dma_start3A_67 = tpu.memref_slice %arg14[%dma_start3A_57] : memref<4x!tpu.dma_semaphore, #tpu.memory_space<semaphore_mem>> -> memref<1x!tpu.dma_semaphore, #tpu.memory_space<semaphore_mem>>
    %dma_start3A_68 = tpu.memref_squeeze %dma_start3A_67 : memref<1x!tpu.dma_semaphore, #tpu.memory_space<semaphore_mem>> -> memref<!tpu.dma_semaphore, #tpu.memory_space<semaphore_mem>>
    tpu.enqueue_indirect_dma source(%dma_start3A_66 : memref<100000x768xf32, #tpu.memory_space<hbm>>) target(%dma_start3A_61 : memref<32x768xf32, #tpu.memory_space<vmem>>) offsets(%dma_start3A_63 : memref<32xi32, #tpu.memory_space<vmem>>) semaphore(%dma_start3A_68 : memref<!tpu.dma_semaphore, #tpu.memory_space<semaphore_mem>>) {add = true}
    %scan3A = arith.constant 0 : i32
    %scan3A_69 = arith.constant 0 : i32
    %scan3A_70 = arith.constant 16 : i32
    %scan3A_71 = arith.addi %scan3A_69, %scan3A_70 : i32
    %scan3A_72 = arith.constant 1 : i32
    %scan3A_73 = scf.for %scan3A_111 = %scan3A_69 to %scan3A_71 step %scan3A_72 iter_args(%scan3A_112 = %scan3A) -> (i32)  : i32 {
      %and3A = arith.constant 3 : i32
      %and3A_113 = arith.andi %scan3A_111, %and3A : i32
      %add3A_114 = arith.constant 1 : i32
      %add3A_115 = arith.addi %scan3A_111, %add3A_114 : i32
      %and3A_116 = arith.constant 3 : i32
      %and3A_117 = arith.andi %add3A_115, %and3A_116 : i32
      %add3A_118 = arith.constant 2 : i32
      %add3A_119 = arith.addi %scan3A_111, %add3A_118 : i32
      %and3A_120 = arith.constant 3 : i32
      %and3A_121 = arith.andi %add3A_119, %and3A_120 : i32
      %dma_wait3A_122 = arith.constant 0 : i32
      %dma_wait3A_123 = arith.constant 0 : i32
      %dma_wait3A_124 = tpu.memref_slice %arg9[%and3A_113, %dma_wait3A_122, %dma_wait3A_123] : memref<4x32x768xf32, #tpu.memory_space<vmem>> -> memref<1x32x768xf32, #tpu.memory_space<vmem>>
      %dma_wait3A_125 = tpu.memref_squeeze %dma_wait3A_124 : memref<1x32x768xf32, #tpu.memory_space<vmem>> -> memref<32x768xf32, #tpu.memory_space<vmem>>
      %dma_wait3A_126 = arith.constant 0 : i32
      %dma_wait3A_127 = arith.constant 0 : i32
      %dma_wait3A_128 = tpu.memref_slice %arg4[%dma_wait3A_126, %dma_wait3A_127] : memref<4096x768xf32, #tpu.memory_space<hbm>> -> memref<32x768xf32, #tpu.memory_space<hbm>>
      %dma_wait3A_129 = tpu.memref_slice %arg14[%and3A_113] : memref<4x!tpu.dma_semaphore, #tpu.memory_space<semaphore_mem>> -> memref<1x!tpu.dma_semaphore, #tpu.memory_space<semaphore_mem>>
      %dma_wait3A_130 = tpu.memref_squeeze %dma_wait3A_129 : memref<1x!tpu.dma_semaphore, #tpu.memory_space<semaphore_mem>> -> memref<!tpu.dma_semaphore, #tpu.memory_space<semaphore_mem>>
      %dma_wait3A_131 = arith.constant 0 : i32
      %dma_wait3A_132 = arith.constant 0 : i32
      %dma_wait3A_133 = tpu.memref_slice %arg9[%and3A_113, %dma_wait3A_131, %dma_wait3A_132] : memref<4x32x768xf32, #tpu.memory_space<vmem>> -> memref<1x32x768xf32, #tpu.memory_space<vmem>>
      %dma_wait3A_134 = tpu.memref_squeeze %dma_wait3A_133 : memref<1x32x768xf32, #tpu.memory_space<vmem>> -> memref<32x768xf32, #tpu.memory_space<vmem>>
      %dma_wait3A_135 = arith.constant 0 : i32
      %dma_wait3A_136 = arith.constant 0 : i32
      %dma_wait3A_137 = tpu.memref_slice %arg4[%dma_wait3A_135, %dma_wait3A_136] : memref<4096x768xf32, #tpu.memory_space<hbm>> -> memref<32x768xf32, #tpu.memory_space<hbm>>
      tpu.wait_dma2 semaphore(%dma_wait3A_130 : memref<!tpu.dma_semaphore, #tpu.memory_space<semaphore_mem>>) src(%dma_wait3A_137 : memref<32x768xf32, #tpu.memory_space<hbm>>) dst(%dma_wait3A_134 : memref<32x768xf32, #tpu.memory_space<vmem>>)
      %ge3A = arith.constant 2 : i32
      %ge3A_138 = arith.cmpi sge, %scan3A_111, %ge3A : i32
      %convert_element_type3A = arith.extui %ge3A_138 : i1 to i32
      %cond3A = arith.constant 0 : i32
      %cond3A_139 = arith.cmpi ne, %convert_element_type3A, %cond3A : i32
      scf.if %cond3A_139 {
        %dma_wait3A_469 = arith.constant 0 : i32
        %dma_wait3A_470 = arith.constant 0 : i32
        %dma_wait3A_471 = tpu.memref_slice %arg9[%and3A_121, %dma_wait3A_469, %dma_wait3A_470] : memref<4x32x768xf32, #tpu.memory_space<vmem>> -> memref<1x32x768xf32, #tpu.memory_space<vmem>>
        %dma_wait3A_472 = tpu.memref_squeeze %dma_wait3A_471 : memref<1x32x768xf32, #tpu.memory_space<vmem>> -> memref<32x768xf32, #tpu.memory_space<vmem>>
        %dma_wait3A_473 = arith.constant 0 : i32
        %dma_wait3A_474 = arith.constant 0 : i32
        %dma_wait3A_475 = tpu.memref_slice %arg4[%dma_wait3A_473, %dma_wait3A_474] : memref<4096x768xf32, #tpu.memory_space<hbm>> -> memref<32x768xf32, #tpu.memory_space<hbm>>
        %dma_wait3A_476 = tpu.memref_slice %arg14[%and3A_121] : memref<4x!tpu.dma_semaphore, #tpu.memory_space<semaphore_mem>> -> memref<1x!tpu.dma_semaphore, #tpu.memory_space<semaphore_mem>>
        %dma_wait3A_477 = tpu.memref_squeeze %dma_wait3A_476 : memref<1x!tpu.dma_semaphore, #tpu.memory_space<semaphore_mem>> -> memref<!tpu.dma_semaphore, #tpu.memory_space<semaphore_mem>>
        %dma_wait3A_478 = arith.constant 0 : i32
        %dma_wait3A_479 = arith.constant 0 : i32
        %dma_wait3A_480 = tpu.memref_slice %arg9[%and3A_121, %dma_wait3A_478, %dma_wait3A_479] : memref<4x32x768xf32, #tpu.memory_space<vmem>> -> memref<1x32x768xf32, #tpu.memory_space<vmem>>
        %dma_wait3A_481 = tpu.memref_squeeze %dma_wait3A_480 : memref<1x32x768xf32, #tpu.memory_space<vmem>> -> memref<32x768xf32, #tpu.memory_space<vmem>>
        %dma_wait3A_482 = arith.constant 0 : i32
        %dma_wait3A_483 = arith.constant 0 : i32
        %dma_wait3A_484 = tpu.memref_slice %arg4[%dma_wait3A_482, %dma_wait3A_483] : memref<4096x768xf32, #tpu.memory_space<hbm>> -> memref<32x768xf32, #tpu.memory_space<hbm>>
        tpu.wait_dma2 semaphore(%dma_wait3A_477 : memref<!tpu.dma_semaphore, #tpu.memory_space<semaphore_mem>>) src(%dma_wait3A_484 : memref<32x768xf32, #tpu.memory_space<hbm>>) dst(%dma_wait3A_481 : memref<32x768xf32, #tpu.memory_space<vmem>>)
      } else {
      }
      %add3A_140 = arith.constant 2 : i32
      %add3A_141 = arith.addi %scan3A_111, %add3A_140 : i32
      %lt3A = arith.constant 16 : i32
      %lt3A_142 = arith.cmpi slt, %add3A_141, %lt3A : i32
      %convert_element_type3A_143 = arith.extui %lt3A_142 : i1 to i32
      %cond3A_144 = arith.constant 0 : i32
      %cond3A_145 = arith.cmpi ne, %convert_element_type3A_143, %cond3A_144 : i32
      scf.if %cond3A_145 {
        %add3A_469 = arith.constant 2 : i32
        %add3A_470 = arith.addi %scan3A_111, %add3A_469 : i32
        %mul3A_471 = arith.constant 32 : i32
        %mul3A_472 = arith.muli %add3A_470, %mul3A_471 : i32
        %add3A_473 = arith.addi %rem3A_3, %mul3A_472 : i32
        %dma_start3A_474 = arith.constant 0 : i32
        %dma_start3A_475 = arith.constant 0 : i32
        %dma_start3A_476 = tpu.memref_slice %arg9[%and3A_121, %dma_start3A_474, %dma_start3A_475] : memref<4x32x768xf32, #tpu.memory_space<vmem>> -> memref<1x32x768xf32, #tpu.memory_space<vmem>>
        %dma_start3A_477 = tpu.memref_squeeze %dma_start3A_476 : memref<1x32x768xf32, #tpu.memory_space<vmem>> -> memref<32x768xf32, #tpu.memory_space<vmem>>
        %dma_start3A_478 = arith.constant 0 : i32
        %dma_start3A_479 = tpu.memref_slice %arg4[%add3A_473, %dma_start3A_478] : memref<4096x768xf32, #tpu.memory_space<hbm>> -> memref<32x768xf32, #tpu.memory_space<hbm>>
        %dma_start3A_480 = tpu.memref_slice %arg14[%and3A_121] : memref<4x!tpu.dma_semaphore, #tpu.memory_space<semaphore_mem>> -> memref<1x!tpu.dma_semaphore, #tpu.memory_space<semaphore_mem>>
        %dma_start3A_481 = tpu.memref_squeeze %dma_start3A_480 : memref<1x!tpu.dma_semaphore, #tpu.memory_space<semaphore_mem>> -> memref<!tpu.dma_semaphore, #tpu.memory_space<semaphore_mem>>
        %dma_start3A_482 = arith.constant 0 : i32
        %dma_start3A_483 = arith.constant 0 : i32
        %dma_start3A_484 = tpu.memref_slice %arg9[%and3A_121, %dma_start3A_482, %dma_start3A_483] : memref<4x32x768xf32, #tpu.memory_space<vmem>> -> memref<1x32x768xf32, #tpu.memory_space<vmem>>
        %dma_start3A_485 = tpu.memref_squeeze %dma_start3A_484 : memref<1x32x768xf32, #tpu.memory_space<vmem>> -> memref<32x768xf32, #tpu.memory_space<vmem>>
        %dma_start3A_486 = arith.constant 0 : i32
        %dma_start3A_487 = tpu.memref_slice %arg4[%add3A_473, %dma_start3A_486] : memref<4096x768xf32, #tpu.memory_space<hbm>> -> memref<32x768xf32, #tpu.memory_space<hbm>>
        tpu.enqueue_dma source(%dma_start3A_487 : memref<32x768xf32, #tpu.memory_space<hbm>>) target(%dma_start3A_485 : memref<32x768xf32, #tpu.memory_space<vmem>>) target_semaphore(%dma_start3A_481 : memref<!tpu.dma_semaphore, #tpu.memory_space<semaphore_mem>>)
      } else {
      }
      %add3A_146 = arith.constant 1 : i32
      %add3A_147 = arith.addi %scan3A_111, %add3A_146 : i32
      %lt3A_148 = arith.constant 16 : i32
      %lt3A_149 = arith.cmpi slt, %add3A_147, %lt3A_148 : i32
      %convert_element_type3A_150 = arith.extui %lt3A_149 : i1 to i32
      %cond3A_151 = arith.constant 0 : i32
      %cond3A_152 = arith.cmpi ne, %convert_element_type3A_150, %cond3A_151 : i32
      scf.if %cond3A_152 {
        %dma_wait3A_469 = arith.constant 0 : i32
        %dma_wait3A_470 = arith.constant 0 : i32
        %dma_wait3A_471 = tpu.memref_slice %arg9[%and3A_117, %dma_wait3A_469, %dma_wait3A_470] : memref<4x32x768xf32, #tpu.memory_space<vmem>> -> memref<1x32x768xf32, #tpu.memory_space<vmem>>
        %dma_wait3A_472 = tpu.memref_squeeze %dma_wait3A_471 : memref<1x32x768xf32, #tpu.memory_space<vmem>> -> memref<32x768xf32, #tpu.memory_space<vmem>>
        %dma_wait3A_473 = arith.constant 0 : i32
        %dma_wait3A_474 = arith.constant 0 : i32
        %dma_wait3A_475 = tpu.memref_slice %arg4[%dma_wait3A_473, %dma_wait3A_474] : memref<4096x768xf32, #tpu.memory_space<hbm>> -> memref<32x768xf32, #tpu.memory_space<hbm>>
        %dma_wait3A_476 = tpu.memref_slice %arg14[%and3A_117] : memref<4x!tpu.dma_semaphore, #tpu.memory_space<semaphore_mem>> -> memref<1x!tpu.dma_semaphore, #tpu.memory_space<semaphore_mem>>
        %dma_wait3A_477 = tpu.memref_squeeze %dma_wait3A_476 : memref<1x!tpu.dma_semaphore, #tpu.memory_space<semaphore_mem>> -> memref<!tpu.dma_semaphore, #tpu.memory_space<semaphore_mem>>
        %dma_wait3A_478 = arith.constant 0 : i32
        %dma_wait3A_479 = arith.constant 0 : i32
        %dma_wait3A_480 = tpu.memref_slice %arg9[%and3A_117, %dma_wait3A_478, %dma_wait3A_479] : memref<4x32x768xf32, #tpu.memory_space<vmem>> -> memref<1x32x768xf32, #tpu.memory_space<vmem>>
        %dma_wait3A_481 = tpu.memref_squeeze %dma_wait3A_480 : memref<1x32x768xf32, #tpu.memory_space<vmem>> -> memref<32x768xf32, #tpu.memory_space<vmem>>
        %dma_wait3A_482 = arith.constant 0 : i32
        %dma_wait3A_483 = arith.constant 0 : i32
        %dma_wait3A_484 = tpu.memref_slice %arg4[%dma_wait3A_482, %dma_wait3A_483] : memref<4096x768xf32, #tpu.memory_space<hbm>> -> memref<32x768xf32, #tpu.memory_space<hbm>>
        tpu.wait_dma2 semaphore(%dma_wait3A_477 : memref<!tpu.dma_semaphore, #tpu.memory_space<semaphore_mem>>) src(%dma_wait3A_484 : memref<32x768xf32, #tpu.memory_space<hbm>>) dst(%dma_wait3A_481 : memref<32x768xf32, #tpu.memory_space<vmem>>)
        %add3A_485 = arith.constant 1 : i32
        %add3A_486 = arith.addi %scan3A_111, %add3A_485 : i32
        %mul3A_487 = arith.constant 32 : i32
        %mul3A_488 = arith.muli %add3A_486, %mul3A_487 : i32
        %dma_start3A_489 = arith.constant 0 : i32
        %dma_start3A_490 = arith.constant 0 : i32
        %dma_start3A_491 = tpu.memref_slice %arg9[%and3A_117, %dma_start3A_489, %dma_start3A_490] : memref<4x32x768xf32, #tpu.memory_space<vmem>> -> memref<1x32x768xf32, #tpu.memory_space<vmem>>
        %dma_start3A_492 = tpu.memref_squeeze %dma_start3A_491 : memref<1x32x768xf32, #tpu.memory_space<vmem>> -> memref<32x768xf32, #tpu.memory_space<vmem>>
        %dma_start3A_493 = tpu.memref_slice %arg8[%mul3A_488] : memref<512xi32, #tpu.memory_space<vmem>> -> memref<32xi32, #tpu.memory_space<vmem>>
        %dma_start3A_494 = arith.constant 0 : i32
        %dma_start3A_495 = arith.constant 0 : i32
        %dma_start3A_496 = tpu.memref_slice %arg3[%dma_start3A_494, %dma_start3A_495] : memref<100000x768xf32, #tpu.memory_space<hbm>> -> memref<100000x768xf32, #tpu.memory_space<hbm>>
        %dma_start3A_497 = tpu.memref_slice %arg14[%and3A_117] : memref<4x!tpu.dma_semaphore, #tpu.memory_space<semaphore_mem>> -> memref<1x!tpu.dma_semaphore, #tpu.memory_space<semaphore_mem>>
        %dma_start3A_498 = tpu.memref_squeeze %dma_start3A_497 : memref<1x!tpu.dma_semaphore, #tpu.memory_space<semaphore_mem>> -> memref<!tpu.dma_semaphore, #tpu.memory_space<semaphore_mem>>
        tpu.enqueue_indirect_dma source(%dma_start3A_496 : memref<100000x768xf32, #tpu.memory_space<hbm>>) target(%dma_start3A_492 : memref<32x768xf32, #tpu.memory_space<vmem>>) offsets(%dma_start3A_493 : memref<32xi32, #tpu.memory_space<vmem>>) semaphore(%dma_start3A_498 : memref<!tpu.dma_semaphore, #tpu.memory_space<semaphore_mem>>) {add = true}
      } else {
      }
      %parallel_loop3A = arith.constant 0 : i32
      %parallel_loop3A_153 = arith.constant 32 : i32
      %parallel_loop3A_154 = arith.constant 1 : i32
      scf.for %parallel_loop3A_469 = %parallel_loop3A to %parallel_loop3A_153 step %parallel_loop3A_154  : i32 {
        %parallel_loop3A_470 = arith.constant 0.000000e+00 : f32
        %parallel_loop3A_471 = vector.broadcast %parallel_loop3A_470 : f32 to vector<16xf32>
        %parallel_loop3A_472 = arith.constant 0.000000e+00 : f32
        %parallel_loop3A_473 = vector.broadcast %parallel_loop3A_472 : f32 to vector<16xf32>
        %parallel_loop3A_474 = arith.constant 0.000000e+00 : f32
        %parallel_loop3A_475 = vector.broadcast %parallel_loop3A_474 : f32 to vector<16xf32>
        %parallel_loop3A_476 = arith.constant 0.000000e+00 : f32
        %parallel_loop3A_477 = vector.broadcast %parallel_loop3A_476 : f32 to vector<16xf32>
        %parallel_loop3A_478 = arith.constant 0.000000e+00 : f32
        %parallel_loop3A_479 = vector.broadcast %parallel_loop3A_478 : f32 to vector<16xf32>
        %parallel_loop3A_480 = arith.constant 0.000000e+00 : f32
        %parallel_loop3A_481 = vector.broadcast %parallel_loop3A_480 : f32 to vector<16xf32>
        %parallel_loop3A_482 = arith.constant 0.000000e+00 : f32
        %parallel_loop3A_483 = vector.broadcast %parallel_loop3A_482 : f32 to vector<16xf32>
        %parallel_loop3A_484 = arith.constant 0.000000e+00 : f32
        %parallel_loop3A_485 = vector.broadcast %parallel_loop3A_484 : f32 to vector<16xf32>
        %parallel_loop3A_486 = arith.constant 0 : i32
        %parallel_loop3A_487 = arith.constant 0 : i32
        %parallel_loop3A_488 = tpu.memref_slice %arg9[%and3A_113, %parallel_loop3A_486, %parallel_loop3A_487] : memref<4x32x768xf32, #tpu.memory_space<vmem>> -> memref<1x32x768xf32, #tpu.memory_space<vmem>>
        %parallel_loop3A_489 = tpu.memref_squeeze %parallel_loop3A_488 : memref<1x32x768xf32, #tpu.memory_space<vmem>> -> memref<32x768xf32, #tpu.memory_space<vmem>>
        %parallel_loop3A_490 = arith.index_cast %parallel_loop3A_469 : i32 to index
        %parallel_loop3A_491 = arith.constant 0 : index
        %parallel_loop3A_492 = tpu.vector_load %parallel_loop3A_489[%parallel_loop3A_490, %parallel_loop3A_491] {strides = array<i32>} : memref<32x768xf32, #tpu.memory_space<vmem>>, vector<1x16xf32>,
        %parallel_loop3A_493 = vector.shape_cast %parallel_loop3A_492 : vector<1x16xf32> to vector<16xf32>
        %parallel_loop3A_494 = arith.addf %parallel_loop3A_471, %parallel_loop3A_493 : vector<16xf32>
        %parallel_loop3A_495 = arith.mulf %parallel_loop3A_493, %parallel_loop3A_493 : vector<16xf32>
        %parallel_loop3A_496 = arith.addf %parallel_loop3A_479, %parallel_loop3A_495 : vector<16xf32>
        %parallel_loop3A_497 = arith.constant 0 : i32
        %parallel_loop3A_498 = arith.constant 0 : i32
        %parallel_loop3A_499 = tpu.memref_slice %arg9[%and3A_113, %parallel_loop3A_497, %parallel_loop3A_498] : memref<4x32x768xf32, #tpu.memory_space<vmem>> -> memref<1x32x768xf32, #tpu.memory_space<vmem>>
        %parallel_loop3A_500 = tpu.memref_squeeze %parallel_loop3A_499 : memref<1x32x768xf32, #tpu.memory_space<vmem>> -> memref<32x768xf32, #tpu.memory_space<vmem>>
        %parallel_loop3A_501 = arith.index_cast %parallel_loop3A_469 : i32 to index
        %parallel_loop3A_502 = arith.constant 16 : index
        %parallel_loop3A_503 = tpu.vector_load %parallel_loop3A_500[%parallel_loop3A_501, %parallel_loop3A_502] {strides = array<i32>} : memref<32x768xf32, #tpu.memory_space<vmem>>, vector<1x16xf32>,
        %parallel_loop3A_504 = vector.shape_cast %parallel_loop3A_503 : vector<1x16xf32> to vector<16xf32>
        %parallel_loop3A_505 = arith.addf %parallel_loop3A_473, %parallel_loop3A_504 : vector<16xf32>
        %parallel_loop3A_506 = arith.mulf %parallel_loop3A_504, %parallel_loop3A_504 : vector<16xf32>
        %parallel_loop3A_507 = arith.addf %parallel_loop3A_481, %parallel_loop3A_506 : vector<16xf32>
        %parallel_loop3A_508 = arith.constant 0 : i32
        %parallel_loop3A_509 = arith.constant 0 : i32
        %parallel_loop3A_510 = tpu.memref_slice %arg9[%and3A_113, %parallel_loop3A_508, %parallel_loop3A_509] : memref<4x32x768xf32, #tpu.memory_space<vmem>> -> memref<1x32x768xf32, #tpu.memory_space<vmem>>
        %parallel_loop3A_511 = tpu.memref_squeeze %parallel_loop3A_510 : memref<1x32x768xf32, #tpu.memory_space<vmem>> -> memref<32x768xf32, #tpu.memory_space<vmem>>
        %parallel_loop3A_512 = arith.index_cast %parallel_loop3A_469 : i32 to index
        %parallel_loop3A_513 = arith.constant 32 : index
        %parallel_loop3A_514 = tpu.vector_load %parallel_loop3A_511[%parallel_loop3A_512, %parallel_loop3A_513] {strides = array<i32>} : memref<32x768xf32, #tpu.memory_space<vmem>>, vector<1x16xf32>,
        %parallel_loop3A_515 = vector.shape_cast %parallel_loop3A_514 : vector<1x16xf32> to vector<16xf32>
        %parallel_loop3A_516 = arith.addf %parallel_loop3A_475, %parallel_loop3A_515 : vector<16xf32>
        %parallel_loop3A_517 = arith.mulf %parallel_loop3A_515, %parallel_loop3A_515 : vector<16xf32>
        %parallel_loop3A_518 = arith.addf %parallel_loop3A_483, %parallel_loop3A_517 : vector<16xf32>
        %parallel_loop3A_519 = arith.constant 0 : i32
        %parallel_loop3A_520 = arith.constant 0 : i32
        %parallel_loop3A_521 = tpu.memref_slice %arg9[%and3A_113, %parallel_loop3A_519, %parallel_loop3A_520] : memref<4x32x768xf32, #tpu.memory_space<vmem>> -> memref<1x32x768xf32, #tpu.memory_space<vmem>>
        %parallel_loop3A_522 = tpu.memref_squeeze %parallel_loop3A_521 : memref<1x32x768xf32, #tpu.memory_space<vmem>> -> memref<32x768xf32, #tpu.memory_space<vmem>>
        %parallel_loop3A_523 = arith.index_cast %parallel_loop3A_469 : i32 to index
        %parallel_loop3A_524 = arith.constant 48 : index
        %parallel_loop3A_525 = tpu.vector_load %parallel_loop3A_522[%parallel_loop3A_523, %parallel_loop3A_524] {strides = array<i32>} : memref<32x768xf32, #tpu.memory_space<vmem>>, vector<1x16xf32>,
        %parallel_loop3A_526 = vector.shape_cast %parallel_loop3A_525 : vector<1x16xf32> to vector<16xf32>
        %parallel_loop3A_527 = arith.addf %parallel_loop3A_477, %parallel_loop3A_526 : vector<16xf32>
        %parallel_loop3A_528 = arith.mulf %parallel_loop3A_526, %parallel_loop3A_526 : vector<16xf32>
        %parallel_loop3A_529 = arith.addf %parallel_loop3A_485, %parallel_loop3A_528 : vector<16xf32>
        %parallel_loop3A_530 = arith.constant 0 : i32
        %parallel_loop3A_531 = arith.constant 0 : i32
        %parallel_loop3A_532 = tpu.memref_slice %arg9[%and3A_113, %parallel_loop3A_530, %parallel_loop3A_531] : memref<4x32x768xf32, #tpu.memory_space<vmem>> -> memref<1x32x768xf32, #tpu.memory_space<vmem>>
        %parallel_loop3A_533 = tpu.memref_squeeze %parallel_loop3A_532 : memref<1x32x768xf32, #tpu.memory_space<vmem>> -> memref<32x768xf32, #tpu.memory_space<vmem>>
        %parallel_loop3A_534 = arith.index_cast %parallel_loop3A_469 : i32 to index
        %parallel_loop3A_535 = arith.constant 64 : index
        %parallel_loop3A_536 = tpu.vector_load %parallel_loop3A_533[%parallel_loop3A_534, %parallel_loop3A_535] {strides = array<i32>} : memref<32x768xf32, #tpu.memory_space<vmem>>, vector<1x16xf32>,
        %parallel_loop3A_537 = vector.shape_cast %parallel_loop3A_536 : vector<1x16xf32> to vector<16xf32>
        %parallel_loop3A_538 = arith.addf %parallel_loop3A_494, %parallel_loop3A_537 : vector<16xf32>
        %parallel_loop3A_539 = arith.mulf %parallel_loop3A_537, %parallel_loop3A_537 : vector<16xf32>
        %parallel_loop3A_540 = arith.addf %parallel_loop3A_496, %parallel_loop3A_539 : vector<16xf32>
        %parallel_loop3A_541 = arith.constant 0 : i32
        %parallel_loop3A_542 = arith.constant 0 : i32
        %parallel_loop3A_543 = tpu.memref_slice %arg9[%and3A_113, %parallel_loop3A_541, %parallel_loop3A_542] : memref<4x32x768xf32, #tpu.memory_space<vmem>> -> memref<1x32x768xf32, #tpu.memory_space<vmem>>
        %parallel_loop3A_544 = tpu.memref_squeeze %parallel_loop3A_543 : memref<1x32x768xf32, #tpu.memory_space<vmem>> -> memref<32x768xf32, #tpu.memory_space<vmem>>
        %parallel_loop3A_545 = arith.index_cast %parallel_loop3A_469 : i32 to index
        %parallel_loop3A_546 = arith.constant 80 : index
        %parallel_loop3A_547 = tpu.vector_load %parallel_loop3A_544[%parallel_loop3A_545, %parallel_loop3A_546] {strides = array<i32>} : memref<32x768xf32, #tpu.memory_space<vmem>>, vector<1x16xf32>,
        %parallel_loop3A_548 = vector.shape_cast %parallel_loop3A_547 : vector<1x16xf32> to vector<16xf32>
        %parallel_loop3A_549 = arith.addf %parallel_loop3A_505, %parallel_loop3A_548 : vector<16xf32>
        %parallel_loop3A_550 = arith.mulf %parallel_loop3A_548, %parallel_loop3A_548 : vector<16xf32>
        %parallel_loop3A_551 = arith.addf %parallel_loop3A_507, %parallel_loop3A_550 : vector<16xf32>
        %parallel_loop3A_552 = arith.constant 0 : i32
        %parallel_loop3A_553 = arith.constant 0 : i32
        %parallel_loop3A_554 = tpu.memref_slice %arg9[%and3A_113, %parallel_loop3A_552, %parallel_loop3A_553] : memref<4x32x768xf32, #tpu.memory_space<vmem>> -> memref<1x32x768xf32, #tpu.memory_space<vmem>>
        %parallel_loop3A_555 = tpu.memref_squeeze %parallel_loop3A_554 : memref<1x32x768xf32, #tpu.memory_space<vmem>> -> memref<32x768xf32, #tpu.memory_space<vmem>>
        %parallel_loop3A_556 = arith.index_cast %parallel_loop3A_469 : i32 to index
        %parallel_loop3A_557 = arith.constant 96 : index
        %parallel_loop3A_558 = tpu.vector_load %parallel_loop3A_555[%parallel_loop3A_556, %parallel_loop3A_557] {strides = array<i32>} : memref<32x768xf32, #tpu.memory_space<vmem>>, vector<1x16xf32>,
        %parallel_loop3A_559 = vector.shape_cast %parallel_loop3A_558 : vector<1x16xf32> to vector<16xf32>
        %parallel_loop3A_560 = arith.addf %parallel_loop3A_516, %parallel_loop3A_559 : vector<16xf32>
        %parallel_loop3A_561 = arith.mulf %parallel_loop3A_559, %parallel_loop3A_559 : vector<16xf32>
        %parallel_loop3A_562 = arith.addf %parallel_loop3A_518, %parallel_loop3A_561 : vector<16xf32>
        %parallel_loop3A_563 = arith.constant 0 : i32
        %parallel_loop3A_564 = arith.constant 0 : i32
        %parallel_loop3A_565 = tpu.memref_slice %arg9[%and3A_113, %parallel_loop3A_563, %parallel_loop3A_564] : memref<4x32x768xf32, #tpu.memory_space<vmem>> -> memref<1x32x768xf32, #tpu.memory_space<vmem>>
        %parallel_loop3A_566 = tpu.memref_squeeze %parallel_loop3A_565 : memref<1x32x768xf32, #tpu.memory_space<vmem>> -> memref<32x768xf32, #tpu.memory_space<vmem>>
        %parallel_loop3A_567 = arith.index_cast %parallel_loop3A_469 : i32 to index
        %parallel_loop3A_568 = arith.constant 112 : index
        %parallel_loop3A_569 = tpu.vector_load %parallel_loop3A_566[%parallel_loop3A_567, %parallel_loop3A_568] {strides = array<i32>} : memref<32x768xf32, #tpu.memory_space<vmem>>, vector<1x16xf32>,
        %parallel_loop3A_570 = vector.shape_cast %parallel_loop3A_569 : vector<1x16xf32> to vector<16xf32>
        %parallel_loop3A_571 = arith.addf %parallel_loop3A_527, %parallel_loop3A_570 : vector<16xf32>
        %parallel_loop3A_572 = arith.mulf %parallel_loop3A_570, %parallel_loop3A_570 : vector<16xf32>
        %parallel_loop3A_573 = arith.addf %parallel_loop3A_529, %parallel_loop3A_572 : vector<16xf32>
        %parallel_loop3A_574 = arith.constant 0 : i32
        %parallel_loop3A_575 = arith.constant 0 : i32
        %parallel_loop3A_576 = tpu.memref_slice %arg9[%and3A_113, %parallel_loop3A_574, %parallel_loop3A_575] : memref<4x32x768xf32, #tpu.memory_space<vmem>> -> memref<1x32x768xf32, #tpu.memory_space<vmem>>
        %parallel_loop3A_577 = tpu.memref_squeeze %parallel_loop3A_576 : memref<1x32x768xf32, #tpu.memory_space<vmem>> -> memref<32x768xf32, #tpu.memory_space<vmem>>
        %parallel_loop3A_578 = arith.index_cast %parallel_loop3A_469 : i32 to index
        %parallel_loop3A_579 = arith.constant 128 : index
        %parallel_loop3A_580 = tpu.vector_load %parallel_loop3A_577[%parallel_loop3A_578, %parallel_loop3A_579] {strides = array<i32>} : memref<32x768xf32, #tpu.memory_space<vmem>>, vector<1x16xf32>,
        %parallel_loop3A_581 = vector.shape_cast %parallel_loop3A_580 : vector<1x16xf32> to vector<16xf32>
        %parallel_loop3A_582 = arith.addf %parallel_loop3A_538, %parallel_loop3A_581 : vector<16xf32>
        %parallel_loop3A_583 = arith.mulf %parallel_loop3A_581, %parallel_loop3A_581 : vector<16xf32>
        %parallel_loop3A_584 = arith.addf %parallel_loop3A_540, %parallel_loop3A_583 : vector<16xf32>
        %parallel_loop3A_585 = arith.constant 0 : i32
        %parallel_loop3A_586 = arith.constant 0 : i32
        %parallel_loop3A_587 = tpu.memref_slice %arg9[%and3A_113, %parallel_loop3A_585, %parallel_loop3A_586] : memref<4x32x768xf32, #tpu.memory_space<vmem>> -> memref<1x32x768xf32, #tpu.memory_space<vmem>>
        %parallel_loop3A_588 = tpu.memref_squeeze %parallel_loop3A_587 : memref<1x32x768xf32, #tpu.memory_space<vmem>> -> memref<32x768xf32, #tpu.memory_space<vmem>>
        %parallel_loop3A_589 = arith.index_cast %parallel_loop3A_469 : i32 to index
        %parallel_loop3A_590 = arith.constant 144 : index
        %parallel_loop3A_591 = tpu.vector_load %parallel_loop3A_588[%parallel_loop3A_589, %parallel_loop3A_590] {strides = array<i32>} : memref<32x768xf32, #tpu.memory_space<vmem>>, vector<1x16xf32>,
        %parallel_loop3A_592 = vector.shape_cast %parallel_loop3A_591 : vector<1x16xf32> to vector<16xf32>
        %parallel_loop3A_593 = arith.addf %parallel_loop3A_549, %parallel_loop3A_592 : vector<16xf32>
        %parallel_loop3A_594 = arith.mulf %parallel_loop3A_592, %parallel_loop3A_592 : vector<16xf32>
        %parallel_loop3A_595 = arith.addf %parallel_loop3A_551, %parallel_loop3A_594 : vector<16xf32>
        %parallel_loop3A_596 = arith.constant 0 : i32
        %parallel_loop3A_597 = arith.constant 0 : i32
        %parallel_loop3A_598 = tpu.memref_slice %arg9[%and3A_113, %parallel_loop3A_596, %parallel_loop3A_597] : memref<4x32x768xf32, #tpu.memory_space<vmem>> -> memref<1x32x768xf32, #tpu.memory_space<vmem>>
        %parallel_loop3A_599 = tpu.memref_squeeze %parallel_loop3A_598 : memref<1x32x768xf32, #tpu.memory_space<vmem>> -> memref<32x768xf32, #tpu.memory_space<vmem>>
        %parallel_loop3A_600 = arith.index_cast %parallel_loop3A_469 : i32 to index
        %parallel_loop3A_601 = arith.constant 160 : index
        %parallel_loop3A_602 = tpu.vector_load %parallel_loop3A_599[%parallel_loop3A_600, %parallel_loop3A_601] {strides = array<i32>} : memref<32x768xf32, #tpu.memory_space<vmem>>, vector<1x16xf32>,
        %parallel_loop3A_603 = vector.shape_cast %parallel_loop3A_602 : vector<1x16xf32> to vector<16xf32>
        %parallel_loop3A_604 = arith.addf %parallel_loop3A_560, %parallel_loop3A_603 : vector<16xf32>
        %parallel_loop3A_605 = arith.mulf %parallel_loop3A_603, %parallel_loop3A_603 : vector<16xf32>
        %parallel_loop3A_606 = arith.addf %parallel_loop3A_562, %parallel_loop3A_605 : vector<16xf32>
        %parallel_loop3A_607 = arith.constant 0 : i32
        %parallel_loop3A_608 = arith.constant 0 : i32
        %parallel_loop3A_609 = tpu.memref_slice %arg9[%and3A_113, %parallel_loop3A_607, %parallel_loop3A_608] : memref<4x32x768xf32, #tpu.memory_space<vmem>> -> memref<1x32x768xf32, #tpu.memory_space<vmem>>
        %parallel_loop3A_610 = tpu.memref_squeeze %parallel_loop3A_609 : memref<1x32x768xf32, #tpu.memory_space<vmem>> -> memref<32x768xf32, #tpu.memory_space<vmem>>
        %parallel_loop3A_611 = arith.index_cast %parallel_loop3A_469 : i32 to index
        %parallel_loop3A_612 = arith.constant 176 : index
        %parallel_loop3A_613 = tpu.vector_load %parallel_loop3A_610[%parallel_loop3A_611, %parallel_loop3A_612] {strides = array<i32>} : memref<32x768xf32, #tpu.memory_space<vmem>>, vector<1x16xf32>,
        %parallel_loop3A_614 = vector.shape_cast %parallel_loop3A_613 : vector<1x16xf32> to vector<16xf32>
        %parallel_loop3A_615 = arith.addf %parallel_loop3A_571, %parallel_loop3A_614 : vector<16xf32>
        %parallel_loop3A_616 = arith.mulf %parallel_loop3A_614, %parallel_loop3A_614 : vector<16xf32>
        %parallel_loop3A_617 = arith.addf %parallel_loop3A_573, %parallel_loop3A_616 : vector<16xf32>
        %parallel_loop3A_618 = arith.constant 0 : i32
        %parallel_loop3A_619 = arith.constant 0 : i32
        %parallel_loop3A_620 = tpu.memref_slice %arg9[%and3A_113, %parallel_loop3A_618, %parallel_loop3A_619] : memref<4x32x768xf32, #tpu.memory_space<vmem>> -> memref<1x32x768xf32, #tpu.memory_space<vmem>>
        %parallel_loop3A_621 = tpu.memref_squeeze %parallel_loop3A_620 : memref<1x32x768xf32, #tpu.memory_space<vmem>> -> memref<32x768xf32, #tpu.memory_space<vmem>>
        %parallel_loop3A_622 = arith.index_cast %parallel_loop3A_469 : i32 to index
        %parallel_loop3A_623 = arith.constant 192 : index
        %parallel_loop3A_624 = tpu.vector_load %parallel_loop3A_621[%parallel_loop3A_622, %parallel_loop3A_623] {strides = array<i32>} : memref<32x768xf32, #tpu.memory_space<vmem>>, vector<1x16xf32>,
        %parallel_loop3A_625 = vector.shape_cast %parallel_loop3A_624 : vector<1x16xf32> to vector<16xf32>
        %parallel_loop3A_626 = arith.addf %parallel_loop3A_582, %parallel_loop3A_625 : vector<16xf32>
        %parallel_loop3A_627 = arith.mulf %parallel_loop3A_625, %parallel_loop3A_625 : vector<16xf32>
        %parallel_loop3A_628 = arith.addf %parallel_loop3A_584, %parallel_loop3A_627 : vector<16xf32>
        %parallel_loop3A_629 = arith.constant 0 : i32
        %parallel_loop3A_630 = arith.constant 0 : i32
        %parallel_loop3A_631 = tpu.memref_slice %arg9[%and3A_113, %parallel_loop3A_629, %parallel_loop3A_630] : memref<4x32x768xf32, #tpu.memory_space<vmem>> -> memref<1x32x768xf32, #tpu.memory_space<vmem>>
        %parallel_loop3A_632 = tpu.memref_squeeze %parallel_loop3A_631 : memref<1x32x768xf32, #tpu.memory_space<vmem>> -> memref<32x768xf32, #tpu.memory_space<vmem>>
        %parallel_loop3A_633 = arith.index_cast %parallel_loop3A_469 : i32 to index
        %parallel_loop3A_634 = arith.constant 208 : index
        %parallel_loop3A_635 = tpu.vector_load %parallel_loop3A_632[%parallel_loop3A_633, %parallel_loop3A_634] {strides = array<i32>} : memref<32x768xf32, #tpu.memory_space<vmem>>, vector<1x16xf32>,
        %parallel_loop3A_636 = vector.shape_cast %parallel_loop3A_635 : vector<1x16xf32> to vector<16xf32>
        %parallel_loop3A_637 = arith.addf %parallel_loop3A_593, %parallel_loop3A_636 : vector<16xf32>
        %parallel_loop3A_638 = arith.mulf %parallel_loop3A_636, %parallel_loop3A_636 : vector<16xf32>
        %parallel_loop3A_639 = arith.addf %parallel_loop3A_595, %parallel_loop3A_638 : vector<16xf32>
        %parallel_loop3A_640 = arith.constant 0 : i32
        %parallel_loop3A_641 = arith.constant 0 : i32
        %parallel_loop3A_642 = tpu.memref_slice %arg9[%and3A_113, %parallel_loop3A_640, %parallel_loop3A_641] : memref<4x32x768xf32, #tpu.memory_space<vmem>> -> memref<1x32x768xf32, #tpu.memory_space<vmem>>
        %parallel_loop3A_643 = tpu.memref_squeeze %parallel_loop3A_642 : memref<1x32x768xf32, #tpu.memory_space<vmem>> -> memref<32x768xf32, #tpu.memory_space<vmem>>
        %parallel_loop3A_644 = arith.index_cast %parallel_loop3A_469 : i32 to index
        %parallel_loop3A_645 = arith.constant 224 : index
        %parallel_loop3A_646 = tpu.vector_load %parallel_loop3A_643[%parallel_loop3A_644, %parallel_loop3A_645] {strides = array<i32>} : memref<32x768xf32, #tpu.memory_space<vmem>>, vector<1x16xf32>,
        %parallel_loop3A_647 = vector.shape_cast %parallel_loop3A_646 : vector<1x16xf32> to vector<16xf32>
        %parallel_loop3A_648 = arith.addf %parallel_loop3A_604, %parallel_loop3A_647 : vector<16xf32>
        %parallel_loop3A_649 = arith.mulf %parallel_loop3A_647, %parallel_loop3A_647 : vector<16xf32>
        %parallel_loop3A_650 = arith.addf %parallel_loop3A_606, %parallel_loop3A_649 : vector<16xf32>
        %parallel_loop3A_651 = arith.constant 0 : i32
        %parallel_loop3A_652 = arith.constant 0 : i32
        %parallel_loop3A_653 = tpu.memref_slice %arg9[%and3A_113, %parallel_loop3A_651, %parallel_loop3A_652] : memref<4x32x768xf32, #tpu.memory_space<vmem>> -> memref<1x32x768xf32, #tpu.memory_space<vmem>>
        %parallel_loop3A_654 = tpu.memref_squeeze %parallel_loop3A_653 : memref<1x32x768xf32, #tpu.memory_space<vmem>> -> memref<32x768xf32, #tpu.memory_space<vmem>>
        %parallel_loop3A_655 = arith.index_cast %parallel_loop3A_469 : i32 to index
        %parallel_loop3A_656 = arith.constant 240 : index
        %parallel_loop3A_657 = tpu.vector_load %parallel_loop3A_654[%parallel_loop3A_655, %parallel_loop3A_656] {strides = array<i32>} : memref<32x768xf32, #tpu.memory_space<vmem>>, vector<1x16xf32>,
        %parallel_loop3A_658 = vector.shape_cast %parallel_loop3A_657 : vector<1x16xf32> to vector<16xf32>
        %parallel_loop3A_659 = arith.addf %parallel_loop3A_615, %parallel_loop3A_658 : vector<16xf32>
        %parallel_loop3A_660 = arith.mulf %parallel_loop3A_658, %parallel_loop3A_658 : vector<16xf32>
        %parallel_loop3A_661 = arith.addf %parallel_loop3A_617, %parallel_loop3A_660 : vector<16xf32>
        %parallel_loop3A_662 = arith.constant 0 : i32
        %parallel_loop3A_663 = arith.constant 0 : i32
        %parallel_loop3A_664 = tpu.memref_slice %arg9[%and3A_113, %parallel_loop3A_662, %parallel_loop3A_663] : memref<4x32x768xf32, #tpu.memory_space<vmem>> -> memref<1x32x768xf32, #tpu.memory_space<vmem>>
        %parallel_loop3A_665 = tpu.memref_squeeze %parallel_loop3A_664 : memref<1x32x768xf32, #tpu.memory_space<vmem>> -> memref<32x768xf32, #tpu.memory_space<vmem>>
        %parallel_loop3A_666 = arith.index_cast %parallel_loop3A_469 : i32 to index
        %parallel_loop3A_667 = arith.constant 256 : index
        %parallel_loop3A_668 = tpu.vector_load %parallel_loop3A_665[%parallel_loop3A_666, %parallel_loop3A_667] {strides = array<i32>} : memref<32x768xf32, #tpu.memory_space<vmem>>, vector<1x16xf32>,
        %parallel_loop3A_669 = vector.shape_cast %parallel_loop3A_668 : vector<1x16xf32> to vector<16xf32>
        %parallel_loop3A_670 = arith.addf %parallel_loop3A_626, %parallel_loop3A_669 : vector<16xf32>
        %parallel_loop3A_671 = arith.mulf %parallel_loop3A_669, %parallel_loop3A_669 : vector<16xf32>
        %parallel_loop3A_672 = arith.addf %parallel_loop3A_628, %parallel_loop3A_671 : vector<16xf32>
        %parallel_loop3A_673 = arith.constant 0 : i32
        %parallel_loop3A_674 = arith.constant 0 : i32
        %parallel_loop3A_675 = tpu.memref_slice %arg9[%and3A_113, %parallel_loop3A_673, %parallel_loop3A_674] : memref<4x32x768xf32, #tpu.memory_space<vmem>> -> memref<1x32x768xf32, #tpu.memory_space<vmem>>
        %parallel_loop3A_676 = tpu.memref_squeeze %parallel_loop3A_675 : memref<1x32x768xf32, #tpu.memory_space<vmem>> -> memref<32x768xf32, #tpu.memory_space<vmem>>
        %parallel_loop3A_677 = arith.index_cast %parallel_loop3A_469 : i32 to index
        %parallel_loop3A_678 = arith.constant 272 : index
        %parallel_loop3A_679 = tpu.vector_load %parallel_loop3A_676[%parallel_loop3A_677, %parallel_loop3A_678] {strides = array<i32>} : memref<32x768xf32, #tpu.memory_space<vmem>>, vector<1x16xf32>,
        %parallel_loop3A_680 = vector.shape_cast %parallel_loop3A_679 : vector<1x16xf32> to vector<16xf32>
        %parallel_loop3A_681 = arith.addf %parallel_loop3A_637, %parallel_loop3A_680 : vector<16xf32>
        %parallel_loop3A_682 = arith.mulf %parallel_loop3A_680, %parallel_loop3A_680 : vector<16xf32>
        %parallel_loop3A_683 = arith.addf %parallel_loop3A_639, %parallel_loop3A_682 : vector<16xf32>
        %parallel_loop3A_684 = arith.constant 0 : i32
        %parallel_loop3A_685 = arith.constant 0 : i32
        %parallel_loop3A_686 = tpu.memref_slice %arg9[%and3A_113, %parallel_loop3A_684, %parallel_loop3A_685] : memref<4x32x768xf32, #tpu.memory_space<vmem>> -> memref<1x32x768xf32, #tpu.memory_space<vmem>>
        %parallel_loop3A_687 = tpu.memref_squeeze %parallel_loop3A_686 : memref<1x32x768xf32, #tpu.memory_space<vmem>> -> memref<32x768xf32, #tpu.memory_space<vmem>>
        %parallel_loop3A_688 = arith.index_cast %parallel_loop3A_469 : i32 to index
        %parallel_loop3A_689 = arith.constant 288 : index
        %parallel_loop3A_690 = tpu.vector_load %parallel_loop3A_687[%parallel_loop3A_688, %parallel_loop3A_689] {strides = array<i32>} : memref<32x768xf32, #tpu.memory_space<vmem>>, vector<1x16xf32>,
        %parallel_loop3A_691 = vector.shape_cast %parallel_loop3A_690 : vector<1x16xf32> to vector<16xf32>
        %parallel_loop3A_692 = arith.addf %parallel_loop3A_648, %parallel_loop3A_691 : vector<16xf32>
        %parallel_loop3A_693 = arith.mulf %parallel_loop3A_691, %parallel_loop3A_691 : vector<16xf32>
        %parallel_loop3A_694 = arith.addf %parallel_loop3A_650, %parallel_loop3A_693 : vector<16xf32>
        %parallel_loop3A_695 = arith.constant 0 : i32
        %parallel_loop3A_696 = arith.constant 0 : i32
        %parallel_loop3A_697 = tpu.memref_slice %arg9[%and3A_113, %parallel_loop3A_695, %parallel_loop3A_696] : memref<4x32x768xf32, #tpu.memory_space<vmem>> -> memref<1x32x768xf32, #tpu.memory_space<vmem>>
        %parallel_loop3A_698 = tpu.memref_squeeze %parallel_loop3A_697 : memref<1x32x768xf32, #tpu.memory_space<vmem>> -> memref<32x768xf32, #tpu.memory_space<vmem>>
        %parallel_loop3A_699 = arith.index_cast %parallel_loop3A_469 : i32 to index
        %parallel_loop3A_700 = arith.constant 304 : index
        %parallel_loop3A_701 = tpu.vector_load %parallel_loop3A_698[%parallel_loop3A_699, %parallel_loop3A_700] {strides = array<i32>} : memref<32x768xf32, #tpu.memory_space<vmem>>, vector<1x16xf32>,
        %parallel_loop3A_702 = vector.shape_cast %parallel_loop3A_701 : vector<1x16xf32> to vector<16xf32>
        %parallel_loop3A_703 = arith.addf %parallel_loop3A_659, %parallel_loop3A_702 : vector<16xf32>
        %parallel_loop3A_704 = arith.mulf %parallel_loop3A_702, %parallel_loop3A_702 : vector<16xf32>
        %parallel_loop3A_705 = arith.addf %parallel_loop3A_661, %parallel_loop3A_704 : vector<16xf32>
        %parallel_loop3A_706 = arith.constant 0 : i32
        %parallel_loop3A_707 = arith.constant 0 : i32
        %parallel_loop3A_708 = tpu.memref_slice %arg9[%and3A_113, %parallel_loop3A_706, %parallel_loop3A_707] : memref<4x32x768xf32, #tpu.memory_space<vmem>> -> memref<1x32x768xf32, #tpu.memory_space<vmem>>
        %parallel_loop3A_709 = tpu.memref_squeeze %parallel_loop3A_708 : memref<1x32x768xf32, #tpu.memory_space<vmem>> -> memref<32x768xf32, #tpu.memory_space<vmem>>
        %parallel_loop3A_710 = arith.index_cast %parallel_loop3A_469 : i32 to index
        %parallel_loop3A_711 = arith.constant 320 : index
        %parallel_loop3A_712 = tpu.vector_load %parallel_loop3A_709[%parallel_loop3A_710, %parallel_loop3A_711] {strides = array<i32>} : memref<32x768xf32, #tpu.memory_space<vmem>>, vector<1x16xf32>,
        %parallel_loop3A_713 = vector.shape_cast %parallel_loop3A_712 : vector<1x16xf32> to vector<16xf32>
        %parallel_loop3A_714 = arith.addf %parallel_loop3A_670, %parallel_loop3A_713 : vector<16xf32>
        %parallel_loop3A_715 = arith.mulf %parallel_loop3A_713, %parallel_loop3A_713 : vector<16xf32>
        %parallel_loop3A_716 = arith.addf %parallel_loop3A_672, %parallel_loop3A_715 : vector<16xf32>
        %parallel_loop3A_717 = arith.constant 0 : i32
        %parallel_loop3A_718 = arith.constant 0 : i32
        %parallel_loop3A_719 = tpu.memref_slice %arg9[%and3A_113, %parallel_loop3A_717, %parallel_loop3A_718] : memref<4x32x768xf32, #tpu.memory_space<vmem>> -> memref<1x32x768xf32, #tpu.memory_space<vmem>>
        %parallel_loop3A_720 = tpu.memref_squeeze %parallel_loop3A_719 : memref<1x32x768xf32, #tpu.memory_space<vmem>> -> memref<32x768xf32, #tpu.memory_space<vmem>>
        %parallel_loop3A_721 = arith.index_cast %parallel_loop3A_469 : i32 to index
        %parallel_loop3A_722 = arith.constant 336 : index
        %parallel_loop3A_723 = tpu.vector_load %parallel_loop3A_720[%parallel_loop3A_721, %parallel_loop3A_722] {strides = array<i32>} : memref<32x768xf32, #tpu.memory_space<vmem>>, vector<1x16xf32>,
        %parallel_loop3A_724 = vector.shape_cast %parallel_loop3A_723 : vector<1x16xf32> to vector<16xf32>
        %parallel_loop3A_725 = arith.addf %parallel_loop3A_681, %parallel_loop3A_724 : vector<16xf32>
        %parallel_loop3A_726 = arith.mulf %parallel_loop3A_724, %parallel_loop3A_724 : vector<16xf32>
        %parallel_loop3A_727 = arith.addf %parallel_loop3A_683, %parallel_loop3A_726 : vector<16xf32>
        %parallel_loop3A_728 = arith.constant 0 : i32
        %parallel_loop3A_729 = arith.constant 0 : i32
        %parallel_loop3A_730 = tpu.memref_slice %arg9[%and3A_113, %parallel_loop3A_728, %parallel_loop3A_729] : memref<4x32x768xf32, #tpu.memory_space<vmem>> -> memref<1x32x768xf32, #tpu.memory_space<vmem>>
        %parallel_loop3A_731 = tpu.memref_squeeze %parallel_loop3A_730 : memref<1x32x768xf32, #tpu.memory_space<vmem>> -> memref<32x768xf32, #tpu.memory_space<vmem>>
        %parallel_loop3A_732 = arith.index_cast %parallel_loop3A_469 : i32 to index
        %parallel_loop3A_733 = arith.constant 352 : index
        %parallel_loop3A_734 = tpu.vector_load %parallel_loop3A_731[%parallel_loop3A_732, %parallel_loop3A_733] {strides = array<i32>} : memref<32x768xf32, #tpu.memory_space<vmem>>, vector<1x16xf32>,
        %parallel_loop3A_735 = vector.shape_cast %parallel_loop3A_734 : vector<1x16xf32> to vector<16xf32>
        %parallel_loop3A_736 = arith.addf %parallel_loop3A_692, %parallel_loop3A_735 : vector<16xf32>
        %parallel_loop3A_737 = arith.mulf %parallel_loop3A_735, %parallel_loop3A_735 : vector<16xf32>
        %parallel_loop3A_738 = arith.addf %parallel_loop3A_694, %parallel_loop3A_737 : vector<16xf32>
        %parallel_loop3A_739 = arith.constant 0 : i32
        %parallel_loop3A_740 = arith.constant 0 : i32
        %parallel_loop3A_741 = tpu.memref_slice %arg9[%and3A_113, %parallel_loop3A_739, %parallel_loop3A_740] : memref<4x32x768xf32, #tpu.memory_space<vmem>> -> memref<1x32x768xf32, #tpu.memory_space<vmem>>
        %parallel_loop3A_742 = tpu.memref_squeeze %parallel_loop3A_741 : memref<1x32x768xf32, #tpu.memory_space<vmem>> -> memref<32x768xf32, #tpu.memory_space<vmem>>
        %parallel_loop3A_743 = arith.index_cast %parallel_loop3A_469 : i32 to index
        %parallel_loop3A_744 = arith.constant 368 : index
        %parallel_loop3A_745 = tpu.vector_load %parallel_loop3A_742[%parallel_loop3A_743, %parallel_loop3A_744] {strides = array<i32>} : memref<32x768xf32, #tpu.memory_space<vmem>>, vector<1x16xf32>,
        %parallel_loop3A_746 = vector.shape_cast %parallel_loop3A_745 : vector<1x16xf32> to vector<16xf32>
        %parallel_loop3A_747 = arith.addf %parallel_loop3A_703, %parallel_loop3A_746 : vector<16xf32>
        %parallel_loop3A_748 = arith.mulf %parallel_loop3A_746, %parallel_loop3A_746 : vector<16xf32>
        %parallel_loop3A_749 = arith.addf %parallel_loop3A_705, %parallel_loop3A_748 : vector<16xf32>
        %parallel_loop3A_750 = arith.constant 0 : i32
        %parallel_loop3A_751 = arith.constant 0 : i32
        %parallel_loop3A_752 = tpu.memref_slice %arg9[%and3A_113, %parallel_loop3A_750, %parallel_loop3A_751] : memref<4x32x768xf32, #tpu.memory_space<vmem>> -> memref<1x32x768xf32, #tpu.memory_space<vmem>>
        %parallel_loop3A_753 = tpu.memref_squeeze %parallel_loop3A_752 : memref<1x32x768xf32, #tpu.memory_space<vmem>> -> memref<32x768xf32, #tpu.memory_space<vmem>>
        %parallel_loop3A_754 = arith.index_cast %parallel_loop3A_469 : i32 to index
        %parallel_loop3A_755 = arith.constant 384 : index
        %parallel_loop3A_756 = tpu.vector_load %parallel_loop3A_753[%parallel_loop3A_754, %parallel_loop3A_755] {strides = array<i32>} : memref<32x768xf32, #tpu.memory_space<vmem>>, vector<1x16xf32>,
        %parallel_loop3A_757 = vector.shape_cast %parallel_loop3A_756 : vector<1x16xf32> to vector<16xf32>
        %parallel_loop3A_758 = arith.addf %parallel_loop3A_714, %parallel_loop3A_757 : vector<16xf32>
        %parallel_loop3A_759 = arith.mulf %parallel_loop3A_757, %parallel_loop3A_757 : vector<16xf32>
        %parallel_loop3A_760 = arith.addf %parallel_loop3A_716, %parallel_loop3A_759 : vector<16xf32>
        %parallel_loop3A_761 = arith.constant 0 : i32
        %parallel_loop3A_762 = arith.constant 0 : i32
        %parallel_loop3A_763 = tpu.memref_slice %arg9[%and3A_113, %parallel_loop3A_761, %parallel_loop3A_762] : memref<4x32x768xf32, #tpu.memory_space<vmem>> -> memref<1x32x768xf32, #tpu.memory_space<vmem>>
        %parallel_loop3A_764 = tpu.memref_squeeze %parallel_loop3A_763 : memref<1x32x768xf32, #tpu.memory_space<vmem>> -> memref<32x768xf32, #tpu.memory_space<vmem>>
        %parallel_loop3A_765 = arith.index_cast %parallel_loop3A_469 : i32 to index
        %parallel_loop3A_766 = arith.constant 400 : index
        %parallel_loop3A_767 = tpu.vector_load %parallel_loop3A_764[%parallel_loop3A_765, %parallel_loop3A_766] {strides = array<i32>} : memref<32x768xf32, #tpu.memory_space<vmem>>, vector<1x16xf32>,
        %parallel_loop3A_768 = vector.shape_cast %parallel_loop3A_767 : vector<1x16xf32> to vector<16xf32>
        %parallel_loop3A_769 = arith.addf %parallel_loop3A_725, %parallel_loop3A_768 : vector<16xf32>
        %parallel_loop3A_770 = arith.mulf %parallel_loop3A_768, %parallel_loop3A_768 : vector<16xf32>
        %parallel_loop3A_771 = arith.addf %parallel_loop3A_727, %parallel_loop3A_770 : vector<16xf32>
        %parallel_loop3A_772 = arith.constant 0 : i32
        %parallel_loop3A_773 = arith.constant 0 : i32
        %parallel_loop3A_774 = tpu.memref_slice %arg9[%and3A_113, %parallel_loop3A_772, %parallel_loop3A_773] : memref<4x32x768xf32, #tpu.memory_space<vmem>> -> memref<1x32x768xf32, #tpu.memory_space<vmem>>
        %parallel_loop3A_775 = tpu.memref_squeeze %parallel_loop3A_774 : memref<1x32x768xf32, #tpu.memory_space<vmem>> -> memref<32x768xf32, #tpu.memory_space<vmem>>
        %parallel_loop3A_776 = arith.index_cast %parallel_loop3A_469 : i32 to index
        %parallel_loop3A_777 = arith.constant 416 : index
        %parallel_loop3A_778 = tpu.vector_load %parallel_loop3A_775[%parallel_loop3A_776, %parallel_loop3A_777] {strides = array<i32>} : memref<32x768xf32, #tpu.memory_space<vmem>>, vector<1x16xf32>,
        %parallel_loop3A_779 = vector.shape_cast %parallel_loop3A_778 : vector<1x16xf32> to vector<16xf32>
        %parallel_loop3A_780 = arith.addf %parallel_loop3A_736, %parallel_loop3A_779 : vector<16xf32>
        %parallel_loop3A_781 = arith.mulf %parallel_loop3A_779, %parallel_loop3A_779 : vector<16xf32>
        %parallel_loop3A_782 = arith.addf %parallel_loop3A_738, %parallel_loop3A_781 : vector<16xf32>
        %parallel_loop3A_783 = arith.constant 0 : i32
        %parallel_loop3A_784 = arith.constant 0 : i32
        %parallel_loop3A_785 = tpu.memref_slice %arg9[%and3A_113, %parallel_loop3A_783, %parallel_loop3A_784] : memref<4x32x768xf32, #tpu.memory_space<vmem>> -> memref<1x32x768xf32, #tpu.memory_space<vmem>>
        %parallel_loop3A_786 = tpu.memref_squeeze %parallel_loop3A_785 : memref<1x32x768xf32, #tpu.memory_space<vmem>> -> memref<32x768xf32, #tpu.memory_space<vmem>>
        %parallel_loop3A_787 = arith.index_cast %parallel_loop3A_469 : i32 to index
        %parallel_loop3A_788 = arith.constant 432 : index
        %parallel_loop3A_789 = tpu.vector_load %parallel_loop3A_786[%parallel_loop3A_787, %parallel_loop3A_788] {strides = array<i32>} : memref<32x768xf32, #tpu.memory_space<vmem>>, vector<1x16xf32>,
        %parallel_loop3A_790 = vector.shape_cast %parallel_loop3A_789 : vector<1x16xf32> to vector<16xf32>
        %parallel_loop3A_791 = arith.addf %parallel_loop3A_747, %parallel_loop3A_790 : vector<16xf32>
        %parallel_loop3A_792 = arith.mulf %parallel_loop3A_790, %parallel_loop3A_790 : vector<16xf32>
        %parallel_loop3A_793 = arith.addf %parallel_loop3A_749, %parallel_loop3A_792 : vector<16xf32>
        %parallel_loop3A_794 = arith.constant 0 : i32
        %parallel_loop3A_795 = arith.constant 0 : i32
        %parallel_loop3A_796 = tpu.memref_slice %arg9[%and3A_113, %parallel_loop3A_794, %parallel_loop3A_795] : memref<4x32x768xf32, #tpu.memory_space<vmem>> -> memref<1x32x768xf32, #tpu.memory_space<vmem>>
        %parallel_loop3A_797 = tpu.memref_squeeze %parallel_loop3A_796 : memref<1x32x768xf32, #tpu.memory_space<vmem>> -> memref<32x768xf32, #tpu.memory_space<vmem>>
        %parallel_loop3A_798 = arith.index_cast %parallel_loop3A_469 : i32 to index
        %parallel_loop3A_799 = arith.constant 448 : index
        %parallel_loop3A_800 = tpu.vector_load %parallel_loop3A_797[%parallel_loop3A_798, %parallel_loop3A_799] {strides = array<i32>} : memref<32x768xf32, #tpu.memory_space<vmem>>, vector<1x16xf32>,
        %parallel_loop3A_801 = vector.shape_cast %parallel_loop3A_800 : vector<1x16xf32> to vector<16xf32>
        %parallel_loop3A_802 = arith.addf %parallel_loop3A_758, %parallel_loop3A_801 : vector<16xf32>
        %parallel_loop3A_803 = arith.mulf %parallel_loop3A_801, %parallel_loop3A_801 : vector<16xf32>
        %parallel_loop3A_804 = arith.addf %parallel_loop3A_760, %parallel_loop3A_803 : vector<16xf32>
        %parallel_loop3A_805 = arith.constant 0 : i32
        %parallel_loop3A_806 = arith.constant 0 : i32
        %parallel_loop3A_807 = tpu.memref_slice %arg9[%and3A_113, %parallel_loop3A_805, %parallel_loop3A_806] : memref<4x32x768xf32, #tpu.memory_space<vmem>> -> memref<1x32x768xf32, #tpu.memory_space<vmem>>
        %parallel_loop3A_808 = tpu.memref_squeeze %parallel_loop3A_807 : memref<1x32x768xf32, #tpu.memory_space<vmem>> -> memref<32x768xf32, #tpu.memory_space<vmem>>
        %parallel_loop3A_809 = arith.index_cast %parallel_loop3A_469 : i32 to index
        %parallel_loop3A_810 = arith.constant 464 : index
        %parallel_loop3A_811 = tpu.vector_load %parallel_loop3A_808[%parallel_loop3A_809, %parallel_loop3A_810] {strides = array<i32>} : memref<32x768xf32, #tpu.memory_space<vmem>>, vector<1x16xf32>,
        %parallel_loop3A_812 = vector.shape_cast %parallel_loop3A_811 : vector<1x16xf32> to vector<16xf32>
        %parallel_loop3A_813 = arith.addf %parallel_loop3A_769, %parallel_loop3A_812 : vector<16xf32>
        %parallel_loop3A_814 = arith.mulf %parallel_loop3A_812, %parallel_loop3A_812 : vector<16xf32>
        %parallel_loop3A_815 = arith.addf %parallel_loop3A_771, %parallel_loop3A_814 : vector<16xf32>
        %parallel_loop3A_816 = arith.constant 0 : i32
        %parallel_loop3A_817 = arith.constant 0 : i32
        %parallel_loop3A_818 = tpu.memref_slice %arg9[%and3A_113, %parallel_loop3A_816, %parallel_loop3A_817] : memref<4x32x768xf32, #tpu.memory_space<vmem>> -> memref<1x32x768xf32, #tpu.memory_space<vmem>>
        %parallel_loop3A_819 = tpu.memref_squeeze %parallel_loop3A_818 : memref<1x32x768xf32, #tpu.memory_space<vmem>> -> memref<32x768xf32, #tpu.memory_space<vmem>>
        %parallel_loop3A_820 = arith.index_cast %parallel_loop3A_469 : i32 to index
        %parallel_loop3A_821 = arith.constant 480 : index
        %parallel_loop3A_822 = tpu.vector_load %parallel_loop3A_819[%parallel_loop3A_820, %parallel_loop3A_821] {strides = array<i32>} : memref<32x768xf32, #tpu.memory_space<vmem>>, vector<1x16xf32>,
        %parallel_loop3A_823 = vector.shape_cast %parallel_loop3A_822 : vector<1x16xf32> to vector<16xf32>
        %parallel_loop3A_824 = arith.addf %parallel_loop3A_780, %parallel_loop3A_823 : vector<16xf32>
        %parallel_loop3A_825 = arith.mulf %parallel_loop3A_823, %parallel_loop3A_823 : vector<16xf32>
        %parallel_loop3A_826 = arith.addf %parallel_loop3A_782, %parallel_loop3A_825 : vector<16xf32>
        %parallel_loop3A_827 = arith.constant 0 : i32
        %parallel_loop3A_828 = arith.constant 0 : i32
        %parallel_loop3A_829 = tpu.memref_slice %arg9[%and3A_113, %parallel_loop3A_827, %parallel_loop3A_828] : memref<4x32x768xf32, #tpu.memory_space<vmem>> -> memref<1x32x768xf32, #tpu.memory_space<vmem>>
        %parallel_loop3A_830 = tpu.memref_squeeze %parallel_loop3A_829 : memref<1x32x768xf32, #tpu.memory_space<vmem>> -> memref<32x768xf32, #tpu.memory_space<vmem>>
        %parallel_loop3A_831 = arith.index_cast %parallel_loop3A_469 : i32 to index
        %parallel_loop3A_832 = arith.constant 496 : index
        %parallel_loop3A_833 = tpu.vector_load %parallel_loop3A_830[%parallel_loop3A_831, %parallel_loop3A_832] {strides = array<i32>} : memref<32x768xf32, #tpu.memory_space<vmem>>, vector<1x16xf32>,
        %parallel_loop3A_834 = vector.shape_cast %parallel_loop3A_833 : vector<1x16xf32> to vector<16xf32>
        %parallel_loop3A_835 = arith.addf %parallel_loop3A_791, %parallel_loop3A_834 : vector<16xf32>
        %parallel_loop3A_836 = arith.mulf %parallel_loop3A_834, %parallel_loop3A_834 : vector<16xf32>
        %parallel_loop3A_837 = arith.addf %parallel_loop3A_793, %parallel_loop3A_836 : vector<16xf32>
        %parallel_loop3A_838 = arith.constant 0 : i32
        %parallel_loop3A_839 = arith.constant 0 : i32
        %parallel_loop3A_840 = tpu.memref_slice %arg9[%and3A_113, %parallel_loop3A_838, %parallel_loop3A_839] : memref<4x32x768xf32, #tpu.memory_space<vmem>> -> memref<1x32x768xf32, #tpu.memory_space<vmem>>
        %parallel_loop3A_841 = tpu.memref_squeeze %parallel_loop3A_840 : memref<1x32x768xf32, #tpu.memory_space<vmem>> -> memref<32x768xf32, #tpu.memory_space<vmem>>
        %parallel_loop3A_842 = arith.index_cast %parallel_loop3A_469 : i32 to index
        %parallel_loop3A_843 = arith.constant 512 : index
        %parallel_loop3A_844 = tpu.vector_load %parallel_loop3A_841[%parallel_loop3A_842, %parallel_loop3A_843] {strides = array<i32>} : memref<32x768xf32, #tpu.memory_space<vmem>>, vector<1x16xf32>,
        %parallel_loop3A_845 = vector.shape_cast %parallel_loop3A_844 : vector<1x16xf32> to vector<16xf32>
        %parallel_loop3A_846 = arith.addf %parallel_loop3A_802, %parallel_loop3A_845 : vector<16xf32>
        %parallel_loop3A_847 = arith.mulf %parallel_loop3A_845, %parallel_loop3A_845 : vector<16xf32>
        %parallel_loop3A_848 = arith.addf %parallel_loop3A_804, %parallel_loop3A_847 : vector<16xf32>
        %parallel_loop3A_849 = arith.constant 0 : i32
        %parallel_loop3A_850 = arith.constant 0 : i32
        %parallel_loop3A_851 = tpu.memref_slice %arg9[%and3A_113, %parallel_loop3A_849, %parallel_loop3A_850] : memref<4x32x768xf32, #tpu.memory_space<vmem>> -> memref<1x32x768xf32, #tpu.memory_space<vmem>>
        %parallel_loop3A_852 = tpu.memref_squeeze %parallel_loop3A_851 : memref<1x32x768xf32, #tpu.memory_space<vmem>> -> memref<32x768xf32, #tpu.memory_space<vmem>>
        %parallel_loop3A_853 = arith.index_cast %parallel_loop3A_469 : i32 to index
        %parallel_loop3A_854 = arith.constant 528 : index
        %parallel_loop3A_855 = tpu.vector_load %parallel_loop3A_852[%parallel_loop3A_853, %parallel_loop3A_854] {strides = array<i32>} : memref<32x768xf32, #tpu.memory_space<vmem>>, vector<1x16xf32>,
        %parallel_loop3A_856 = vector.shape_cast %parallel_loop3A_855 : vector<1x16xf32> to vector<16xf32>
        %parallel_loop3A_857 = arith.addf %parallel_loop3A_813, %parallel_loop3A_856 : vector<16xf32>
        %parallel_loop3A_858 = arith.mulf %parallel_loop3A_856, %parallel_loop3A_856 : vector<16xf32>
        %parallel_loop3A_859 = arith.addf %parallel_loop3A_815, %parallel_loop3A_858 : vector<16xf32>
        %parallel_loop3A_860 = arith.constant 0 : i32
        %parallel_loop3A_861 = arith.constant 0 : i32
        %parallel_loop3A_862 = tpu.memref_slice %arg9[%and3A_113, %parallel_loop3A_860, %parallel_loop3A_861] : memref<4x32x768xf32, #tpu.memory_space<vmem>> -> memref<1x32x768xf32, #tpu.memory_space<vmem>>
        %parallel_loop3A_863 = tpu.memref_squeeze %parallel_loop3A_862 : memref<1x32x768xf32, #tpu.memory_space<vmem>> -> memref<32x768xf32, #tpu.memory_space<vmem>>
        %parallel_loop3A_864 = arith.index_cast %parallel_loop3A_469 : i32 to index
        %parallel_loop3A_865 = arith.constant 544 : index
        %parallel_loop3A_866 = tpu.vector_load %parallel_loop3A_863[%parallel_loop3A_864, %parallel_loop3A_865] {strides = array<i32>} : memref<32x768xf32, #tpu.memory_space<vmem>>, vector<1x16xf32>,
        %parallel_loop3A_867 = vector.shape_cast %parallel_loop3A_866 : vector<1x16xf32> to vector<16xf32>
        %parallel_loop3A_868 = arith.addf %parallel_loop3A_824, %parallel_loop3A_867 : vector<16xf32>
        %parallel_loop3A_869 = arith.mulf %parallel_loop3A_867, %parallel_loop3A_867 : vector<16xf32>
        %parallel_loop3A_870 = arith.addf %parallel_loop3A_826, %parallel_loop3A_869 : vector<16xf32>
        %parallel_loop3A_871 = arith.constant 0 : i32
        %parallel_loop3A_872 = arith.constant 0 : i32
        %parallel_loop3A_873 = tpu.memref_slice %arg9[%and3A_113, %parallel_loop3A_871, %parallel_loop3A_872] : memref<4x32x768xf32, #tpu.memory_space<vmem>> -> memref<1x32x768xf32, #tpu.memory_space<vmem>>
        %parallel_loop3A_874 = tpu.memref_squeeze %parallel_loop3A_873 : memref<1x32x768xf32, #tpu.memory_space<vmem>> -> memref<32x768xf32, #tpu.memory_space<vmem>>
        %parallel_loop3A_875 = arith.index_cast %parallel_loop3A_469 : i32 to index
        %parallel_loop3A_876 = arith.constant 560 : index
        %parallel_loop3A_877 = tpu.vector_load %parallel_loop3A_874[%parallel_loop3A_875, %parallel_loop3A_876] {strides = array<i32>} : memref<32x768xf32, #tpu.memory_space<vmem>>, vector<1x16xf32>,
        %parallel_loop3A_878 = vector.shape_cast %parallel_loop3A_877 : vector<1x16xf32> to vector<16xf32>
        %parallel_loop3A_879 = arith.addf %parallel_loop3A_835, %parallel_loop3A_878 : vector<16xf32>
        %parallel_loop3A_880 = arith.mulf %parallel_loop3A_878, %parallel_loop3A_878 : vector<16xf32>
        %parallel_loop3A_881 = arith.addf %parallel_loop3A_837, %parallel_loop3A_880 : vector<16xf32>
        %parallel_loop3A_882 = arith.constant 0 : i32
        %parallel_loop3A_883 = arith.constant 0 : i32
        %parallel_loop3A_884 = tpu.memref_slice %arg9[%and3A_113, %parallel_loop3A_882, %parallel_loop3A_883] : memref<4x32x768xf32, #tpu.memory_space<vmem>> -> memref<1x32x768xf32, #tpu.memory_space<vmem>>
        %parallel_loop3A_885 = tpu.memref_squeeze %parallel_loop3A_884 : memref<1x32x768xf32, #tpu.memory_space<vmem>> -> memref<32x768xf32, #tpu.memory_space<vmem>>
        %parallel_loop3A_886 = arith.index_cast %parallel_loop3A_469 : i32 to index
        %parallel_loop3A_887 = arith.constant 576 : index
        %parallel_loop3A_888 = tpu.vector_load %parallel_loop3A_885[%parallel_loop3A_886, %parallel_loop3A_887] {strides = array<i32>} : memref<32x768xf32, #tpu.memory_space<vmem>>, vector<1x16xf32>,
        %parallel_loop3A_889 = vector.shape_cast %parallel_loop3A_888 : vector<1x16xf32> to vector<16xf32>
        %parallel_loop3A_890 = arith.addf %parallel_loop3A_846, %parallel_loop3A_889 : vector<16xf32>
        %parallel_loop3A_891 = arith.mulf %parallel_loop3A_889, %parallel_loop3A_889 : vector<16xf32>
        %parallel_loop3A_892 = arith.addf %parallel_loop3A_848, %parallel_loop3A_891 : vector<16xf32>
        %parallel_loop3A_893 = arith.constant 0 : i32
        %parallel_loop3A_894 = arith.constant 0 : i32
        %parallel_loop3A_895 = tpu.memref_slice %arg9[%and3A_113, %parallel_loop3A_893, %parallel_loop3A_894] : memref<4x32x768xf32, #tpu.memory_space<vmem>> -> memref<1x32x768xf32, #tpu.memory_space<vmem>>
        %parallel_loop3A_896 = tpu.memref_squeeze %parallel_loop3A_895 : memref<1x32x768xf32, #tpu.memory_space<vmem>> -> memref<32x768xf32, #tpu.memory_space<vmem>>
        %parallel_loop3A_897 = arith.index_cast %parallel_loop3A_469 : i32 to index
        %parallel_loop3A_898 = arith.constant 592 : index
        %parallel_loop3A_899 = tpu.vector_load %parallel_loop3A_896[%parallel_loop3A_897, %parallel_loop3A_898] {strides = array<i32>} : memref<32x768xf32, #tpu.memory_space<vmem>>, vector<1x16xf32>,
        %parallel_loop3A_900 = vector.shape_cast %parallel_loop3A_899 : vector<1x16xf32> to vector<16xf32>
        %parallel_loop3A_901 = arith.addf %parallel_loop3A_857, %parallel_loop3A_900 : vector<16xf32>
        %parallel_loop3A_902 = arith.mulf %parallel_loop3A_900, %parallel_loop3A_900 : vector<16xf32>
        %parallel_loop3A_903 = arith.addf %parallel_loop3A_859, %parallel_loop3A_902 : vector<16xf32>
        %parallel_loop3A_904 = arith.constant 0 : i32
        %parallel_loop3A_905 = arith.constant 0 : i32
        %parallel_loop3A_906 = tpu.memref_slice %arg9[%and3A_113, %parallel_loop3A_904, %parallel_loop3A_905] : memref<4x32x768xf32, #tpu.memory_space<vmem>> -> memref<1x32x768xf32, #tpu.memory_space<vmem>>
        %parallel_loop3A_907 = tpu.memref_squeeze %parallel_loop3A_906 : memref<1x32x768xf32, #tpu.memory_space<vmem>> -> memref<32x768xf32, #tpu.memory_space<vmem>>
        %parallel_loop3A_908 = arith.index_cast %parallel_loop3A_469 : i32 to index
        %parallel_loop3A_909 = arith.constant 608 : index
        %parallel_loop3A_910 = tpu.vector_load %parallel_loop3A_907[%parallel_loop3A_908, %parallel_loop3A_909] {strides = array<i32>} : memref<32x768xf32, #tpu.memory_space<vmem>>, vector<1x16xf32>,
        %parallel_loop3A_911 = vector.shape_cast %parallel_loop3A_910 : vector<1x16xf32> to vector<16xf32>
        %parallel_loop3A_912 = arith.addf %parallel_loop3A_868, %parallel_loop3A_911 : vector<16xf32>
        %parallel_loop3A_913 = arith.mulf %parallel_loop3A_911, %parallel_loop3A_911 : vector<16xf32>
        %parallel_loop3A_914 = arith.addf %parallel_loop3A_870, %parallel_loop3A_913 : vector<16xf32>
        %parallel_loop3A_915 = arith.constant 0 : i32
        %parallel_loop3A_916 = arith.constant 0 : i32
        %parallel_loop3A_917 = tpu.memref_slice %arg9[%and3A_113, %parallel_loop3A_915, %parallel_loop3A_916] : memref<4x32x768xf32, #tpu.memory_space<vmem>> -> memref<1x32x768xf32, #tpu.memory_space<vmem>>
        %parallel_loop3A_918 = tpu.memref_squeeze %parallel_loop3A_917 : memref<1x32x768xf32, #tpu.memory_space<vmem>> -> memref<32x768xf32, #tpu.memory_space<vmem>>
        %parallel_loop3A_919 = arith.index_cast %parallel_loop3A_469 : i32 to index
        %parallel_loop3A_920 = arith.constant 624 : index
        %parallel_loop3A_921 = tpu.vector_load %parallel_loop3A_918[%parallel_loop3A_919, %parallel_loop3A_920] {strides = array<i32>} : memref<32x768xf32, #tpu.memory_space<vmem>>, vector<1x16xf32>,
        %parallel_loop3A_922 = vector.shape_cast %parallel_loop3A_921 : vector<1x16xf32> to vector<16xf32>
        %parallel_loop3A_923 = arith.addf %parallel_loop3A_879, %parallel_loop3A_922 : vector<16xf32>
        %parallel_loop3A_924 = arith.mulf %parallel_loop3A_922, %parallel_loop3A_922 : vector<16xf32>
        %parallel_loop3A_925 = arith.addf %parallel_loop3A_881, %parallel_loop3A_924 : vector<16xf32>
        %parallel_loop3A_926 = arith.constant 0 : i32
        %parallel_loop3A_927 = arith.constant 0 : i32
        %parallel_loop3A_928 = tpu.memref_slice %arg9[%and3A_113, %parallel_loop3A_926, %parallel_loop3A_927] : memref<4x32x768xf32, #tpu.memory_space<vmem>> -> memref<1x32x768xf32, #tpu.memory_space<vmem>>
        %parallel_loop3A_929 = tpu.memref_squeeze %parallel_loop3A_928 : memref<1x32x768xf32, #tpu.memory_space<vmem>> -> memref<32x768xf32, #tpu.memory_space<vmem>>
        %parallel_loop3A_930 = arith.index_cast %parallel_loop3A_469 : i32 to index
        %parallel_loop3A_931 = arith.constant 640 : index
        %parallel_loop3A_932 = tpu.vector_load %parallel_loop3A_929[%parallel_loop3A_930, %parallel_loop3A_931] {strides = array<i32>} : memref<32x768xf32, #tpu.memory_space<vmem>>, vector<1x16xf32>,
        %parallel_loop3A_933 = vector.shape_cast %parallel_loop3A_932 : vector<1x16xf32> to vector<16xf32>
        %parallel_loop3A_934 = arith.addf %parallel_loop3A_890, %parallel_loop3A_933 : vector<16xf32>
        %parallel_loop3A_935 = arith.mulf %parallel_loop3A_933, %parallel_loop3A_933 : vector<16xf32>
        %parallel_loop3A_936 = arith.addf %parallel_loop3A_892, %parallel_loop3A_935 : vector<16xf32>
        %parallel_loop3A_937 = arith.constant 0 : i32
        %parallel_loop3A_938 = arith.constant 0 : i32
        %parallel_loop3A_939 = tpu.memref_slice %arg9[%and3A_113, %parallel_loop3A_937, %parallel_loop3A_938] : memref<4x32x768xf32, #tpu.memory_space<vmem>> -> memref<1x32x768xf32, #tpu.memory_space<vmem>>
        %parallel_loop3A_940 = tpu.memref_squeeze %parallel_loop3A_939 : memref<1x32x768xf32, #tpu.memory_space<vmem>> -> memref<32x768xf32, #tpu.memory_space<vmem>>
        %parallel_loop3A_941 = arith.index_cast %parallel_loop3A_469 : i32 to index
        %parallel_loop3A_942 = arith.constant 656 : index
        %parallel_loop3A_943 = tpu.vector_load %parallel_loop3A_940[%parallel_loop3A_941, %parallel_loop3A_942] {strides = array<i32>} : memref<32x768xf32, #tpu.memory_space<vmem>>, vector<1x16xf32>,
        %parallel_loop3A_944 = vector.shape_cast %parallel_loop3A_943 : vector<1x16xf32> to vector<16xf32>
        %parallel_loop3A_945 = arith.addf %parallel_loop3A_901, %parallel_loop3A_944 : vector<16xf32>
        %parallel_loop3A_946 = arith.mulf %parallel_loop3A_944, %parallel_loop3A_944 : vector<16xf32>
        %parallel_loop3A_947 = arith.addf %parallel_loop3A_903, %parallel_loop3A_946 : vector<16xf32>
        %parallel_loop3A_948 = arith.constant 0 : i32
        %parallel_loop3A_949 = arith.constant 0 : i32
        %parallel_loop3A_950 = tpu.memref_slice %arg9[%and3A_113, %parallel_loop3A_948, %parallel_loop3A_949] : memref<4x32x768xf32, #tpu.memory_space<vmem>> -> memref<1x32x768xf32, #tpu.memory_space<vmem>>
        %parallel_loop3A_951 = tpu.memref_squeeze %parallel_loop3A_950 : memref<1x32x768xf32, #tpu.memory_space<vmem>> -> memref<32x768xf32, #tpu.memory_space<vmem>>
        %parallel_loop3A_952 = arith.index_cast %parallel_loop3A_469 : i32 to index
        %parallel_loop3A_953 = arith.constant 672 : index
        %parallel_loop3A_954 = tpu.vector_load %parallel_loop3A_951[%parallel_loop3A_952, %parallel_loop3A_953] {strides = array<i32>} : memref<32x768xf32, #tpu.memory_space<vmem>>, vector<1x16xf32>,
        %parallel_loop3A_955 = vector.shape_cast %parallel_loop3A_954 : vector<1x16xf32> to vector<16xf32>
        %parallel_loop3A_956 = arith.addf %parallel_loop3A_912, %parallel_loop3A_955 : vector<16xf32>
        %parallel_loop3A_957 = arith.mulf %parallel_loop3A_955, %parallel_loop3A_955 : vector<16xf32>
        %parallel_loop3A_958 = arith.addf %parallel_loop3A_914, %parallel_loop3A_957 : vector<16xf32>
        %parallel_loop3A_959 = arith.constant 0 : i32
        %parallel_loop3A_960 = arith.constant 0 : i32
        %parallel_loop3A_961 = tpu.memref_slice %arg9[%and3A_113, %parallel_loop3A_959, %parallel_loop3A_960] : memref<4x32x768xf32, #tpu.memory_space<vmem>> -> memref<1x32x768xf32, #tpu.memory_space<vmem>>
        %parallel_loop3A_962 = tpu.memref_squeeze %parallel_loop3A_961 : memref<1x32x768xf32, #tpu.memory_space<vmem>> -> memref<32x768xf32, #tpu.memory_space<vmem>>
        %parallel_loop3A_963 = arith.index_cast %parallel_loop3A_469 : i32 to index
        %parallel_loop3A_964 = arith.constant 688 : index
        %parallel_loop3A_965 = tpu.vector_load %parallel_loop3A_962[%parallel_loop3A_963, %parallel_loop3A_964] {strides = array<i32>} : memref<32x768xf32, #tpu.memory_space<vmem>>, vector<1x16xf32>,
        %parallel_loop3A_966 = vector.shape_cast %parallel_loop3A_965 : vector<1x16xf32> to vector<16xf32>
        %parallel_loop3A_967 = arith.addf %parallel_loop3A_923, %parallel_loop3A_966 : vector<16xf32>
        %parallel_loop3A_968 = arith.mulf %parallel_loop3A_966, %parallel_loop3A_966 : vector<16xf32>
        %parallel_loop3A_969 = arith.addf %parallel_loop3A_925, %parallel_loop3A_968 : vector<16xf32>
        %parallel_loop3A_970 = arith.constant 0 : i32
        %parallel_loop3A_971 = arith.constant 0 : i32
        %parallel_loop3A_972 = tpu.memref_slice %arg9[%and3A_113, %parallel_loop3A_970, %parallel_loop3A_971] : memref<4x32x768xf32, #tpu.memory_space<vmem>> -> memref<1x32x768xf32, #tpu.memory_space<vmem>>
        %parallel_loop3A_973 = tpu.memref_squeeze %parallel_loop3A_972 : memref<1x32x768xf32, #tpu.memory_space<vmem>> -> memref<32x768xf32, #tpu.memory_space<vmem>>
        %parallel_loop3A_974 = arith.index_cast %parallel_loop3A_469 : i32 to index
        %parallel_loop3A_975 = arith.constant 704 : index
        %parallel_loop3A_976 = tpu.vector_load %parallel_loop3A_973[%parallel_loop3A_974, %parallel_loop3A_975] {strides = array<i32>} : memref<32x768xf32, #tpu.memory_space<vmem>>, vector<1x16xf32>,
        %parallel_loop3A_977 = vector.shape_cast %parallel_loop3A_976 : vector<1x16xf32> to vector<16xf32>
        %parallel_loop3A_978 = arith.addf %parallel_loop3A_934, %parallel_loop3A_977 : vector<16xf32>
        %parallel_loop3A_979 = arith.mulf %parallel_loop3A_977, %parallel_loop3A_977 : vector<16xf32>
        %parallel_loop3A_980 = arith.addf %parallel_loop3A_936, %parallel_loop3A_979 : vector<16xf32>
        %parallel_loop3A_981 = arith.constant 0 : i32
        %parallel_loop3A_982 = arith.constant 0 : i32
        %parallel_loop3A_983 = tpu.memref_slice %arg9[%and3A_113, %parallel_loop3A_981, %parallel_loop3A_982] : memref<4x32x768xf32, #tpu.memory_space<vmem>> -> memref<1x32x768xf32, #tpu.memory_space<vmem>>
        %parallel_loop3A_984 = tpu.memref_squeeze %parallel_loop3A_983 : memref<1x32x768xf32, #tpu.memory_space<vmem>> -> memref<32x768xf32, #tpu.memory_space<vmem>>
        %parallel_loop3A_985 = arith.index_cast %parallel_loop3A_469 : i32 to index
        %parallel_loop3A_986 = arith.constant 720 : index
        %parallel_loop3A_987 = tpu.vector_load %parallel_loop3A_984[%parallel_loop3A_985, %parallel_loop3A_986] {strides = array<i32>} : memref<32x768xf32, #tpu.memory_space<vmem>>, vector<1x16xf32>,
        %parallel_loop3A_988 = vector.shape_cast %parallel_loop3A_987 : vector<1x16xf32> to vector<16xf32>
        %parallel_loop3A_989 = arith.addf %parallel_loop3A_945, %parallel_loop3A_988 : vector<16xf32>
        %parallel_loop3A_990 = arith.mulf %parallel_loop3A_988, %parallel_loop3A_988 : vector<16xf32>
        %parallel_loop3A_991 = arith.addf %parallel_loop3A_947, %parallel_loop3A_990 : vector<16xf32>
        %parallel_loop3A_992 = arith.constant 0 : i32
        %parallel_loop3A_993 = arith.constant 0 : i32
        %parallel_loop3A_994 = tpu.memref_slice %arg9[%and3A_113, %parallel_loop3A_992, %parallel_loop3A_993] : memref<4x32x768xf32, #tpu.memory_space<vmem>> -> memref<1x32x768xf32, #tpu.memory_space<vmem>>
        %parallel_loop3A_995 = tpu.memref_squeeze %parallel_loop3A_994 : memref<1x32x768xf32, #tpu.memory_space<vmem>> -> memref<32x768xf32, #tpu.memory_space<vmem>>
        %parallel_loop3A_996 = arith.index_cast %parallel_loop3A_469 : i32 to index
        %parallel_loop3A_997 = arith.constant 736 : index
        %parallel_loop3A_998 = tpu.vector_load %parallel_loop3A_995[%parallel_loop3A_996, %parallel_loop3A_997] {strides = array<i32>} : memref<32x768xf32, #tpu.memory_space<vmem>>, vector<1x16xf32>,
        %parallel_loop3A_999 = vector.shape_cast %parallel_loop3A_998 : vector<1x16xf32> to vector<16xf32>
        %parallel_loop3A_1000 = arith.addf %parallel_loop3A_956, %parallel_loop3A_999 : vector<16xf32>
        %parallel_loop3A_1001 = arith.mulf %parallel_loop3A_999, %parallel_loop3A_999 : vector<16xf32>
        %parallel_loop3A_1002 = arith.addf %parallel_loop3A_958, %parallel_loop3A_1001 : vector<16xf32>
        %parallel_loop3A_1003 = arith.constant 0 : i32
        %parallel_loop3A_1004 = arith.constant 0 : i32
        %parallel_loop3A_1005 = tpu.memref_slice %arg9[%and3A_113, %parallel_loop3A_1003, %parallel_loop3A_1004] : memref<4x32x768xf32, #tpu.memory_space<vmem>> -> memref<1x32x768xf32, #tpu.memory_space<vmem>>
        %parallel_loop3A_1006 = tpu.memref_squeeze %parallel_loop3A_1005 : memref<1x32x768xf32, #tpu.memory_space<vmem>> -> memref<32x768xf32, #tpu.memory_space<vmem>>
        %parallel_loop3A_1007 = arith.index_cast %parallel_loop3A_469 : i32 to index
        %parallel_loop3A_1008 = arith.constant 752 : index
        %parallel_loop3A_1009 = tpu.vector_load %parallel_loop3A_1006[%parallel_loop3A_1007, %parallel_loop3A_1008] {strides = array<i32>} : memref<32x768xf32, #tpu.memory_space<vmem>>, vector<1x16xf32>,
        %parallel_loop3A_1010 = vector.shape_cast %parallel_loop3A_1009 : vector<1x16xf32> to vector<16xf32>
        %parallel_loop3A_1011 = arith.addf %parallel_loop3A_967, %parallel_loop3A_1010 : vector<16xf32>
        %parallel_loop3A_1012 = arith.mulf %parallel_loop3A_1010, %parallel_loop3A_1010 : vector<16xf32>
        %parallel_loop3A_1013 = arith.addf %parallel_loop3A_969, %parallel_loop3A_1012 : vector<16xf32>
        %parallel_loop3A_1014 = arith.addf %parallel_loop3A_978, %parallel_loop3A_989 : vector<16xf32>
        %parallel_loop3A_1015 = arith.addf %parallel_loop3A_1000, %parallel_loop3A_1011 : vector<16xf32>
        %parallel_loop3A_1016 = arith.addf %parallel_loop3A_1014, %parallel_loop3A_1015 : vector<16xf32>
        %parallel_loop3A_1017 = arith.addf %parallel_loop3A_980, %parallel_loop3A_991 : vector<16xf32>
        %parallel_loop3A_1018 = arith.addf %parallel_loop3A_1002, %parallel_loop3A_1013 : vector<16xf32>
        %parallel_loop3A_1019 = arith.addf %parallel_loop3A_1017, %parallel_loop3A_1018 : vector<16xf32>
        %parallel_loop3A_1020 = tpu.iota {dimensions = array<i32: 0>} : vector<16xi32>
        %parallel_loop3A_1021 = arith.constant 8 : i32
        %parallel_loop3A_1022 = vector.broadcast %parallel_loop3A_1021 : i32 to vector<16xi32>
        %parallel_loop3A_1023 = arith.xori %parallel_loop3A_1020, %parallel_loop3A_1022 : vector<16xi32>
        %parallel_loop3A_1024 = arith.constant 0 : i32
        %parallel_loop3A_1025 = vector.broadcast %parallel_loop3A_1024 : i32 to vector<16xi32>
        %parallel_loop3A_1026 = arith.cmpi slt, %parallel_loop3A_1023, %parallel_loop3A_1025 : vector<16xi32>
        %parallel_loop3A_1027 = arith.constant 16 : i32
        %parallel_loop3A_1028 = vector.broadcast %parallel_loop3A_1027 : i32 to vector<16xi32>
        %parallel_loop3A_1029 = arith.addi %parallel_loop3A_1023, %parallel_loop3A_1028 : vector<16xi32>
        %parallel_loop3A_1030 = arith.select %parallel_loop3A_1026, %parallel_loop3A_1029, %parallel_loop3A_1023 : vector<16xi1>, vector<16xi32>
        %parallel_loop3A_1031 = vector.shape_cast %parallel_loop3A_1030 : vector<16xi32> to vector<16x1xi32>
        %parallel_loop3A_1032 = vector.shape_cast %parallel_loop3A_1031 : vector<16x1xi32> to vector<16xi32>
        %parallel_loop3A_1033 = tpu.dynamic_gather %parallel_loop3A_1016[%parallel_loop3A_1032] in [0] : vector<16xf32>, vector<16xi32> -> vector<16xf32>
        %parallel_loop3A_1034 = arith.addf %parallel_loop3A_1016, %parallel_loop3A_1033 : vector<16xf32>
        %parallel_loop3A_1035 = arith.constant 4 : i32
        %parallel_loop3A_1036 = vector.broadcast %parallel_loop3A_1035 : i32 to vector<16xi32>
        %parallel_loop3A_1037 = arith.xori %parallel_loop3A_1020, %parallel_loop3A_1036 : vector<16xi32>
        %parallel_loop3A_1038 = arith.constant 0 : i32
        %parallel_loop3A_1039 = vector.broadcast %parallel_loop3A_1038 : i32 to vector<16xi32>
        %parallel_loop3A_1040 = arith.cmpi slt, %parallel_loop3A_1037, %parallel_loop3A_1039 : vector<16xi32>
        %parallel_loop3A_1041 = arith.constant 16 : i32
        %parallel_loop3A_1042 = vector.broadcast %parallel_loop3A_1041 : i32 to vector<16xi32>
        %parallel_loop3A_1043 = arith.addi %parallel_loop3A_1037, %parallel_loop3A_1042 : vector<16xi32>
        %parallel_loop3A_1044 = arith.select %parallel_loop3A_1040, %parallel_loop3A_1043, %parallel_loop3A_1037 : vector<16xi1>, vector<16xi32>
        %parallel_loop3A_1045 = vector.shape_cast %parallel_loop3A_1044 : vector<16xi32> to vector<16x1xi32>
        %parallel_loop3A_1046 = vector.shape_cast %parallel_loop3A_1045 : vector<16x1xi32> to vector<16xi32>
        %parallel_loop3A_1047 = tpu.dynamic_gather %parallel_loop3A_1034[%parallel_loop3A_1046] in [0] : vector<16xf32>, vector<16xi32> -> vector<16xf32>
        %parallel_loop3A_1048 = arith.addf %parallel_loop3A_1034, %parallel_loop3A_1047 : vector<16xf32>
        %parallel_loop3A_1049 = arith.constant 2 : i32
        %parallel_loop3A_1050 = vector.broadcast %parallel_loop3A_1049 : i32 to vector<16xi32>
        %parallel_loop3A_1051 = arith.xori %parallel_loop3A_1020, %parallel_loop3A_1050 : vector<16xi32>
        %parallel_loop3A_1052 = arith.constant 0 : i32
        %parallel_loop3A_1053 = vector.broadcast %parallel_loop3A_1052 : i32 to vector<16xi32>
        %parallel_loop3A_1054 = arith.cmpi slt, %parallel_loop3A_1051, %parallel_loop3A_1053 : vector<16xi32>
        %parallel_loop3A_1055 = arith.constant 16 : i32
        %parallel_loop3A_1056 = vector.broadcast %parallel_loop3A_1055 : i32 to vector<16xi32>
        %parallel_loop3A_1057 = arith.addi %parallel_loop3A_1051, %parallel_loop3A_1056 : vector<16xi32>
        %parallel_loop3A_1058 = arith.select %parallel_loop3A_1054, %parallel_loop3A_1057, %parallel_loop3A_1051 : vector<16xi1>, vector<16xi32>
        %parallel_loop3A_1059 = vector.shape_cast %parallel_loop3A_1058 : vector<16xi32> to vector<16x1xi32>
        %parallel_loop3A_1060 = vector.shape_cast %parallel_loop3A_1059 : vector<16x1xi32> to vector<16xi32>
        %parallel_loop3A_1061 = tpu.dynamic_gather %parallel_loop3A_1048[%parallel_loop3A_1060] in [0] : vector<16xf32>, vector<16xi32> -> vector<16xf32>
        %parallel_loop3A_1062 = arith.addf %parallel_loop3A_1048, %parallel_loop3A_1061 : vector<16xf32>
        %parallel_loop3A_1063 = arith.constant 1 : i32
        %parallel_loop3A_1064 = vector.broadcast %parallel_loop3A_1063 : i32 to vector<16xi32>
        %parallel_loop3A_1065 = arith.xori %parallel_loop3A_1020, %parallel_loop3A_1064 : vector<16xi32>
        %parallel_loop3A_1066 = arith.constant 0 : i32
        %parallel_loop3A_1067 = vector.broadcast %parallel_loop3A_1066 : i32 to vector<16xi32>
        %parallel_loop3A_1068 = arith.cmpi slt, %parallel_loop3A_1065, %parallel_loop3A_1067 : vector<16xi32>
        %parallel_loop3A_1069 = arith.constant 16 : i32
        %parallel_loop3A_1070 = vector.broadcast %parallel_loop3A_1069 : i32 to vector<16xi32>
        %parallel_loop3A_1071 = arith.addi %parallel_loop3A_1065, %parallel_loop3A_1070 : vector<16xi32>
        %parallel_loop3A_1072 = arith.select %parallel_loop3A_1068, %parallel_loop3A_1071, %parallel_loop3A_1065 : vector<16xi1>, vector<16xi32>
        %parallel_loop3A_1073 = vector.shape_cast %parallel_loop3A_1072 : vector<16xi32> to vector<16x1xi32>
        %parallel_loop3A_1074 = vector.shape_cast %parallel_loop3A_1073 : vector<16x1xi32> to vector<16xi32>
        %parallel_loop3A_1075 = tpu.dynamic_gather %parallel_loop3A_1062[%parallel_loop3A_1074] in [0] : vector<16xf32>, vector<16xi32> -> vector<16xf32>
        %parallel_loop3A_1076 = arith.addf %parallel_loop3A_1062, %parallel_loop3A_1075 : vector<16xf32>
        %parallel_loop3A_1077 = arith.constant 0.00130208337 : f32
        %parallel_loop3A_1078 = vector.broadcast %parallel_loop3A_1077 : f32 to vector<16xf32>
        %parallel_loop3A_1079 = arith.mulf %parallel_loop3A_1076, %parallel_loop3A_1078 : vector<16xf32>
        %parallel_loop3A_1080 = tpu.iota {dimensions = array<i32: 0>} : vector<16xi32>
        %parallel_loop3A_1081 = arith.constant 8 : i32
        %parallel_loop3A_1082 = vector.broadcast %parallel_loop3A_1081 : i32 to vector<16xi32>
        %parallel_loop3A_1083 = arith.xori %parallel_loop3A_1080, %parallel_loop3A_1082 : vector<16xi32>
        %parallel_loop3A_1084 = arith.constant 0 : i32
        %parallel_loop3A_1085 = vector.broadcast %parallel_loop3A_1084 : i32 to vector<16xi32>
        %parallel_loop3A_1086 = arith.cmpi slt, %parallel_loop3A_1083, %parallel_loop3A_1085 : vector<16xi32>
        %parallel_loop3A_1087 = arith.constant 16 : i32
        %parallel_loop3A_1088 = vector.broadcast %parallel_loop3A_1087 : i32 to vector<16xi32>
        %parallel_loop3A_1089 = arith.addi %parallel_loop3A_1083, %parallel_loop3A_1088 : vector<16xi32>
        %parallel_loop3A_1090 = arith.select %parallel_loop3A_1086, %parallel_loop3A_1089, %parallel_loop3A_1083 : vector<16xi1>, vector<16xi32>
        %parallel_loop3A_1091 = vector.shape_cast %parallel_loop3A_1090 : vector<16xi32> to vector<16x1xi32>
        %parallel_loop3A_1092 = vector.shape_cast %parallel_loop3A_1091 : vector<16x1xi32> to vector<16xi32>
        %parallel_loop3A_1093 = tpu.dynamic_gather %parallel_loop3A_1019[%parallel_loop3A_1092] in [0] : vector<16xf32>, vector<16xi32> -> vector<16xf32>
        %parallel_loop3A_1094 = arith.addf %parallel_loop3A_1019, %parallel_loop3A_1093 : vector<16xf32>
        %parallel_loop3A_1095 = arith.constant 4 : i32
        %parallel_loop3A_1096 = vector.broadcast %parallel_loop3A_1095 : i32 to vector<16xi32>
        %parallel_loop3A_1097 = arith.xori %parallel_loop3A_1080, %parallel_loop3A_1096 : vector<16xi32>
        %parallel_loop3A_1098 = arith.constant 0 : i32
        %parallel_loop3A_1099 = vector.broadcast %parallel_loop3A_1098 : i32 to vector<16xi32>
        %parallel_loop3A_1100 = arith.cmpi slt, %parallel_loop3A_1097, %parallel_loop3A_1099 : vector<16xi32>
        %parallel_loop3A_1101 = arith.constant 16 : i32
        %parallel_loop3A_1102 = vector.broadcast %parallel_loop3A_1101 : i32 to vector<16xi32>
        %parallel_loop3A_1103 = arith.addi %parallel_loop3A_1097, %parallel_loop3A_1102 : vector<16xi32>
        %parallel_loop3A_1104 = arith.select %parallel_loop3A_1100, %parallel_loop3A_1103, %parallel_loop3A_1097 : vector<16xi1>, vector<16xi32>
        %parallel_loop3A_1105 = vector.shape_cast %parallel_loop3A_1104 : vector<16xi32> to vector<16x1xi32>
        %parallel_loop3A_1106 = vector.shape_cast %parallel_loop3A_1105 : vector<16x1xi32> to vector<16xi32>
        %parallel_loop3A_1107 = tpu.dynamic_gather %parallel_loop3A_1094[%parallel_loop3A_1106] in [0] : vector<16xf32>, vector<16xi32> -> vector<16xf32>
        %parallel_loop3A_1108 = arith.addf %parallel_loop3A_1094, %parallel_loop3A_1107 : vector<16xf32>
        %parallel_loop3A_1109 = arith.constant 2 : i32
        %parallel_loop3A_1110 = vector.broadcast %parallel_loop3A_1109 : i32 to vector<16xi32>
        %parallel_loop3A_1111 = arith.xori %parallel_loop3A_1080, %parallel_loop3A_1110 : vector<16xi32>
        %parallel_loop3A_1112 = arith.constant 0 : i32
        %parallel_loop3A_1113 = vector.broadcast %parallel_loop3A_1112 : i32 to vector<16xi32>
        %parallel_loop3A_1114 = arith.cmpi slt, %parallel_loop3A_1111, %parallel_loop3A_1113 : vector<16xi32>
        %parallel_loop3A_1115 = arith.constant 16 : i32
        %parallel_loop3A_1116 = vector.broadcast %parallel_loop3A_1115 : i32 to vector<16xi32>
        %parallel_loop3A_1117 = arith.addi %parallel_loop3A_1111, %parallel_loop3A_1116 : vector<16xi32>
        %parallel_loop3A_1118 = arith.select %parallel_loop3A_1114, %parallel_loop3A_1117, %parallel_loop3A_1111 : vector<16xi1>, vector<16xi32>
        %parallel_loop3A_1119 = vector.shape_cast %parallel_loop3A_1118 : vector<16xi32> to vector<16x1xi32>
        %parallel_loop3A_1120 = vector.shape_cast %parallel_loop3A_1119 : vector<16x1xi32> to vector<16xi32>
        %parallel_loop3A_1121 = tpu.dynamic_gather %parallel_loop3A_1108[%parallel_loop3A_1120] in [0] : vector<16xf32>, vector<16xi32> -> vector<16xf32>
        %parallel_loop3A_1122 = arith.addf %parallel_loop3A_1108, %parallel_loop3A_1121 : vector<16xf32>
        %parallel_loop3A_1123 = arith.constant 1 : i32
        %parallel_loop3A_1124 = vector.broadcast %parallel_loop3A_1123 : i32 to vector<16xi32>
        %parallel_loop3A_1125 = arith.xori %parallel_loop3A_1080, %parallel_loop3A_1124 : vector<16xi32>
        %parallel_loop3A_1126 = arith.constant 0 : i32
        %parallel_loop3A_1127 = vector.broadcast %parallel_loop3A_1126 : i32 to vector<16xi32>
        %parallel_loop3A_1128 = arith.cmpi slt, %parallel_loop3A_1125, %parallel_loop3A_1127 : vector<16xi32>
        %parallel_loop3A_1129 = arith.constant 16 : i32
        %parallel_loop3A_1130 = vector.broadcast %parallel_loop3A_1129 : i32 to vector<16xi32>
        %parallel_loop3A_1131 = arith.addi %parallel_loop3A_1125, %parallel_loop3A_1130 : vector<16xi32>
        %parallel_loop3A_1132 = arith.select %parallel_loop3A_1128, %parallel_loop3A_1131, %parallel_loop3A_1125 : vector<16xi1>, vector<16xi32>
        %parallel_loop3A_1133 = vector.shape_cast %parallel_loop3A_1132 : vector<16xi32> to vector<16x1xi32>
        %parallel_loop3A_1134 = vector.shape_cast %parallel_loop3A_1133 : vector<16x1xi32> to vector<16xi32>
        %parallel_loop3A_1135 = tpu.dynamic_gather %parallel_loop3A_1122[%parallel_loop3A_1134] in [0] : vector<16xf32>, vector<16xi32> -> vector<16xf32>
        %parallel_loop3A_1136 = arith.addf %parallel_loop3A_1122, %parallel_loop3A_1135 : vector<16xf32>
        %parallel_loop3A_1137 = arith.constant 0.00130208337 : f32
        %parallel_loop3A_1138 = vector.broadcast %parallel_loop3A_1137 : f32 to vector<16xf32>
        %parallel_loop3A_1139 = arith.mulf %parallel_loop3A_1136, %parallel_loop3A_1138 : vector<16xf32>
        %parallel_loop3A_1140 = arith.mulf %parallel_loop3A_1079, %parallel_loop3A_1079 : vector<16xf32>
        %parallel_loop3A_1141 = arith.subf %parallel_loop3A_1139, %parallel_loop3A_1140 : vector<16xf32>
        %parallel_loop3A_1142 = arith.constant 9.99999974E-6 : f32
        %parallel_loop3A_1143 = vector.broadcast %parallel_loop3A_1142 : f32 to vector<16xf32>
        %parallel_loop3A_1144 = arith.addf %parallel_loop3A_1141, %parallel_loop3A_1143 : vector<16xf32>
        %parallel_loop3A_1145 = tpu.bitcast %parallel_loop3A_1144 : vector<16xf32> -> vector<16xi32>
        %parallel_loop3A_1146 = arith.constant 1 : i32
        %parallel_loop3A_1147 = vector.broadcast %parallel_loop3A_1146 : i32 to vector<16xi32>
        %parallel_loop3A_1148 = arith.shrui %parallel_loop3A_1145, %parallel_loop3A_1147 : vector<16xi32>
        %parallel_loop3A_1149 = arith.constant 1597463007 : i32
        %parallel_loop3A_1150 = vector.broadcast %parallel_loop3A_1149 : i32 to vector<16xi32>
        %parallel_loop3A_1151 = arith.subi %parallel_loop3A_1150, %parallel_loop3A_1148 : vector<16xi32>
        %parallel_loop3A_1152 = tpu.bitcast %parallel_loop3A_1151 : vector<16xi32> -> vector<16xf32>
        %parallel_loop3A_1153 = arith.constant 5.000000e-01 : f32
        %parallel_loop3A_1154 = vector.broadcast %parallel_loop3A_1153 : f32 to vector<16xf32>
        %parallel_loop3A_1155 = arith.mulf %parallel_loop3A_1154, %parallel_loop3A_1144 : vector<16xf32>
        %parallel_loop3A_1156 = arith.mulf %parallel_loop3A_1155, %parallel_loop3A_1152 : vector<16xf32>
        %parallel_loop3A_1157 = arith.mulf %parallel_loop3A_1156, %parallel_loop3A_1152 : vector<16xf32>
        %parallel_loop3A_1158 = arith.constant 1.500000e+00 : f32
        %parallel_loop3A_1159 = vector.broadcast %parallel_loop3A_1158 : f32 to vector<16xf32>
        %parallel_loop3A_1160 = arith.subf %parallel_loop3A_1159, %parallel_loop3A_1157 : vector<16xf32>
        %parallel_loop3A_1161 = arith.mulf %parallel_loop3A_1152, %parallel_loop3A_1160 : vector<16xf32>
        %parallel_loop3A_1162 = arith.constant 5.000000e-01 : f32
        %parallel_loop3A_1163 = vector.broadcast %parallel_loop3A_1162 : f32 to vector<16xf32>
        %parallel_loop3A_1164 = arith.mulf %parallel_loop3A_1163, %parallel_loop3A_1144 : vector<16xf32>
        %parallel_loop3A_1165 = arith.mulf %parallel_loop3A_1164, %parallel_loop3A_1161 : vector<16xf32>
        %parallel_loop3A_1166 = arith.mulf %parallel_loop3A_1165, %parallel_loop3A_1161 : vector<16xf32>
        %parallel_loop3A_1167 = arith.constant 1.500000e+00 : f32
        %parallel_loop3A_1168 = vector.broadcast %parallel_loop3A_1167 : f32 to vector<16xf32>
        %parallel_loop3A_1169 = arith.subf %parallel_loop3A_1168, %parallel_loop3A_1166 : vector<16xf32>
        %parallel_loop3A_1170 = arith.mulf %parallel_loop3A_1161, %parallel_loop3A_1169 : vector<16xf32>
        %parallel_loop3A_1171 = arith.index_cast %parallel_loop3A_469 : i32 to index
        %parallel_loop3A_1172 = arith.constant 0 : index
        %parallel_loop3A_1173 = tpu.vector_load %arg10[%parallel_loop3A_1171, %parallel_loop3A_1172] {strides = array<i32>} : memref<32x16xf32, #tpu.memory_space<vmem>>, vector<1x16xf32>,
        %parallel_loop3A_1174 = vector.shape_cast %parallel_loop3A_1173 : vector<1x16xf32> to vector<16xf32>
        %parallel_loop3A_1175 = vector.shape_cast %parallel_loop3A_1170 : vector<16xf32> to vector<1x16xf32>
        tpu.vector_store %arg10[%parallel_loop3A_1171, %parallel_loop3A_1172], %parallel_loop3A_1175 {strides = array<i32>} : memref<32x16xf32, #tpu.memory_space<vmem>>, vector<1x16xf32>,
        %parallel_loop3A_1176 = arith.mulf %parallel_loop3A_1079, %parallel_loop3A_1170 : vector<16xf32>
        %parallel_loop3A_1177 = arith.index_cast %parallel_loop3A_469 : i32 to index
        %parallel_loop3A_1178 = arith.constant 0 : index
        %parallel_loop3A_1179 = tpu.vector_load %arg11[%parallel_loop3A_1177, %parallel_loop3A_1178] {strides = array<i32>} : memref<32x16xf32, #tpu.memory_space<vmem>>, vector<1x16xf32>,
        %parallel_loop3A_1180 = vector.shape_cast %parallel_loop3A_1179 : vector<1x16xf32> to vector<16xf32>
        %parallel_loop3A_1181 = vector.shape_cast %parallel_loop3A_1176 : vector<16xf32> to vector<1x16xf32>
        tpu.vector_store %arg11[%parallel_loop3A_1177, %parallel_loop3A_1178], %parallel_loop3A_1181 {strides = array<i32>} : memref<32x16xf32, #tpu.memory_space<vmem>>, vector<1x16xf32>,
      } {sc.loop_unroll_factor = 2 : i64, sc.parallel_access}
      %get3A = arith.constant 0 : index
      %get3A_155 = tpu.vector_load %arg12[%get3A] {strides = array<i32>} : memref<768xf32, #tpu.memory_space<vmem>>, vector<16xf32>,
      %get3A_156 = vector.shape_cast %get3A_155 : vector<16xf32> to vector<16xf32>
      %get3A_157 = arith.constant 16 : index
      %get3A_158 = tpu.vector_load %arg12[%get3A_157] {strides = array<i32>} : memref<768xf32, #tpu.memory_space<vmem>>, vector<16xf32>,
      %get3A_159 = vector.shape_cast %get3A_158 : vector<16xf32> to vector<16xf32>
      %get3A_160 = arith.constant 32 : index
      %get3A_161 = tpu.vector_load %arg12[%get3A_160] {strides = array<i32>} : memref<768xf32, #tpu.memory_space<vmem>>, vector<16xf32>,
      %get3A_162 = vector.shape_cast %get3A_161 : vector<16xf32> to vector<16xf32>
      %get3A_163 = arith.constant 48 : index
      %get3A_164 = tpu.vector_load %arg12[%get3A_163] {strides = array<i32>} : memref<768xf32, #tpu.memory_space<vmem>>, vector<16xf32>,
      %get3A_165 = vector.shape_cast %get3A_164 : vector<16xf32> to vector<16xf32>
      %get3A_166 = arith.constant 64 : index
      %get3A_167 = tpu.vector_load %arg12[%get3A_166] {strides = array<i32>} : memref<768xf32, #tpu.memory_space<vmem>>, vector<16xf32>,
      %get3A_168 = vector.shape_cast %get3A_167 : vector<16xf32> to vector<16xf32>
      %get3A_169 = arith.constant 80 : index
      %get3A_170 = tpu.vector_load %arg12[%get3A_169] {strides = array<i32>} : memref<768xf32, #tpu.memory_space<vmem>>, vector<16xf32>,
      %get3A_171 = vector.shape_cast %get3A_170 : vector<16xf32> to vector<16xf32>
      %get3A_172 = arith.constant 96 : index
      %get3A_173 = tpu.vector_load %arg12[%get3A_172] {strides = array<i32>} : memref<768xf32, #tpu.memory_space<vmem>>, vector<16xf32>,
      %get3A_174 = vector.shape_cast %get3A_173 : vector<16xf32> to vector<16xf32>
      %get3A_175 = arith.constant 112 : index
      %get3A_176 = tpu.vector_load %arg12[%get3A_175] {strides = array<i32>} : memref<768xf32, #tpu.memory_space<vmem>>, vector<16xf32>,
      %get3A_177 = vector.shape_cast %get3A_176 : vector<16xf32> to vector<16xf32>
      %get3A_178 = arith.constant 128 : index
      %get3A_179 = tpu.vector_load %arg12[%get3A_178] {strides = array<i32>} : memref<768xf32, #tpu.memory_space<vmem>>, vector<16xf32>,
      %get3A_180 = vector.shape_cast %get3A_179 : vector<16xf32> to vector<16xf32>
      %get3A_181 = arith.constant 144 : index
      %get3A_182 = tpu.vector_load %arg12[%get3A_181] {strides = array<i32>} : memref<768xf32, #tpu.memory_space<vmem>>, vector<16xf32>,
      %get3A_183 = vector.shape_cast %get3A_182 : vector<16xf32> to vector<16xf32>
      %get3A_184 = arith.constant 160 : index
      %get3A_185 = tpu.vector_load %arg12[%get3A_184] {strides = array<i32>} : memref<768xf32, #tpu.memory_space<vmem>>, vector<16xf32>,
      %get3A_186 = vector.shape_cast %get3A_185 : vector<16xf32> to vector<16xf32>
      %get3A_187 = arith.constant 176 : index
      %get3A_188 = tpu.vector_load %arg12[%get3A_187] {strides = array<i32>} : memref<768xf32, #tpu.memory_space<vmem>>, vector<16xf32>,
      %get3A_189 = vector.shape_cast %get3A_188 : vector<16xf32> to vector<16xf32>
      %get3A_190 = arith.constant 192 : index
      %get3A_191 = tpu.vector_load %arg12[%get3A_190] {strides = array<i32>} : memref<768xf32, #tpu.memory_space<vmem>>, vector<16xf32>,
      %get3A_192 = vector.shape_cast %get3A_191 : vector<16xf32> to vector<16xf32>
      %get3A_193 = arith.constant 208 : index
      %get3A_194 = tpu.vector_load %arg12[%get3A_193] {strides = array<i32>} : memref<768xf32, #tpu.memory_space<vmem>>, vector<16xf32>,
      %get3A_195 = vector.shape_cast %get3A_194 : vector<16xf32> to vector<16xf32>
      %get3A_196 = arith.constant 224 : index
      %get3A_197 = tpu.vector_load %arg12[%get3A_196] {strides = array<i32>} : memref<768xf32, #tpu.memory_space<vmem>>, vector<16xf32>,
      %get3A_198 = vector.shape_cast %get3A_197 : vector<16xf32> to vector<16xf32>
      %get3A_199 = arith.constant 240 : index
      %get3A_200 = tpu.vector_load %arg12[%get3A_199] {strides = array<i32>} : memref<768xf32, #tpu.memory_space<vmem>>, vector<16xf32>,
      %get3A_201 = vector.shape_cast %get3A_200 : vector<16xf32> to vector<16xf32>
      %get3A_202 = arith.constant 0 : index
      %get3A_203 = tpu.vector_load %arg13[%get3A_202] {strides = array<i32>} : memref<768xf32, #tpu.memory_space<vmem>>, vector<16xf32>,
      %get3A_204 = vector.shape_cast %get3A_203 : vector<16xf32> to vector<16xf32>
      %get3A_205 = arith.constant 16 : index
      %get3A_206 = tpu.vector_load %arg13[%get3A_205] {strides = array<i32>} : memref<768xf32, #tpu.memory_space<vmem>>, vector<16xf32>,
      %get3A_207 = vector.shape_cast %get3A_206 : vector<16xf32> to vector<16xf32>
      %get3A_208 = arith.constant 32 : index
      %get3A_209 = tpu.vector_load %arg13[%get3A_208] {strides = array<i32>} : memref<768xf32, #tpu.memory_space<vmem>>, vector<16xf32>,
      %get3A_210 = vector.shape_cast %get3A_209 : vector<16xf32> to vector<16xf32>
      %get3A_211 = arith.constant 48 : index
      %get3A_212 = tpu.vector_load %arg13[%get3A_211] {strides = array<i32>} : memref<768xf32, #tpu.memory_space<vmem>>, vector<16xf32>,
      %get3A_213 = vector.shape_cast %get3A_212 : vector<16xf32> to vector<16xf32>
      %get3A_214 = arith.constant 64 : index
      %get3A_215 = tpu.vector_load %arg13[%get3A_214] {strides = array<i32>} : memref<768xf32, #tpu.memory_space<vmem>>, vector<16xf32>,
      %get3A_216 = vector.shape_cast %get3A_215 : vector<16xf32> to vector<16xf32>
      %get3A_217 = arith.constant 80 : index
      %get3A_218 = tpu.vector_load %arg13[%get3A_217] {strides = array<i32>} : memref<768xf32, #tpu.memory_space<vmem>>, vector<16xf32>,
      %get3A_219 = vector.shape_cast %get3A_218 : vector<16xf32> to vector<16xf32>
      %get3A_220 = arith.constant 96 : index
      %get3A_221 = tpu.vector_load %arg13[%get3A_220] {strides = array<i32>} : memref<768xf32, #tpu.memory_space<vmem>>, vector<16xf32>,
      %get3A_222 = vector.shape_cast %get3A_221 : vector<16xf32> to vector<16xf32>
      %get3A_223 = arith.constant 112 : index
      %get3A_224 = tpu.vector_load %arg13[%get3A_223] {strides = array<i32>} : memref<768xf32, #tpu.memory_space<vmem>>, vector<16xf32>,
      %get3A_225 = vector.shape_cast %get3A_224 : vector<16xf32> to vector<16xf32>
      %get3A_226 = arith.constant 128 : index
      %get3A_227 = tpu.vector_load %arg13[%get3A_226] {strides = array<i32>} : memref<768xf32, #tpu.memory_space<vmem>>, vector<16xf32>,
      %get3A_228 = vector.shape_cast %get3A_227 : vector<16xf32> to vector<16xf32>
      %get3A_229 = arith.constant 144 : index
      %get3A_230 = tpu.vector_load %arg13[%get3A_229] {strides = array<i32>} : memref<768xf32, #tpu.memory_space<vmem>>, vector<16xf32>,
      %get3A_231 = vector.shape_cast %get3A_230 : vector<16xf32> to vector<16xf32>
      %get3A_232 = arith.constant 160 : index
      %get3A_233 = tpu.vector_load %arg13[%get3A_232] {strides = array<i32>} : memref<768xf32, #tpu.memory_space<vmem>>, vector<16xf32>,
      %get3A_234 = vector.shape_cast %get3A_233 : vector<16xf32> to vector<16xf32>
      %get3A_235 = arith.constant 176 : index
      %get3A_236 = tpu.vector_load %arg13[%get3A_235] {strides = array<i32>} : memref<768xf32, #tpu.memory_space<vmem>>, vector<16xf32>,
      %get3A_237 = vector.shape_cast %get3A_236 : vector<16xf32> to vector<16xf32>
      %get3A_238 = arith.constant 192 : index
      %get3A_239 = tpu.vector_load %arg13[%get3A_238] {strides = array<i32>} : memref<768xf32, #tpu.memory_space<vmem>>, vector<16xf32>,
      %get3A_240 = vector.shape_cast %get3A_239 : vector<16xf32> to vector<16xf32>
      %get3A_241 = arith.constant 208 : index
      %get3A_242 = tpu.vector_load %arg13[%get3A_241] {strides = array<i32>} : memref<768xf32, #tpu.memory_space<vmem>>, vector<16xf32>,
      %get3A_243 = vector.shape_cast %get3A_242 : vector<16xf32> to vector<16xf32>
      %get3A_244 = arith.constant 224 : index
      %get3A_245 = tpu.vector_load %arg13[%get3A_244] {strides = array<i32>} : memref<768xf32, #tpu.memory_space<vmem>>, vector<16xf32>,
      %get3A_246 = vector.shape_cast %get3A_245 : vector<16xf32> to vector<16xf32>
      %get3A_247 = arith.constant 240 : index
      %get3A_248 = tpu.vector_load %arg13[%get3A_247] {strides = array<i32>} : memref<768xf32, #tpu.memory_space<vmem>>, vector<16xf32>,
      %get3A_249 = vector.shape_cast %get3A_248 : vector<16xf32> to vector<16xf32>
      %parallel_loop3A_250 = arith.constant 0 : i32
      %parallel_loop3A_251 = arith.constant 32 : i32
      %parallel_loop3A_252 = arith.constant 1 : i32
      scf.for %parallel_loop3A_469 = %parallel_loop3A_250 to %parallel_loop3A_251 step %parallel_loop3A_252  : i32 {
        %parallel_loop3A_470 = arith.index_cast %parallel_loop3A_469 : i32 to index
        %parallel_loop3A_471 = arith.constant 0 : index
        %parallel_loop3A_472 = tpu.vector_load %arg10[%parallel_loop3A_470, %parallel_loop3A_471] {strides = array<i32>} : memref<32x16xf32, #tpu.memory_space<vmem>>, vector<1x16xf32>,
        %parallel_loop3A_473 = vector.shape_cast %parallel_loop3A_472 : vector<1x16xf32> to vector<16xf32>
        %parallel_loop3A_474 = arith.index_cast %parallel_loop3A_469 : i32 to index
        %parallel_loop3A_475 = arith.constant 0 : index
        %parallel_loop3A_476 = tpu.vector_load %arg11[%parallel_loop3A_474, %parallel_loop3A_475] {strides = array<i32>} : memref<32x16xf32, #tpu.memory_space<vmem>>, vector<1x16xf32>,
        %parallel_loop3A_477 = vector.shape_cast %parallel_loop3A_476 : vector<1x16xf32> to vector<16xf32>
        %parallel_loop3A_478 = arith.constant 0 : i32
        %parallel_loop3A_479 = arith.constant 0 : i32
        %parallel_loop3A_480 = tpu.memref_slice %arg9[%and3A_113, %parallel_loop3A_478, %parallel_loop3A_479] : memref<4x32x768xf32, #tpu.memory_space<vmem>> -> memref<1x32x768xf32, #tpu.memory_space<vmem>>
        %parallel_loop3A_481 = tpu.memref_squeeze %parallel_loop3A_480 : memref<1x32x768xf32, #tpu.memory_space<vmem>> -> memref<32x768xf32, #tpu.memory_space<vmem>>
        %parallel_loop3A_482 = arith.index_cast %parallel_loop3A_469 : i32 to index
        %parallel_loop3A_483 = arith.constant 0 : index
        %parallel_loop3A_484 = tpu.vector_load %parallel_loop3A_481[%parallel_loop3A_482, %parallel_loop3A_483] {strides = array<i32>} : memref<32x768xf32, #tpu.memory_space<vmem>>, vector<1x16xf32>,
        %parallel_loop3A_485 = vector.shape_cast %parallel_loop3A_484 : vector<1x16xf32> to vector<16xf32>
        %parallel_loop3A_486 = arith.mulf %parallel_loop3A_485, %parallel_loop3A_473 : vector<16xf32>
        %parallel_loop3A_487 = arith.subf %parallel_loop3A_486, %parallel_loop3A_477 : vector<16xf32>
        %parallel_loop3A_488 = arith.mulf %parallel_loop3A_487, %get3A_156 : vector<16xf32>
        %parallel_loop3A_489 = arith.addf %parallel_loop3A_488, %get3A_204 : vector<16xf32>
        %parallel_loop3A_490 = arith.constant 0 : i32
        %parallel_loop3A_491 = arith.constant 0 : i32
        %parallel_loop3A_492 = tpu.memref_slice %arg9[%and3A_113, %parallel_loop3A_490, %parallel_loop3A_491] : memref<4x32x768xf32, #tpu.memory_space<vmem>> -> memref<1x32x768xf32, #tpu.memory_space<vmem>>
        %parallel_loop3A_493 = tpu.memref_squeeze %parallel_loop3A_492 : memref<1x32x768xf32, #tpu.memory_space<vmem>> -> memref<32x768xf32, #tpu.memory_space<vmem>>
        %parallel_loop3A_494 = arith.index_cast %parallel_loop3A_469 : i32 to index
        %parallel_loop3A_495 = arith.constant 0 : index
        %parallel_loop3A_496 = tpu.vector_load %parallel_loop3A_493[%parallel_loop3A_494, %parallel_loop3A_495] {strides = array<i32>} : memref<32x768xf32, #tpu.memory_space<vmem>>, vector<1x16xf32>,
        %parallel_loop3A_497 = vector.shape_cast %parallel_loop3A_496 : vector<1x16xf32> to vector<16xf32>
        %parallel_loop3A_498 = vector.shape_cast %parallel_loop3A_489 : vector<16xf32> to vector<1x16xf32>
        tpu.vector_store %parallel_loop3A_493[%parallel_loop3A_494, %parallel_loop3A_495], %parallel_loop3A_498 {strides = array<i32>} : memref<32x768xf32, #tpu.memory_space<vmem>>, vector<1x16xf32>,
        %parallel_loop3A_499 = arith.constant 0 : i32
        %parallel_loop3A_500 = arith.constant 0 : i32
        %parallel_loop3A_501 = tpu.memref_slice %arg9[%and3A_113, %parallel_loop3A_499, %parallel_loop3A_500] : memref<4x32x768xf32, #tpu.memory_space<vmem>> -> memref<1x32x768xf32, #tpu.memory_space<vmem>>
        %parallel_loop3A_502 = tpu.memref_squeeze %parallel_loop3A_501 : memref<1x32x768xf32, #tpu.memory_space<vmem>> -> memref<32x768xf32, #tpu.memory_space<vmem>>
        %parallel_loop3A_503 = arith.index_cast %parallel_loop3A_469 : i32 to index
        %parallel_loop3A_504 = arith.constant 16 : index
        %parallel_loop3A_505 = tpu.vector_load %parallel_loop3A_502[%parallel_loop3A_503, %parallel_loop3A_504] {strides = array<i32>} : memref<32x768xf32, #tpu.memory_space<vmem>>, vector<1x16xf32>,
        %parallel_loop3A_506 = vector.shape_cast %parallel_loop3A_505 : vector<1x16xf32> to vector<16xf32>
        %parallel_loop3A_507 = arith.mulf %parallel_loop3A_506, %parallel_loop3A_473 : vector<16xf32>
        %parallel_loop3A_508 = arith.subf %parallel_loop3A_507, %parallel_loop3A_477 : vector<16xf32>
        %parallel_loop3A_509 = arith.mulf %parallel_loop3A_508, %get3A_159 : vector<16xf32>
        %parallel_loop3A_510 = arith.addf %parallel_loop3A_509, %get3A_207 : vector<16xf32>
        %parallel_loop3A_511 = arith.constant 0 : i32
        %parallel_loop3A_512 = arith.constant 0 : i32
        %parallel_loop3A_513 = tpu.memref_slice %arg9[%and3A_113, %parallel_loop3A_511, %parallel_loop3A_512] : memref<4x32x768xf32, #tpu.memory_space<vmem>> -> memref<1x32x768xf32, #tpu.memory_space<vmem>>
        %parallel_loop3A_514 = tpu.memref_squeeze %parallel_loop3A_513 : memref<1x32x768xf32, #tpu.memory_space<vmem>> -> memref<32x768xf32, #tpu.memory_space<vmem>>
        %parallel_loop3A_515 = arith.index_cast %parallel_loop3A_469 : i32 to index
        %parallel_loop3A_516 = arith.constant 16 : index
        %parallel_loop3A_517 = tpu.vector_load %parallel_loop3A_514[%parallel_loop3A_515, %parallel_loop3A_516] {strides = array<i32>} : memref<32x768xf32, #tpu.memory_space<vmem>>, vector<1x16xf32>,
        %parallel_loop3A_518 = vector.shape_cast %parallel_loop3A_517 : vector<1x16xf32> to vector<16xf32>
        %parallel_loop3A_519 = vector.shape_cast %parallel_loop3A_510 : vector<16xf32> to vector<1x16xf32>
        tpu.vector_store %parallel_loop3A_514[%parallel_loop3A_515, %parallel_loop3A_516], %parallel_loop3A_519 {strides = array<i32>} : memref<32x768xf32, #tpu.memory_space<vmem>>, vector<1x16xf32>,
        %parallel_loop3A_520 = arith.constant 0 : i32
        %parallel_loop3A_521 = arith.constant 0 : i32
        %parallel_loop3A_522 = tpu.memref_slice %arg9[%and3A_113, %parallel_loop3A_520, %parallel_loop3A_521] : memref<4x32x768xf32, #tpu.memory_space<vmem>> -> memref<1x32x768xf32, #tpu.memory_space<vmem>>
        %parallel_loop3A_523 = tpu.memref_squeeze %parallel_loop3A_522 : memref<1x32x768xf32, #tpu.memory_space<vmem>> -> memref<32x768xf32, #tpu.memory_space<vmem>>
        %parallel_loop3A_524 = arith.index_cast %parallel_loop3A_469 : i32 to index
        %parallel_loop3A_525 = arith.constant 32 : index
        %parallel_loop3A_526 = tpu.vector_load %parallel_loop3A_523[%parallel_loop3A_524, %parallel_loop3A_525] {strides = array<i32>} : memref<32x768xf32, #tpu.memory_space<vmem>>, vector<1x16xf32>,
        %parallel_loop3A_527 = vector.shape_cast %parallel_loop3A_526 : vector<1x16xf32> to vector<16xf32>
        %parallel_loop3A_528 = arith.mulf %parallel_loop3A_527, %parallel_loop3A_473 : vector<16xf32>
        %parallel_loop3A_529 = arith.subf %parallel_loop3A_528, %parallel_loop3A_477 : vector<16xf32>
        %parallel_loop3A_530 = arith.mulf %parallel_loop3A_529, %get3A_162 : vector<16xf32>
        %parallel_loop3A_531 = arith.addf %parallel_loop3A_530, %get3A_210 : vector<16xf32>
        %parallel_loop3A_532 = arith.constant 0 : i32
        %parallel_loop3A_533 = arith.constant 0 : i32
        %parallel_loop3A_534 = tpu.memref_slice %arg9[%and3A_113, %parallel_loop3A_532, %parallel_loop3A_533] : memref<4x32x768xf32, #tpu.memory_space<vmem>> -> memref<1x32x768xf32, #tpu.memory_space<vmem>>
        %parallel_loop3A_535 = tpu.memref_squeeze %parallel_loop3A_534 : memref<1x32x768xf32, #tpu.memory_space<vmem>> -> memref<32x768xf32, #tpu.memory_space<vmem>>
        %parallel_loop3A_536 = arith.index_cast %parallel_loop3A_469 : i32 to index
        %parallel_loop3A_537 = arith.constant 32 : index
        %parallel_loop3A_538 = tpu.vector_load %parallel_loop3A_535[%parallel_loop3A_536, %parallel_loop3A_537] {strides = array<i32>} : memref<32x768xf32, #tpu.memory_space<vmem>>, vector<1x16xf32>,
        %parallel_loop3A_539 = vector.shape_cast %parallel_loop3A_538 : vector<1x16xf32> to vector<16xf32>
        %parallel_loop3A_540 = vector.shape_cast %parallel_loop3A_531 : vector<16xf32> to vector<1x16xf32>
        tpu.vector_store %parallel_loop3A_535[%parallel_loop3A_536, %parallel_loop3A_537], %parallel_loop3A_540 {strides = array<i32>} : memref<32x768xf32, #tpu.memory_space<vmem>>, vector<1x16xf32>,
        %parallel_loop3A_541 = arith.constant 0 : i32
        %parallel_loop3A_542 = arith.constant 0 : i32
        %parallel_loop3A_543 = tpu.memref_slice %arg9[%and3A_113, %parallel_loop3A_541, %parallel_loop3A_542] : memref<4x32x768xf32, #tpu.memory_space<vmem>> -> memref<1x32x768xf32, #tpu.memory_space<vmem>>
        %parallel_loop3A_544 = tpu.memref_squeeze %parallel_loop3A_543 : memref<1x32x768xf32, #tpu.memory_space<vmem>> -> memref<32x768xf32, #tpu.memory_space<vmem>>
        %parallel_loop3A_545 = arith.index_cast %parallel_loop3A_469 : i32 to index
        %parallel_loop3A_546 = arith.constant 48 : index
        %parallel_loop3A_547 = tpu.vector_load %parallel_loop3A_544[%parallel_loop3A_545, %parallel_loop3A_546] {strides = array<i32>} : memref<32x768xf32, #tpu.memory_space<vmem>>, vector<1x16xf32>,
        %parallel_loop3A_548 = vector.shape_cast %parallel_loop3A_547 : vector<1x16xf32> to vector<16xf32>
        %parallel_loop3A_549 = arith.mulf %parallel_loop3A_548, %parallel_loop3A_473 : vector<16xf32>
        %parallel_loop3A_550 = arith.subf %parallel_loop3A_549, %parallel_loop3A_477 : vector<16xf32>
        %parallel_loop3A_551 = arith.mulf %parallel_loop3A_550, %get3A_165 : vector<16xf32>
        %parallel_loop3A_552 = arith.addf %parallel_loop3A_551, %get3A_213 : vector<16xf32>
        %parallel_loop3A_553 = arith.constant 0 : i32
        %parallel_loop3A_554 = arith.constant 0 : i32
        %parallel_loop3A_555 = tpu.memref_slice %arg9[%and3A_113, %parallel_loop3A_553, %parallel_loop3A_554] : memref<4x32x768xf32, #tpu.memory_space<vmem>> -> memref<1x32x768xf32, #tpu.memory_space<vmem>>
        %parallel_loop3A_556 = tpu.memref_squeeze %parallel_loop3A_555 : memref<1x32x768xf32, #tpu.memory_space<vmem>> -> memref<32x768xf32, #tpu.memory_space<vmem>>
        %parallel_loop3A_557 = arith.index_cast %parallel_loop3A_469 : i32 to index
        %parallel_loop3A_558 = arith.constant 48 : index
        %parallel_loop3A_559 = tpu.vector_load %parallel_loop3A_556[%parallel_loop3A_557, %parallel_loop3A_558] {strides = array<i32>} : memref<32x768xf32, #tpu.memory_space<vmem>>, vector<1x16xf32>,
        %parallel_loop3A_560 = vector.shape_cast %parallel_loop3A_559 : vector<1x16xf32> to vector<16xf32>
        %parallel_loop3A_561 = vector.shape_cast %parallel_loop3A_552 : vector<16xf32> to vector<1x16xf32>
        tpu.vector_store %parallel_loop3A_556[%parallel_loop3A_557, %parallel_loop3A_558], %parallel_loop3A_561 {strides = array<i32>} : memref<32x768xf32, #tpu.memory_space<vmem>>, vector<1x16xf32>,
        %parallel_loop3A_562 = arith.constant 0 : i32
        %parallel_loop3A_563 = arith.constant 0 : i32
        %parallel_loop3A_564 = tpu.memref_slice %arg9[%and3A_113, %parallel_loop3A_562, %parallel_loop3A_563] : memref<4x32x768xf32, #tpu.memory_space<vmem>> -> memref<1x32x768xf32, #tpu.memory_space<vmem>>
        %parallel_loop3A_565 = tpu.memref_squeeze %parallel_loop3A_564 : memref<1x32x768xf32, #tpu.memory_space<vmem>> -> memref<32x768xf32, #tpu.memory_space<vmem>>
        %parallel_loop3A_566 = arith.index_cast %parallel_loop3A_469 : i32 to index
        %parallel_loop3A_567 = arith.constant 64 : index
        %parallel_loop3A_568 = tpu.vector_load %parallel_loop3A_565[%parallel_loop3A_566, %parallel_loop3A_567] {strides = array<i32>} : memref<32x768xf32, #tpu.memory_space<vmem>>, vector<1x16xf32>,
        %parallel_loop3A_569 = vector.shape_cast %parallel_loop3A_568 : vector<1x16xf32> to vector<16xf32>
        %parallel_loop3A_570 = arith.mulf %parallel_loop3A_569, %parallel_loop3A_473 : vector<16xf32>
        %parallel_loop3A_571 = arith.subf %parallel_loop3A_570, %parallel_loop3A_477 : vector<16xf32>
        %parallel_loop3A_572 = arith.mulf %parallel_loop3A_571, %get3A_168 : vector<16xf32>
        %parallel_loop3A_573 = arith.addf %parallel_loop3A_572, %get3A_216 : vector<16xf32>
        %parallel_loop3A_574 = arith.constant 0 : i32
        %parallel_loop3A_575 = arith.constant 0 : i32
        %parallel_loop3A_576 = tpu.memref_slice %arg9[%and3A_113, %parallel_loop3A_574, %parallel_loop3A_575] : memref<4x32x768xf32, #tpu.memory_space<vmem>> -> memref<1x32x768xf32, #tpu.memory_space<vmem>>
        %parallel_loop3A_577 = tpu.memref_squeeze %parallel_loop3A_576 : memref<1x32x768xf32, #tpu.memory_space<vmem>> -> memref<32x768xf32, #tpu.memory_space<vmem>>
        %parallel_loop3A_578 = arith.index_cast %parallel_loop3A_469 : i32 to index
        %parallel_loop3A_579 = arith.constant 64 : index
        %parallel_loop3A_580 = tpu.vector_load %parallel_loop3A_577[%parallel_loop3A_578, %parallel_loop3A_579] {strides = array<i32>} : memref<32x768xf32, #tpu.memory_space<vmem>>, vector<1x16xf32>,
        %parallel_loop3A_581 = vector.shape_cast %parallel_loop3A_580 : vector<1x16xf32> to vector<16xf32>
        %parallel_loop3A_582 = vector.shape_cast %parallel_loop3A_573 : vector<16xf32> to vector<1x16xf32>
        tpu.vector_store %parallel_loop3A_577[%parallel_loop3A_578, %parallel_loop3A_579], %parallel_loop3A_582 {strides = array<i32>} : memref<32x768xf32, #tpu.memory_space<vmem>>, vector<1x16xf32>,
        %parallel_loop3A_583 = arith.constant 0 : i32
        %parallel_loop3A_584 = arith.constant 0 : i32
        %parallel_loop3A_585 = tpu.memref_slice %arg9[%and3A_113, %parallel_loop3A_583, %parallel_loop3A_584] : memref<4x32x768xf32, #tpu.memory_space<vmem>> -> memref<1x32x768xf32, #tpu.memory_space<vmem>>
        %parallel_loop3A_586 = tpu.memref_squeeze %parallel_loop3A_585 : memref<1x32x768xf32, #tpu.memory_space<vmem>> -> memref<32x768xf32, #tpu.memory_space<vmem>>
        %parallel_loop3A_587 = arith.index_cast %parallel_loop3A_469 : i32 to index
        %parallel_loop3A_588 = arith.constant 80 : index
        %parallel_loop3A_589 = tpu.vector_load %parallel_loop3A_586[%parallel_loop3A_587, %parallel_loop3A_588] {strides = array<i32>} : memref<32x768xf32, #tpu.memory_space<vmem>>, vector<1x16xf32>,
        %parallel_loop3A_590 = vector.shape_cast %parallel_loop3A_589 : vector<1x16xf32> to vector<16xf32>
        %parallel_loop3A_591 = arith.mulf %parallel_loop3A_590, %parallel_loop3A_473 : vector<16xf32>
        %parallel_loop3A_592 = arith.subf %parallel_loop3A_591, %parallel_loop3A_477 : vector<16xf32>
        %parallel_loop3A_593 = arith.mulf %parallel_loop3A_592, %get3A_171 : vector<16xf32>
        %parallel_loop3A_594 = arith.addf %parallel_loop3A_593, %get3A_219 : vector<16xf32>
        %parallel_loop3A_595 = arith.constant 0 : i32
        %parallel_loop3A_596 = arith.constant 0 : i32
        %parallel_loop3A_597 = tpu.memref_slice %arg9[%and3A_113, %parallel_loop3A_595, %parallel_loop3A_596] : memref<4x32x768xf32, #tpu.memory_space<vmem>> -> memref<1x32x768xf32, #tpu.memory_space<vmem>>
        %parallel_loop3A_598 = tpu.memref_squeeze %parallel_loop3A_597 : memref<1x32x768xf32, #tpu.memory_space<vmem>> -> memref<32x768xf32, #tpu.memory_space<vmem>>
        %parallel_loop3A_599 = arith.index_cast %parallel_loop3A_469 : i32 to index
        %parallel_loop3A_600 = arith.constant 80 : index
        %parallel_loop3A_601 = tpu.vector_load %parallel_loop3A_598[%parallel_loop3A_599, %parallel_loop3A_600] {strides = array<i32>} : memref<32x768xf32, #tpu.memory_space<vmem>>, vector<1x16xf32>,
        %parallel_loop3A_602 = vector.shape_cast %parallel_loop3A_601 : vector<1x16xf32> to vector<16xf32>
        %parallel_loop3A_603 = vector.shape_cast %parallel_loop3A_594 : vector<16xf32> to vector<1x16xf32>
        tpu.vector_store %parallel_loop3A_598[%parallel_loop3A_599, %parallel_loop3A_600], %parallel_loop3A_603 {strides = array<i32>} : memref<32x768xf32, #tpu.memory_space<vmem>>, vector<1x16xf32>,
        %parallel_loop3A_604 = arith.constant 0 : i32
        %parallel_loop3A_605 = arith.constant 0 : i32
        %parallel_loop3A_606 = tpu.memref_slice %arg9[%and3A_113, %parallel_loop3A_604, %parallel_loop3A_605] : memref<4x32x768xf32, #tpu.memory_space<vmem>> -> memref<1x32x768xf32, #tpu.memory_space<vmem>>
        %parallel_loop3A_607 = tpu.memref_squeeze %parallel_loop3A_606 : memref<1x32x768xf32, #tpu.memory_space<vmem>> -> memref<32x768xf32, #tpu.memory_space<vmem>>
        %parallel_loop3A_608 = arith.index_cast %parallel_loop3A_469 : i32 to index
        %parallel_loop3A_609 = arith.constant 96 : index
        %parallel_loop3A_610 = tpu.vector_load %parallel_loop3A_607[%parallel_loop3A_608, %parallel_loop3A_609] {strides = array<i32>} : memref<32x768xf32, #tpu.memory_space<vmem>>, vector<1x16xf32>,
        %parallel_loop3A_611 = vector.shape_cast %parallel_loop3A_610 : vector<1x16xf32> to vector<16xf32>
        %parallel_loop3A_612 = arith.mulf %parallel_loop3A_611, %parallel_loop3A_473 : vector<16xf32>
        %parallel_loop3A_613 = arith.subf %parallel_loop3A_612, %parallel_loop3A_477 : vector<16xf32>
        %parallel_loop3A_614 = arith.mulf %parallel_loop3A_613, %get3A_174 : vector<16xf32>
        %parallel_loop3A_615 = arith.addf %parallel_loop3A_614, %get3A_222 : vector<16xf32>
        %parallel_loop3A_616 = arith.constant 0 : i32
        %parallel_loop3A_617 = arith.constant 0 : i32
        %parallel_loop3A_618 = tpu.memref_slice %arg9[%and3A_113, %parallel_loop3A_616, %parallel_loop3A_617] : memref<4x32x768xf32, #tpu.memory_space<vmem>> -> memref<1x32x768xf32, #tpu.memory_space<vmem>>
        %parallel_loop3A_619 = tpu.memref_squeeze %parallel_loop3A_618 : memref<1x32x768xf32, #tpu.memory_space<vmem>> -> memref<32x768xf32, #tpu.memory_space<vmem>>
        %parallel_loop3A_620 = arith.index_cast %parallel_loop3A_469 : i32 to index
        %parallel_loop3A_621 = arith.constant 96 : index
        %parallel_loop3A_622 = tpu.vector_load %parallel_loop3A_619[%parallel_loop3A_620, %parallel_loop3A_621] {strides = array<i32>} : memref<32x768xf32, #tpu.memory_space<vmem>>, vector<1x16xf32>,
        %parallel_loop3A_623 = vector.shape_cast %parallel_loop3A_622 : vector<1x16xf32> to vector<16xf32>
        %parallel_loop3A_624 = vector.shape_cast %parallel_loop3A_615 : vector<16xf32> to vector<1x16xf32>
        tpu.vector_store %parallel_loop3A_619[%parallel_loop3A_620, %parallel_loop3A_621], %parallel_loop3A_624 {strides = array<i32>} : memref<32x768xf32, #tpu.memory_space<vmem>>, vector<1x16xf32>,
        %parallel_loop3A_625 = arith.constant 0 : i32
        %parallel_loop3A_626 = arith.constant 0 : i32
        %parallel_loop3A_627 = tpu.memref_slice %arg9[%and3A_113, %parallel_loop3A_625, %parallel_loop3A_626] : memref<4x32x768xf32, #tpu.memory_space<vmem>> -> memref<1x32x768xf32, #tpu.memory_space<vmem>>
        %parallel_loop3A_628 = tpu.memref_squeeze %parallel_loop3A_627 : memref<1x32x768xf32, #tpu.memory_space<vmem>> -> memref<32x768xf32, #tpu.memory_space<vmem>>
        %parallel_loop3A_629 = arith.index_cast %parallel_loop3A_469 : i32 to index
        %parallel_loop3A_630 = arith.constant 112 : index
        %parallel_loop3A_631 = tpu.vector_load %parallel_loop3A_628[%parallel_loop3A_629, %parallel_loop3A_630] {strides = array<i32>} : memref<32x768xf32, #tpu.memory_space<vmem>>, vector<1x16xf32>,
        %parallel_loop3A_632 = vector.shape_cast %parallel_loop3A_631 : vector<1x16xf32> to vector<16xf32>
        %parallel_loop3A_633 = arith.mulf %parallel_loop3A_632, %parallel_loop3A_473 : vector<16xf32>
        %parallel_loop3A_634 = arith.subf %parallel_loop3A_633, %parallel_loop3A_477 : vector<16xf32>
        %parallel_loop3A_635 = arith.mulf %parallel_loop3A_634, %get3A_177 : vector<16xf32>
        %parallel_loop3A_636 = arith.addf %parallel_loop3A_635, %get3A_225 : vector<16xf32>
        %parallel_loop3A_637 = arith.constant 0 : i32
        %parallel_loop3A_638 = arith.constant 0 : i32
        %parallel_loop3A_639 = tpu.memref_slice %arg9[%and3A_113, %parallel_loop3A_637, %parallel_loop3A_638] : memref<4x32x768xf32, #tpu.memory_space<vmem>> -> memref<1x32x768xf32, #tpu.memory_space<vmem>>
        %parallel_loop3A_640 = tpu.memref_squeeze %parallel_loop3A_639 : memref<1x32x768xf32, #tpu.memory_space<vmem>> -> memref<32x768xf32, #tpu.memory_space<vmem>>
        %parallel_loop3A_641 = arith.index_cast %parallel_loop3A_469 : i32 to index
        %parallel_loop3A_642 = arith.constant 112 : index
        %parallel_loop3A_643 = tpu.vector_load %parallel_loop3A_640[%parallel_loop3A_641, %parallel_loop3A_642] {strides = array<i32>} : memref<32x768xf32, #tpu.memory_space<vmem>>, vector<1x16xf32>,
        %parallel_loop3A_644 = vector.shape_cast %parallel_loop3A_643 : vector<1x16xf32> to vector<16xf32>
        %parallel_loop3A_645 = vector.shape_cast %parallel_loop3A_636 : vector<16xf32> to vector<1x16xf32>
        tpu.vector_store %parallel_loop3A_640[%parallel_loop3A_641, %parallel_loop3A_642], %parallel_loop3A_645 {strides = array<i32>} : memref<32x768xf32, #tpu.memory_space<vmem>>, vector<1x16xf32>,
        %parallel_loop3A_646 = arith.constant 0 : i32
        %parallel_loop3A_647 = arith.constant 0 : i32
        %parallel_loop3A_648 = tpu.memref_slice %arg9[%and3A_113, %parallel_loop3A_646, %parallel_loop3A_647] : memref<4x32x768xf32, #tpu.memory_space<vmem>> -> memref<1x32x768xf32, #tpu.memory_space<vmem>>
        %parallel_loop3A_649 = tpu.memref_squeeze %parallel_loop3A_648 : memref<1x32x768xf32, #tpu.memory_space<vmem>> -> memref<32x768xf32, #tpu.memory_space<vmem>>
        %parallel_loop3A_650 = arith.index_cast %parallel_loop3A_469 : i32 to index
        %parallel_loop3A_651 = arith.constant 128 : index
        %parallel_loop3A_652 = tpu.vector_load %parallel_loop3A_649[%parallel_loop3A_650, %parallel_loop3A_651] {strides = array<i32>} : memref<32x768xf32, #tpu.memory_space<vmem>>, vector<1x16xf32>,
        %parallel_loop3A_653 = vector.shape_cast %parallel_loop3A_652 : vector<1x16xf32> to vector<16xf32>
        %parallel_loop3A_654 = arith.mulf %parallel_loop3A_653, %parallel_loop3A_473 : vector<16xf32>
        %parallel_loop3A_655 = arith.subf %parallel_loop3A_654, %parallel_loop3A_477 : vector<16xf32>
        %parallel_loop3A_656 = arith.mulf %parallel_loop3A_655, %get3A_180 : vector<16xf32>
        %parallel_loop3A_657 = arith.addf %parallel_loop3A_656, %get3A_228 : vector<16xf32>
        %parallel_loop3A_658 = arith.constant 0 : i32
        %parallel_loop3A_659 = arith.constant 0 : i32
        %parallel_loop3A_660 = tpu.memref_slice %arg9[%and3A_113, %parallel_loop3A_658, %parallel_loop3A_659] : memref<4x32x768xf32, #tpu.memory_space<vmem>> -> memref<1x32x768xf32, #tpu.memory_space<vmem>>
        %parallel_loop3A_661 = tpu.memref_squeeze %parallel_loop3A_660 : memref<1x32x768xf32, #tpu.memory_space<vmem>> -> memref<32x768xf32, #tpu.memory_space<vmem>>
        %parallel_loop3A_662 = arith.index_cast %parallel_loop3A_469 : i32 to index
        %parallel_loop3A_663 = arith.constant 128 : index
        %parallel_loop3A_664 = tpu.vector_load %parallel_loop3A_661[%parallel_loop3A_662, %parallel_loop3A_663] {strides = array<i32>} : memref<32x768xf32, #tpu.memory_space<vmem>>, vector<1x16xf32>,
        %parallel_loop3A_665 = vector.shape_cast %parallel_loop3A_664 : vector<1x16xf32> to vector<16xf32>
        %parallel_loop3A_666 = vector.shape_cast %parallel_loop3A_657 : vector<16xf32> to vector<1x16xf32>
        tpu.vector_store %parallel_loop3A_661[%parallel_loop3A_662, %parallel_loop3A_663], %parallel_loop3A_666 {strides = array<i32>} : memref<32x768xf32, #tpu.memory_space<vmem>>, vector<1x16xf32>,
        %parallel_loop3A_667 = arith.constant 0 : i32
        %parallel_loop3A_668 = arith.constant 0 : i32
        %parallel_loop3A_669 = tpu.memref_slice %arg9[%and3A_113, %parallel_loop3A_667, %parallel_loop3A_668] : memref<4x32x768xf32, #tpu.memory_space<vmem>> -> memref<1x32x768xf32, #tpu.memory_space<vmem>>
        %parallel_loop3A_670 = tpu.memref_squeeze %parallel_loop3A_669 : memref<1x32x768xf32, #tpu.memory_space<vmem>> -> memref<32x768xf32, #tpu.memory_space<vmem>>
        %parallel_loop3A_671 = arith.index_cast %parallel_loop3A_469 : i32 to index
        %parallel_loop3A_672 = arith.constant 144 : index
        %parallel_loop3A_673 = tpu.vector_load %parallel_loop3A_670[%parallel_loop3A_671, %parallel_loop3A_672] {strides = array<i32>} : memref<32x768xf32, #tpu.memory_space<vmem>>, vector<1x16xf32>,
        %parallel_loop3A_674 = vector.shape_cast %parallel_loop3A_673 : vector<1x16xf32> to vector<16xf32>
        %parallel_loop3A_675 = arith.mulf %parallel_loop3A_674, %parallel_loop3A_473 : vector<16xf32>
        %parallel_loop3A_676 = arith.subf %parallel_loop3A_675, %parallel_loop3A_477 : vector<16xf32>
        %parallel_loop3A_677 = arith.mulf %parallel_loop3A_676, %get3A_183 : vector<16xf32>
        %parallel_loop3A_678 = arith.addf %parallel_loop3A_677, %get3A_231 : vector<16xf32>
        %parallel_loop3A_679 = arith.constant 0 : i32
        %parallel_loop3A_680 = arith.constant 0 : i32
        %parallel_loop3A_681 = tpu.memref_slice %arg9[%and3A_113, %parallel_loop3A_679, %parallel_loop3A_680] : memref<4x32x768xf32, #tpu.memory_space<vmem>> -> memref<1x32x768xf32, #tpu.memory_space<vmem>>
        %parallel_loop3A_682 = tpu.memref_squeeze %parallel_loop3A_681 : memref<1x32x768xf32, #tpu.memory_space<vmem>> -> memref<32x768xf32, #tpu.memory_space<vmem>>
        %parallel_loop3A_683 = arith.index_cast %parallel_loop3A_469 : i32 to index
        %parallel_loop3A_684 = arith.constant 144 : index
        %parallel_loop3A_685 = tpu.vector_load %parallel_loop3A_682[%parallel_loop3A_683, %parallel_loop3A_684] {strides = array<i32>} : memref<32x768xf32, #tpu.memory_space<vmem>>, vector<1x16xf32>,
        %parallel_loop3A_686 = vector.shape_cast %parallel_loop3A_685 : vector<1x16xf32> to vector<16xf32>
        %parallel_loop3A_687 = vector.shape_cast %parallel_loop3A_678 : vector<16xf32> to vector<1x16xf32>
        tpu.vector_store %parallel_loop3A_682[%parallel_loop3A_683, %parallel_loop3A_684], %parallel_loop3A_687 {strides = array<i32>} : memref<32x768xf32, #tpu.memory_space<vmem>>, vector<1x16xf32>,
        %parallel_loop3A_688 = arith.constant 0 : i32
        %parallel_loop3A_689 = arith.constant 0 : i32
        %parallel_loop3A_690 = tpu.memref_slice %arg9[%and3A_113, %parallel_loop3A_688, %parallel_loop3A_689] : memref<4x32x768xf32, #tpu.memory_space<vmem>> -> memref<1x32x768xf32, #tpu.memory_space<vmem>>
        %parallel_loop3A_691 = tpu.memref_squeeze %parallel_loop3A_690 : memref<1x32x768xf32, #tpu.memory_space<vmem>> -> memref<32x768xf32, #tpu.memory_space<vmem>>
        %parallel_loop3A_692 = arith.index_cast %parallel_loop3A_469 : i32 to index
        %parallel_loop3A_693 = arith.constant 160 : index
        %parallel_loop3A_694 = tpu.vector_load %parallel_loop3A_691[%parallel_loop3A_692, %parallel_loop3A_693] {strides = array<i32>} : memref<32x768xf32, #tpu.memory_space<vmem>>, vector<1x16xf32>,
        %parallel_loop3A_695 = vector.shape_cast %parallel_loop3A_694 : vector<1x16xf32> to vector<16xf32>
        %parallel_loop3A_696 = arith.mulf %parallel_loop3A_695, %parallel_loop3A_473 : vector<16xf32>
        %parallel_loop3A_697 = arith.subf %parallel_loop3A_696, %parallel_loop3A_477 : vector<16xf32>
        %parallel_loop3A_698 = arith.mulf %parallel_loop3A_697, %get3A_186 : vector<16xf32>
        %parallel_loop3A_699 = arith.addf %parallel_loop3A_698, %get3A_234 : vector<16xf32>
        %parallel_loop3A_700 = arith.constant 0 : i32
        %parallel_loop3A_701 = arith.constant 0 : i32
        %parallel_loop3A_702 = tpu.memref_slice %arg9[%and3A_113, %parallel_loop3A_700, %parallel_loop3A_701] : memref<4x32x768xf32, #tpu.memory_space<vmem>> -> memref<1x32x768xf32, #tpu.memory_space<vmem>>
        %parallel_loop3A_703 = tpu.memref_squeeze %parallel_loop3A_702 : memref<1x32x768xf32, #tpu.memory_space<vmem>> -> memref<32x768xf32, #tpu.memory_space<vmem>>
        %parallel_loop3A_704 = arith.index_cast %parallel_loop3A_469 : i32 to index
        %parallel_loop3A_705 = arith.constant 160 : index
        %parallel_loop3A_706 = tpu.vector_load %parallel_loop3A_703[%parallel_loop3A_704, %parallel_loop3A_705] {strides = array<i32>} : memref<32x768xf32, #tpu.memory_space<vmem>>, vector<1x16xf32>,
        %parallel_loop3A_707 = vector.shape_cast %parallel_loop3A_706 : vector<1x16xf32> to vector<16xf32>
        %parallel_loop3A_708 = vector.shape_cast %parallel_loop3A_699 : vector<16xf32> to vector<1x16xf32>
        tpu.vector_store %parallel_loop3A_703[%parallel_loop3A_704, %parallel_loop3A_705], %parallel_loop3A_708 {strides = array<i32>} : memref<32x768xf32, #tpu.memory_space<vmem>>, vector<1x16xf32>,
        %parallel_loop3A_709 = arith.constant 0 : i32
        %parallel_loop3A_710 = arith.constant 0 : i32
        %parallel_loop3A_711 = tpu.memref_slice %arg9[%and3A_113, %parallel_loop3A_709, %parallel_loop3A_710] : memref<4x32x768xf32, #tpu.memory_space<vmem>> -> memref<1x32x768xf32, #tpu.memory_space<vmem>>
        %parallel_loop3A_712 = tpu.memref_squeeze %parallel_loop3A_711 : memref<1x32x768xf32, #tpu.memory_space<vmem>> -> memref<32x768xf32, #tpu.memory_space<vmem>>
        %parallel_loop3A_713 = arith.index_cast %parallel_loop3A_469 : i32 to index
        %parallel_loop3A_714 = arith.constant 176 : index
        %parallel_loop3A_715 = tpu.vector_load %parallel_loop3A_712[%parallel_loop3A_713, %parallel_loop3A_714] {strides = array<i32>} : memref<32x768xf32, #tpu.memory_space<vmem>>, vector<1x16xf32>,
        %parallel_loop3A_716 = vector.shape_cast %parallel_loop3A_715 : vector<1x16xf32> to vector<16xf32>
        %parallel_loop3A_717 = arith.mulf %parallel_loop3A_716, %parallel_loop3A_473 : vector<16xf32>
        %parallel_loop3A_718 = arith.subf %parallel_loop3A_717, %parallel_loop3A_477 : vector<16xf32>
        %parallel_loop3A_719 = arith.mulf %parallel_loop3A_718, %get3A_189 : vector<16xf32>
        %parallel_loop3A_720 = arith.addf %parallel_loop3A_719, %get3A_237 : vector<16xf32>
        %parallel_loop3A_721 = arith.constant 0 : i32
        %parallel_loop3A_722 = arith.constant 0 : i32
        %parallel_loop3A_723 = tpu.memref_slice %arg9[%and3A_113, %parallel_loop3A_721, %parallel_loop3A_722] : memref<4x32x768xf32, #tpu.memory_space<vmem>> -> memref<1x32x768xf32, #tpu.memory_space<vmem>>
        %parallel_loop3A_724 = tpu.memref_squeeze %parallel_loop3A_723 : memref<1x32x768xf32, #tpu.memory_space<vmem>> -> memref<32x768xf32, #tpu.memory_space<vmem>>
        %parallel_loop3A_725 = arith.index_cast %parallel_loop3A_469 : i32 to index
        %parallel_loop3A_726 = arith.constant 176 : index
        %parallel_loop3A_727 = tpu.vector_load %parallel_loop3A_724[%parallel_loop3A_725, %parallel_loop3A_726] {strides = array<i32>} : memref<32x768xf32, #tpu.memory_space<vmem>>, vector<1x16xf32>,
        %parallel_loop3A_728 = vector.shape_cast %parallel_loop3A_727 : vector<1x16xf32> to vector<16xf32>
        %parallel_loop3A_729 = vector.shape_cast %parallel_loop3A_720 : vector<16xf32> to vector<1x16xf32>
        tpu.vector_store %parallel_loop3A_724[%parallel_loop3A_725, %parallel_loop3A_726], %parallel_loop3A_729 {strides = array<i32>} : memref<32x768xf32, #tpu.memory_space<vmem>>, vector<1x16xf32>,
        %parallel_loop3A_730 = arith.constant 0 : i32
        %parallel_loop3A_731 = arith.constant 0 : i32
        %parallel_loop3A_732 = tpu.memref_slice %arg9[%and3A_113, %parallel_loop3A_730, %parallel_loop3A_731] : memref<4x32x768xf32, #tpu.memory_space<vmem>> -> memref<1x32x768xf32, #tpu.memory_space<vmem>>
        %parallel_loop3A_733 = tpu.memref_squeeze %parallel_loop3A_732 : memref<1x32x768xf32, #tpu.memory_space<vmem>> -> memref<32x768xf32, #tpu.memory_space<vmem>>
        %parallel_loop3A_734 = arith.index_cast %parallel_loop3A_469 : i32 to index
        %parallel_loop3A_735 = arith.constant 192 : index
        %parallel_loop3A_736 = tpu.vector_load %parallel_loop3A_733[%parallel_loop3A_734, %parallel_loop3A_735] {strides = array<i32>} : memref<32x768xf32, #tpu.memory_space<vmem>>, vector<1x16xf32>,
        %parallel_loop3A_737 = vector.shape_cast %parallel_loop3A_736 : vector<1x16xf32> to vector<16xf32>
        %parallel_loop3A_738 = arith.mulf %parallel_loop3A_737, %parallel_loop3A_473 : vector<16xf32>
        %parallel_loop3A_739 = arith.subf %parallel_loop3A_738, %parallel_loop3A_477 : vector<16xf32>
        %parallel_loop3A_740 = arith.mulf %parallel_loop3A_739, %get3A_192 : vector<16xf32>
        %parallel_loop3A_741 = arith.addf %parallel_loop3A_740, %get3A_240 : vector<16xf32>
        %parallel_loop3A_742 = arith.constant 0 : i32
        %parallel_loop3A_743 = arith.constant 0 : i32
        %parallel_loop3A_744 = tpu.memref_slice %arg9[%and3A_113, %parallel_loop3A_742, %parallel_loop3A_743] : memref<4x32x768xf32, #tpu.memory_space<vmem>> -> memref<1x32x768xf32, #tpu.memory_space<vmem>>
        %parallel_loop3A_745 = tpu.memref_squeeze %parallel_loop3A_744 : memref<1x32x768xf32, #tpu.memory_space<vmem>> -> memref<32x768xf32, #tpu.memory_space<vmem>>
        %parallel_loop3A_746 = arith.index_cast %parallel_loop3A_469 : i32 to index
        %parallel_loop3A_747 = arith.constant 192 : index
        %parallel_loop3A_748 = tpu.vector_load %parallel_loop3A_745[%parallel_loop3A_746, %parallel_loop3A_747] {strides = array<i32>} : memref<32x768xf32, #tpu.memory_space<vmem>>, vector<1x16xf32>,
        %parallel_loop3A_749 = vector.shape_cast %parallel_loop3A_748 : vector<1x16xf32> to vector<16xf32>
        %parallel_loop3A_750 = vector.shape_cast %parallel_loop3A_741 : vector<16xf32> to vector<1x16xf32>
        tpu.vector_store %parallel_loop3A_745[%parallel_loop3A_746, %parallel_loop3A_747], %parallel_loop3A_750 {strides = array<i32>} : memref<32x768xf32, #tpu.memory_space<vmem>>, vector<1x16xf32>,
        %parallel_loop3A_751 = arith.constant 0 : i32
        %parallel_loop3A_752 = arith.constant 0 : i32
        %parallel_loop3A_753 = tpu.memref_slice %arg9[%and3A_113, %parallel_loop3A_751, %parallel_loop3A_752] : memref<4x32x768xf32, #tpu.memory_space<vmem>> -> memref<1x32x768xf32, #tpu.memory_space<vmem>>
        %parallel_loop3A_754 = tpu.memref_squeeze %parallel_loop3A_753 : memref<1x32x768xf32, #tpu.memory_space<vmem>> -> memref<32x768xf32, #tpu.memory_space<vmem>>
        %parallel_loop3A_755 = arith.index_cast %parallel_loop3A_469 : i32 to index
        %parallel_loop3A_756 = arith.constant 208 : index
        %parallel_loop3A_757 = tpu.vector_load %parallel_loop3A_754[%parallel_loop3A_755, %parallel_loop3A_756] {strides = array<i32>} : memref<32x768xf32, #tpu.memory_space<vmem>>, vector<1x16xf32>,
        %parallel_loop3A_758 = vector.shape_cast %parallel_loop3A_757 : vector<1x16xf32> to vector<16xf32>
        %parallel_loop3A_759 = arith.mulf %parallel_loop3A_758, %parallel_loop3A_473 : vector<16xf32>
        %parallel_loop3A_760 = arith.subf %parallel_loop3A_759, %parallel_loop3A_477 : vector<16xf32>
        %parallel_loop3A_761 = arith.mulf %parallel_loop3A_760, %get3A_195 : vector<16xf32>
        %parallel_loop3A_762 = arith.addf %parallel_loop3A_761, %get3A_243 : vector<16xf32>
        %parallel_loop3A_763 = arith.constant 0 : i32
        %parallel_loop3A_764 = arith.constant 0 : i32
        %parallel_loop3A_765 = tpu.memref_slice %arg9[%and3A_113, %parallel_loop3A_763, %parallel_loop3A_764] : memref<4x32x768xf32, #tpu.memory_space<vmem>> -> memref<1x32x768xf32, #tpu.memory_space<vmem>>
        %parallel_loop3A_766 = tpu.memref_squeeze %parallel_loop3A_765 : memref<1x32x768xf32, #tpu.memory_space<vmem>> -> memref<32x768xf32, #tpu.memory_space<vmem>>
        %parallel_loop3A_767 = arith.index_cast %parallel_loop3A_469 : i32 to index
        %parallel_loop3A_768 = arith.constant 208 : index
        %parallel_loop3A_769 = tpu.vector_load %parallel_loop3A_766[%parallel_loop3A_767, %parallel_loop3A_768] {strides = array<i32>} : memref<32x768xf32, #tpu.memory_space<vmem>>, vector<1x16xf32>,
        %parallel_loop3A_770 = vector.shape_cast %parallel_loop3A_769 : vector<1x16xf32> to vector<16xf32>
        %parallel_loop3A_771 = vector.shape_cast %parallel_loop3A_762 : vector<16xf32> to vector<1x16xf32>
        tpu.vector_store %parallel_loop3A_766[%parallel_loop3A_767, %parallel_loop3A_768], %parallel_loop3A_771 {strides = array<i32>} : memref<32x768xf32, #tpu.memory_space<vmem>>, vector<1x16xf32>,
        %parallel_loop3A_772 = arith.constant 0 : i32
        %parallel_loop3A_773 = arith.constant 0 : i32
        %parallel_loop3A_774 = tpu.memref_slice %arg9[%and3A_113, %parallel_loop3A_772, %parallel_loop3A_773] : memref<4x32x768xf32, #tpu.memory_space<vmem>> -> memref<1x32x768xf32, #tpu.memory_space<vmem>>
        %parallel_loop3A_775 = tpu.memref_squeeze %parallel_loop3A_774 : memref<1x32x768xf32, #tpu.memory_space<vmem>> -> memref<32x768xf32, #tpu.memory_space<vmem>>
        %parallel_loop3A_776 = arith.index_cast %parallel_loop3A_469 : i32 to index
        %parallel_loop3A_777 = arith.constant 224 : index
        %parallel_loop3A_778 = tpu.vector_load %parallel_loop3A_775[%parallel_loop3A_776, %parallel_loop3A_777] {strides = array<i32>} : memref<32x768xf32, #tpu.memory_space<vmem>>, vector<1x16xf32>,
        %parallel_loop3A_779 = vector.shape_cast %parallel_loop3A_778 : vector<1x16xf32> to vector<16xf32>
        %parallel_loop3A_780 = arith.mulf %parallel_loop3A_779, %parallel_loop3A_473 : vector<16xf32>
        %parallel_loop3A_781 = arith.subf %parallel_loop3A_780, %parallel_loop3A_477 : vector<16xf32>
        %parallel_loop3A_782 = arith.mulf %parallel_loop3A_781, %get3A_198 : vector<16xf32>
        %parallel_loop3A_783 = arith.addf %parallel_loop3A_782, %get3A_246 : vector<16xf32>
        %parallel_loop3A_784 = arith.constant 0 : i32
        %parallel_loop3A_785 = arith.constant 0 : i32
        %parallel_loop3A_786 = tpu.memref_slice %arg9[%and3A_113, %parallel_loop3A_784, %parallel_loop3A_785] : memref<4x32x768xf32, #tpu.memory_space<vmem>> -> memref<1x32x768xf32, #tpu.memory_space<vmem>>
        %parallel_loop3A_787 = tpu.memref_squeeze %parallel_loop3A_786 : memref<1x32x768xf32, #tpu.memory_space<vmem>> -> memref<32x768xf32, #tpu.memory_space<vmem>>
        %parallel_loop3A_788 = arith.index_cast %parallel_loop3A_469 : i32 to index
        %parallel_loop3A_789 = arith.constant 224 : index
        %parallel_loop3A_790 = tpu.vector_load %parallel_loop3A_787[%parallel_loop3A_788, %parallel_loop3A_789] {strides = array<i32>} : memref<32x768xf32, #tpu.memory_space<vmem>>, vector<1x16xf32>,
        %parallel_loop3A_791 = vector.shape_cast %parallel_loop3A_790 : vector<1x16xf32> to vector<16xf32>
        %parallel_loop3A_792 = vector.shape_cast %parallel_loop3A_783 : vector<16xf32> to vector<1x16xf32>
        tpu.vector_store %parallel_loop3A_787[%parallel_loop3A_788, %parallel_loop3A_789], %parallel_loop3A_792 {strides = array<i32>} : memref<32x768xf32, #tpu.memory_space<vmem>>, vector<1x16xf32>,
        %parallel_loop3A_793 = arith.constant 0 : i32
        %parallel_loop3A_794 = arith.constant 0 : i32
        %parallel_loop3A_795 = tpu.memref_slice %arg9[%and3A_113, %parallel_loop3A_793, %parallel_loop3A_794] : memref<4x32x768xf32, #tpu.memory_space<vmem>> -> memref<1x32x768xf32, #tpu.memory_space<vmem>>
        %parallel_loop3A_796 = tpu.memref_squeeze %parallel_loop3A_795 : memref<1x32x768xf32, #tpu.memory_space<vmem>> -> memref<32x768xf32, #tpu.memory_space<vmem>>
        %parallel_loop3A_797 = arith.index_cast %parallel_loop3A_469 : i32 to index
        %parallel_loop3A_798 = arith.constant 240 : index
        %parallel_loop3A_799 = tpu.vector_load %parallel_loop3A_796[%parallel_loop3A_797, %parallel_loop3A_798] {strides = array<i32>} : memref<32x768xf32, #tpu.memory_space<vmem>>, vector<1x16xf32>,
        %parallel_loop3A_800 = vector.shape_cast %parallel_loop3A_799 : vector<1x16xf32> to vector<16xf32>
        %parallel_loop3A_801 = arith.mulf %parallel_loop3A_800, %parallel_loop3A_473 : vector<16xf32>
        %parallel_loop3A_802 = arith.subf %parallel_loop3A_801, %parallel_loop3A_477 : vector<16xf32>
        %parallel_loop3A_803 = arith.mulf %parallel_loop3A_802, %get3A_201 : vector<16xf32>
        %parallel_loop3A_804 = arith.addf %parallel_loop3A_803, %get3A_249 : vector<16xf32>
        %parallel_loop3A_805 = arith.constant 0 : i32
        %parallel_loop3A_806 = arith.constant 0 : i32
        %parallel_loop3A_807 = tpu.memref_slice %arg9[%and3A_113, %parallel_loop3A_805, %parallel_loop3A_806] : memref<4x32x768xf32, #tpu.memory_space<vmem>> -> memref<1x32x768xf32, #tpu.memory_space<vmem>>
        %parallel_loop3A_808 = tpu.memref_squeeze %parallel_loop3A_807 : memref<1x32x768xf32, #tpu.memory_space<vmem>> -> memref<32x768xf32, #tpu.memory_space<vmem>>
        %parallel_loop3A_809 = arith.index_cast %parallel_loop3A_469 : i32 to index
        %parallel_loop3A_810 = arith.constant 240 : index
        %parallel_loop3A_811 = tpu.vector_load %parallel_loop3A_808[%parallel_loop3A_809, %parallel_loop3A_810] {strides = array<i32>} : memref<32x768xf32, #tpu.memory_space<vmem>>, vector<1x16xf32>,
        %parallel_loop3A_812 = vector.shape_cast %parallel_loop3A_811 : vector<1x16xf32> to vector<16xf32>
        %parallel_loop3A_813 = vector.shape_cast %parallel_loop3A_804 : vector<16xf32> to vector<1x16xf32>
        tpu.vector_store %parallel_loop3A_808[%parallel_loop3A_809, %parallel_loop3A_810], %parallel_loop3A_813 {strides = array<i32>} : memref<32x768xf32, #tpu.memory_space<vmem>>, vector<1x16xf32>,
      } {sc.loop_unroll_factor = 2 : i64, sc.parallel_access}
      %get3A_253 = arith.constant 256 : index
      %get3A_254 = tpu.vector_load %arg12[%get3A_253] {strides = array<i32>} : memref<768xf32, #tpu.memory_space<vmem>>, vector<16xf32>,
      %get3A_255 = vector.shape_cast %get3A_254 : vector<16xf32> to vector<16xf32>
      %get3A_256 = arith.constant 272 : index
      %get3A_257 = tpu.vector_load %arg12[%get3A_256] {strides = array<i32>} : memref<768xf32, #tpu.memory_space<vmem>>, vector<16xf32>,
      %get3A_258 = vector.shape_cast %get3A_257 : vector<16xf32> to vector<16xf32>
      %get3A_259 = arith.constant 288 : index
      %get3A_260 = tpu.vector_load %arg12[%get3A_259] {strides = array<i32>} : memref<768xf32, #tpu.memory_space<vmem>>, vector<16xf32>,
      %get3A_261 = vector.shape_cast %get3A_260 : vector<16xf32> to vector<16xf32>
      %get3A_262 = arith.constant 304 : index
      %get3A_263 = tpu.vector_load %arg12[%get3A_262] {strides = array<i32>} : memref<768xf32, #tpu.memory_space<vmem>>, vector<16xf32>,
      %get3A_264 = vector.shape_cast %get3A_263 : vector<16xf32> to vector<16xf32>
      %get3A_265 = arith.constant 320 : index
      %get3A_266 = tpu.vector_load %arg12[%get3A_265] {strides = array<i32>} : memref<768xf32, #tpu.memory_space<vmem>>, vector<16xf32>,
      %get3A_267 = vector.shape_cast %get3A_266 : vector<16xf32> to vector<16xf32>
      %get3A_268 = arith.constant 336 : index
      %get3A_269 = tpu.vector_load %arg12[%get3A_268] {strides = array<i32>} : memref<768xf32, #tpu.memory_space<vmem>>, vector<16xf32>,
      %get3A_270 = vector.shape_cast %get3A_269 : vector<16xf32> to vector<16xf32>
      %get3A_271 = arith.constant 352 : index
      %get3A_272 = tpu.vector_load %arg12[%get3A_271] {strides = array<i32>} : memref<768xf32, #tpu.memory_space<vmem>>, vector<16xf32>,
      %get3A_273 = vector.shape_cast %get3A_272 : vector<16xf32> to vector<16xf32>
      %get3A_274 = arith.constant 368 : index
      %get3A_275 = tpu.vector_load %arg12[%get3A_274] {strides = array<i32>} : memref<768xf32, #tpu.memory_space<vmem>>, vector<16xf32>,
      %get3A_276 = vector.shape_cast %get3A_275 : vector<16xf32> to vector<16xf32>
      %get3A_277 = arith.constant 384 : index
      %get3A_278 = tpu.vector_load %arg12[%get3A_277] {strides = array<i32>} : memref<768xf32, #tpu.memory_space<vmem>>, vector<16xf32>,
      %get3A_279 = vector.shape_cast %get3A_278 : vector<16xf32> to vector<16xf32>
      %get3A_280 = arith.constant 400 : index
      %get3A_281 = tpu.vector_load %arg12[%get3A_280] {strides = array<i32>} : memref<768xf32, #tpu.memory_space<vmem>>, vector<16xf32>,
      %get3A_282 = vector.shape_cast %get3A_281 : vector<16xf32> to vector<16xf32>
      %get3A_283 = arith.constant 416 : index
      %get3A_284 = tpu.vector_load %arg12[%get3A_283] {strides = array<i32>} : memref<768xf32, #tpu.memory_space<vmem>>, vector<16xf32>,
      %get3A_285 = vector.shape_cast %get3A_284 : vector<16xf32> to vector<16xf32>
      %get3A_286 = arith.constant 432 : index
      %get3A_287 = tpu.vector_load %arg12[%get3A_286] {strides = array<i32>} : memref<768xf32, #tpu.memory_space<vmem>>, vector<16xf32>,
      %get3A_288 = vector.shape_cast %get3A_287 : vector<16xf32> to vector<16xf32>
      %get3A_289 = arith.constant 448 : index
      %get3A_290 = tpu.vector_load %arg12[%get3A_289] {strides = array<i32>} : memref<768xf32, #tpu.memory_space<vmem>>, vector<16xf32>,
      %get3A_291 = vector.shape_cast %get3A_290 : vector<16xf32> to vector<16xf32>
      %get3A_292 = arith.constant 464 : index
      %get3A_293 = tpu.vector_load %arg12[%get3A_292] {strides = array<i32>} : memref<768xf32, #tpu.memory_space<vmem>>, vector<16xf32>,
      %get3A_294 = vector.shape_cast %get3A_293 : vector<16xf32> to vector<16xf32>
      %get3A_295 = arith.constant 480 : index
      %get3A_296 = tpu.vector_load %arg12[%get3A_295] {strides = array<i32>} : memref<768xf32, #tpu.memory_space<vmem>>, vector<16xf32>,
      %get3A_297 = vector.shape_cast %get3A_296 : vector<16xf32> to vector<16xf32>
      %get3A_298 = arith.constant 496 : index
      %get3A_299 = tpu.vector_load %arg12[%get3A_298] {strides = array<i32>} : memref<768xf32, #tpu.memory_space<vmem>>, vector<16xf32>,
      %get3A_300 = vector.shape_cast %get3A_299 : vector<16xf32> to vector<16xf32>
      %get3A_301 = arith.constant 256 : index
      %get3A_302 = tpu.vector_load %arg13[%get3A_301] {strides = array<i32>} : memref<768xf32, #tpu.memory_space<vmem>>, vector<16xf32>,
      %get3A_303 = vector.shape_cast %get3A_302 : vector<16xf32> to vector<16xf32>
      %get3A_304 = arith.constant 272 : index
      %get3A_305 = tpu.vector_load %arg13[%get3A_304] {strides = array<i32>} : memref<768xf32, #tpu.memory_space<vmem>>, vector<16xf32>,
      %get3A_306 = vector.shape_cast %get3A_305 : vector<16xf32> to vector<16xf32>
      %get3A_307 = arith.constant 288 : index
      %get3A_308 = tpu.vector_load %arg13[%get3A_307] {strides = array<i32>} : memref<768xf32, #tpu.memory_space<vmem>>, vector<16xf32>,
      %get3A_309 = vector.shape_cast %get3A_308 : vector<16xf32> to vector<16xf32>
      %get3A_310 = arith.constant 304 : index
      %get3A_311 = tpu.vector_load %arg13[%get3A_310] {strides = array<i32>} : memref<768xf32, #tpu.memory_space<vmem>>, vector<16xf32>,
      %get3A_312 = vector.shape_cast %get3A_311 : vector<16xf32> to vector<16xf32>
      %get3A_313 = arith.constant 320 : index
      %get3A_314 = tpu.vector_load %arg13[%get3A_313] {strides = array<i32>} : memref<768xf32, #tpu.memory_space<vmem>>, vector<16xf32>,
      %get3A_315 = vector.shape_cast %get3A_314 : vector<16xf32> to vector<16xf32>
      %get3A_316 = arith.constant 336 : index
      %get3A_317 = tpu.vector_load %arg13[%get3A_316] {strides = array<i32>} : memref<768xf32, #tpu.memory_space<vmem>>, vector<16xf32>,
      %get3A_318 = vector.shape_cast %get3A_317 : vector<16xf32> to vector<16xf32>
      %get3A_319 = arith.constant 352 : index
      %get3A_320 = tpu.vector_load %arg13[%get3A_319] {strides = array<i32>} : memref<768xf32, #tpu.memory_space<vmem>>, vector<16xf32>,
      %get3A_321 = vector.shape_cast %get3A_320 : vector<16xf32> to vector<16xf32>
      %get3A_322 = arith.constant 368 : index
      %get3A_323 = tpu.vector_load %arg13[%get3A_322] {strides = array<i32>} : memref<768xf32, #tpu.memory_space<vmem>>, vector<16xf32>,
      %get3A_324 = vector.shape_cast %get3A_323 : vector<16xf32> to vector<16xf32>
      %get3A_325 = arith.constant 384 : index
      %get3A_326 = tpu.vector_load %arg13[%get3A_325] {strides = array<i32>} : memref<768xf32, #tpu.memory_space<vmem>>, vector<16xf32>,
      %get3A_327 = vector.shape_cast %get3A_326 : vector<16xf32> to vector<16xf32>
      %get3A_328 = arith.constant 400 : index
      %get3A_329 = tpu.vector_load %arg13[%get3A_328] {strides = array<i32>} : memref<768xf32, #tpu.memory_space<vmem>>, vector<16xf32>,
      %get3A_330 = vector.shape_cast %get3A_329 : vector<16xf32> to vector<16xf32>
      %get3A_331 = arith.constant 416 : index
      %get3A_332 = tpu.vector_load %arg13[%get3A_331] {strides = array<i32>} : memref<768xf32, #tpu.memory_space<vmem>>, vector<16xf32>,
      %get3A_333 = vector.shape_cast %get3A_332 : vector<16xf32> to vector<16xf32>
      %get3A_334 = arith.constant 432 : index
      %get3A_335 = tpu.vector_load %arg13[%get3A_334] {strides = array<i32>} : memref<768xf32, #tpu.memory_space<vmem>>, vector<16xf32>,
      %get3A_336 = vector.shape_cast %get3A_335 : vector<16xf32> to vector<16xf32>
      %get3A_337 = arith.constant 448 : index
      %get3A_338 = tpu.vector_load %arg13[%get3A_337] {strides = array<i32>} : memref<768xf32, #tpu.memory_space<vmem>>, vector<16xf32>,
      %get3A_339 = vector.shape_cast %get3A_338 : vector<16xf32> to vector<16xf32>
      %get3A_340 = arith.constant 464 : index
      %get3A_341 = tpu.vector_load %arg13[%get3A_340] {strides = array<i32>} : memref<768xf32, #tpu.memory_space<vmem>>, vector<16xf32>,
      %get3A_342 = vector.shape_cast %get3A_341 : vector<16xf32> to vector<16xf32>
      %get3A_343 = arith.constant 480 : index
      %get3A_344 = tpu.vector_load %arg13[%get3A_343] {strides = array<i32>} : memref<768xf32, #tpu.memory_space<vmem>>, vector<16xf32>,
      %get3A_345 = vector.shape_cast %get3A_344 : vector<16xf32> to vector<16xf32>
      %get3A_346 = arith.constant 496 : index
      %get3A_347 = tpu.vector_load %arg13[%get3A_346] {strides = array<i32>} : memref<768xf32, #tpu.memory_space<vmem>>, vector<16xf32>,
      %get3A_348 = vector.shape_cast %get3A_347 : vector<16xf32> to vector<16xf32>
      %parallel_loop3A_349 = arith.constant 0 : i32
      %parallel_loop3A_350 = arith.constant 32 : i32
      %parallel_loop3A_351 = arith.constant 1 : i32
      scf.for %parallel_loop3A_469 = %parallel_loop3A_349 to %parallel_loop3A_350 step %parallel_loop3A_351  : i32 {
        %parallel_loop3A_470 = arith.index_cast %parallel_loop3A_469 : i32 to index
        %parallel_loop3A_471 = arith.constant 0 : index
        %parallel_loop3A_472 = tpu.vector_load %arg10[%parallel_loop3A_470, %parallel_loop3A_471] {strides = array<i32>} : memref<32x16xf32, #tpu.memory_space<vmem>>, vector<1x16xf32>,
        %parallel_loop3A_473 = vector.shape_cast %parallel_loop3A_472 : vector<1x16xf32> to vector<16xf32>
        %parallel_loop3A_474 = arith.index_cast %parallel_loop3A_469 : i32 to index
        %parallel_loop3A_475 = arith.constant 0 : index
        %parallel_loop3A_476 = tpu.vector_load %arg11[%parallel_loop3A_474, %parallel_loop3A_475] {strides = array<i32>} : memref<32x16xf32, #tpu.memory_space<vmem>>, vector<1x16xf32>,
        %parallel_loop3A_477 = vector.shape_cast %parallel_loop3A_476 : vector<1x16xf32> to vector<16xf32>
        %parallel_loop3A_478 = arith.constant 0 : i32
        %parallel_loop3A_479 = arith.constant 0 : i32
        %parallel_loop3A_480 = tpu.memref_slice %arg9[%and3A_113, %parallel_loop3A_478, %parallel_loop3A_479] : memref<4x32x768xf32, #tpu.memory_space<vmem>> -> memref<1x32x768xf32, #tpu.memory_space<vmem>>
        %parallel_loop3A_481 = tpu.memref_squeeze %parallel_loop3A_480 : memref<1x32x768xf32, #tpu.memory_space<vmem>> -> memref<32x768xf32, #tpu.memory_space<vmem>>
        %parallel_loop3A_482 = arith.index_cast %parallel_loop3A_469 : i32 to index
        %parallel_loop3A_483 = arith.constant 256 : index
        %parallel_loop3A_484 = tpu.vector_load %parallel_loop3A_481[%parallel_loop3A_482, %parallel_loop3A_483] {strides = array<i32>} : memref<32x768xf32, #tpu.memory_space<vmem>>, vector<1x16xf32>,
        %parallel_loop3A_485 = vector.shape_cast %parallel_loop3A_484 : vector<1x16xf32> to vector<16xf32>
        %parallel_loop3A_486 = arith.mulf %parallel_loop3A_485, %parallel_loop3A_473 : vector<16xf32>
        %parallel_loop3A_487 = arith.subf %parallel_loop3A_486, %parallel_loop3A_477 : vector<16xf32>
        %parallel_loop3A_488 = arith.mulf %parallel_loop3A_487, %get3A_255 : vector<16xf32>
        %parallel_loop3A_489 = arith.addf %parallel_loop3A_488, %get3A_303 : vector<16xf32>
        %parallel_loop3A_490 = arith.constant 0 : i32
        %parallel_loop3A_491 = arith.constant 0 : i32
        %parallel_loop3A_492 = tpu.memref_slice %arg9[%and3A_113, %parallel_loop3A_490, %parallel_loop3A_491] : memref<4x32x768xf32, #tpu.memory_space<vmem>> -> memref<1x32x768xf32, #tpu.memory_space<vmem>>
        %parallel_loop3A_493 = tpu.memref_squeeze %parallel_loop3A_492 : memref<1x32x768xf32, #tpu.memory_space<vmem>> -> memref<32x768xf32, #tpu.memory_space<vmem>>
        %parallel_loop3A_494 = arith.index_cast %parallel_loop3A_469 : i32 to index
        %parallel_loop3A_495 = arith.constant 256 : index
        %parallel_loop3A_496 = tpu.vector_load %parallel_loop3A_493[%parallel_loop3A_494, %parallel_loop3A_495] {strides = array<i32>} : memref<32x768xf32, #tpu.memory_space<vmem>>, vector<1x16xf32>,
        %parallel_loop3A_497 = vector.shape_cast %parallel_loop3A_496 : vector<1x16xf32> to vector<16xf32>
        %parallel_loop3A_498 = vector.shape_cast %parallel_loop3A_489 : vector<16xf32> to vector<1x16xf32>
        tpu.vector_store %parallel_loop3A_493[%parallel_loop3A_494, %parallel_loop3A_495], %parallel_loop3A_498 {strides = array<i32>} : memref<32x768xf32, #tpu.memory_space<vmem>>, vector<1x16xf32>,
        %parallel_loop3A_499 = arith.constant 0 : i32
        %parallel_loop3A_500 = arith.constant 0 : i32
        %parallel_loop3A_501 = tpu.memref_slice %arg9[%and3A_113, %parallel_loop3A_499, %parallel_loop3A_500] : memref<4x32x768xf32, #tpu.memory_space<vmem>> -> memref<1x32x768xf32, #tpu.memory_space<vmem>>
        %parallel_loop3A_502 = tpu.memref_squeeze %parallel_loop3A_501 : memref<1x32x768xf32, #tpu.memory_space<vmem>> -> memref<32x768xf32, #tpu.memory_space<vmem>>
        %parallel_loop3A_503 = arith.index_cast %parallel_loop3A_469 : i32 to index
        %parallel_loop3A_504 = arith.constant 272 : index
        %parallel_loop3A_505 = tpu.vector_load %parallel_loop3A_502[%parallel_loop3A_503, %parallel_loop3A_504] {strides = array<i32>} : memref<32x768xf32, #tpu.memory_space<vmem>>, vector<1x16xf32>,
        %parallel_loop3A_506 = vector.shape_cast %parallel_loop3A_505 : vector<1x16xf32> to vector<16xf32>
        %parallel_loop3A_507 = arith.mulf %parallel_loop3A_506, %parallel_loop3A_473 : vector<16xf32>
        %parallel_loop3A_508 = arith.subf %parallel_loop3A_507, %parallel_loop3A_477 : vector<16xf32>
        %parallel_loop3A_509 = arith.mulf %parallel_loop3A_508, %get3A_258 : vector<16xf32>
        %parallel_loop3A_510 = arith.addf %parallel_loop3A_509, %get3A_306 : vector<16xf32>
        %parallel_loop3A_511 = arith.constant 0 : i32
        %parallel_loop3A_512 = arith.constant 0 : i32
        %parallel_loop3A_513 = tpu.memref_slice %arg9[%and3A_113, %parallel_loop3A_511, %parallel_loop3A_512] : memref<4x32x768xf32, #tpu.memory_space<vmem>> -> memref<1x32x768xf32, #tpu.memory_space<vmem>>
        %parallel_loop3A_514 = tpu.memref_squeeze %parallel_loop3A_513 : memref<1x32x768xf32, #tpu.memory_space<vmem>> -> memref<32x768xf32, #tpu.memory_space<vmem>>
        %parallel_loop3A_515 = arith.index_cast %parallel_loop3A_469 : i32 to index
        %parallel_loop3A_516 = arith.constant 272 : index
        %parallel_loop3A_517 = tpu.vector_load %parallel_loop3A_514[%parallel_loop3A_515, %parallel_loop3A_516] {strides = array<i32>} : memref<32x768xf32, #tpu.memory_space<vmem>>, vector<1x16xf32>,
        %parallel_loop3A_518 = vector.shape_cast %parallel_loop3A_517 : vector<1x16xf32> to vector<16xf32>
        %parallel_loop3A_519 = vector.shape_cast %parallel_loop3A_510 : vector<16xf32> to vector<1x16xf32>
        tpu.vector_store %parallel_loop3A_514[%parallel_loop3A_515, %parallel_loop3A_516], %parallel_loop3A_519 {strides = array<i32>} : memref<32x768xf32, #tpu.memory_space<vmem>>, vector<1x16xf32>,
        %parallel_loop3A_520 = arith.constant 0 : i32
        %parallel_loop3A_521 = arith.constant 0 : i32
        %parallel_loop3A_522 = tpu.memref_slice %arg9[%and3A_113, %parallel_loop3A_520, %parallel_loop3A_521] : memref<4x32x768xf32, #tpu.memory_space<vmem>> -> memref<1x32x768xf32, #tpu.memory_space<vmem>>
        %parallel_loop3A_523 = tpu.memref_squeeze %parallel_loop3A_522 : memref<1x32x768xf32, #tpu.memory_space<vmem>> -> memref<32x768xf32, #tpu.memory_space<vmem>>
        %parallel_loop3A_524 = arith.index_cast %parallel_loop3A_469 : i32 to index
        %parallel_loop3A_525 = arith.constant 288 : index
        %parallel_loop3A_526 = tpu.vector_load %parallel_loop3A_523[%parallel_loop3A_524, %parallel_loop3A_525] {strides = array<i32>} : memref<32x768xf32, #tpu.memory_space<vmem>>, vector<1x16xf32>,
        %parallel_loop3A_527 = vector.shape_cast %parallel_loop3A_526 : vector<1x16xf32> to vector<16xf32>
        %parallel_loop3A_528 = arith.mulf %parallel_loop3A_527, %parallel_loop3A_473 : vector<16xf32>
        %parallel_loop3A_529 = arith.subf %parallel_loop3A_528, %parallel_loop3A_477 : vector<16xf32>
        %parallel_loop3A_530 = arith.mulf %parallel_loop3A_529, %get3A_261 : vector<16xf32>
        %parallel_loop3A_531 = arith.addf %parallel_loop3A_530, %get3A_309 : vector<16xf32>
        %parallel_loop3A_532 = arith.constant 0 : i32
        %parallel_loop3A_533 = arith.constant 0 : i32
        %parallel_loop3A_534 = tpu.memref_slice %arg9[%and3A_113, %parallel_loop3A_532, %parallel_loop3A_533] : memref<4x32x768xf32, #tpu.memory_space<vmem>> -> memref<1x32x768xf32, #tpu.memory_space<vmem>>
        %parallel_loop3A_535 = tpu.memref_squeeze %parallel_loop3A_534 : memref<1x32x768xf32, #tpu.memory_space<vmem>> -> memref<32x768xf32, #tpu.memory_space<vmem>>
        %parallel_loop3A_536 = arith.index_cast %parallel_loop3A_469 : i32 to index
        %parallel_loop3A_537 = arith.constant 288 : index
        %parallel_loop3A_538 = tpu.vector_load %parallel_loop3A_535[%parallel_loop3A_536, %parallel_loop3A_537] {strides = array<i32>} : memref<32x768xf32, #tpu.memory_space<vmem>>, vector<1x16xf32>,
        %parallel_loop3A_539 = vector.shape_cast %parallel_loop3A_538 : vector<1x16xf32> to vector<16xf32>
        %parallel_loop3A_540 = vector.shape_cast %parallel_loop3A_531 : vector<16xf32> to vector<1x16xf32>
        tpu.vector_store %parallel_loop3A_535[%parallel_loop3A_536, %parallel_loop3A_537], %parallel_loop3A_540 {strides = array<i32>} : memref<32x768xf32, #tpu.memory_space<vmem>>, vector<1x16xf32>,
        %parallel_loop3A_541 = arith.constant 0 : i32
        %parallel_loop3A_542 = arith.constant 0 : i32
        %parallel_loop3A_543 = tpu.memref_slice %arg9[%and3A_113, %parallel_loop3A_541, %parallel_loop3A_542] : memref<4x32x768xf32, #tpu.memory_space<vmem>> -> memref<1x32x768xf32, #tpu.memory_space<vmem>>
        %parallel_loop3A_544 = tpu.memref_squeeze %parallel_loop3A_543 : memref<1x32x768xf32, #tpu.memory_space<vmem>> -> memref<32x768xf32, #tpu.memory_space<vmem>>
        %parallel_loop3A_545 = arith.index_cast %parallel_loop3A_469 : i32 to index
        %parallel_loop3A_546 = arith.constant 304 : index
        %parallel_loop3A_547 = tpu.vector_load %parallel_loop3A_544[%parallel_loop3A_545, %parallel_loop3A_546] {strides = array<i32>} : memref<32x768xf32, #tpu.memory_space<vmem>>, vector<1x16xf32>,
        %parallel_loop3A_548 = vector.shape_cast %parallel_loop3A_547 : vector<1x16xf32> to vector<16xf32>
        %parallel_loop3A_549 = arith.mulf %parallel_loop3A_548, %parallel_loop3A_473 : vector<16xf32>
        %parallel_loop3A_550 = arith.subf %parallel_loop3A_549, %parallel_loop3A_477 : vector<16xf32>
        %parallel_loop3A_551 = arith.mulf %parallel_loop3A_550, %get3A_264 : vector<16xf32>
        %parallel_loop3A_552 = arith.addf %parallel_loop3A_551, %get3A_312 : vector<16xf32>
        %parallel_loop3A_553 = arith.constant 0 : i32
        %parallel_loop3A_554 = arith.constant 0 : i32
        %parallel_loop3A_555 = tpu.memref_slice %arg9[%and3A_113, %parallel_loop3A_553, %parallel_loop3A_554] : memref<4x32x768xf32, #tpu.memory_space<vmem>> -> memref<1x32x768xf32, #tpu.memory_space<vmem>>
        %parallel_loop3A_556 = tpu.memref_squeeze %parallel_loop3A_555 : memref<1x32x768xf32, #tpu.memory_space<vmem>> -> memref<32x768xf32, #tpu.memory_space<vmem>>
        %parallel_loop3A_557 = arith.index_cast %parallel_loop3A_469 : i32 to index
        %parallel_loop3A_558 = arith.constant 304 : index
        %parallel_loop3A_559 = tpu.vector_load %parallel_loop3A_556[%parallel_loop3A_557, %parallel_loop3A_558] {strides = array<i32>} : memref<32x768xf32, #tpu.memory_space<vmem>>, vector<1x16xf32>,
        %parallel_loop3A_560 = vector.shape_cast %parallel_loop3A_559 : vector<1x16xf32> to vector<16xf32>
        %parallel_loop3A_561 = vector.shape_cast %parallel_loop3A_552 : vector<16xf32> to vector<1x16xf32>
        tpu.vector_store %parallel_loop3A_556[%parallel_loop3A_557, %parallel_loop3A_558], %parallel_loop3A_561 {strides = array<i32>} : memref<32x768xf32, #tpu.memory_space<vmem>>, vector<1x16xf32>,
        %parallel_loop3A_562 = arith.constant 0 : i32
        %parallel_loop3A_563 = arith.constant 0 : i32
        %parallel_loop3A_564 = tpu.memref_slice %arg9[%and3A_113, %parallel_loop3A_562, %parallel_loop3A_563] : memref<4x32x768xf32, #tpu.memory_space<vmem>> -> memref<1x32x768xf32, #tpu.memory_space<vmem>>
        %parallel_loop3A_565 = tpu.memref_squeeze %parallel_loop3A_564 : memref<1x32x768xf32, #tpu.memory_space<vmem>> -> memref<32x768xf32, #tpu.memory_space<vmem>>
        %parallel_loop3A_566 = arith.index_cast %parallel_loop3A_469 : i32 to index
        %parallel_loop3A_567 = arith.constant 320 : index
        %parallel_loop3A_568 = tpu.vector_load %parallel_loop3A_565[%parallel_loop3A_566, %parallel_loop3A_567] {strides = array<i32>} : memref<32x768xf32, #tpu.memory_space<vmem>>, vector<1x16xf32>,
        %parallel_loop3A_569 = vector.shape_cast %parallel_loop3A_568 : vector<1x16xf32> to vector<16xf32>
        %parallel_loop3A_570 = arith.mulf %parallel_loop3A_569, %parallel_loop3A_473 : vector<16xf32>
        %parallel_loop3A_571 = arith.subf %parallel_loop3A_570, %parallel_loop3A_477 : vector<16xf32>
        %parallel_loop3A_572 = arith.mulf %parallel_loop3A_571, %get3A_267 : vector<16xf32>
        %parallel_loop3A_573 = arith.addf %parallel_loop3A_572, %get3A_315 : vector<16xf32>
        %parallel_loop3A_574 = arith.constant 0 : i32
        %parallel_loop3A_575 = arith.constant 0 : i32
        %parallel_loop3A_576 = tpu.memref_slice %arg9[%and3A_113, %parallel_loop3A_574, %parallel_loop3A_575] : memref<4x32x768xf32, #tpu.memory_space<vmem>> -> memref<1x32x768xf32, #tpu.memory_space<vmem>>
        %parallel_loop3A_577 = tpu.memref_squeeze %parallel_loop3A_576 : memref<1x32x768xf32, #tpu.memory_space<vmem>> -> memref<32x768xf32, #tpu.memory_space<vmem>>
        %parallel_loop3A_578 = arith.index_cast %parallel_loop3A_469 : i32 to index
        %parallel_loop3A_579 = arith.constant 320 : index
        %parallel_loop3A_580 = tpu.vector_load %parallel_loop3A_577[%parallel_loop3A_578, %parallel_loop3A_579] {strides = array<i32>} : memref<32x768xf32, #tpu.memory_space<vmem>>, vector<1x16xf32>,
        %parallel_loop3A_581 = vector.shape_cast %parallel_loop3A_580 : vector<1x16xf32> to vector<16xf32>
        %parallel_loop3A_582 = vector.shape_cast %parallel_loop3A_573 : vector<16xf32> to vector<1x16xf32>
        tpu.vector_store %parallel_loop3A_577[%parallel_loop3A_578, %parallel_loop3A_579], %parallel_loop3A_582 {strides = array<i32>} : memref<32x768xf32, #tpu.memory_space<vmem>>, vector<1x16xf32>,
        %parallel_loop3A_583 = arith.constant 0 : i32
        %parallel_loop3A_584 = arith.constant 0 : i32
        %parallel_loop3A_585 = tpu.memref_slice %arg9[%and3A_113, %parallel_loop3A_583, %parallel_loop3A_584] : memref<4x32x768xf32, #tpu.memory_space<vmem>> -> memref<1x32x768xf32, #tpu.memory_space<vmem>>
        %parallel_loop3A_586 = tpu.memref_squeeze %parallel_loop3A_585 : memref<1x32x768xf32, #tpu.memory_space<vmem>> -> memref<32x768xf32, #tpu.memory_space<vmem>>
        %parallel_loop3A_587 = arith.index_cast %parallel_loop3A_469 : i32 to index
        %parallel_loop3A_588 = arith.constant 336 : index
        %parallel_loop3A_589 = tpu.vector_load %parallel_loop3A_586[%parallel_loop3A_587, %parallel_loop3A_588] {strides = array<i32>} : memref<32x768xf32, #tpu.memory_space<vmem>>, vector<1x16xf32>,
        %parallel_loop3A_590 = vector.shape_cast %parallel_loop3A_589 : vector<1x16xf32> to vector<16xf32>
        %parallel_loop3A_591 = arith.mulf %parallel_loop3A_590, %parallel_loop3A_473 : vector<16xf32>
        %parallel_loop3A_592 = arith.subf %parallel_loop3A_591, %parallel_loop3A_477 : vector<16xf32>
        %parallel_loop3A_593 = arith.mulf %parallel_loop3A_592, %get3A_270 : vector<16xf32>
        %parallel_loop3A_594 = arith.addf %parallel_loop3A_593, %get3A_318 : vector<16xf32>
        %parallel_loop3A_595 = arith.constant 0 : i32
        %parallel_loop3A_596 = arith.constant 0 : i32
        %parallel_loop3A_597 = tpu.memref_slice %arg9[%and3A_113, %parallel_loop3A_595, %parallel_loop3A_596] : memref<4x32x768xf32, #tpu.memory_space<vmem>> -> memref<1x32x768xf32, #tpu.memory_space<vmem>>
        %parallel_loop3A_598 = tpu.memref_squeeze %parallel_loop3A_597 : memref<1x32x768xf32, #tpu.memory_space<vmem>> -> memref<32x768xf32, #tpu.memory_space<vmem>>
        %parallel_loop3A_599 = arith.index_cast %parallel_loop3A_469 : i32 to index
        %parallel_loop3A_600 = arith.constant 336 : index
        %parallel_loop3A_601 = tpu.vector_load %parallel_loop3A_598[%parallel_loop3A_599, %parallel_loop3A_600] {strides = array<i32>} : memref<32x768xf32, #tpu.memory_space<vmem>>, vector<1x16xf32>,
        %parallel_loop3A_602 = vector.shape_cast %parallel_loop3A_601 : vector<1x16xf32> to vector<16xf32>
        %parallel_loop3A_603 = vector.shape_cast %parallel_loop3A_594 : vector<16xf32> to vector<1x16xf32>
        tpu.vector_store %parallel_loop3A_598[%parallel_loop3A_599, %parallel_loop3A_600], %parallel_loop3A_603 {strides = array<i32>} : memref<32x768xf32, #tpu.memory_space<vmem>>, vector<1x16xf32>,
        %parallel_loop3A_604 = arith.constant 0 : i32
        %parallel_loop3A_605 = arith.constant 0 : i32
        %parallel_loop3A_606 = tpu.memref_slice %arg9[%and3A_113, %parallel_loop3A_604, %parallel_loop3A_605] : memref<4x32x768xf32, #tpu.memory_space<vmem>> -> memref<1x32x768xf32, #tpu.memory_space<vmem>>
        %parallel_loop3A_607 = tpu.memref_squeeze %parallel_loop3A_606 : memref<1x32x768xf32, #tpu.memory_space<vmem>> -> memref<32x768xf32, #tpu.memory_space<vmem>>
        %parallel_loop3A_608 = arith.index_cast %parallel_loop3A_469 : i32 to index
        %parallel_loop3A_609 = arith.constant 352 : index
        %parallel_loop3A_610 = tpu.vector_load %parallel_loop3A_607[%parallel_loop3A_608, %parallel_loop3A_609] {strides = array<i32>} : memref<32x768xf32, #tpu.memory_space<vmem>>, vector<1x16xf32>,
        %parallel_loop3A_611 = vector.shape_cast %parallel_loop3A_610 : vector<1x16xf32> to vector<16xf32>
        %parallel_loop3A_612 = arith.mulf %parallel_loop3A_611, %parallel_loop3A_473 : vector<16xf32>
        %parallel_loop3A_613 = arith.subf %parallel_loop3A_612, %parallel_loop3A_477 : vector<16xf32>
        %parallel_loop3A_614 = arith.mulf %parallel_loop3A_613, %get3A_273 : vector<16xf32>
        %parallel_loop3A_615 = arith.addf %parallel_loop3A_614, %get3A_321 : vector<16xf32>
        %parallel_loop3A_616 = arith.constant 0 : i32
        %parallel_loop3A_617 = arith.constant 0 : i32
        %parallel_loop3A_618 = tpu.memref_slice %arg9[%and3A_113, %parallel_loop3A_616, %parallel_loop3A_617] : memref<4x32x768xf32, #tpu.memory_space<vmem>> -> memref<1x32x768xf32, #tpu.memory_space<vmem>>
        %parallel_loop3A_619 = tpu.memref_squeeze %parallel_loop3A_618 : memref<1x32x768xf32, #tpu.memory_space<vmem>> -> memref<32x768xf32, #tpu.memory_space<vmem>>
        %parallel_loop3A_620 = arith.index_cast %parallel_loop3A_469 : i32 to index
        %parallel_loop3A_621 = arith.constant 352 : index
        %parallel_loop3A_622 = tpu.vector_load %parallel_loop3A_619[%parallel_loop3A_620, %parallel_loop3A_621] {strides = array<i32>} : memref<32x768xf32, #tpu.memory_space<vmem>>, vector<1x16xf32>,
        %parallel_loop3A_623 = vector.shape_cast %parallel_loop3A_622 : vector<1x16xf32> to vector<16xf32>
        %parallel_loop3A_624 = vector.shape_cast %parallel_loop3A_615 : vector<16xf32> to vector<1x16xf32>
        tpu.vector_store %parallel_loop3A_619[%parallel_loop3A_620, %parallel_loop3A_621], %parallel_loop3A_624 {strides = array<i32>} : memref<32x768xf32, #tpu.memory_space<vmem>>, vector<1x16xf32>,
        %parallel_loop3A_625 = arith.constant 0 : i32
        %parallel_loop3A_626 = arith.constant 0 : i32
        %parallel_loop3A_627 = tpu.memref_slice %arg9[%and3A_113, %parallel_loop3A_625, %parallel_loop3A_626] : memref<4x32x768xf32, #tpu.memory_space<vmem>> -> memref<1x32x768xf32, #tpu.memory_space<vmem>>
        %parallel_loop3A_628 = tpu.memref_squeeze %parallel_loop3A_627 : memref<1x32x768xf32, #tpu.memory_space<vmem>> -> memref<32x768xf32, #tpu.memory_space<vmem>>
        %parallel_loop3A_629 = arith.index_cast %parallel_loop3A_469 : i32 to index
        %parallel_loop3A_630 = arith.constant 368 : index
        %parallel_loop3A_631 = tpu.vector_load %parallel_loop3A_628[%parallel_loop3A_629, %parallel_loop3A_630] {strides = array<i32>} : memref<32x768xf32, #tpu.memory_space<vmem>>, vector<1x16xf32>,
        %parallel_loop3A_632 = vector.shape_cast %parallel_loop3A_631 : vector<1x16xf32> to vector<16xf32>
        %parallel_loop3A_633 = arith.mulf %parallel_loop3A_632, %parallel_loop3A_473 : vector<16xf32>
        %parallel_loop3A_634 = arith.subf %parallel_loop3A_633, %parallel_loop3A_477 : vector<16xf32>
        %parallel_loop3A_635 = arith.mulf %parallel_loop3A_634, %get3A_276 : vector<16xf32>
        %parallel_loop3A_636 = arith.addf %parallel_loop3A_635, %get3A_324 : vector<16xf32>
        %parallel_loop3A_637 = arith.constant 0 : i32
        %parallel_loop3A_638 = arith.constant 0 : i32
        %parallel_loop3A_639 = tpu.memref_slice %arg9[%and3A_113, %parallel_loop3A_637, %parallel_loop3A_638] : memref<4x32x768xf32, #tpu.memory_space<vmem>> -> memref<1x32x768xf32, #tpu.memory_space<vmem>>
        %parallel_loop3A_640 = tpu.memref_squeeze %parallel_loop3A_639 : memref<1x32x768xf32, #tpu.memory_space<vmem>> -> memref<32x768xf32, #tpu.memory_space<vmem>>
        %parallel_loop3A_641 = arith.index_cast %parallel_loop3A_469 : i32 to index
        %parallel_loop3A_642 = arith.constant 368 : index
        %parallel_loop3A_643 = tpu.vector_load %parallel_loop3A_640[%parallel_loop3A_641, %parallel_loop3A_642] {strides = array<i32>} : memref<32x768xf32, #tpu.memory_space<vmem>>, vector<1x16xf32>,
        %parallel_loop3A_644 = vector.shape_cast %parallel_loop3A_643 : vector<1x16xf32> to vector<16xf32>
        %parallel_loop3A_645 = vector.shape_cast %parallel_loop3A_636 : vector<16xf32> to vector<1x16xf32>
        tpu.vector_store %parallel_loop3A_640[%parallel_loop3A_641, %parallel_loop3A_642], %parallel_loop3A_645 {strides = array<i32>} : memref<32x768xf32, #tpu.memory_space<vmem>>, vector<1x16xf32>,
        %parallel_loop3A_646 = arith.constant 0 : i32
        %parallel_loop3A_647 = arith.constant 0 : i32
        %parallel_loop3A_648 = tpu.memref_slice %arg9[%and3A_113, %parallel_loop3A_646, %parallel_loop3A_647] : memref<4x32x768xf32, #tpu.memory_space<vmem>> -> memref<1x32x768xf32, #tpu.memory_space<vmem>>
        %parallel_loop3A_649 = tpu.memref_squeeze %parallel_loop3A_648 : memref<1x32x768xf32, #tpu.memory_space<vmem>> -> memref<32x768xf32, #tpu.memory_space<vmem>>
        %parallel_loop3A_650 = arith.index_cast %parallel_loop3A_469 : i32 to index
        %parallel_loop3A_651 = arith.constant 384 : index
        %parallel_loop3A_652 = tpu.vector_load %parallel_loop3A_649[%parallel_loop3A_650, %parallel_loop3A_651] {strides = array<i32>} : memref<32x768xf32, #tpu.memory_space<vmem>>, vector<1x16xf32>,
        %parallel_loop3A_653 = vector.shape_cast %parallel_loop3A_652 : vector<1x16xf32> to vector<16xf32>
        %parallel_loop3A_654 = arith.mulf %parallel_loop3A_653, %parallel_loop3A_473 : vector<16xf32>
        %parallel_loop3A_655 = arith.subf %parallel_loop3A_654, %parallel_loop3A_477 : vector<16xf32>
        %parallel_loop3A_656 = arith.mulf %parallel_loop3A_655, %get3A_279 : vector<16xf32>
        %parallel_loop3A_657 = arith.addf %parallel_loop3A_656, %get3A_327 : vector<16xf32>
        %parallel_loop3A_658 = arith.constant 0 : i32
        %parallel_loop3A_659 = arith.constant 0 : i32
        %parallel_loop3A_660 = tpu.memref_slice %arg9[%and3A_113, %parallel_loop3A_658, %parallel_loop3A_659] : memref<4x32x768xf32, #tpu.memory_space<vmem>> -> memref<1x32x768xf32, #tpu.memory_space<vmem>>
        %parallel_loop3A_661 = tpu.memref_squeeze %parallel_loop3A_660 : memref<1x32x768xf32, #tpu.memory_space<vmem>> -> memref<32x768xf32, #tpu.memory_space<vmem>>
        %parallel_loop3A_662 = arith.index_cast %parallel_loop3A_469 : i32 to index
        %parallel_loop3A_663 = arith.constant 384 : index
        %parallel_loop3A_664 = tpu.vector_load %parallel_loop3A_661[%parallel_loop3A_662, %parallel_loop3A_663] {strides = array<i32>} : memref<32x768xf32, #tpu.memory_space<vmem>>, vector<1x16xf32>,
        %parallel_loop3A_665 = vector.shape_cast %parallel_loop3A_664 : vector<1x16xf32> to vector<16xf32>
        %parallel_loop3A_666 = vector.shape_cast %parallel_loop3A_657 : vector<16xf32> to vector<1x16xf32>
        tpu.vector_store %parallel_loop3A_661[%parallel_loop3A_662, %parallel_loop3A_663], %parallel_loop3A_666 {strides = array<i32>} : memref<32x768xf32, #tpu.memory_space<vmem>>, vector<1x16xf32>,
        %parallel_loop3A_667 = arith.constant 0 : i32
        %parallel_loop3A_668 = arith.constant 0 : i32
        %parallel_loop3A_669 = tpu.memref_slice %arg9[%and3A_113, %parallel_loop3A_667, %parallel_loop3A_668] : memref<4x32x768xf32, #tpu.memory_space<vmem>> -> memref<1x32x768xf32, #tpu.memory_space<vmem>>
        %parallel_loop3A_670 = tpu.memref_squeeze %parallel_loop3A_669 : memref<1x32x768xf32, #tpu.memory_space<vmem>> -> memref<32x768xf32, #tpu.memory_space<vmem>>
        %parallel_loop3A_671 = arith.index_cast %parallel_loop3A_469 : i32 to index
        %parallel_loop3A_672 = arith.constant 400 : index
        %parallel_loop3A_673 = tpu.vector_load %parallel_loop3A_670[%parallel_loop3A_671, %parallel_loop3A_672] {strides = array<i32>} : memref<32x768xf32, #tpu.memory_space<vmem>>, vector<1x16xf32>,
        %parallel_loop3A_674 = vector.shape_cast %parallel_loop3A_673 : vector<1x16xf32> to vector<16xf32>
        %parallel_loop3A_675 = arith.mulf %parallel_loop3A_674, %parallel_loop3A_473 : vector<16xf32>
        %parallel_loop3A_676 = arith.subf %parallel_loop3A_675, %parallel_loop3A_477 : vector<16xf32>
        %parallel_loop3A_677 = arith.mulf %parallel_loop3A_676, %get3A_282 : vector<16xf32>
        %parallel_loop3A_678 = arith.addf %parallel_loop3A_677, %get3A_330 : vector<16xf32>
        %parallel_loop3A_679 = arith.constant 0 : i32
        %parallel_loop3A_680 = arith.constant 0 : i32
        %parallel_loop3A_681 = tpu.memref_slice %arg9[%and3A_113, %parallel_loop3A_679, %parallel_loop3A_680] : memref<4x32x768xf32, #tpu.memory_space<vmem>> -> memref<1x32x768xf32, #tpu.memory_space<vmem>>
        %parallel_loop3A_682 = tpu.memref_squeeze %parallel_loop3A_681 : memref<1x32x768xf32, #tpu.memory_space<vmem>> -> memref<32x768xf32, #tpu.memory_space<vmem>>
        %parallel_loop3A_683 = arith.index_cast %parallel_loop3A_469 : i32 to index
        %parallel_loop3A_684 = arith.constant 400 : index
        %parallel_loop3A_685 = tpu.vector_load %parallel_loop3A_682[%parallel_loop3A_683, %parallel_loop3A_684] {strides = array<i32>} : memref<32x768xf32, #tpu.memory_space<vmem>>, vector<1x16xf32>,
        %parallel_loop3A_686 = vector.shape_cast %parallel_loop3A_685 : vector<1x16xf32> to vector<16xf32>
        %parallel_loop3A_687 = vector.shape_cast %parallel_loop3A_678 : vector<16xf32> to vector<1x16xf32>
        tpu.vector_store %parallel_loop3A_682[%parallel_loop3A_683, %parallel_loop3A_684], %parallel_loop3A_687 {strides = array<i32>} : memref<32x768xf32, #tpu.memory_space<vmem>>, vector<1x16xf32>,
        %parallel_loop3A_688 = arith.constant 0 : i32
        %parallel_loop3A_689 = arith.constant 0 : i32
        %parallel_loop3A_690 = tpu.memref_slice %arg9[%and3A_113, %parallel_loop3A_688, %parallel_loop3A_689] : memref<4x32x768xf32, #tpu.memory_space<vmem>> -> memref<1x32x768xf32, #tpu.memory_space<vmem>>
        %parallel_loop3A_691 = tpu.memref_squeeze %parallel_loop3A_690 : memref<1x32x768xf32, #tpu.memory_space<vmem>> -> memref<32x768xf32, #tpu.memory_space<vmem>>
        %parallel_loop3A_692 = arith.index_cast %parallel_loop3A_469 : i32 to index
        %parallel_loop3A_693 = arith.constant 416 : index
        %parallel_loop3A_694 = tpu.vector_load %parallel_loop3A_691[%parallel_loop3A_692, %parallel_loop3A_693] {strides = array<i32>} : memref<32x768xf32, #tpu.memory_space<vmem>>, vector<1x16xf32>,
        %parallel_loop3A_695 = vector.shape_cast %parallel_loop3A_694 : vector<1x16xf32> to vector<16xf32>
        %parallel_loop3A_696 = arith.mulf %parallel_loop3A_695, %parallel_loop3A_473 : vector<16xf32>
        %parallel_loop3A_697 = arith.subf %parallel_loop3A_696, %parallel_loop3A_477 : vector<16xf32>
        %parallel_loop3A_698 = arith.mulf %parallel_loop3A_697, %get3A_285 : vector<16xf32>
        %parallel_loop3A_699 = arith.addf %parallel_loop3A_698, %get3A_333 : vector<16xf32>
        %parallel_loop3A_700 = arith.constant 0 : i32
        %parallel_loop3A_701 = arith.constant 0 : i32
        %parallel_loop3A_702 = tpu.memref_slice %arg9[%and3A_113, %parallel_loop3A_700, %parallel_loop3A_701] : memref<4x32x768xf32, #tpu.memory_space<vmem>> -> memref<1x32x768xf32, #tpu.memory_space<vmem>>
        %parallel_loop3A_703 = tpu.memref_squeeze %parallel_loop3A_702 : memref<1x32x768xf32, #tpu.memory_space<vmem>> -> memref<32x768xf32, #tpu.memory_space<vmem>>
        %parallel_loop3A_704 = arith.index_cast %parallel_loop3A_469 : i32 to index
        %parallel_loop3A_705 = arith.constant 416 : index
        %parallel_loop3A_706 = tpu.vector_load %parallel_loop3A_703[%parallel_loop3A_704, %parallel_loop3A_705] {strides = array<i32>} : memref<32x768xf32, #tpu.memory_space<vmem>>, vector<1x16xf32>,
        %parallel_loop3A_707 = vector.shape_cast %parallel_loop3A_706 : vector<1x16xf32> to vector<16xf32>
        %parallel_loop3A_708 = vector.shape_cast %parallel_loop3A_699 : vector<16xf32> to vector<1x16xf32>
        tpu.vector_store %parallel_loop3A_703[%parallel_loop3A_704, %parallel_loop3A_705], %parallel_loop3A_708 {strides = array<i32>} : memref<32x768xf32, #tpu.memory_space<vmem>>, vector<1x16xf32>,
        %parallel_loop3A_709 = arith.constant 0 : i32
        %parallel_loop3A_710 = arith.constant 0 : i32
        %parallel_loop3A_711 = tpu.memref_slice %arg9[%and3A_113, %parallel_loop3A_709, %parallel_loop3A_710] : memref<4x32x768xf32, #tpu.memory_space<vmem>> -> memref<1x32x768xf32, #tpu.memory_space<vmem>>
        %parallel_loop3A_712 = tpu.memref_squeeze %parallel_loop3A_711 : memref<1x32x768xf32, #tpu.memory_space<vmem>> -> memref<32x768xf32, #tpu.memory_space<vmem>>
        %parallel_loop3A_713 = arith.index_cast %parallel_loop3A_469 : i32 to index
        %parallel_loop3A_714 = arith.constant 432 : index
        %parallel_loop3A_715 = tpu.vector_load %parallel_loop3A_712[%parallel_loop3A_713, %parallel_loop3A_714] {strides = array<i32>} : memref<32x768xf32, #tpu.memory_space<vmem>>, vector<1x16xf32>,
        %parallel_loop3A_716 = vector.shape_cast %parallel_loop3A_715 : vector<1x16xf32> to vector<16xf32>
        %parallel_loop3A_717 = arith.mulf %parallel_loop3A_716, %parallel_loop3A_473 : vector<16xf32>
        %parallel_loop3A_718 = arith.subf %parallel_loop3A_717, %parallel_loop3A_477 : vector<16xf32>
        %parallel_loop3A_719 = arith.mulf %parallel_loop3A_718, %get3A_288 : vector<16xf32>
        %parallel_loop3A_720 = arith.addf %parallel_loop3A_719, %get3A_336 : vector<16xf32>
        %parallel_loop3A_721 = arith.constant 0 : i32
        %parallel_loop3A_722 = arith.constant 0 : i32
        %parallel_loop3A_723 = tpu.memref_slice %arg9[%and3A_113, %parallel_loop3A_721, %parallel_loop3A_722] : memref<4x32x768xf32, #tpu.memory_space<vmem>> -> memref<1x32x768xf32, #tpu.memory_space<vmem>>
        %parallel_loop3A_724 = tpu.memref_squeeze %parallel_loop3A_723 : memref<1x32x768xf32, #tpu.memory_space<vmem>> -> memref<32x768xf32, #tpu.memory_space<vmem>>
        %parallel_loop3A_725 = arith.index_cast %parallel_loop3A_469 : i32 to index
        %parallel_loop3A_726 = arith.constant 432 : index
        %parallel_loop3A_727 = tpu.vector_load %parallel_loop3A_724[%parallel_loop3A_725, %parallel_loop3A_726] {strides = array<i32>} : memref<32x768xf32, #tpu.memory_space<vmem>>, vector<1x16xf32>,
        %parallel_loop3A_728 = vector.shape_cast %parallel_loop3A_727 : vector<1x16xf32> to vector<16xf32>
        %parallel_loop3A_729 = vector.shape_cast %parallel_loop3A_720 : vector<16xf32> to vector<1x16xf32>
        tpu.vector_store %parallel_loop3A_724[%parallel_loop3A_725, %parallel_loop3A_726], %parallel_loop3A_729 {strides = array<i32>} : memref<32x768xf32, #tpu.memory_space<vmem>>, vector<1x16xf32>,
        %parallel_loop3A_730 = arith.constant 0 : i32
        %parallel_loop3A_731 = arith.constant 0 : i32
        %parallel_loop3A_732 = tpu.memref_slice %arg9[%and3A_113, %parallel_loop3A_730, %parallel_loop3A_731] : memref<4x32x768xf32, #tpu.memory_space<vmem>> -> memref<1x32x768xf32, #tpu.memory_space<vmem>>
        %parallel_loop3A_733 = tpu.memref_squeeze %parallel_loop3A_732 : memref<1x32x768xf32, #tpu.memory_space<vmem>> -> memref<32x768xf32, #tpu.memory_space<vmem>>
        %parallel_loop3A_734 = arith.index_cast %parallel_loop3A_469 : i32 to index
        %parallel_loop3A_735 = arith.constant 448 : index
        %parallel_loop3A_736 = tpu.vector_load %parallel_loop3A_733[%parallel_loop3A_734, %parallel_loop3A_735] {strides = array<i32>} : memref<32x768xf32, #tpu.memory_space<vmem>>, vector<1x16xf32>,
        %parallel_loop3A_737 = vector.shape_cast %parallel_loop3A_736 : vector<1x16xf32> to vector<16xf32>
        %parallel_loop3A_738 = arith.mulf %parallel_loop3A_737, %parallel_loop3A_473 : vector<16xf32>
        %parallel_loop3A_739 = arith.subf %parallel_loop3A_738, %parallel_loop3A_477 : vector<16xf32>
        %parallel_loop3A_740 = arith.mulf %parallel_loop3A_739, %get3A_291 : vector<16xf32>
        %parallel_loop3A_741 = arith.addf %parallel_loop3A_740, %get3A_339 : vector<16xf32>
        %parallel_loop3A_742 = arith.constant 0 : i32
        %parallel_loop3A_743 = arith.constant 0 : i32
        %parallel_loop3A_744 = tpu.memref_slice %arg9[%and3A_113, %parallel_loop3A_742, %parallel_loop3A_743] : memref<4x32x768xf32, #tpu.memory_space<vmem>> -> memref<1x32x768xf32, #tpu.memory_space<vmem>>
        %parallel_loop3A_745 = tpu.memref_squeeze %parallel_loop3A_744 : memref<1x32x768xf32, #tpu.memory_space<vmem>> -> memref<32x768xf32, #tpu.memory_space<vmem>>
        %parallel_loop3A_746 = arith.index_cast %parallel_loop3A_469 : i32 to index
        %parallel_loop3A_747 = arith.constant 448 : index
        %parallel_loop3A_748 = tpu.vector_load %parallel_loop3A_745[%parallel_loop3A_746, %parallel_loop3A_747] {strides = array<i32>} : memref<32x768xf32, #tpu.memory_space<vmem>>, vector<1x16xf32>,
        %parallel_loop3A_749 = vector.shape_cast %parallel_loop3A_748 : vector<1x16xf32> to vector<16xf32>
        %parallel_loop3A_750 = vector.shape_cast %parallel_loop3A_741 : vector<16xf32> to vector<1x16xf32>
        tpu.vector_store %parallel_loop3A_745[%parallel_loop3A_746, %parallel_loop3A_747], %parallel_loop3A_750 {strides = array<i32>} : memref<32x768xf32, #tpu.memory_space<vmem>>, vector<1x16xf32>,
        %parallel_loop3A_751 = arith.constant 0 : i32
        %parallel_loop3A_752 = arith.constant 0 : i32
        %parallel_loop3A_753 = tpu.memref_slice %arg9[%and3A_113, %parallel_loop3A_751, %parallel_loop3A_752] : memref<4x32x768xf32, #tpu.memory_space<vmem>> -> memref<1x32x768xf32, #tpu.memory_space<vmem>>
        %parallel_loop3A_754 = tpu.memref_squeeze %parallel_loop3A_753 : memref<1x32x768xf32, #tpu.memory_space<vmem>> -> memref<32x768xf32, #tpu.memory_space<vmem>>
        %parallel_loop3A_755 = arith.index_cast %parallel_loop3A_469 : i32 to index
        %parallel_loop3A_756 = arith.constant 464 : index
        %parallel_loop3A_757 = tpu.vector_load %parallel_loop3A_754[%parallel_loop3A_755, %parallel_loop3A_756] {strides = array<i32>} : memref<32x768xf32, #tpu.memory_space<vmem>>, vector<1x16xf32>,
        %parallel_loop3A_758 = vector.shape_cast %parallel_loop3A_757 : vector<1x16xf32> to vector<16xf32>
        %parallel_loop3A_759 = arith.mulf %parallel_loop3A_758, %parallel_loop3A_473 : vector<16xf32>
        %parallel_loop3A_760 = arith.subf %parallel_loop3A_759, %parallel_loop3A_477 : vector<16xf32>
        %parallel_loop3A_761 = arith.mulf %parallel_loop3A_760, %get3A_294 : vector<16xf32>
        %parallel_loop3A_762 = arith.addf %parallel_loop3A_761, %get3A_342 : vector<16xf32>
        %parallel_loop3A_763 = arith.constant 0 : i32
        %parallel_loop3A_764 = arith.constant 0 : i32
        %parallel_loop3A_765 = tpu.memref_slice %arg9[%and3A_113, %parallel_loop3A_763, %parallel_loop3A_764] : memref<4x32x768xf32, #tpu.memory_space<vmem>> -> memref<1x32x768xf32, #tpu.memory_space<vmem>>
        %parallel_loop3A_766 = tpu.memref_squeeze %parallel_loop3A_765 : memref<1x32x768xf32, #tpu.memory_space<vmem>> -> memref<32x768xf32, #tpu.memory_space<vmem>>
        %parallel_loop3A_767 = arith.index_cast %parallel_loop3A_469 : i32 to index
        %parallel_loop3A_768 = arith.constant 464 : index
        %parallel_loop3A_769 = tpu.vector_load %parallel_loop3A_766[%parallel_loop3A_767, %parallel_loop3A_768] {strides = array<i32>} : memref<32x768xf32, #tpu.memory_space<vmem>>, vector<1x16xf32>,
        %parallel_loop3A_770 = vector.shape_cast %parallel_loop3A_769 : vector<1x16xf32> to vector<16xf32>
        %parallel_loop3A_771 = vector.shape_cast %parallel_loop3A_762 : vector<16xf32> to vector<1x16xf32>
        tpu.vector_store %parallel_loop3A_766[%parallel_loop3A_767, %parallel_loop3A_768], %parallel_loop3A_771 {strides = array<i32>} : memref<32x768xf32, #tpu.memory_space<vmem>>, vector<1x16xf32>,
        %parallel_loop3A_772 = arith.constant 0 : i32
        %parallel_loop3A_773 = arith.constant 0 : i32
        %parallel_loop3A_774 = tpu.memref_slice %arg9[%and3A_113, %parallel_loop3A_772, %parallel_loop3A_773] : memref<4x32x768xf32, #tpu.memory_space<vmem>> -> memref<1x32x768xf32, #tpu.memory_space<vmem>>
        %parallel_loop3A_775 = tpu.memref_squeeze %parallel_loop3A_774 : memref<1x32x768xf32, #tpu.memory_space<vmem>> -> memref<32x768xf32, #tpu.memory_space<vmem>>
        %parallel_loop3A_776 = arith.index_cast %parallel_loop3A_469 : i32 to index
        %parallel_loop3A_777 = arith.constant 480 : index
        %parallel_loop3A_778 = tpu.vector_load %parallel_loop3A_775[%parallel_loop3A_776, %parallel_loop3A_777] {strides = array<i32>} : memref<32x768xf32, #tpu.memory_space<vmem>>, vector<1x16xf32>,
        %parallel_loop3A_779 = vector.shape_cast %parallel_loop3A_778 : vector<1x16xf32> to vector<16xf32>
        %parallel_loop3A_780 = arith.mulf %parallel_loop3A_779, %parallel_loop3A_473 : vector<16xf32>
        %parallel_loop3A_781 = arith.subf %parallel_loop3A_780, %parallel_loop3A_477 : vector<16xf32>
        %parallel_loop3A_782 = arith.mulf %parallel_loop3A_781, %get3A_297 : vector<16xf32>
        %parallel_loop3A_783 = arith.addf %parallel_loop3A_782, %get3A_345 : vector<16xf32>
        %parallel_loop3A_784 = arith.constant 0 : i32
        %parallel_loop3A_785 = arith.constant 0 : i32
        %parallel_loop3A_786 = tpu.memref_slice %arg9[%and3A_113, %parallel_loop3A_784, %parallel_loop3A_785] : memref<4x32x768xf32, #tpu.memory_space<vmem>> -> memref<1x32x768xf32, #tpu.memory_space<vmem>>
        %parallel_loop3A_787 = tpu.memref_squeeze %parallel_loop3A_786 : memref<1x32x768xf32, #tpu.memory_space<vmem>> -> memref<32x768xf32, #tpu.memory_space<vmem>>
        %parallel_loop3A_788 = arith.index_cast %parallel_loop3A_469 : i32 to index
        %parallel_loop3A_789 = arith.constant 480 : index
        %parallel_loop3A_790 = tpu.vector_load %parallel_loop3A_787[%parallel_loop3A_788, %parallel_loop3A_789] {strides = array<i32>} : memref<32x768xf32, #tpu.memory_space<vmem>>, vector<1x16xf32>,
        %parallel_loop3A_791 = vector.shape_cast %parallel_loop3A_790 : vector<1x16xf32> to vector<16xf32>
        %parallel_loop3A_792 = vector.shape_cast %parallel_loop3A_783 : vector<16xf32> to vector<1x16xf32>
        tpu.vector_store %parallel_loop3A_787[%parallel_loop3A_788, %parallel_loop3A_789], %parallel_loop3A_792 {strides = array<i32>} : memref<32x768xf32, #tpu.memory_space<vmem>>, vector<1x16xf32>,
        %parallel_loop3A_793 = arith.constant 0 : i32
        %parallel_loop3A_794 = arith.constant 0 : i32
        %parallel_loop3A_795 = tpu.memref_slice %arg9[%and3A_113, %parallel_loop3A_793, %parallel_loop3A_794] : memref<4x32x768xf32, #tpu.memory_space<vmem>> -> memref<1x32x768xf32, #tpu.memory_space<vmem>>
        %parallel_loop3A_796 = tpu.memref_squeeze %parallel_loop3A_795 : memref<1x32x768xf32, #tpu.memory_space<vmem>> -> memref<32x768xf32, #tpu.memory_space<vmem>>
        %parallel_loop3A_797 = arith.index_cast %parallel_loop3A_469 : i32 to index
        %parallel_loop3A_798 = arith.constant 496 : index
        %parallel_loop3A_799 = tpu.vector_load %parallel_loop3A_796[%parallel_loop3A_797, %parallel_loop3A_798] {strides = array<i32>} : memref<32x768xf32, #tpu.memory_space<vmem>>, vector<1x16xf32>,
        %parallel_loop3A_800 = vector.shape_cast %parallel_loop3A_799 : vector<1x16xf32> to vector<16xf32>
        %parallel_loop3A_801 = arith.mulf %parallel_loop3A_800, %parallel_loop3A_473 : vector<16xf32>
        %parallel_loop3A_802 = arith.subf %parallel_loop3A_801, %parallel_loop3A_477 : vector<16xf32>
        %parallel_loop3A_803 = arith.mulf %parallel_loop3A_802, %get3A_300 : vector<16xf32>
        %parallel_loop3A_804 = arith.addf %parallel_loop3A_803, %get3A_348 : vector<16xf32>
        %parallel_loop3A_805 = arith.constant 0 : i32
        %parallel_loop3A_806 = arith.constant 0 : i32
        %parallel_loop3A_807 = tpu.memref_slice %arg9[%and3A_113, %parallel_loop3A_805, %parallel_loop3A_806] : memref<4x32x768xf32, #tpu.memory_space<vmem>> -> memref<1x32x768xf32, #tpu.memory_space<vmem>>
        %parallel_loop3A_808 = tpu.memref_squeeze %parallel_loop3A_807 : memref<1x32x768xf32, #tpu.memory_space<vmem>> -> memref<32x768xf32, #tpu.memory_space<vmem>>
        %parallel_loop3A_809 = arith.index_cast %parallel_loop3A_469 : i32 to index
        %parallel_loop3A_810 = arith.constant 496 : index
        %parallel_loop3A_811 = tpu.vector_load %parallel_loop3A_808[%parallel_loop3A_809, %parallel_loop3A_810] {strides = array<i32>} : memref<32x768xf32, #tpu.memory_space<vmem>>, vector<1x16xf32>,
        %parallel_loop3A_812 = vector.shape_cast %parallel_loop3A_811 : vector<1x16xf32> to vector<16xf32>
        %parallel_loop3A_813 = vector.shape_cast %parallel_loop3A_804 : vector<16xf32> to vector<1x16xf32>
        tpu.vector_store %parallel_loop3A_808[%parallel_loop3A_809, %parallel_loop3A_810], %parallel_loop3A_813 {strides = array<i32>} : memref<32x768xf32, #tpu.memory_space<vmem>>, vector<1x16xf32>,
      } {sc.loop_unroll_factor = 2 : i64, sc.parallel_access}
      %get3A_352 = arith.constant 512 : index
      %get3A_353 = tpu.vector_load %arg12[%get3A_352] {strides = array<i32>} : memref<768xf32, #tpu.memory_space<vmem>>, vector<16xf32>,
      %get3A_354 = vector.shape_cast %get3A_353 : vector<16xf32> to vector<16xf32>
      %get3A_355 = arith.constant 528 : index
      %get3A_356 = tpu.vector_load %arg12[%get3A_355] {strides = array<i32>} : memref<768xf32, #tpu.memory_space<vmem>>, vector<16xf32>,
      %get3A_357 = vector.shape_cast %get3A_356 : vector<16xf32> to vector<16xf32>
      %get3A_358 = arith.constant 544 : index
      %get3A_359 = tpu.vector_load %arg12[%get3A_358] {strides = array<i32>} : memref<768xf32, #tpu.memory_space<vmem>>, vector<16xf32>,
      %get3A_360 = vector.shape_cast %get3A_359 : vector<16xf32> to vector<16xf32>
      %get3A_361 = arith.constant 560 : index
      %get3A_362 = tpu.vector_load %arg12[%get3A_361] {strides = array<i32>} : memref<768xf32, #tpu.memory_space<vmem>>, vector<16xf32>,
      %get3A_363 = vector.shape_cast %get3A_362 : vector<16xf32> to vector<16xf32>
      %get3A_364 = arith.constant 576 : index
      %get3A_365 = tpu.vector_load %arg12[%get3A_364] {strides = array<i32>} : memref<768xf32, #tpu.memory_space<vmem>>, vector<16xf32>,
      %get3A_366 = vector.shape_cast %get3A_365 : vector<16xf32> to vector<16xf32>
      %get3A_367 = arith.constant 592 : index
      %get3A_368 = tpu.vector_load %arg12[%get3A_367] {strides = array<i32>} : memref<768xf32, #tpu.memory_space<vmem>>, vector<16xf32>,
      %get3A_369 = vector.shape_cast %get3A_368 : vector<16xf32> to vector<16xf32>
      %get3A_370 = arith.constant 608 : index
      %get3A_371 = tpu.vector_load %arg12[%get3A_370] {strides = array<i32>} : memref<768xf32, #tpu.memory_space<vmem>>, vector<16xf32>,
      %get3A_372 = vector.shape_cast %get3A_371 : vector<16xf32> to vector<16xf32>
      %get3A_373 = arith.constant 624 : index
      %get3A_374 = tpu.vector_load %arg12[%get3A_373] {strides = array<i32>} : memref<768xf32, #tpu.memory_space<vmem>>, vector<16xf32>,
      %get3A_375 = vector.shape_cast %get3A_374 : vector<16xf32> to vector<16xf32>
      %get3A_376 = arith.constant 640 : index
      %get3A_377 = tpu.vector_load %arg12[%get3A_376] {strides = array<i32>} : memref<768xf32, #tpu.memory_space<vmem>>, vector<16xf32>,
      %get3A_378 = vector.shape_cast %get3A_377 : vector<16xf32> to vector<16xf32>
      %get3A_379 = arith.constant 656 : index
      %get3A_380 = tpu.vector_load %arg12[%get3A_379] {strides = array<i32>} : memref<768xf32, #tpu.memory_space<vmem>>, vector<16xf32>,
      %get3A_381 = vector.shape_cast %get3A_380 : vector<16xf32> to vector<16xf32>
      %get3A_382 = arith.constant 672 : index
      %get3A_383 = tpu.vector_load %arg12[%get3A_382] {strides = array<i32>} : memref<768xf32, #tpu.memory_space<vmem>>, vector<16xf32>,
      %get3A_384 = vector.shape_cast %get3A_383 : vector<16xf32> to vector<16xf32>
      %get3A_385 = arith.constant 688 : index
      %get3A_386 = tpu.vector_load %arg12[%get3A_385] {strides = array<i32>} : memref<768xf32, #tpu.memory_space<vmem>>, vector<16xf32>,
      %get3A_387 = vector.shape_cast %get3A_386 : vector<16xf32> to vector<16xf32>
      %get3A_388 = arith.constant 704 : index
      %get3A_389 = tpu.vector_load %arg12[%get3A_388] {strides = array<i32>} : memref<768xf32, #tpu.memory_space<vmem>>, vector<16xf32>,
      %get3A_390 = vector.shape_cast %get3A_389 : vector<16xf32> to vector<16xf32>
      %get3A_391 = arith.constant 720 : index
      %get3A_392 = tpu.vector_load %arg12[%get3A_391] {strides = array<i32>} : memref<768xf32, #tpu.memory_space<vmem>>, vector<16xf32>,
      %get3A_393 = vector.shape_cast %get3A_392 : vector<16xf32> to vector<16xf32>
      %get3A_394 = arith.constant 736 : index
      %get3A_395 = tpu.vector_load %arg12[%get3A_394] {strides = array<i32>} : memref<768xf32, #tpu.memory_space<vmem>>, vector<16xf32>,
      %get3A_396 = vector.shape_cast %get3A_395 : vector<16xf32> to vector<16xf32>
      %get3A_397 = arith.constant 752 : index
      %get3A_398 = tpu.vector_load %arg12[%get3A_397] {strides = array<i32>} : memref<768xf32, #tpu.memory_space<vmem>>, vector<16xf32>,
      %get3A_399 = vector.shape_cast %get3A_398 : vector<16xf32> to vector<16xf32>
      %get3A_400 = arith.constant 512 : index
      %get3A_401 = tpu.vector_load %arg13[%get3A_400] {strides = array<i32>} : memref<768xf32, #tpu.memory_space<vmem>>, vector<16xf32>,
      %get3A_402 = vector.shape_cast %get3A_401 : vector<16xf32> to vector<16xf32>
      %get3A_403 = arith.constant 528 : index
      %get3A_404 = tpu.vector_load %arg13[%get3A_403] {strides = array<i32>} : memref<768xf32, #tpu.memory_space<vmem>>, vector<16xf32>,
      %get3A_405 = vector.shape_cast %get3A_404 : vector<16xf32> to vector<16xf32>
      %get3A_406 = arith.constant 544 : index
      %get3A_407 = tpu.vector_load %arg13[%get3A_406] {strides = array<i32>} : memref<768xf32, #tpu.memory_space<vmem>>, vector<16xf32>,
      %get3A_408 = vector.shape_cast %get3A_407 : vector<16xf32> to vector<16xf32>
      %get3A_409 = arith.constant 560 : index
      %get3A_410 = tpu.vector_load %arg13[%get3A_409] {strides = array<i32>} : memref<768xf32, #tpu.memory_space<vmem>>, vector<16xf32>,
      %get3A_411 = vector.shape_cast %get3A_410 : vector<16xf32> to vector<16xf32>
      %get3A_412 = arith.constant 576 : index
      %get3A_413 = tpu.vector_load %arg13[%get3A_412] {strides = array<i32>} : memref<768xf32, #tpu.memory_space<vmem>>, vector<16xf32>,
      %get3A_414 = vector.shape_cast %get3A_413 : vector<16xf32> to vector<16xf32>
      %get3A_415 = arith.constant 592 : index
      %get3A_416 = tpu.vector_load %arg13[%get3A_415] {strides = array<i32>} : memref<768xf32, #tpu.memory_space<vmem>>, vector<16xf32>,
      %get3A_417 = vector.shape_cast %get3A_416 : vector<16xf32> to vector<16xf32>
      %get3A_418 = arith.constant 608 : index
      %get3A_419 = tpu.vector_load %arg13[%get3A_418] {strides = array<i32>} : memref<768xf32, #tpu.memory_space<vmem>>, vector<16xf32>,
      %get3A_420 = vector.shape_cast %get3A_419 : vector<16xf32> to vector<16xf32>
      %get3A_421 = arith.constant 624 : index
      %get3A_422 = tpu.vector_load %arg13[%get3A_421] {strides = array<i32>} : memref<768xf32, #tpu.memory_space<vmem>>, vector<16xf32>,
      %get3A_423 = vector.shape_cast %get3A_422 : vector<16xf32> to vector<16xf32>
      %get3A_424 = arith.constant 640 : index
      %get3A_425 = tpu.vector_load %arg13[%get3A_424] {strides = array<i32>} : memref<768xf32, #tpu.memory_space<vmem>>, vector<16xf32>,
      %get3A_426 = vector.shape_cast %get3A_425 : vector<16xf32> to vector<16xf32>
      %get3A_427 = arith.constant 656 : index
      %get3A_428 = tpu.vector_load %arg13[%get3A_427] {strides = array<i32>} : memref<768xf32, #tpu.memory_space<vmem>>, vector<16xf32>,
      %get3A_429 = vector.shape_cast %get3A_428 : vector<16xf32> to vector<16xf32>
      %get3A_430 = arith.constant 672 : index
      %get3A_431 = tpu.vector_load %arg13[%get3A_430] {strides = array<i32>} : memref<768xf32, #tpu.memory_space<vmem>>, vector<16xf32>,
      %get3A_432 = vector.shape_cast %get3A_431 : vector<16xf32> to vector<16xf32>
      %get3A_433 = arith.constant 688 : index
      %get3A_434 = tpu.vector_load %arg13[%get3A_433] {strides = array<i32>} : memref<768xf32, #tpu.memory_space<vmem>>, vector<16xf32>,
      %get3A_435 = vector.shape_cast %get3A_434 : vector<16xf32> to vector<16xf32>
      %get3A_436 = arith.constant 704 : index
      %get3A_437 = tpu.vector_load %arg13[%get3A_436] {strides = array<i32>} : memref<768xf32, #tpu.memory_space<vmem>>, vector<16xf32>,
      %get3A_438 = vector.shape_cast %get3A_437 : vector<16xf32> to vector<16xf32>
      %get3A_439 = arith.constant 720 : index
      %get3A_440 = tpu.vector_load %arg13[%get3A_439] {strides = array<i32>} : memref<768xf32, #tpu.memory_space<vmem>>, vector<16xf32>,
      %get3A_441 = vector.shape_cast %get3A_440 : vector<16xf32> to vector<16xf32>
      %get3A_442 = arith.constant 736 : index
      %get3A_443 = tpu.vector_load %arg13[%get3A_442] {strides = array<i32>} : memref<768xf32, #tpu.memory_space<vmem>>, vector<16xf32>,
      %get3A_444 = vector.shape_cast %get3A_443 : vector<16xf32> to vector<16xf32>
      %get3A_445 = arith.constant 752 : index
      %get3A_446 = tpu.vector_load %arg13[%get3A_445] {strides = array<i32>} : memref<768xf32, #tpu.memory_space<vmem>>, vector<16xf32>,
      %get3A_447 = vector.shape_cast %get3A_446 : vector<16xf32> to vector<16xf32>
      %parallel_loop3A_448 = arith.constant 0 : i32
      %parallel_loop3A_449 = arith.constant 32 : i32
      %parallel_loop3A_450 = arith.constant 1 : i32
      scf.for %parallel_loop3A_469 = %parallel_loop3A_448 to %parallel_loop3A_449 step %parallel_loop3A_450  : i32 {
        %parallel_loop3A_470 = arith.index_cast %parallel_loop3A_469 : i32 to index
        %parallel_loop3A_471 = arith.constant 0 : index
        %parallel_loop3A_472 = tpu.vector_load %arg10[%parallel_loop3A_470, %parallel_loop3A_471] {strides = array<i32>} : memref<32x16xf32, #tpu.memory_space<vmem>>, vector<1x16xf32>,
        %parallel_loop3A_473 = vector.shape_cast %parallel_loop3A_472 : vector<1x16xf32> to vector<16xf32>
        %parallel_loop3A_474 = arith.index_cast %parallel_loop3A_469 : i32 to index
        %parallel_loop3A_475 = arith.constant 0 : index
        %parallel_loop3A_476 = tpu.vector_load %arg11[%parallel_loop3A_474, %parallel_loop3A_475] {strides = array<i32>} : memref<32x16xf32, #tpu.memory_space<vmem>>, vector<1x16xf32>,
        %parallel_loop3A_477 = vector.shape_cast %parallel_loop3A_476 : vector<1x16xf32> to vector<16xf32>
        %parallel_loop3A_478 = arith.constant 0 : i32
        %parallel_loop3A_479 = arith.constant 0 : i32
        %parallel_loop3A_480 = tpu.memref_slice %arg9[%and3A_113, %parallel_loop3A_478, %parallel_loop3A_479] : memref<4x32x768xf32, #tpu.memory_space<vmem>> -> memref<1x32x768xf32, #tpu.memory_space<vmem>>
        %parallel_loop3A_481 = tpu.memref_squeeze %parallel_loop3A_480 : memref<1x32x768xf32, #tpu.memory_space<vmem>> -> memref<32x768xf32, #tpu.memory_space<vmem>>
        %parallel_loop3A_482 = arith.index_cast %parallel_loop3A_469 : i32 to index
        %parallel_loop3A_483 = arith.constant 512 : index
        %parallel_loop3A_484 = tpu.vector_load %parallel_loop3A_481[%parallel_loop3A_482, %parallel_loop3A_483] {strides = array<i32>} : memref<32x768xf32, #tpu.memory_space<vmem>>, vector<1x16xf32>,
        %parallel_loop3A_485 = vector.shape_cast %parallel_loop3A_484 : vector<1x16xf32> to vector<16xf32>
        %parallel_loop3A_486 = arith.mulf %parallel_loop3A_485, %parallel_loop3A_473 : vector<16xf32>
        %parallel_loop3A_487 = arith.subf %parallel_loop3A_486, %parallel_loop3A_477 : vector<16xf32>
        %parallel_loop3A_488 = arith.mulf %parallel_loop3A_487, %get3A_354 : vector<16xf32>
        %parallel_loop3A_489 = arith.addf %parallel_loop3A_488, %get3A_402 : vector<16xf32>
        %parallel_loop3A_490 = arith.constant 0 : i32
        %parallel_loop3A_491 = arith.constant 0 : i32
        %parallel_loop3A_492 = tpu.memref_slice %arg9[%and3A_113, %parallel_loop3A_490, %parallel_loop3A_491] : memref<4x32x768xf32, #tpu.memory_space<vmem>> -> memref<1x32x768xf32, #tpu.memory_space<vmem>>
        %parallel_loop3A_493 = tpu.memref_squeeze %parallel_loop3A_492 : memref<1x32x768xf32, #tpu.memory_space<vmem>> -> memref<32x768xf32, #tpu.memory_space<vmem>>
        %parallel_loop3A_494 = arith.index_cast %parallel_loop3A_469 : i32 to index
        %parallel_loop3A_495 = arith.constant 512 : index
        %parallel_loop3A_496 = tpu.vector_load %parallel_loop3A_493[%parallel_loop3A_494, %parallel_loop3A_495] {strides = array<i32>} : memref<32x768xf32, #tpu.memory_space<vmem>>, vector<1x16xf32>,
        %parallel_loop3A_497 = vector.shape_cast %parallel_loop3A_496 : vector<1x16xf32> to vector<16xf32>
        %parallel_loop3A_498 = vector.shape_cast %parallel_loop3A_489 : vector<16xf32> to vector<1x16xf32>
        tpu.vector_store %parallel_loop3A_493[%parallel_loop3A_494, %parallel_loop3A_495], %parallel_loop3A_498 {strides = array<i32>} : memref<32x768xf32, #tpu.memory_space<vmem>>, vector<1x16xf32>,
        %parallel_loop3A_499 = arith.constant 0 : i32
        %parallel_loop3A_500 = arith.constant 0 : i32
        %parallel_loop3A_501 = tpu.memref_slice %arg9[%and3A_113, %parallel_loop3A_499, %parallel_loop3A_500] : memref<4x32x768xf32, #tpu.memory_space<vmem>> -> memref<1x32x768xf32, #tpu.memory_space<vmem>>
        %parallel_loop3A_502 = tpu.memref_squeeze %parallel_loop3A_501 : memref<1x32x768xf32, #tpu.memory_space<vmem>> -> memref<32x768xf32, #tpu.memory_space<vmem>>
        %parallel_loop3A_503 = arith.index_cast %parallel_loop3A_469 : i32 to index
        %parallel_loop3A_504 = arith.constant 528 : index
        %parallel_loop3A_505 = tpu.vector_load %parallel_loop3A_502[%parallel_loop3A_503, %parallel_loop3A_504] {strides = array<i32>} : memref<32x768xf32, #tpu.memory_space<vmem>>, vector<1x16xf32>,
        %parallel_loop3A_506 = vector.shape_cast %parallel_loop3A_505 : vector<1x16xf32> to vector<16xf32>
        %parallel_loop3A_507 = arith.mulf %parallel_loop3A_506, %parallel_loop3A_473 : vector<16xf32>
        %parallel_loop3A_508 = arith.subf %parallel_loop3A_507, %parallel_loop3A_477 : vector<16xf32>
        %parallel_loop3A_509 = arith.mulf %parallel_loop3A_508, %get3A_357 : vector<16xf32>
        %parallel_loop3A_510 = arith.addf %parallel_loop3A_509, %get3A_405 : vector<16xf32>
        %parallel_loop3A_511 = arith.constant 0 : i32
        %parallel_loop3A_512 = arith.constant 0 : i32
        %parallel_loop3A_513 = tpu.memref_slice %arg9[%and3A_113, %parallel_loop3A_511, %parallel_loop3A_512] : memref<4x32x768xf32, #tpu.memory_space<vmem>> -> memref<1x32x768xf32, #tpu.memory_space<vmem>>
        %parallel_loop3A_514 = tpu.memref_squeeze %parallel_loop3A_513 : memref<1x32x768xf32, #tpu.memory_space<vmem>> -> memref<32x768xf32, #tpu.memory_space<vmem>>
        %parallel_loop3A_515 = arith.index_cast %parallel_loop3A_469 : i32 to index
        %parallel_loop3A_516 = arith.constant 528 : index
        %parallel_loop3A_517 = tpu.vector_load %parallel_loop3A_514[%parallel_loop3A_515, %parallel_loop3A_516] {strides = array<i32>} : memref<32x768xf32, #tpu.memory_space<vmem>>, vector<1x16xf32>,
        %parallel_loop3A_518 = vector.shape_cast %parallel_loop3A_517 : vector<1x16xf32> to vector<16xf32>
        %parallel_loop3A_519 = vector.shape_cast %parallel_loop3A_510 : vector<16xf32> to vector<1x16xf32>
        tpu.vector_store %parallel_loop3A_514[%parallel_loop3A_515, %parallel_loop3A_516], %parallel_loop3A_519 {strides = array<i32>} : memref<32x768xf32, #tpu.memory_space<vmem>>, vector<1x16xf32>,
        %parallel_loop3A_520 = arith.constant 0 : i32
        %parallel_loop3A_521 = arith.constant 0 : i32
        %parallel_loop3A_522 = tpu.memref_slice %arg9[%and3A_113, %parallel_loop3A_520, %parallel_loop3A_521] : memref<4x32x768xf32, #tpu.memory_space<vmem>> -> memref<1x32x768xf32, #tpu.memory_space<vmem>>
        %parallel_loop3A_523 = tpu.memref_squeeze %parallel_loop3A_522 : memref<1x32x768xf32, #tpu.memory_space<vmem>> -> memref<32x768xf32, #tpu.memory_space<vmem>>
        %parallel_loop3A_524 = arith.index_cast %parallel_loop3A_469 : i32 to index
        %parallel_loop3A_525 = arith.constant 544 : index
        %parallel_loop3A_526 = tpu.vector_load %parallel_loop3A_523[%parallel_loop3A_524, %parallel_loop3A_525] {strides = array<i32>} : memref<32x768xf32, #tpu.memory_space<vmem>>, vector<1x16xf32>,
        %parallel_loop3A_527 = vector.shape_cast %parallel_loop3A_526 : vector<1x16xf32> to vector<16xf32>
        %parallel_loop3A_528 = arith.mulf %parallel_loop3A_527, %parallel_loop3A_473 : vector<16xf32>
        %parallel_loop3A_529 = arith.subf %parallel_loop3A_528, %parallel_loop3A_477 : vector<16xf32>
        %parallel_loop3A_530 = arith.mulf %parallel_loop3A_529, %get3A_360 : vector<16xf32>
        %parallel_loop3A_531 = arith.addf %parallel_loop3A_530, %get3A_408 : vector<16xf32>
        %parallel_loop3A_532 = arith.constant 0 : i32
        %parallel_loop3A_533 = arith.constant 0 : i32
        %parallel_loop3A_534 = tpu.memref_slice %arg9[%and3A_113, %parallel_loop3A_532, %parallel_loop3A_533] : memref<4x32x768xf32, #tpu.memory_space<vmem>> -> memref<1x32x768xf32, #tpu.memory_space<vmem>>
        %parallel_loop3A_535 = tpu.memref_squeeze %parallel_loop3A_534 : memref<1x32x768xf32, #tpu.memory_space<vmem>> -> memref<32x768xf32, #tpu.memory_space<vmem>>
        %parallel_loop3A_536 = arith.index_cast %parallel_loop3A_469 : i32 to index
        %parallel_loop3A_537 = arith.constant 544 : index
        %parallel_loop3A_538 = tpu.vector_load %parallel_loop3A_535[%parallel_loop3A_536, %parallel_loop3A_537] {strides = array<i32>} : memref<32x768xf32, #tpu.memory_space<vmem>>, vector<1x16xf32>,
        %parallel_loop3A_539 = vector.shape_cast %parallel_loop3A_538 : vector<1x16xf32> to vector<16xf32>
        %parallel_loop3A_540 = vector.shape_cast %parallel_loop3A_531 : vector<16xf32> to vector<1x16xf32>
        tpu.vector_store %parallel_loop3A_535[%parallel_loop3A_536, %parallel_loop3A_537], %parallel_loop3A_540 {strides = array<i32>} : memref<32x768xf32, #tpu.memory_space<vmem>>, vector<1x16xf32>,
        %parallel_loop3A_541 = arith.constant 0 : i32
        %parallel_loop3A_542 = arith.constant 0 : i32
        %parallel_loop3A_543 = tpu.memref_slice %arg9[%and3A_113, %parallel_loop3A_541, %parallel_loop3A_542] : memref<4x32x768xf32, #tpu.memory_space<vmem>> -> memref<1x32x768xf32, #tpu.memory_space<vmem>>
        %parallel_loop3A_544 = tpu.memref_squeeze %parallel_loop3A_543 : memref<1x32x768xf32, #tpu.memory_space<vmem>> -> memref<32x768xf32, #tpu.memory_space<vmem>>
        %parallel_loop3A_545 = arith.index_cast %parallel_loop3A_469 : i32 to index
        %parallel_loop3A_546 = arith.constant 560 : index
        %parallel_loop3A_547 = tpu.vector_load %parallel_loop3A_544[%parallel_loop3A_545, %parallel_loop3A_546] {strides = array<i32>} : memref<32x768xf32, #tpu.memory_space<vmem>>, vector<1x16xf32>,
        %parallel_loop3A_548 = vector.shape_cast %parallel_loop3A_547 : vector<1x16xf32> to vector<16xf32>
        %parallel_loop3A_549 = arith.mulf %parallel_loop3A_548, %parallel_loop3A_473 : vector<16xf32>
        %parallel_loop3A_550 = arith.subf %parallel_loop3A_549, %parallel_loop3A_477 : vector<16xf32>
        %parallel_loop3A_551 = arith.mulf %parallel_loop3A_550, %get3A_363 : vector<16xf32>
        %parallel_loop3A_552 = arith.addf %parallel_loop3A_551, %get3A_411 : vector<16xf32>
        %parallel_loop3A_553 = arith.constant 0 : i32
        %parallel_loop3A_554 = arith.constant 0 : i32
        %parallel_loop3A_555 = tpu.memref_slice %arg9[%and3A_113, %parallel_loop3A_553, %parallel_loop3A_554] : memref<4x32x768xf32, #tpu.memory_space<vmem>> -> memref<1x32x768xf32, #tpu.memory_space<vmem>>
        %parallel_loop3A_556 = tpu.memref_squeeze %parallel_loop3A_555 : memref<1x32x768xf32, #tpu.memory_space<vmem>> -> memref<32x768xf32, #tpu.memory_space<vmem>>
        %parallel_loop3A_557 = arith.index_cast %parallel_loop3A_469 : i32 to index
        %parallel_loop3A_558 = arith.constant 560 : index
        %parallel_loop3A_559 = tpu.vector_load %parallel_loop3A_556[%parallel_loop3A_557, %parallel_loop3A_558] {strides = array<i32>} : memref<32x768xf32, #tpu.memory_space<vmem>>, vector<1x16xf32>,
        %parallel_loop3A_560 = vector.shape_cast %parallel_loop3A_559 : vector<1x16xf32> to vector<16xf32>
        %parallel_loop3A_561 = vector.shape_cast %parallel_loop3A_552 : vector<16xf32> to vector<1x16xf32>
        tpu.vector_store %parallel_loop3A_556[%parallel_loop3A_557, %parallel_loop3A_558], %parallel_loop3A_561 {strides = array<i32>} : memref<32x768xf32, #tpu.memory_space<vmem>>, vector<1x16xf32>,
        %parallel_loop3A_562 = arith.constant 0 : i32
        %parallel_loop3A_563 = arith.constant 0 : i32
        %parallel_loop3A_564 = tpu.memref_slice %arg9[%and3A_113, %parallel_loop3A_562, %parallel_loop3A_563] : memref<4x32x768xf32, #tpu.memory_space<vmem>> -> memref<1x32x768xf32, #tpu.memory_space<vmem>>
        %parallel_loop3A_565 = tpu.memref_squeeze %parallel_loop3A_564 : memref<1x32x768xf32, #tpu.memory_space<vmem>> -> memref<32x768xf32, #tpu.memory_space<vmem>>
        %parallel_loop3A_566 = arith.index_cast %parallel_loop3A_469 : i32 to index
        %parallel_loop3A_567 = arith.constant 576 : index
        %parallel_loop3A_568 = tpu.vector_load %parallel_loop3A_565[%parallel_loop3A_566, %parallel_loop3A_567] {strides = array<i32>} : memref<32x768xf32, #tpu.memory_space<vmem>>, vector<1x16xf32>,
        %parallel_loop3A_569 = vector.shape_cast %parallel_loop3A_568 : vector<1x16xf32> to vector<16xf32>
        %parallel_loop3A_570 = arith.mulf %parallel_loop3A_569, %parallel_loop3A_473 : vector<16xf32>
        %parallel_loop3A_571 = arith.subf %parallel_loop3A_570, %parallel_loop3A_477 : vector<16xf32>
        %parallel_loop3A_572 = arith.mulf %parallel_loop3A_571, %get3A_366 : vector<16xf32>
        %parallel_loop3A_573 = arith.addf %parallel_loop3A_572, %get3A_414 : vector<16xf32>
        %parallel_loop3A_574 = arith.constant 0 : i32
        %parallel_loop3A_575 = arith.constant 0 : i32
        %parallel_loop3A_576 = tpu.memref_slice %arg9[%and3A_113, %parallel_loop3A_574, %parallel_loop3A_575] : memref<4x32x768xf32, #tpu.memory_space<vmem>> -> memref<1x32x768xf32, #tpu.memory_space<vmem>>
        %parallel_loop3A_577 = tpu.memref_squeeze %parallel_loop3A_576 : memref<1x32x768xf32, #tpu.memory_space<vmem>> -> memref<32x768xf32, #tpu.memory_space<vmem>>
        %parallel_loop3A_578 = arith.index_cast %parallel_loop3A_469 : i32 to index
        %parallel_loop3A_579 = arith.constant 576 : index
        %parallel_loop3A_580 = tpu.vector_load %parallel_loop3A_577[%parallel_loop3A_578, %parallel_loop3A_579] {strides = array<i32>} : memref<32x768xf32, #tpu.memory_space<vmem>>, vector<1x16xf32>,
        %parallel_loop3A_581 = vector.shape_cast %parallel_loop3A_580 : vector<1x16xf32> to vector<16xf32>
        %parallel_loop3A_582 = vector.shape_cast %parallel_loop3A_573 : vector<16xf32> to vector<1x16xf32>
        tpu.vector_store %parallel_loop3A_577[%parallel_loop3A_578, %parallel_loop3A_579], %parallel_loop3A_582 {strides = array<i32>} : memref<32x768xf32, #tpu.memory_space<vmem>>, vector<1x16xf32>,
        %parallel_loop3A_583 = arith.constant 0 : i32
        %parallel_loop3A_584 = arith.constant 0 : i32
        %parallel_loop3A_585 = tpu.memref_slice %arg9[%and3A_113, %parallel_loop3A_583, %parallel_loop3A_584] : memref<4x32x768xf32, #tpu.memory_space<vmem>> -> memref<1x32x768xf32, #tpu.memory_space<vmem>>
        %parallel_loop3A_586 = tpu.memref_squeeze %parallel_loop3A_585 : memref<1x32x768xf32, #tpu.memory_space<vmem>> -> memref<32x768xf32, #tpu.memory_space<vmem>>
        %parallel_loop3A_587 = arith.index_cast %parallel_loop3A_469 : i32 to index
        %parallel_loop3A_588 = arith.constant 592 : index
        %parallel_loop3A_589 = tpu.vector_load %parallel_loop3A_586[%parallel_loop3A_587, %parallel_loop3A_588] {strides = array<i32>} : memref<32x768xf32, #tpu.memory_space<vmem>>, vector<1x16xf32>,
        %parallel_loop3A_590 = vector.shape_cast %parallel_loop3A_589 : vector<1x16xf32> to vector<16xf32>
        %parallel_loop3A_591 = arith.mulf %parallel_loop3A_590, %parallel_loop3A_473 : vector<16xf32>
        %parallel_loop3A_592 = arith.subf %parallel_loop3A_591, %parallel_loop3A_477 : vector<16xf32>
        %parallel_loop3A_593 = arith.mulf %parallel_loop3A_592, %get3A_369 : vector<16xf32>
        %parallel_loop3A_594 = arith.addf %parallel_loop3A_593, %get3A_417 : vector<16xf32>
        %parallel_loop3A_595 = arith.constant 0 : i32
        %parallel_loop3A_596 = arith.constant 0 : i32
        %parallel_loop3A_597 = tpu.memref_slice %arg9[%and3A_113, %parallel_loop3A_595, %parallel_loop3A_596] : memref<4x32x768xf32, #tpu.memory_space<vmem>> -> memref<1x32x768xf32, #tpu.memory_space<vmem>>
        %parallel_loop3A_598 = tpu.memref_squeeze %parallel_loop3A_597 : memref<1x32x768xf32, #tpu.memory_space<vmem>> -> memref<32x768xf32, #tpu.memory_space<vmem>>
        %parallel_loop3A_599 = arith.index_cast %parallel_loop3A_469 : i32 to index
        %parallel_loop3A_600 = arith.constant 592 : index
        %parallel_loop3A_601 = tpu.vector_load %parallel_loop3A_598[%parallel_loop3A_599, %parallel_loop3A_600] {strides = array<i32>} : memref<32x768xf32, #tpu.memory_space<vmem>>, vector<1x16xf32>,
        %parallel_loop3A_602 = vector.shape_cast %parallel_loop3A_601 : vector<1x16xf32> to vector<16xf32>
        %parallel_loop3A_603 = vector.shape_cast %parallel_loop3A_594 : vector<16xf32> to vector<1x16xf32>
        tpu.vector_store %parallel_loop3A_598[%parallel_loop3A_599, %parallel_loop3A_600], %parallel_loop3A_603 {strides = array<i32>} : memref<32x768xf32, #tpu.memory_space<vmem>>, vector<1x16xf32>,
        %parallel_loop3A_604 = arith.constant 0 : i32
        %parallel_loop3A_605 = arith.constant 0 : i32
        %parallel_loop3A_606 = tpu.memref_slice %arg9[%and3A_113, %parallel_loop3A_604, %parallel_loop3A_605] : memref<4x32x768xf32, #tpu.memory_space<vmem>> -> memref<1x32x768xf32, #tpu.memory_space<vmem>>
        %parallel_loop3A_607 = tpu.memref_squeeze %parallel_loop3A_606 : memref<1x32x768xf32, #tpu.memory_space<vmem>> -> memref<32x768xf32, #tpu.memory_space<vmem>>
        %parallel_loop3A_608 = arith.index_cast %parallel_loop3A_469 : i32 to index
        %parallel_loop3A_609 = arith.constant 608 : index
        %parallel_loop3A_610 = tpu.vector_load %parallel_loop3A_607[%parallel_loop3A_608, %parallel_loop3A_609] {strides = array<i32>} : memref<32x768xf32, #tpu.memory_space<vmem>>, vector<1x16xf32>,
        %parallel_loop3A_611 = vector.shape_cast %parallel_loop3A_610 : vector<1x16xf32> to vector<16xf32>
        %parallel_loop3A_612 = arith.mulf %parallel_loop3A_611, %parallel_loop3A_473 : vector<16xf32>
        %parallel_loop3A_613 = arith.subf %parallel_loop3A_612, %parallel_loop3A_477 : vector<16xf32>
        %parallel_loop3A_614 = arith.mulf %parallel_loop3A_613, %get3A_372 : vector<16xf32>
        %parallel_loop3A_615 = arith.addf %parallel_loop3A_614, %get3A_420 : vector<16xf32>
        %parallel_loop3A_616 = arith.constant 0 : i32
        %parallel_loop3A_617 = arith.constant 0 : i32
        %parallel_loop3A_618 = tpu.memref_slice %arg9[%and3A_113, %parallel_loop3A_616, %parallel_loop3A_617] : memref<4x32x768xf32, #tpu.memory_space<vmem>> -> memref<1x32x768xf32, #tpu.memory_space<vmem>>
        %parallel_loop3A_619 = tpu.memref_squeeze %parallel_loop3A_618 : memref<1x32x768xf32, #tpu.memory_space<vmem>> -> memref<32x768xf32, #tpu.memory_space<vmem>>
        %parallel_loop3A_620 = arith.index_cast %parallel_loop3A_469 : i32 to index
        %parallel_loop3A_621 = arith.constant 608 : index
        %parallel_loop3A_622 = tpu.vector_load %parallel_loop3A_619[%parallel_loop3A_620, %parallel_loop3A_621] {strides = array<i32>} : memref<32x768xf32, #tpu.memory_space<vmem>>, vector<1x16xf32>,
        %parallel_loop3A_623 = vector.shape_cast %parallel_loop3A_622 : vector<1x16xf32> to vector<16xf32>
        %parallel_loop3A_624 = vector.shape_cast %parallel_loop3A_615 : vector<16xf32> to vector<1x16xf32>
        tpu.vector_store %parallel_loop3A_619[%parallel_loop3A_620, %parallel_loop3A_621], %parallel_loop3A_624 {strides = array<i32>} : memref<32x768xf32, #tpu.memory_space<vmem>>, vector<1x16xf32>,
        %parallel_loop3A_625 = arith.constant 0 : i32
        %parallel_loop3A_626 = arith.constant 0 : i32
        %parallel_loop3A_627 = tpu.memref_slice %arg9[%and3A_113, %parallel_loop3A_625, %parallel_loop3A_626] : memref<4x32x768xf32, #tpu.memory_space<vmem>> -> memref<1x32x768xf32, #tpu.memory_space<vmem>>
        %parallel_loop3A_628 = tpu.memref_squeeze %parallel_loop3A_627 : memref<1x32x768xf32, #tpu.memory_space<vmem>> -> memref<32x768xf32, #tpu.memory_space<vmem>>
        %parallel_loop3A_629 = arith.index_cast %parallel_loop3A_469 : i32 to index
        %parallel_loop3A_630 = arith.constant 624 : index
        %parallel_loop3A_631 = tpu.vector_load %parallel_loop3A_628[%parallel_loop3A_629, %parallel_loop3A_630] {strides = array<i32>} : memref<32x768xf32, #tpu.memory_space<vmem>>, vector<1x16xf32>,
        %parallel_loop3A_632 = vector.shape_cast %parallel_loop3A_631 : vector<1x16xf32> to vector<16xf32>
        %parallel_loop3A_633 = arith.mulf %parallel_loop3A_632, %parallel_loop3A_473 : vector<16xf32>
        %parallel_loop3A_634 = arith.subf %parallel_loop3A_633, %parallel_loop3A_477 : vector<16xf32>
        %parallel_loop3A_635 = arith.mulf %parallel_loop3A_634, %get3A_375 : vector<16xf32>
        %parallel_loop3A_636 = arith.addf %parallel_loop3A_635, %get3A_423 : vector<16xf32>
        %parallel_loop3A_637 = arith.constant 0 : i32
        %parallel_loop3A_638 = arith.constant 0 : i32
        %parallel_loop3A_639 = tpu.memref_slice %arg9[%and3A_113, %parallel_loop3A_637, %parallel_loop3A_638] : memref<4x32x768xf32, #tpu.memory_space<vmem>> -> memref<1x32x768xf32, #tpu.memory_space<vmem>>
        %parallel_loop3A_640 = tpu.memref_squeeze %parallel_loop3A_639 : memref<1x32x768xf32, #tpu.memory_space<vmem>> -> memref<32x768xf32, #tpu.memory_space<vmem>>
        %parallel_loop3A_641 = arith.index_cast %parallel_loop3A_469 : i32 to index
        %parallel_loop3A_642 = arith.constant 624 : index
        %parallel_loop3A_643 = tpu.vector_load %parallel_loop3A_640[%parallel_loop3A_641, %parallel_loop3A_642] {strides = array<i32>} : memref<32x768xf32, #tpu.memory_space<vmem>>, vector<1x16xf32>,
        %parallel_loop3A_644 = vector.shape_cast %parallel_loop3A_643 : vector<1x16xf32> to vector<16xf32>
        %parallel_loop3A_645 = vector.shape_cast %parallel_loop3A_636 : vector<16xf32> to vector<1x16xf32>
        tpu.vector_store %parallel_loop3A_640[%parallel_loop3A_641, %parallel_loop3A_642], %parallel_loop3A_645 {strides = array<i32>} : memref<32x768xf32, #tpu.memory_space<vmem>>, vector<1x16xf32>,
        %parallel_loop3A_646 = arith.constant 0 : i32
        %parallel_loop3A_647 = arith.constant 0 : i32
        %parallel_loop3A_648 = tpu.memref_slice %arg9[%and3A_113, %parallel_loop3A_646, %parallel_loop3A_647] : memref<4x32x768xf32, #tpu.memory_space<vmem>> -> memref<1x32x768xf32, #tpu.memory_space<vmem>>
        %parallel_loop3A_649 = tpu.memref_squeeze %parallel_loop3A_648 : memref<1x32x768xf32, #tpu.memory_space<vmem>> -> memref<32x768xf32, #tpu.memory_space<vmem>>
        %parallel_loop3A_650 = arith.index_cast %parallel_loop3A_469 : i32 to index
        %parallel_loop3A_651 = arith.constant 640 : index
        %parallel_loop3A_652 = tpu.vector_load %parallel_loop3A_649[%parallel_loop3A_650, %parallel_loop3A_651] {strides = array<i32>} : memref<32x768xf32, #tpu.memory_space<vmem>>, vector<1x16xf32>,
        %parallel_loop3A_653 = vector.shape_cast %parallel_loop3A_652 : vector<1x16xf32> to vector<16xf32>
        %parallel_loop3A_654 = arith.mulf %parallel_loop3A_653, %parallel_loop3A_473 : vector<16xf32>
        %parallel_loop3A_655 = arith.subf %parallel_loop3A_654, %parallel_loop3A_477 : vector<16xf32>
        %parallel_loop3A_656 = arith.mulf %parallel_loop3A_655, %get3A_378 : vector<16xf32>
        %parallel_loop3A_657 = arith.addf %parallel_loop3A_656, %get3A_426 : vector<16xf32>
        %parallel_loop3A_658 = arith.constant 0 : i32
        %parallel_loop3A_659 = arith.constant 0 : i32
        %parallel_loop3A_660 = tpu.memref_slice %arg9[%and3A_113, %parallel_loop3A_658, %parallel_loop3A_659] : memref<4x32x768xf32, #tpu.memory_space<vmem>> -> memref<1x32x768xf32, #tpu.memory_space<vmem>>
        %parallel_loop3A_661 = tpu.memref_squeeze %parallel_loop3A_660 : memref<1x32x768xf32, #tpu.memory_space<vmem>> -> memref<32x768xf32, #tpu.memory_space<vmem>>
        %parallel_loop3A_662 = arith.index_cast %parallel_loop3A_469 : i32 to index
        %parallel_loop3A_663 = arith.constant 640 : index
        %parallel_loop3A_664 = tpu.vector_load %parallel_loop3A_661[%parallel_loop3A_662, %parallel_loop3A_663] {strides = array<i32>} : memref<32x768xf32, #tpu.memory_space<vmem>>, vector<1x16xf32>,
        %parallel_loop3A_665 = vector.shape_cast %parallel_loop3A_664 : vector<1x16xf32> to vector<16xf32>
        %parallel_loop3A_666 = vector.shape_cast %parallel_loop3A_657 : vector<16xf32> to vector<1x16xf32>
        tpu.vector_store %parallel_loop3A_661[%parallel_loop3A_662, %parallel_loop3A_663], %parallel_loop3A_666 {strides = array<i32>} : memref<32x768xf32, #tpu.memory_space<vmem>>, vector<1x16xf32>,
        %parallel_loop3A_667 = arith.constant 0 : i32
        %parallel_loop3A_668 = arith.constant 0 : i32
        %parallel_loop3A_669 = tpu.memref_slice %arg9[%and3A_113, %parallel_loop3A_667, %parallel_loop3A_668] : memref<4x32x768xf32, #tpu.memory_space<vmem>> -> memref<1x32x768xf32, #tpu.memory_space<vmem>>
        %parallel_loop3A_670 = tpu.memref_squeeze %parallel_loop3A_669 : memref<1x32x768xf32, #tpu.memory_space<vmem>> -> memref<32x768xf32, #tpu.memory_space<vmem>>
        %parallel_loop3A_671 = arith.index_cast %parallel_loop3A_469 : i32 to index
        %parallel_loop3A_672 = arith.constant 656 : index
        %parallel_loop3A_673 = tpu.vector_load %parallel_loop3A_670[%parallel_loop3A_671, %parallel_loop3A_672] {strides = array<i32>} : memref<32x768xf32, #tpu.memory_space<vmem>>, vector<1x16xf32>,
        %parallel_loop3A_674 = vector.shape_cast %parallel_loop3A_673 : vector<1x16xf32> to vector<16xf32>
        %parallel_loop3A_675 = arith.mulf %parallel_loop3A_674, %parallel_loop3A_473 : vector<16xf32>
        %parallel_loop3A_676 = arith.subf %parallel_loop3A_675, %parallel_loop3A_477 : vector<16xf32>
        %parallel_loop3A_677 = arith.mulf %parallel_loop3A_676, %get3A_381 : vector<16xf32>
        %parallel_loop3A_678 = arith.addf %parallel_loop3A_677, %get3A_429 : vector<16xf32>
        %parallel_loop3A_679 = arith.constant 0 : i32
        %parallel_loop3A_680 = arith.constant 0 : i32
        %parallel_loop3A_681 = tpu.memref_slice %arg9[%and3A_113, %parallel_loop3A_679, %parallel_loop3A_680] : memref<4x32x768xf32, #tpu.memory_space<vmem>> -> memref<1x32x768xf32, #tpu.memory_space<vmem>>
        %parallel_loop3A_682 = tpu.memref_squeeze %parallel_loop3A_681 : memref<1x32x768xf32, #tpu.memory_space<vmem>> -> memref<32x768xf32, #tpu.memory_space<vmem>>
        %parallel_loop3A_683 = arith.index_cast %parallel_loop3A_469 : i32 to index
        %parallel_loop3A_684 = arith.constant 656 : index
        %parallel_loop3A_685 = tpu.vector_load %parallel_loop3A_682[%parallel_loop3A_683, %parallel_loop3A_684] {strides = array<i32>} : memref<32x768xf32, #tpu.memory_space<vmem>>, vector<1x16xf32>,
        %parallel_loop3A_686 = vector.shape_cast %parallel_loop3A_685 : vector<1x16xf32> to vector<16xf32>
        %parallel_loop3A_687 = vector.shape_cast %parallel_loop3A_678 : vector<16xf32> to vector<1x16xf32>
        tpu.vector_store %parallel_loop3A_682[%parallel_loop3A_683, %parallel_loop3A_684], %parallel_loop3A_687 {strides = array<i32>} : memref<32x768xf32, #tpu.memory_space<vmem>>, vector<1x16xf32>,
        %parallel_loop3A_688 = arith.constant 0 : i32
        %parallel_loop3A_689 = arith.constant 0 : i32
        %parallel_loop3A_690 = tpu.memref_slice %arg9[%and3A_113, %parallel_loop3A_688, %parallel_loop3A_689] : memref<4x32x768xf32, #tpu.memory_space<vmem>> -> memref<1x32x768xf32, #tpu.memory_space<vmem>>
        %parallel_loop3A_691 = tpu.memref_squeeze %parallel_loop3A_690 : memref<1x32x768xf32, #tpu.memory_space<vmem>> -> memref<32x768xf32, #tpu.memory_space<vmem>>
        %parallel_loop3A_692 = arith.index_cast %parallel_loop3A_469 : i32 to index
        %parallel_loop3A_693 = arith.constant 672 : index
        %parallel_loop3A_694 = tpu.vector_load %parallel_loop3A_691[%parallel_loop3A_692, %parallel_loop3A_693] {strides = array<i32>} : memref<32x768xf32, #tpu.memory_space<vmem>>, vector<1x16xf32>,
        %parallel_loop3A_695 = vector.shape_cast %parallel_loop3A_694 : vector<1x16xf32> to vector<16xf32>
        %parallel_loop3A_696 = arith.mulf %parallel_loop3A_695, %parallel_loop3A_473 : vector<16xf32>
        %parallel_loop3A_697 = arith.subf %parallel_loop3A_696, %parallel_loop3A_477 : vector<16xf32>
        %parallel_loop3A_698 = arith.mulf %parallel_loop3A_697, %get3A_384 : vector<16xf32>
        %parallel_loop3A_699 = arith.addf %parallel_loop3A_698, %get3A_432 : vector<16xf32>
        %parallel_loop3A_700 = arith.constant 0 : i32
        %parallel_loop3A_701 = arith.constant 0 : i32
        %parallel_loop3A_702 = tpu.memref_slice %arg9[%and3A_113, %parallel_loop3A_700, %parallel_loop3A_701] : memref<4x32x768xf32, #tpu.memory_space<vmem>> -> memref<1x32x768xf32, #tpu.memory_space<vmem>>
        %parallel_loop3A_703 = tpu.memref_squeeze %parallel_loop3A_702 : memref<1x32x768xf32, #tpu.memory_space<vmem>> -> memref<32x768xf32, #tpu.memory_space<vmem>>
        %parallel_loop3A_704 = arith.index_cast %parallel_loop3A_469 : i32 to index
        %parallel_loop3A_705 = arith.constant 672 : index
        %parallel_loop3A_706 = tpu.vector_load %parallel_loop3A_703[%parallel_loop3A_704, %parallel_loop3A_705] {strides = array<i32>} : memref<32x768xf32, #tpu.memory_space<vmem>>, vector<1x16xf32>,
        %parallel_loop3A_707 = vector.shape_cast %parallel_loop3A_706 : vector<1x16xf32> to vector<16xf32>
        %parallel_loop3A_708 = vector.shape_cast %parallel_loop3A_699 : vector<16xf32> to vector<1x16xf32>
        tpu.vector_store %parallel_loop3A_703[%parallel_loop3A_704, %parallel_loop3A_705], %parallel_loop3A_708 {strides = array<i32>} : memref<32x768xf32, #tpu.memory_space<vmem>>, vector<1x16xf32>,
        %parallel_loop3A_709 = arith.constant 0 : i32
        %parallel_loop3A_710 = arith.constant 0 : i32
        %parallel_loop3A_711 = tpu.memref_slice %arg9[%and3A_113, %parallel_loop3A_709, %parallel_loop3A_710] : memref<4x32x768xf32, #tpu.memory_space<vmem>> -> memref<1x32x768xf32, #tpu.memory_space<vmem>>
        %parallel_loop3A_712 = tpu.memref_squeeze %parallel_loop3A_711 : memref<1x32x768xf32, #tpu.memory_space<vmem>> -> memref<32x768xf32, #tpu.memory_space<vmem>>
        %parallel_loop3A_713 = arith.index_cast %parallel_loop3A_469 : i32 to index
        %parallel_loop3A_714 = arith.constant 688 : index
        %parallel_loop3A_715 = tpu.vector_load %parallel_loop3A_712[%parallel_loop3A_713, %parallel_loop3A_714] {strides = array<i32>} : memref<32x768xf32, #tpu.memory_space<vmem>>, vector<1x16xf32>,
        %parallel_loop3A_716 = vector.shape_cast %parallel_loop3A_715 : vector<1x16xf32> to vector<16xf32>
        %parallel_loop3A_717 = arith.mulf %parallel_loop3A_716, %parallel_loop3A_473 : vector<16xf32>
        %parallel_loop3A_718 = arith.subf %parallel_loop3A_717, %parallel_loop3A_477 : vector<16xf32>
        %parallel_loop3A_719 = arith.mulf %parallel_loop3A_718, %get3A_387 : vector<16xf32>
        %parallel_loop3A_720 = arith.addf %parallel_loop3A_719, %get3A_435 : vector<16xf32>
        %parallel_loop3A_721 = arith.constant 0 : i32
        %parallel_loop3A_722 = arith.constant 0 : i32
        %parallel_loop3A_723 = tpu.memref_slice %arg9[%and3A_113, %parallel_loop3A_721, %parallel_loop3A_722] : memref<4x32x768xf32, #tpu.memory_space<vmem>> -> memref<1x32x768xf32, #tpu.memory_space<vmem>>
        %parallel_loop3A_724 = tpu.memref_squeeze %parallel_loop3A_723 : memref<1x32x768xf32, #tpu.memory_space<vmem>> -> memref<32x768xf32, #tpu.memory_space<vmem>>
        %parallel_loop3A_725 = arith.index_cast %parallel_loop3A_469 : i32 to index
        %parallel_loop3A_726 = arith.constant 688 : index
        %parallel_loop3A_727 = tpu.vector_load %parallel_loop3A_724[%parallel_loop3A_725, %parallel_loop3A_726] {strides = array<i32>} : memref<32x768xf32, #tpu.memory_space<vmem>>, vector<1x16xf32>,
        %parallel_loop3A_728 = vector.shape_cast %parallel_loop3A_727 : vector<1x16xf32> to vector<16xf32>
        %parallel_loop3A_729 = vector.shape_cast %parallel_loop3A_720 : vector<16xf32> to vector<1x16xf32>
        tpu.vector_store %parallel_loop3A_724[%parallel_loop3A_725, %parallel_loop3A_726], %parallel_loop3A_729 {strides = array<i32>} : memref<32x768xf32, #tpu.memory_space<vmem>>, vector<1x16xf32>,
        %parallel_loop3A_730 = arith.constant 0 : i32
        %parallel_loop3A_731 = arith.constant 0 : i32
        %parallel_loop3A_732 = tpu.memref_slice %arg9[%and3A_113, %parallel_loop3A_730, %parallel_loop3A_731] : memref<4x32x768xf32, #tpu.memory_space<vmem>> -> memref<1x32x768xf32, #tpu.memory_space<vmem>>
        %parallel_loop3A_733 = tpu.memref_squeeze %parallel_loop3A_732 : memref<1x32x768xf32, #tpu.memory_space<vmem>> -> memref<32x768xf32, #tpu.memory_space<vmem>>
        %parallel_loop3A_734 = arith.index_cast %parallel_loop3A_469 : i32 to index
        %parallel_loop3A_735 = arith.constant 704 : index
        %parallel_loop3A_736 = tpu.vector_load %parallel_loop3A_733[%parallel_loop3A_734, %parallel_loop3A_735] {strides = array<i32>} : memref<32x768xf32, #tpu.memory_space<vmem>>, vector<1x16xf32>,
        %parallel_loop3A_737 = vector.shape_cast %parallel_loop3A_736 : vector<1x16xf32> to vector<16xf32>
        %parallel_loop3A_738 = arith.mulf %parallel_loop3A_737, %parallel_loop3A_473 : vector<16xf32>
        %parallel_loop3A_739 = arith.subf %parallel_loop3A_738, %parallel_loop3A_477 : vector<16xf32>
        %parallel_loop3A_740 = arith.mulf %parallel_loop3A_739, %get3A_390 : vector<16xf32>
        %parallel_loop3A_741 = arith.addf %parallel_loop3A_740, %get3A_438 : vector<16xf32>
        %parallel_loop3A_742 = arith.constant 0 : i32
        %parallel_loop3A_743 = arith.constant 0 : i32
        %parallel_loop3A_744 = tpu.memref_slice %arg9[%and3A_113, %parallel_loop3A_742, %parallel_loop3A_743] : memref<4x32x768xf32, #tpu.memory_space<vmem>> -> memref<1x32x768xf32, #tpu.memory_space<vmem>>
        %parallel_loop3A_745 = tpu.memref_squeeze %parallel_loop3A_744 : memref<1x32x768xf32, #tpu.memory_space<vmem>> -> memref<32x768xf32, #tpu.memory_space<vmem>>
        %parallel_loop3A_746 = arith.index_cast %parallel_loop3A_469 : i32 to index
        %parallel_loop3A_747 = arith.constant 704 : index
        %parallel_loop3A_748 = tpu.vector_load %parallel_loop3A_745[%parallel_loop3A_746, %parallel_loop3A_747] {strides = array<i32>} : memref<32x768xf32, #tpu.memory_space<vmem>>, vector<1x16xf32>,
        %parallel_loop3A_749 = vector.shape_cast %parallel_loop3A_748 : vector<1x16xf32> to vector<16xf32>
        %parallel_loop3A_750 = vector.shape_cast %parallel_loop3A_741 : vector<16xf32> to vector<1x16xf32>
        tpu.vector_store %parallel_loop3A_745[%parallel_loop3A_746, %parallel_loop3A_747], %parallel_loop3A_750 {strides = array<i32>} : memref<32x768xf32, #tpu.memory_space<vmem>>, vector<1x16xf32>,
        %parallel_loop3A_751 = arith.constant 0 : i32
        %parallel_loop3A_752 = arith.constant 0 : i32
        %parallel_loop3A_753 = tpu.memref_slice %arg9[%and3A_113, %parallel_loop3A_751, %parallel_loop3A_752] : memref<4x32x768xf32, #tpu.memory_space<vmem>> -> memref<1x32x768xf32, #tpu.memory_space<vmem>>
        %parallel_loop3A_754 = tpu.memref_squeeze %parallel_loop3A_753 : memref<1x32x768xf32, #tpu.memory_space<vmem>> -> memref<32x768xf32, #tpu.memory_space<vmem>>
        %parallel_loop3A_755 = arith.index_cast %parallel_loop3A_469 : i32 to index
        %parallel_loop3A_756 = arith.constant 720 : index
        %parallel_loop3A_757 = tpu.vector_load %parallel_loop3A_754[%parallel_loop3A_755, %parallel_loop3A_756] {strides = array<i32>} : memref<32x768xf32, #tpu.memory_space<vmem>>, vector<1x16xf32>,
        %parallel_loop3A_758 = vector.shape_cast %parallel_loop3A_757 : vector<1x16xf32> to vector<16xf32>
        %parallel_loop3A_759 = arith.mulf %parallel_loop3A_758, %parallel_loop3A_473 : vector<16xf32>
        %parallel_loop3A_760 = arith.subf %parallel_loop3A_759, %parallel_loop3A_477 : vector<16xf32>
        %parallel_loop3A_761 = arith.mulf %parallel_loop3A_760, %get3A_393 : vector<16xf32>
        %parallel_loop3A_762 = arith.addf %parallel_loop3A_761, %get3A_441 : vector<16xf32>
        %parallel_loop3A_763 = arith.constant 0 : i32
        %parallel_loop3A_764 = arith.constant 0 : i32
        %parallel_loop3A_765 = tpu.memref_slice %arg9[%and3A_113, %parallel_loop3A_763, %parallel_loop3A_764] : memref<4x32x768xf32, #tpu.memory_space<vmem>> -> memref<1x32x768xf32, #tpu.memory_space<vmem>>
        %parallel_loop3A_766 = tpu.memref_squeeze %parallel_loop3A_765 : memref<1x32x768xf32, #tpu.memory_space<vmem>> -> memref<32x768xf32, #tpu.memory_space<vmem>>
        %parallel_loop3A_767 = arith.index_cast %parallel_loop3A_469 : i32 to index
        %parallel_loop3A_768 = arith.constant 720 : index
        %parallel_loop3A_769 = tpu.vector_load %parallel_loop3A_766[%parallel_loop3A_767, %parallel_loop3A_768] {strides = array<i32>} : memref<32x768xf32, #tpu.memory_space<vmem>>, vector<1x16xf32>,
        %parallel_loop3A_770 = vector.shape_cast %parallel_loop3A_769 : vector<1x16xf32> to vector<16xf32>
        %parallel_loop3A_771 = vector.shape_cast %parallel_loop3A_762 : vector<16xf32> to vector<1x16xf32>
        tpu.vector_store %parallel_loop3A_766[%parallel_loop3A_767, %parallel_loop3A_768], %parallel_loop3A_771 {strides = array<i32>} : memref<32x768xf32, #tpu.memory_space<vmem>>, vector<1x16xf32>,
        %parallel_loop3A_772 = arith.constant 0 : i32
        %parallel_loop3A_773 = arith.constant 0 : i32
        %parallel_loop3A_774 = tpu.memref_slice %arg9[%and3A_113, %parallel_loop3A_772, %parallel_loop3A_773] : memref<4x32x768xf32, #tpu.memory_space<vmem>> -> memref<1x32x768xf32, #tpu.memory_space<vmem>>
        %parallel_loop3A_775 = tpu.memref_squeeze %parallel_loop3A_774 : memref<1x32x768xf32, #tpu.memory_space<vmem>> -> memref<32x768xf32, #tpu.memory_space<vmem>>
        %parallel_loop3A_776 = arith.index_cast %parallel_loop3A_469 : i32 to index
        %parallel_loop3A_777 = arith.constant 736 : index
        %parallel_loop3A_778 = tpu.vector_load %parallel_loop3A_775[%parallel_loop3A_776, %parallel_loop3A_777] {strides = array<i32>} : memref<32x768xf32, #tpu.memory_space<vmem>>, vector<1x16xf32>,
        %parallel_loop3A_779 = vector.shape_cast %parallel_loop3A_778 : vector<1x16xf32> to vector<16xf32>
        %parallel_loop3A_780 = arith.mulf %parallel_loop3A_779, %parallel_loop3A_473 : vector<16xf32>
        %parallel_loop3A_781 = arith.subf %parallel_loop3A_780, %parallel_loop3A_477 : vector<16xf32>
        %parallel_loop3A_782 = arith.mulf %parallel_loop3A_781, %get3A_396 : vector<16xf32>
        %parallel_loop3A_783 = arith.addf %parallel_loop3A_782, %get3A_444 : vector<16xf32>
        %parallel_loop3A_784 = arith.constant 0 : i32
        %parallel_loop3A_785 = arith.constant 0 : i32
        %parallel_loop3A_786 = tpu.memref_slice %arg9[%and3A_113, %parallel_loop3A_784, %parallel_loop3A_785] : memref<4x32x768xf32, #tpu.memory_space<vmem>> -> memref<1x32x768xf32, #tpu.memory_space<vmem>>
        %parallel_loop3A_787 = tpu.memref_squeeze %parallel_loop3A_786 : memref<1x32x768xf32, #tpu.memory_space<vmem>> -> memref<32x768xf32, #tpu.memory_space<vmem>>
        %parallel_loop3A_788 = arith.index_cast %parallel_loop3A_469 : i32 to index
        %parallel_loop3A_789 = arith.constant 736 : index
        %parallel_loop3A_790 = tpu.vector_load %parallel_loop3A_787[%parallel_loop3A_788, %parallel_loop3A_789] {strides = array<i32>} : memref<32x768xf32, #tpu.memory_space<vmem>>, vector<1x16xf32>,
        %parallel_loop3A_791 = vector.shape_cast %parallel_loop3A_790 : vector<1x16xf32> to vector<16xf32>
        %parallel_loop3A_792 = vector.shape_cast %parallel_loop3A_783 : vector<16xf32> to vector<1x16xf32>
        tpu.vector_store %parallel_loop3A_787[%parallel_loop3A_788, %parallel_loop3A_789], %parallel_loop3A_792 {strides = array<i32>} : memref<32x768xf32, #tpu.memory_space<vmem>>, vector<1x16xf32>,
        %parallel_loop3A_793 = arith.constant 0 : i32
        %parallel_loop3A_794 = arith.constant 0 : i32
        %parallel_loop3A_795 = tpu.memref_slice %arg9[%and3A_113, %parallel_loop3A_793, %parallel_loop3A_794] : memref<4x32x768xf32, #tpu.memory_space<vmem>> -> memref<1x32x768xf32, #tpu.memory_space<vmem>>
        %parallel_loop3A_796 = tpu.memref_squeeze %parallel_loop3A_795 : memref<1x32x768xf32, #tpu.memory_space<vmem>> -> memref<32x768xf32, #tpu.memory_space<vmem>>
        %parallel_loop3A_797 = arith.index_cast %parallel_loop3A_469 : i32 to index
        %parallel_loop3A_798 = arith.constant 752 : index
        %parallel_loop3A_799 = tpu.vector_load %parallel_loop3A_796[%parallel_loop3A_797, %parallel_loop3A_798] {strides = array<i32>} : memref<32x768xf32, #tpu.memory_space<vmem>>, vector<1x16xf32>,
        %parallel_loop3A_800 = vector.shape_cast %parallel_loop3A_799 : vector<1x16xf32> to vector<16xf32>
        %parallel_loop3A_801 = arith.mulf %parallel_loop3A_800, %parallel_loop3A_473 : vector<16xf32>
        %parallel_loop3A_802 = arith.subf %parallel_loop3A_801, %parallel_loop3A_477 : vector<16xf32>
        %parallel_loop3A_803 = arith.mulf %parallel_loop3A_802, %get3A_399 : vector<16xf32>
        %parallel_loop3A_804 = arith.addf %parallel_loop3A_803, %get3A_447 : vector<16xf32>
        %parallel_loop3A_805 = arith.constant 0 : i32
        %parallel_loop3A_806 = arith.constant 0 : i32
        %parallel_loop3A_807 = tpu.memref_slice %arg9[%and3A_113, %parallel_loop3A_805, %parallel_loop3A_806] : memref<4x32x768xf32, #tpu.memory_space<vmem>> -> memref<1x32x768xf32, #tpu.memory_space<vmem>>
        %parallel_loop3A_808 = tpu.memref_squeeze %parallel_loop3A_807 : memref<1x32x768xf32, #tpu.memory_space<vmem>> -> memref<32x768xf32, #tpu.memory_space<vmem>>
        %parallel_loop3A_809 = arith.index_cast %parallel_loop3A_469 : i32 to index
        %parallel_loop3A_810 = arith.constant 752 : index
        %parallel_loop3A_811 = tpu.vector_load %parallel_loop3A_808[%parallel_loop3A_809, %parallel_loop3A_810] {strides = array<i32>} : memref<32x768xf32, #tpu.memory_space<vmem>>, vector<1x16xf32>,
        %parallel_loop3A_812 = vector.shape_cast %parallel_loop3A_811 : vector<1x16xf32> to vector<16xf32>
        %parallel_loop3A_813 = vector.shape_cast %parallel_loop3A_804 : vector<16xf32> to vector<1x16xf32>
        tpu.vector_store %parallel_loop3A_808[%parallel_loop3A_809, %parallel_loop3A_810], %parallel_loop3A_813 {strides = array<i32>} : memref<32x768xf32, #tpu.memory_space<vmem>>, vector<1x16xf32>,
      } {sc.loop_unroll_factor = 2 : i64, sc.parallel_access}
      %mul3A_451 = arith.constant 32 : i32
      %mul3A_452 = arith.muli %scan3A_111, %mul3A_451 : i32
      %add3A_453 = arith.addi %mul3A_2, %mul3A_452 : i32
      %dma_start3A_454 = arith.constant 0 : i32
      %dma_start3A_455 = arith.constant 0 : i32
      %dma_start3A_456 = tpu.memref_slice %arg9[%and3A_113, %dma_start3A_454, %dma_start3A_455] : memref<4x32x768xf32, #tpu.memory_space<vmem>> -> memref<1x32x768xf32, #tpu.memory_space<vmem>>
      %dma_start3A_457 = tpu.memref_squeeze %dma_start3A_456 : memref<1x32x768xf32, #tpu.memory_space<vmem>> -> memref<32x768xf32, #tpu.memory_space<vmem>>
      %dma_start3A_458 = arith.constant 0 : i32
      %dma_start3A_459 = tpu.memref_slice %arg7[%add3A_453, %dma_start3A_458] : memref<16384x768xf32, #tpu.memory_space<hbm>> -> memref<32x768xf32, #tpu.memory_space<hbm>>
      %dma_start3A_460 = tpu.memref_slice %arg14[%and3A_113] : memref<4x!tpu.dma_semaphore, #tpu.memory_space<semaphore_mem>> -> memref<1x!tpu.dma_semaphore, #tpu.memory_space<semaphore_mem>>
      %dma_start3A_461 = tpu.memref_squeeze %dma_start3A_460 : memref<1x!tpu.dma_semaphore, #tpu.memory_space<semaphore_mem>> -> memref<!tpu.dma_semaphore, #tpu.memory_space<semaphore_mem>>
      %dma_start3A_462 = arith.constant 0 : i32
      %dma_start3A_463 = tpu.memref_slice %arg7[%add3A_453, %dma_start3A_462] : memref<16384x768xf32, #tpu.memory_space<hbm>> -> memref<32x768xf32, #tpu.memory_space<hbm>>
      %dma_start3A_464 = arith.constant 0 : i32
      %dma_start3A_465 = arith.constant 0 : i32
      %dma_start3A_466 = tpu.memref_slice %arg9[%and3A_113, %dma_start3A_464, %dma_start3A_465] : memref<4x32x768xf32, #tpu.memory_space<vmem>> -> memref<1x32x768xf32, #tpu.memory_space<vmem>>
      %dma_start3A_467 = tpu.memref_squeeze %dma_start3A_466 : memref<1x32x768xf32, #tpu.memory_space<vmem>> -> memref<32x768xf32, #tpu.memory_space<vmem>>
      tpu.enqueue_dma source(%dma_start3A_467 : memref<32x768xf32, #tpu.memory_space<vmem>>) target(%dma_start3A_463 : memref<32x768xf32, #tpu.memory_space<hbm>>) target_semaphore(%dma_start3A_461 : memref<!tpu.dma_semaphore, #tpu.memory_space<semaphore_mem>>)
      %scan3A_468 = arith.constant 0 : i32
      scf.yield %scan3A_468 : i32
    }
    %scan3A_74 = arith.constant 16 : i32
    %dma_wait3A_75 = arith.constant 2 : i32
    %dma_wait3A_76 = arith.constant 2 : i32
    %dma_wait3A_77 = arith.constant 0 : i32
    %dma_wait3A_78 = arith.constant 0 : i32
    %dma_wait3A_79 = tpu.memref_slice %arg9[%dma_wait3A_75, %dma_wait3A_77, %dma_wait3A_78] : memref<4x32x768xf32, #tpu.memory_space<vmem>> -> memref<1x32x768xf32, #tpu.memory_space<vmem>>
    %dma_wait3A_80 = tpu.memref_squeeze %dma_wait3A_79 : memref<1x32x768xf32, #tpu.memory_space<vmem>> -> memref<32x768xf32, #tpu.memory_space<vmem>>
    %dma_wait3A_81 = arith.constant 0 : i32
    %dma_wait3A_82 = arith.constant 0 : i32
    %dma_wait3A_83 = tpu.memref_slice %arg4[%dma_wait3A_81, %dma_wait3A_82] : memref<4096x768xf32, #tpu.memory_space<hbm>> -> memref<32x768xf32, #tpu.memory_space<hbm>>
    %dma_wait3A_84 = tpu.memref_slice %arg14[%dma_wait3A_76] : memref<4x!tpu.dma_semaphore, #tpu.memory_space<semaphore_mem>> -> memref<1x!tpu.dma_semaphore, #tpu.memory_space<semaphore_mem>>
    %dma_wait3A_85 = tpu.memref_squeeze %dma_wait3A_84 : memref<1x!tpu.dma_semaphore, #tpu.memory_space<semaphore_mem>> -> memref<!tpu.dma_semaphore, #tpu.memory_space<semaphore_mem>>
    %dma_wait3A_86 = arith.constant 0 : i32
    %dma_wait3A_87 = arith.constant 0 : i32
    %dma_wait3A_88 = tpu.memref_slice %arg9[%dma_wait3A_75, %dma_wait3A_86, %dma_wait3A_87] : memref<4x32x768xf32, #tpu.memory_space<vmem>> -> memref<1x32x768xf32, #tpu.memory_space<vmem>>
    %dma_wait3A_89 = tpu.memref_squeeze %dma_wait3A_88 : memref<1x32x768xf32, #tpu.memory_space<vmem>> -> memref<32x768xf32, #tpu.memory_space<vmem>>
    %dma_wait3A_90 = arith.constant 0 : i32
    %dma_wait3A_91 = arith.constant 0 : i32
    %dma_wait3A_92 = tpu.memref_slice %arg4[%dma_wait3A_90, %dma_wait3A_91] : memref<4096x768xf32, #tpu.memory_space<hbm>> -> memref<32x768xf32, #tpu.memory_space<hbm>>
    tpu.wait_dma2 semaphore(%dma_wait3A_85 : memref<!tpu.dma_semaphore, #tpu.memory_space<semaphore_mem>>) src(%dma_wait3A_92 : memref<32x768xf32, #tpu.memory_space<hbm>>) dst(%dma_wait3A_89 : memref<32x768xf32, #tpu.memory_space<vmem>>)
    %dma_wait3A_93 = arith.constant 3 : i32
    %dma_wait3A_94 = arith.constant 3 : i32
    %dma_wait3A_95 = arith.constant 0 : i32
    %dma_wait3A_96 = arith.constant 0 : i32
    %dma_wait3A_97 = tpu.memref_slice %arg9[%dma_wait3A_93, %dma_wait3A_95, %dma_wait3A_96] : memref<4x32x768xf32, #tpu.memory_space<vmem>> -> memref<1x32x768xf32, #tpu.memory_space<vmem>>
    %dma_wait3A_98 = tpu.memref_squeeze %dma_wait3A_97 : memref<1x32x768xf32, #tpu.memory_space<vmem>> -> memref<32x768xf32, #tpu.memory_space<vmem>>
    %dma_wait3A_99 = arith.constant 0 : i32
    %dma_wait3A_100 = arith.constant 0 : i32
    %dma_wait3A_101 = tpu.memref_slice %arg4[%dma_wait3A_99, %dma_wait3A_100] : memref<4096x768xf32, #tpu.memory_space<hbm>> -> memref<32x768xf32, #tpu.memory_space<hbm>>
    %dma_wait3A_102 = tpu.memref_slice %arg14[%dma_wait3A_94] : memref<4x!tpu.dma_semaphore, #tpu.memory_space<semaphore_mem>> -> memref<1x!tpu.dma_semaphore, #tpu.memory_space<semaphore_mem>>
    %dma_wait3A_103 = tpu.memref_squeeze %dma_wait3A_102 : memref<1x!tpu.dma_semaphore, #tpu.memory_space<semaphore_mem>> -> memref<!tpu.dma_semaphore, #tpu.memory_space<semaphore_mem>>
    %dma_wait3A_104 = arith.constant 0 : i32
    %dma_wait3A_105 = arith.constant 0 : i32
    %dma_wait3A_106 = tpu.memref_slice %arg9[%dma_wait3A_93, %dma_wait3A_104, %dma_wait3A_105] : memref<4x32x768xf32, #tpu.memory_space<vmem>> -> memref<1x32x768xf32, #tpu.memory_space<vmem>>
    %dma_wait3A_107 = tpu.memref_squeeze %dma_wait3A_106 : memref<1x32x768xf32, #tpu.memory_space<vmem>> -> memref<32x768xf32, #tpu.memory_space<vmem>>
    %dma_wait3A_108 = arith.constant 0 : i32
    %dma_wait3A_109 = arith.constant 0 : i32
    %dma_wait3A_110 = tpu.memref_slice %arg4[%dma_wait3A_108, %dma_wait3A_109] : memref<4096x768xf32, #tpu.memory_space<hbm>> -> memref<32x768xf32, #tpu.memory_space<hbm>>
    tpu.wait_dma2 semaphore(%dma_wait3A_103 : memref<!tpu.dma_semaphore, #tpu.memory_space<semaphore_mem>>) src(%dma_wait3A_110 : memref<32x768xf32, #tpu.memory_space<hbm>>) dst(%dma_wait3A_107 : memref<32x768xf32, #tpu.memory_space<vmem>>)
    return
  }
}

</mosaic_0001>

<sc_bundles>
// kernel: kernel.3.cloned.1.call-start
scs
__scs_entry_jumppad:
0x0: {  	(pc) =	sbr.rel $0x88, $3  }
0x1: {  	(tag) =	ssettag $0x0;
	lr =	simm.s32 $0x1  }
0x2: {  	[smem:$0x3F9C] =	sst lr;
	_ =	strace $0xD0000000  }
0x3: {  	_ = 	snop  }
0x4: {  	_ = 	snop  }
0x5: {  	_ = 	snop  }
0x6: {  	_ = 	snop  }
0x7: {  	_ = 	snop  }
__scs_overlays_trampoline_lowered:
0x8: {  	[smem:$0x3FAB] =	sst s0  }
0x9: {  	[smem:$0x3FAC] =	sst s1  }
0xa: {  	[smem:$0x3FAD] =	sst s2  }
0xb: {  	[smem:$0x3FAE] =	sst s3  }
0xc: {  	[smem:$0x3FAF] =	sst s4  }
0xd: {  	[smem:$0x3FB0] =	sst s5  }
0xe: {  	[smem:$0x3FB1] =	sst s6  }
0xf: {  	[smem:$0x3FB2] =	sst s7  }
0x10: {  	[smem:$0x3FB3] =	sst s8  }
0x11: {  	[smem:$0x3FB4] =	sst s9;
	s0 =	simm.s32 @!p0 $0x0  }
0x12: {  	s1 =	sld [smem:$0x3F9A];
	s0 =	simm.s32 @p0 $0x1  }
0x13: {  	[smem:$0x3FB5] =	sst s0;
	s0 =	simm.s32 @!p1 $0x0  }
0x14: {  	s2 =	sld [smem:$0x3F99];
	s0 =	simm.s32 @p1 $0x1  }
0x15: {  	[smem:$0x3FB6] =	sst s0;
	s0 =	simm.s32 @!p2 $0x0  }
0x16: {  	s3 =	sld [smem:$0x3FDB];
	s0 =	simm.s32 @p2 $0x1  }
0x17: {  	s4 =	simm.s32 $0x1BF5;
	[smem:$0x3FB8] =	sst s0  }
0x18: {  	s0 =	sld [smem:$0x3F9B];
	_ =	swait.ge [sflag:s4], $0x0  }
0x19: {  	s7 =	sld [smem:$0x3F9C]  }
0x1a: {  	s8 =	sadd.s32 $0xFFFFE003, lr  }
0x1b: {  	s9 =	sadd.s32 $0xFFFFFEF7, lr;
	s5 =	simm.s32 $0xFFFFFFFF;
	p2 =	slt.u32 s8, $0xFFFFF086  }
0x1c: {  	p1 =	slt.u32 s9, $0xF7A;
	s5 =	simm.s32 @!p2 $0x0  }
0x1d: {  	s5 =	simm.s32 @p1 $0x1;
	p0 =	seq.s32 s7, s2  }
0x1e: {  	s7 =	smul.u32 @!p0 $0xF7A, s2;
	p2 =	seq.s32 @!p0 s5, $0x0  }
0x1f: {  	s9 =	smul.u32 $0xF7A, s1;
	s8 =	simm.s32 @!p0 $0x1BF5;
	p2 =	por !p2, p0  }
0x20: {  	[sflag:s8] =	ssyncset.s32 @!p0 $0xFFFFF086;
	s6 =	sadd.s32 @!p0 s3, s7;
	s7 =	simm.s32 @!p0 $0x108  }
0x21: {  	s3 =	sadd.s32 s3, s9;
	s6 =	sadd.s32 @!p0 $0x88, s6;
	s7 =	simm.s32 @p2 $0x1082  }
0x22: {  	[simem:s7], [sflag:s8] =	dma.local @!p0 [hbm:s6], $0xF7A  }
0x23: {  	s9 =	sor.u32 $0xD0000000, s2;
	s6 =	simm.s32 $0x108;
	_ =	swait.ge @!p0 [sflag:s8], $0x0  }
0x24: {  	s3 =	sadd.s32 $0x88, s3;
	s6 =	simm.s32 @!p1 $0x1082;
	[sflag:s4] =	ssyncset.s32 $0xFFFFF086  }
0x25: {  	[simem:s6], [sflag:s4] =	dma.local [hbm:s3], $0xF7A  }
0x26: {  	[smem:$0x3F9C] =	sst s1;
	(tag) =	ssettag s2;
	_ =	strace s9  }
0x27: {  	s1 =	sld [smem:$0x3FAC]  }
0x28: {  	s2 =	sld [smem:$0x3FAD]  }
0x29: {  	s4 =	sld [smem:$0x3FAF]  }
0x2a: {  	p0 =	seq.s32 s5, $0x0;
	s5 =	sld [smem:$0x3FB0]  }
0x2b: {  	s6 =	sld [smem:$0x3FB1]  }
0x2c: {  	s7 =	sld [smem:$0x3FB2]  }
0x2d: {  	s3 =	simm.s32 $0x108;
	s8 =	sld [smem:$0x3FB3]  }
0x2e: {  	s3 =	simm.s32 @!p0 $0x1082;
	s9 =	sld [smem:$0x3FB4]  }
0x2f: {  	lr =	sadd.s32 s0, s3;
	s0 =	sld [smem:$0x3FAB]  }
0x30: {  	s3 =	sld [smem:$0x3FAE]  }
0x31: {  	[smem:$0x3FB7] =	sst s10  }
0x32: {  	s10 =	sld [smem:$0x3FB5];
	_ =	sdelay $0x3  }
0x33: {  	p0 =	seq.s32 s10, $0x1;
	s10 =	sld [smem:$0x3FB7];
	_ =	sdelay $0x3  }
0x34: {  	[smem:$0x3FB7] =	sst s10  }
0x35: {  	s10 =	sld [smem:$0x3FB6];
	_ =	sdelay $0x3  }
0x36: {  	p1 =	seq.s32 s10, $0x1;
	s10 =	sld [smem:$0x3FB7];
	_ =	sdelay $0x3  }
0x37: {  	[smem:$0x3FB7] =	sst s10  }
0x38: {  	s10 =	sld [smem:$0x3FB8]  }
0x39: {  	_ = 	snop;
	(pc) =	sbr.ind lr, $3  }
0x3a: {  	_ = 	snop  }
0x3b: {  	_ = 	snop  }
0x3c: {  	p2 =	seq.s32 s10, $0x1;
	s10 =	sld [smem:$0x3FB7]  }
0x3d: {  	_ =	shalt  }
0x3e: {  	_ =	shalt  }
0x3f: {  	_ =	shalt  }
0x40: {  	_ =	shalt  }
0x41: {  	_ =	shalt  }
0x42: {  	_ =	shalt  }
0x43: {  	_ =	shalt  }
0x44: {  	_ =	shalt  }
0x45: {  	_ =	shalt  }
0x46: {  	_ =	shalt  }
0x47: {  	_ =	shalt  }
0x48: {  	_ =	shalt  }
0x49: {  	_ =	shalt  }
0x4a: {  	_ =	shalt  }
0x4b: {  	_ =	shalt  }
0x4c: {  	_ =	shalt  }
0x4d: {  	_ =	shalt  }
0x4e: {  	_ =	shalt  }
0x4f: {  	_ =	shalt  }
0x50: {  	_ =	shalt  }
0x51: {  	_ =	shalt  }
0x52: {  	_ =	shalt  }
0x53: {  	_ =	shalt  }
0x54: {  	_ =	shalt  }
0x55: {  	_ =	shalt  }
0x56: {  	_ =	shalt  }
0x57: {  	_ =	shalt  }
0x58: {  	_ =	shalt  }
0x59: {  	_ =	shalt  }
0x5a: {  	_ =	shalt  }
0x5b: {  	_ =	shalt  }
0x5c: {  	_ =	shalt  }
0x5d: {  	_ =	shalt  }
0x5e: {  	_ =	shalt  }
0x5f: {  	_ =	shalt  }
0x60: {  	_ =	shalt  }
0x61: {  	_ =	shalt  }
0x62: {  	_ =	shalt  }
0x63: {  	_ =	shalt  }
0x64: {  	_ =	shalt  }
0x65: {  	_ =	shalt  }
0x66: {  	_ =	shalt  }
0x67: {  	_ =	shalt  }
0x68: {  	_ =	shalt  }
0x69: {  	_ =	shalt  }
0x6a: {  	_ =	shalt  }
0x6b: {  	_ =	shalt  }
0x6c: {  	_ =	shalt  }
0x6d: {  	_ =	shalt  }
0x6e: {  	_ =	shalt  }
0x6f: {  	_ =	shalt  }
0x70: {  	_ =	shalt  }
0x71: {  	_ =	shalt  }
0x72: {  	_ =	shalt  }
0x73: {  	_ =	shalt  }
0x74: {  	_ =	shalt  }
0x75: {  	_ =	shalt  }
0x76: {  	_ =	shalt  }
0x77: {  	_ =	shalt  }
0x78: {  	_ =	shalt  }
0x79: {  	_ =	shalt  }
0x7a: {  	_ =	shalt  }
0x7b: {  	_ =	shalt  }
0x7c: {  	_ =	shalt  }
0x7d: {  	_ =	shalt  }
0x7e: {  	_ =	shalt  }
0x7f: {  	_ =	shalt  }
0x80: {  	_ =	shalt  }
0x81: {  	_ =	shalt  }
0x82: {  	_ =	shalt  }
0x83: {  	_ =	shalt  }
0x84: {  	_ =	shalt  }
0x85: {  	_ =	shalt  }
0x86: {  	_ =	shalt  }
0x87: {  	_ =	shalt  }
.Lfunc_end0:
.L_simem_size_0:
called_computation_lowered:
.L_overlay_start_0:
0x88: {  	s2 =	sld [smem:$0x3FD9]  }
0x89: {  	s3 =	sld [smem:$0x3FFE];
	_ =	sdelay $0x1  }
0x8a: {  	s1 =	srdreg.scid  }
0x8b: {  	s0 =	sand.u32 $0x1, s1  }
0x8c: {  	s17 =	sshll.u32 s0, $0xA;
	s2 =	sadd.s32 s3, s2  }
0x8d: {  	s2 =	sadd.s32 s2, s17  }
0x8e: {  	[smem:$0x3FC3] =	sst s2  }
0x8f: {  	_ = 	snop  }
0x90: {  	s2 =	sld [smem:$0x3FC8]  }
0x91: {  	s18 =	sld [smem:$0x3FC6]  }
0x92: {  	s4 =	sld [smem:$0x3FC5]  }
0x93: {  	s5 =	sld [smem:$0x3FD0];
	(tm) =	ssettm $0x1  }
0x94: {  	s6 =	sld [smem:$0x3FFB];
	_ =	sdelay $0x3  }
0x95: {  	_ =	strace s6  }
0x96: {  	s6 =	sld [smem:$0x3FFC];
	_ =	sdelay $0x3  }
0x97: {  	_ =	strace s6  }
0x98: {  	s6 =	sld [smem:$0x3FFD];
	_ =	sdelay $0x3  }
0x99: {  	_ =	strace s6  }
0x9a: {  	_ =	strace $0x8FFFFFFF  }
0x9b: {  	s19 =	sld [smem:$0x3FDB];
	_ =	sdelay $0x1  }
0x9c: {  	s7 =	simm.s32 $_scs_section_size  }
0x9d: {  	s8 =	simm.s32 $_size__tile_overlayer_lowered;
	s9 =	simm.s32 $_tile_overlayer_lowered  }
0x9e: {  	s22 =	simm.s32 $0x1BFF;
	s21 =	sshll.u32 s9, $0x1;
	s6 =	sadd.s32 s7, s19  }
0x9f: {  	s10 =	simm.s32 $0x0;
	s20 =	sshll.u32 s8, $0x1;
	s8 =	sadd.s32 s21, s6  }
0xa0: {  	[timem:s10], [sflag:s22] =	dma.local [hbm:s8], s20  }
0xa1: {  	_ =	swait.ge [sflag:s22], s20  }
0xa2: {  	s7 =	ssub.s32 $0x0, s20;
	[sflag:s22] =	ssyncset.done $0x0  }
0xa3: {  	[sflag:s22] =	ssyncadd.s32 s7;
	_ =	sdelay $0x1  }
0xa4: {  	s23 =	simm.s32 $0x1B8B  }
0xa5: {  	_ =	swait.ge [sflag:s23], $0x1  }
0xa6: {  	[sflag:s23] =	ssyncset.done $0x0  }
0xa7: {  	s25 =	simm.s32 $0x1B8E;
	s24 =	sld [smem:$0x3FFE];
	[sflag:s23] =	ssyncadd.s32 $0xFFFFFFFF  }
0xa8: {  	s26 =	simm.s32 $execute0_lowered;
	[smem:$0x3FD2] =	sst s25  }
0xa9: {  	s8 =	sshll.u32 s26, $0x1;
	_ =	strace $0x80000046;
	[dreg:$0x1] =	wrdreg $0xFFFFFFFF  }
0xaa: {  	s28 =	simm.s32 $_size_execute0_lowered;
	s6 =	sadd.s32 s6, s8;
	[dreg:$0x0] =	wrdreg $0x0  }
0xab: {  	s8 =	sshll.u32 s28, $0x1;
	[dreg:$0x2] =	wrdreg s6  }
0xac: {  	[dreg:$0x3] =	wrdreg s8  }
0xad: {  	[dreg:$0x4] =	wrdreg $0xC0  }
0xae: {  	_ =	task [dreg:s10], $0x5FFFF  }
0xaf: {  	[dreg:$0x1] =	wrdreg $0xFFFFFFFF  }
0xb0: {  	[dreg:$0x0] =	wrdreg $0x60  }
0xb1: {  	[dreg:$0x2] =	wrdreg s24  }
0xb2: {  	[dreg:$0x3] =	wrdreg s2  }
0xb3: {  	[dreg:$0x4] =	wrdreg s18  }
0xb4: {  	[dreg:$0x5] =	wrdreg s4  }
0xb5: {  	[dreg:$0x6] =	wrdreg s5  }
0xb6: {  	[dreg:$0x7] =	wrdreg $0x9  }
0xb7: {  	_ =	task.clear_ibuf [dreg:s10], $0x8FFFF;
	_ =	strace $0x90000046  }
0xb8: {  	s29 =	simm.s32 $0x9;
	_ =	strace $0x80000048  }
0xb9: {  	_ =	swait.ge [sflag:s29], $0x1  }
0xba: {  	[sflag:s29] =	ssyncadd.s32 $0xFFFFFFFF  }
0xbb: {  	_ =	strace $0x90000048  }
0xbc: {  	_ =	sfence  }
0xbd: {  	s30 =	sld [smem:$0x0];
	_ =	sdelay $0x2  }
0xbe: {  	s31 =	sshll.u32 s1, $0xD;
	s1 =	sshrl.u32 s1, $0x2  }
0xbf: {  	s3 =	sand.u32 $0x4000, s31;
	s1 =	sadd.s32 s1, s30  }
0xc0: {  	s0 =	sor.u32 s3, s0;
	s1 =	sshll.u32 s1, $0x11  }
0xc1: {  	s0 =	sor.u32 s1, s0  }
0xc2: {  	s0 =	sadd.s32 $0x8F2B, s0  }
0xc3: {  	[sflag:s0] =	ssyncadd.remote.s32 $0x1  }
0xc4: {  	_ =	sfence.sel $0xFFFF  }
0xc5: {  	[dreg:$0x0] =	wrdreg $0xFFFFFFFF;
	(pc) =	sbr.abs _section_cstart, $3  }
0xc6: {  	[dreg:$0x1] =	wrdreg $0xFFFFFFFF  }
0xc7: {  	_ =	task.clear_ibuf [dreg:s10], $0x2FFFF;
	_ =	strace $0x9FFFFFFF  }
0xc8: {  	(tm) =	ssettm $0x7FFFFFFF  }
0xc9: {  	_ =	shalt  }
tec
execute0_lowered:
.L_overlay_start_1:
0x0: {  	(tag) =	ssettag $0x1  }
0x1: {  	v0 =	vimm.s32 $0xBA98FEDC  }
0x2: {  	v1 =	vimm.s32 $0x76543210;
	v2 =	vimm.s32 $0xFEDCBA98;
	v3 =	vimm.s32 $0x32107654  }
0x3: {  	v4 =	vimm.s32 $0xDCFE98BA;
	v5 =	vimm.s32 $0x54761032;
	v6 =	vimm.s32 $0xEFCDAB89  }
0x4: {  	v7 =	vimm.s32 $0x67452301;
	v0 =	vunpack.c.l.s4.s8 v0;
	v3 =	vunpack.c.l.s4.s8 v3  }
0x5: {  	s0 =	rddreg [dreg:$0x0];
	v4 =	vunpack.c.l.s4.s8 v4;
	v5 =	vunpack.c.l.s4.s8 v5;
	v6 =	vunpack.c.l.s4.s8 v6  }
0x6: {  	s1 =	rddreg [dreg:$0x1];
	s2 =	srdreg.scid;
	v7 =	vunpack.c.l.s4.s8 v7;
	v0 =	vunpack.c.0.s8.s32 v0;
	v3 =	vunpack.c.0.s8.s32 v3  }
0x7: {  	s5 =	rddreg [dreg:$0x4];
	s3 =	stileid.u32;
	s2 =	sand.u32 $0x1, s2;
	v2 =	vunpack.c.l.s4.s8 v2;
	v4 =	vunpack.c.0.s8.s32 v4;
	v5 =	vunpack.c.0.s8.s32 v5  }
0x8: {  	s6 =	simm.s32 $0x0;
	s3 =	sshll.u32 s3, $0x9;
	s4 =	sshll.u32 s2, $0xD;
	v8 =	vcombine.low v3, v0;
	v0 =	vunpack.c.0.s8.s32 v6;
	v3 =	vunpack.c.0.s8.s32 v7  }
0x9: {  	[smem:$0x7FF] =	sst s6;
	v1 =	vunpack.c.l.s4.s8 v1;
	s7 =	sand.u32 $0xE00, s3;
	s8 =	sor.u32 s3, s4;
	v6 =	vlaneseq.u32;
	v5 =	vcombine.low v5, v4  }
0xa: {  	_ =	strace $0x80000047;
	s28 =	sshrl.u32 s7, $0x3;
	v2 =	vunpack.c.0.s8.s32 v2;
	s4 =	sshrl.u32 s8, $0x3;
	v9 =	vcombine.low v3, v0;
	v0 =	vand.u32 $0x7, v6  }
0xb: {  	s2 =	ssub.s32 $0x2, s2;
	s3 =	smul.u32 $0x300, s28;
	s4 =	sadd.s32 s4, s0;
	v7 =	vunpack.c.0.s8.s32 v1;
	v4 =	vshrl.u32 v6, $0x3;
	v5 =	vand.u32 $0xF, v5;
	[tilespmem:$0x1FFA0] =	vst v0  }
0xc: {  	s9 =	sadd.s32 $0xC00, s0;
	s29 =	sshrl.u32 s2, $0x1;
	s30 =	sadd.s32 $0x400, s4;
	v3 =	vand.u32 $0xF, v2;
	v0 =	vmul.u32 $0x8, v4;
	v4 =	vand.u32 $0xF, v8;
	[tilespmem:$0x1FFF0] =	vst v5  }
0xd: {  	s0 =	ssub.s32 s2, s29;
	s31 =	sadd.s32 s9, s3;
	[dreg:$0x6] =	wrdreg s30;
	v3 =	vcombine.low v3, v7;
	[tilespmem:$0x1FFE0] =	vst v4  }
0xe: {  	s0 =	smax.u32 s0, $0x1;
	[dreg:$0x7] =	wrdreg s31;
	[tilespmem:$0x1FFB0] =	vst v0  }
0xf: {  	s13 =	sadd.s32 $0x100, s1;
	s2 =	sadd.s32 $0xC00, s31;
	[dreg:$0x9] =	wrdreg s0;
	v0 =	vor.u32 $0x8, v6;
	[tilespmem:$0x1FFD0] =	vst v3  }
0x10: {  	vm0 =	vmmov $0xffff;
	s14 =	sadd.s32 $0x200, s1;
	s3 =	simm.s32 $0x0;
	[dreg:$0x8] =	wrdreg s2;
	v6 =	vand.u32 $0xF, v9;
	[tilespmem:$0x1FFC0] =	vst v0  }
.LBB2_1:
0x11: {  	[dreg:$0xa] =	wrdreg s3  }
0x12: {  	s0 =	rddreg [dreg:$0x6];
	s2 =	simm.s32 $0x5  }
0x13: {  	[tilespmem:s6], [sflag:$0x5] =	stream.linear.gather [hbm4b:s0+s6], $0x200, $0x38;
	[tilespmem:$0x1A800] =	vst v63  }
0x14: {  	_ =	swait.ge [sflag:s2], $0x200  }
0x15: {  	[sflag:s2] =	ssyncset.done $0x0  }
0x16: {  	[sflag:s2] =	ssyncadd.s32 $0xFFFFFE00  }
0x17: {  	s10 =	simm.s32 $0x1A200;
	s4 =	rddreg [dreg:$0x2]  }
0x18: {  	[tilespmem:s10], [sflag:$0x5] =	stream.linear.gather [hbm4b:s4+s6], $0x300, $0x38;
	[tilespmem:$0x1A800] =	vst v63  }
0x19: {  	_ =	swait.ge [sflag:s2], $0x300  }
0x1a: {  	[sflag:s2] =	ssyncset.done $0x0  }
0x1b: {  	[sflag:s2] =	ssyncadd.s32 $0xFFFFFD00  }
0x1c: {  	s12 =	simm.s32 $0x1A500;
	s11 =	rddreg [dreg:$0x3]  }
0x1d: {  	[tilespmem:s12], [sflag:$0x5] =	stream.linear.gather [hbm4b:s11+s6], $0x300, $0x38;
	[tilespmem:$0x1A800] =	vst v63  }
0x1e: {  	_ =	swait.ge [sflag:s2], $0x300  }
0x1f: {  	[sflag:s2] =	ssyncset.done $0x0  }
0x20: {  	s16 =	simm.s32 $0x200;
	s15 =	rddreg [dreg:$0x7];
	[sflag:s2] =	ssyncadd.s32 $0xFFFFFD00  }
0x21: {  	[tilespmem:s16], [sflag:$0x1] =	stream.linear.gather [hbm4b:s15+s6], $0x6000, $0x38;
	[tilespmem:$0x1A800] =	vst v63  }
0x22: {  	s18 =	simm.s32 $0x6200;
	s19 =	simm.s32 $0x1;
	s17 =	rddreg [dreg:$0x8]  }
0x23: {  	[tilespmem:s18], [sflag:$0x2] =	stream.linear.gather [hbm4b:s17+s6], $0x6000, $0x38;
	[tilespmem:$0x1A800] =	vst v63  }
0x24: {  	_ =	swait.ge [sflag:s19], $0x6000  }
0x25: {  	[sflag:s19] =	ssyncset.done $0x0  }
0x26: {  	[sflag:s19] =	ssyncadd.s32 $0xFFFFA000  }
0x27: {  	v7 =	vld [tilespmem:$0x0];
	_ =	sdelay $0x3  }
0x28: {  	v0 =	vld [tilespmem:$0x1FFA0]  }
0x29: {  	v8 =	vshrl.u32 v7, $0x3  }
0x2a: {  	v1 =	vld [tilespmem:$0x1FFB0];
	v8 =	vmul.u32 $0x30, v8  }
0x2b: {  	v7 =	vand.u32 $0x7, v7  }
0x2c: {  	v7 =	vor.u32 v7, v8  }
0x2d: {  	v8 =	vperm.xlane v7, v0  }
0x2e: {  	v2 =	vld [tilespmem:$0x1FFC0]  }
0x2f: {  	v8 =	vadd.s32 v1, v8;
	_ =	sdelay $0x3  }
0x30: {  	v7 =	vperm.xlane v7, v2  }
0x31: {  	[tilespmem:s16], [sflag:$0x1] =	stream.indirect_vreg.gather [hbm4b:s1+s6], $0x80, v8, vm0, $0xb8;
	[tilespmem:$0x1A800] =	vst v63  }
0x32: {  	s20 =	simm.s32 $0xA00;
	v7 =	vadd.s32 v1, v7  }
0x33: {  	[tilespmem:s20], [sflag:$0x1] =	stream.indirect_vreg.gather [hbm4b:s13+s6], $0x80, v8, vm0, $0xb8;
	[tilespmem:$0x1A800] =	vst v63  }
0x34: {  	s21 =	simm.s32 $0x1200  }
0x35: {  	[tilespmem:s21], [sflag:$0x1] =	stream.indirect_vreg.gather [hbm4b:s14+s6], $0x80, v8, vm0, $0xb8;
	[tilespmem:$0x1A800] =	vst v63  }
0x36: {  	s22 =	simm.s32 $0x1A00  }
0x37: {  	[tilespmem:s22], [sflag:$0x1] =	stream.indirect_vreg.gather [hbm4b:s1+s6], $0x80, v7, vm0, $0xb8;
	[tilespmem:$0x1A800] =	vst v63  }
0x38: {  	s23 =	simm.s32 $0x2200  }
0x39: {  	[tilespmem:s23], [sflag:$0x1] =	stream.indirect_vreg.gather [hbm4b:s13+s6], $0x80, v7, vm0, $0xb8;
	[tilespmem:$0x1A800] =	vst v63  }
0x3a: {  	s24 =	simm.s32 $0x2A00  }
0x3b: {  	[tilespmem:s24], [sflag:$0x1] =	stream.indirect_vreg.gather [hbm4b:s14+s6], $0x80, v7, vm0, $0xb8;
	[tilespmem:$0x1A800] =	vst v63  }
0x3c: {  	v7 =	vld [tilespmem:$0x10];
	_ =	sdelay $0x4  }
0x3d: {  	v8 =	vshrl.u32 v7, $0x3  }
0x3e: {  	v8 =	vmul.u32 $0x30, v8  }
0x3f: {  	v7 =	vand.u32 $0x7, v7  }
0x40: {  	v7 =	vor.u32 v7, v8  }
0x41: {  	v8 =	vperm.xlane v7, v0;
	_ =	sdelay $0x1  }
0x42: {  	v8 =	vadd.s32 v1, v8;
	_ =	sdelay $0x3  }
0x43: {  	s25 =	simm.s32 $0x3200;
	v7 =	vperm.xlane v7, v2  }
0x44: {  	[tilespmem:s25], [sflag:$0x1] =	stream.indirect_vreg.gather [hbm4b:s1+s6], $0x80, v8, vm0, $0xb8;
	[tilespmem:$0x1A800] =	vst v63  }
0x45: {  	s26 =	simm.s32 $0x3A00;
	v7 =	vadd.s32 v1, v7  }
0x46: {  	[tilespmem:s26], [sflag:$0x1] =	stream.indirect_vreg.gather [hbm4b:s13+s6], $0x80, v8, vm0, $0xb8;
	[tilespmem:$0x1A800] =	vst v63  }
0x47: {  	s28 =	simm.s32 $0x4200  }
0x48: {  	[tilespmem:s28], [sflag:$0x1] =	stream.indirect_vreg.gather [hbm4b:s14+s6], $0x80, v8, vm0, $0xb8;
	[tilespmem:$0x1A800] =	vst v63  }
0x49: {  	s29 =	simm.s32 $0x4A00  }
0x4a: {  	[tilespmem:s29], [sflag:$0x1] =	stream.indirect_vreg.gather [hbm4b:s1+s6], $0x80, v7, vm0, $0xb8;
	[tilespmem:$0x1A800] =	vst v63  }
0x4b: {  	s30 =	simm.s32 $0x5200  }
0x4c: {  	[tilespmem:s30], [sflag:$0x1] =	stream.indirect_vreg.gather [hbm4b:s13+s6], $0x80, v7, vm0, $0xb8;
	[tilespmem:$0x1A800] =	vst v63  }
0x4d: {  	s31 =	simm.s32 $0x5A00;
	s20 =	simm.s32 $0x0  }
0x4e: {  	[tilespmem:s31], [sflag:$0x1] =	stream.indirect_vreg.gather [hbm4b:s14+s6], $0x80, v7, vm0, $0xb8;
	[tilespmem:$0x1A800] =	vst v63  }
.LBB2_2:
0x4f: {  	s0 =	sand.u32 $0x3, s20;
	p0 =	slt.u32 s20, $0x2  }
0x50: {  	s18 =	sadd.s32 $0x1, s0;
	p1 =	sgt.u32 @!p0 s20, $0xD  }
0x51: {  	s3 =	sadd.s32 $0x2, s20;
	_ =	swait.ge [sflag:s18], $0x6000;
	p1 =	por p0, !p1  }
.Ltmp0:
0x52: {  	s2 =	sand.u32 $0x3, s3;
	[sflag:s18] =	ssyncset.done $0x0;
	(pc) =	sbr.rel @!p1 .LBB2_4-.Ltmp0, $4  }
0x53: {  	s4 =	sadd.s32 @!p0 $0x1, s2;
	[sflag:s18] =	ssyncadd.s32 $0xFFFFA000  }
0x54: {  	_ =	swait.ge @!p0 [sflag:s4], $0x6000  }
0x55: {  	[sflag:s4] =	ssyncset.done @!p0 $0x0  }
0x56: {  	s22 =	sadd.s32 $0x1, s20;
	[sflag:s4] =	ssyncadd.s32 @!p0 $0xFFFFA000  }
0x57: {  	s3 =	sshll.u32 s3, $0x5  }
0x58: {  	s4 =	smul.u32 $0x18000, s2;
	s3 =	sadd.s32 s7, s3  }
.Ltmp1:
0x59: {  	s3 =	sshrl.u32 s3, $0x3;
	(pc) =	sbr.rel .LBB2_5-.Ltmp1, $4  }
0x5a: {  	s3 =	smul.u32 $0x300, s3  }
0x5b: {  	s4 =	sshrl.u32 s4, $0x2  }
0x5c: {  	s31 =	sadd.s32 $0x1, s2;
	s4 =	sor.u32 $0x200, s4;
	s3 =	sadd.s32 s9, s3  }
0x5d: {  	[tilespmem:s4], [sflag:s31] =	stream.linear.gather [hbm4b:s3+s6], $0x6000, $0x38;
	[tilespmem:$0x1A800] =	vst v63  }
.LBB2_4:
0x5e: {  	p0 =	seq.s32 s20, $0xF  }
.Ltmp2:
0x5f: {  	_ = 	snop;
	(pc) =	sbr.rel @p0 .LBB2_6-.Ltmp2, $1  }
0x60: {  	_ =	sdelay $0x3  }
.LBB2_5:
0x61: {  	s2 =	sand.u32 $0x3, s22  }
0x62: {  	s3 =	sadd.s32 $0x1, s2  }
0x63: {  	_ =	swait.ge [sflag:s3], $0x6000  }
0x64: {  	s4 =	sshll.u32 s22, $0x5;
	[sflag:s3] =	ssyncset.done $0x0  }
0x65: {  	s4 =	sand.u32 $0x3FFFFFE0, s4;
	[sflag:s3] =	ssyncadd.s32 $0xFFFFA000  }
0x66: {  	v7 =	vld [tilespmem:s4+$0x0];
	_ =	sdelay $0x3  }
0x67: {  	v0 =	vld [tilespmem:$0x1FFA0]  }
0x68: {  	v8 =	vshrl.u32 v7, $0x3  }
0x69: {  	v1 =	vld [tilespmem:$0x1FFB0];
	v8 =	vmul.u32 $0x30, v8  }
0x6a: {  	v7 =	vand.u32 $0x7, v7  }
0x6b: {  	v7 =	vor.u32 v7, v8  }
0x6c: {  	v8 =	vperm.xlane v7, v0  }
0x6d: {  	v2 =	vld [tilespmem:$0x1FFC0]  }
0x6e: {  	v8 =	vadd.s32 v1, v8  }
0x6f: {  	s2 =	smul.u32 $0x18000, s2;
	_ =	sdelay $0x1  }
0x70: {  	s2 =	sshrl.u32 s2, $0x2  }
0x71: {  	s10 =	sor.u32 $0x200, s2;
	v7 =	vperm.xlane v7, v2  }
0x72: {  	[tilespmem:s10], [sflag:s3] =	stream.indirect_vreg.gather [hbm4b:s1+s6], $0x80, v8, vm0, $0xb8;
	[tilespmem:$0x1A800] =	vst v63  }
0x73: {  	s19 =	sor.u32 $0xA00, s2;
	v7 =	vadd.s32 v1, v7  }
0x74: {  	[tilespmem:s19], [sflag:s3] =	stream.indirect_vreg.gather [hbm4b:s13+s6], $0x80, v8, vm0, $0xb8;
	[tilespmem:$0x1A800] =	vst v63  }
0x75: {  	s21 =	sor.u32 $0x1200, s2  }
0x76: {  	[tilespmem:s21], [sflag:s3] =	stream.indirect_vreg.gather [hbm4b:s14+s6], $0x80, v8, vm0, $0xb8;
	[tilespmem:$0x1A800] =	vst v63  }
0x77: {  	s23 =	sor.u32 $0x1A00, s2  }
0x78: {  	[tilespmem:s23], [sflag:s3] =	stream.indirect_vreg.gather [hbm4b:s1+s6], $0x80, v7, vm0, $0xb8;
	[tilespmem:$0x1A800] =	vst v63  }
0x79: {  	s24 =	sadd.s32 $0x2200, s2  }
0x7a: {  	[tilespmem:s24], [sflag:s3] =	stream.indirect_vreg.gather [hbm4b:s13+s6], $0x80, v7, vm0, $0xb8;
	[tilespmem:$0x1A800] =	vst v63  }
0x7b: {  	s25 =	sadd.s32 $0x2A00, s2  }
0x7c: {  	[tilespmem:s25], [sflag:s3] =	stream.indirect_vreg.gather [hbm4b:s14+s6], $0x80, v7, vm0, $0xb8;
	[tilespmem:$0x1A800] =	vst v63  }
0x7d: {  	v7 =	vld [tilespmem:s4+$0x10];
	_ =	sdelay $0x4  }
0x7e: {  	v8 =	vshrl.u32 v7, $0x3  }
0x7f: {  	v8 =	vmul.u32 $0x30, v8  }
0x80: {  	v7 =	vand.u32 $0x7, v7  }
0x81: {  	v7 =	vor.u32 v7, v8  }
0x82: {  	v8 =	vperm.xlane v7, v0;
	_ =	sdelay $0x1  }
0x83: {  	v8 =	vadd.s32 v1, v8;
	_ =	sdelay $0x3  }
0x84: {  	s26 =	sadd.s32 $0x3200, s2;
	v7 =	vperm.xlane v7, v2  }
0x85: {  	[tilespmem:s26], [sflag:s3] =	stream.indirect_vreg.gather [hbm4b:s1+s6], $0x80, v8, vm0, $0xb8;
	[tilespmem:$0x1A800] =	vst v63  }
0x86: {  	s28 =	sadd.s32 $0x3A00, s2;
	v7 =	vadd.s32 v1, v7  }
0x87: {  	[tilespmem:s28], [sflag:s3] =	stream.indirect_vreg.gather [hbm4b:s13+s6], $0x80, v8, vm0, $0xb8;
	[tilespmem:$0x1A800] =	vst v63  }
0x88: {  	s29 =	sadd.s32 $0x4200, s2  }
0x89: {  	[tilespmem:s29], [sflag:s3] =	stream.indirect_vreg.gather [hbm4b:s14+s6], $0x80, v8, vm0, $0xb8;
	[tilespmem:$0x1A800] =	vst v63  }
0x8a: {  	s30 =	sadd.s32 $0x4A00, s2  }
0x8b: {  	[tilespmem:s30], [sflag:s3] =	stream.indirect_vreg.gather [hbm4b:s1+s6], $0x80, v7, vm0, $0xb8;
	[tilespmem:$0x1A800] =	vst v63  }
0x8c: {  	s31 =	sadd.s32 $0x5200, s2  }
0x8d: {  	[tilespmem:s31], [sflag:s3] =	stream.indirect_vreg.gather [hbm4b:s13+s6], $0x80, v7, vm0, $0xb8;
	[tilespmem:$0x1A800] =	vst v63  }
0x8e: {  	s2 =	sadd.s32 $0x5A00, s2  }
0x8f: {  	[tilespmem:s2], [sflag:s3] =	stream.indirect_vreg.gather [hbm4b:s14+s6], $0x80, v7, vm0, $0xb8;
	[tilespmem:$0x1A800] =	vst v63  }
.LBB2_6:
0x90: {  	s0 =	smul.u32 $0x18000, s0;
	s2 =	simm.s32 $0x0  }
0x91: {  	s2 =	smul.u32 $0x6000, s2  }
0x92: {  	s0 =	sshrl.u32 s0, $0x2  }
0x93: {  	s12 =	simm.s32 $0x80;
	s23 =	sor.u32 $0x200, s0;
	s2 =	sshra.s32 s2, $0x2  }
0x94: {  	s4 =	sand.u32 $0x380, s12;
	s11 =	sadd.s32 s2, s23  }
0x95: {  	s2 =	sadd.s32 s4, s11  }
0x96: {  	v7 =	vld [tilespmem:s2+$0x40]  }
0x97: {  	v8 =	vld [tilespmem:s2+$0x0]  }
0x98: {  	v9 =	vld [tilespmem:s2+$0x10]  }
0x99: {  	v10 =	vld [tilespmem:s2+$0x20]  }
0x9a: {  	v11 =	vld [tilespmem:s2+$0x30]  }
0x9b: {  	v12 =	vld [tilespmem:s2+$0x50]  }
0x9c: {  	v13 =	vld [tilespmem:s2+$0x60]  }
0x9d: {  	v14 =	vld [tilespmem:s2+$0x70]  }
0x9e: {  	v17 =	vld [tilespmem:s2+$0x400];
	v15 =	vmul.f32 v8, v8;
	v16 =	vmul.f32 v9, v9  }
0x9f: {  	v20 =	vld [tilespmem:s2+$0x410];
	v18 =	vmul.f32 v10, v10;
	v19 =	vmul.f32 v11, v11  }
0xa0: {  	v23 =	vld [tilespmem:s2+$0x420];
	v21 =	vmul.f32 v7, v7;
	v22 =	vmul.f32 v12, v12  }
0xa1: {  	v25 =	vld [tilespmem:s2+$0x430];
	v8 =	vadd.f32 $0.0e+00, v8;
	v9 =	vadd.f32 $0.0e+00, v9;
	v24 =	vmul.f32 v13, v13  }
0xa2: {  	v10 =	vadd.f32 $0.0e+00, v10;
	v11 =	vadd.f32 $0.0e+00, v11;
	v26 =	vmul.f32 v14, v14  }
0xa3: {  	v27 =	vld [tilespmem:s2+$0x440];
	v15 =	vadd.f32 v21, v15;
	v16 =	vadd.f32 v22, v16;
	v21 =	vmul.f32 v17, v17  }
0xa4: {  	v22 =	vld [tilespmem:s2+$0x450];
	v18 =	vadd.f32 v24, v18;
	v19 =	vadd.f32 v26, v19;
	v24 =	vmul.f32 v20, v20  }
0xa5: {  	s15 =	sadd.s32 $0x800, s11;
	v26 =	vld [tilespmem:s2+$0x460];
	v7 =	vadd.f32 v7, v8;
	v8 =	vadd.f32 v12, v9;
	v9 =	vmul.f32 v23, v23  }
0xa6: {  	s16 =	sadd.s32 s4, s15;
	v12 =	vld [tilespmem:s2+$0x470];
	v10 =	vadd.f32 v13, v10;
	v11 =	vadd.f32 v14, v11;
	v13 =	vmul.f32 v25, v25  }
0xa7: {  	v14 =	vld [tilespmem:s16+$0x0];
	v15 =	vadd.f32 v21, v15;
	v16 =	vadd.f32 v24, v16  }
0xa8: {  	v24 =	vld [tilespmem:s16+$0x10];
	v9 =	vadd.f32 v9, v18;
	v13 =	vadd.f32 v13, v19  }
0xa9: {  	v21 =	vmul.f32 v27, v27;
	v19 =	vld [tilespmem:s16+$0x20];
	v7 =	vadd.f32 v17, v7;
	v8 =	vadd.f32 v20, v8  }
0xaa: {  	v20 =	vld [tilespmem:s16+$0x30];
	v10 =	vadd.f32 v23, v10;
	v11 =	vadd.f32 v25, v11  }
0xab: {  	v25 =	vld [tilespmem:s16+$0x40];
	v15 =	vadd.f32 v21, v15;
	v7 =	vadd.f32 v27, v7;
	v18 =	vmul.f32 v22, v22  }
0xac: {  	s10 =	sadd.s32 $0xC00, s11;
	v21 =	vld [tilespmem:s16+$0x50];
	v17 =	vmul.f32 v26, v26;
	v8 =	vadd.f32 v22, v8;
	v10 =	vadd.f32 v26, v10  }
0xad: {  	s3 =	sadd.s32 s4, s10;
	v27 =	vld [tilespmem:s16+$0x70];
	v23 =	vmul.f32 v12, v12;
	v11 =	vadd.f32 v12, v11;
	v7 =	vadd.f32 v14, v7  }
0xae: {  	v26 =	vld [tilespmem:s3+$0x0];
	v16 =	vadd.f32 v18, v16;
	v18 =	vmul.f32 v14, v14;
	v9 =	vadd.f32 v17, v9  }
0xaf: {  	v13 =	vadd.f32 v23, v13;
	v17 =	vmul.f32 v24, v24;
	v23 =	vld [tilespmem:s16+$0x60];
	v8 =	vadd.f32 v24, v8  }
0xb0: {  	v22 =	vmul.f32 v19, v19;
	v24 =	vld [tilespmem:s3+$0x30];
	v10 =	vadd.f32 v19, v10;
	v11 =	vadd.f32 v20, v11  }
0xb1: {  	v12 =	vmul.f32 v20, v20;
	v20 =	vld [tilespmem:s3+$0x40];
	v7 =	vadd.f32 v25, v7;
	v15 =	vadd.f32 v18, v15  }
0xb2: {  	v16 =	vadd.f32 v17, v16;
	v17 =	vmul.f32 v25, v25;
	v18 =	vld [tilespmem:s3+$0x10];
	v9 =	vadd.f32 v22, v9  }
0xb3: {  	s17 =	sadd.s32 $0x1000, s11;
	v12 =	vadd.f32 v12, v13;
	v13 =	vmul.f32 v21, v21;
	v22 =	vld [tilespmem:s3+$0x20];
	v8 =	vadd.f32 v21, v8  }
0xb4: {  	s12 =	sadd.s32 s4, s17;
	v19 =	vmul.f32 v27, v27;
	v25 =	vld [tilespmem:s3+$0x70];
	v11 =	vadd.f32 v27, v11;
	v7 =	vadd.f32 v26, v7  }
0xb5: {  	v27 =	vld [tilespmem:s12+$0x0];
	v15 =	vadd.f32 v17, v15;
	v13 =	vadd.f32 v13, v16;
	v16 =	vmul.f32 v26, v26  }
0xb6: {  	v17 =	vld [tilespmem:s3+$0x50];
	v12 =	vadd.f32 v19, v12;
	v14 =	vmul.f32 v23, v23;
	v10 =	vadd.f32 v23, v10  }
0xb7: {  	v19 =	vld [tilespmem:s3+$0x60];
	v23 =	vmul.f32 v24, v24;
	v11 =	vadd.f32 v24, v11;
	v7 =	vadd.f32 v20, v7  }
0xb8: {  	v26 =	vld [tilespmem:s12+$0x30];
	v15 =	vadd.f32 v16, v15;
	v9 =	vadd.f32 v14, v9;
	v14 =	vmul.f32 v18, v18  }
0xb9: {  	v24 =	vld [tilespmem:s12+$0x40];
	v21 =	vmul.f32 v22, v22;
	v12 =	vadd.f32 v23, v12;
	v8 =	vadd.f32 v18, v8  }
0xba: {  	v10 =	vadd.f32 v22, v10;
	v22 =	vmul.f32 v25, v25;
	v11 =	vadd.f32 v25, v11  }
0xbb: {  	v16 =	vld [tilespmem:s12+$0x10];
	v7 =	vadd.f32 v27, v7;
	v13 =	vadd.f32 v14, v13;
	v14 =	vmul.f32 v20, v20  }
0xbc: {  	v23 =	vld [tilespmem:s12+$0x20];
	v9 =	vadd.f32 v21, v9;
	v21 =	vmul.f32 v17, v17;
	v12 =	vadd.f32 v22, v12  }
0xbd: {  	s19 =	sadd.s32 $0x1400, s11;
	v18 =	vmul.f32 v19, v19;
	v22 =	vld [tilespmem:s12+$0x60];
	v8 =	vadd.f32 v17, v8;
	v10 =	vadd.f32 v19, v10  }
0xbe: {  	s21 =	sadd.s32 s4, s19;
	v20 =	vld [tilespmem:s12+$0x70];
	v19 =	vmul.f32 v26, v26;
	v11 =	vadd.f32 v26, v11;
	v7 =	vadd.f32 v24, v7  }
0xbf: {  	v25 =	vld [tilespmem:s21+$0x0];
	v14 =	vadd.f32 v14, v15;
	v13 =	vadd.f32 v21, v13;
	v15 =	vmul.f32 v27, v27  }
0xc0: {  	v21 =	vld [tilespmem:s12+$0x50];
	v9 =	vadd.f32 v18, v9;
	v18 =	vmul.f32 v16, v16;
	v12 =	vadd.f32 v19, v12  }
0xc1: {  	v19 =	vld [tilespmem:s21+$0x20];
	v8 =	vadd.f32 v16, v8;
	v17 =	vmul.f32 v23, v23;
	v10 =	vadd.f32 v23, v10  }
0xc2: {  	v27 =	vld [tilespmem:s21+$0x30];
	v14 =	vadd.f32 v15, v14;
	v13 =	vadd.f32 v18, v13;
	v15 =	vmul.f32 v24, v24  }
0xc3: {  	v18 =	vld [tilespmem:s21+$0x10];
	v9 =	vadd.f32 v17, v9;
	v16 =	vmul.f32 v22, v22;
	v23 =	vmul.f32 v20, v20  }
0xc4: {  	v10 =	vadd.f32 v22, v10;
	v22 =	vld [tilespmem:s21+$0x60];
	v14 =	vadd.f32 v15, v14;
	v15 =	vmul.f32 v25, v25  }
0xc5: {  	v11 =	vadd.f32 v20, v11;
	v17 =	vmul.f32 v21, v21;
	v12 =	vadd.f32 v23, v12;
	v23 =	vld [tilespmem:s21+$0x50]  }
0xc6: {  	s24 =	simm.s32 $0x0;
	v9 =	vadd.f32 v16, v9;
	v14 =	vadd.f32 v15, v14;
	v15 =	vld [tilespmem:s21+$0x70]  }
0xc7: {  	s4 =	sand.u32 $0x300, s24;
	v8 =	vadd.f32 v21, v8;
	v21 =	vmul.f32 v19, v19;
	v13 =	vadd.f32 v17, v13;
	v17 =	vld [tilespmem:s21+$0x40]  }
0xc8: {  	s11 =	sadd.s32 s4, s11;
	v7 =	vadd.f32 v25, v7;
	v20 =	vmul.f32 v27, v27;
	v10 =	vadd.f32 v19, v10  }
0xc9: {  	v11 =	vadd.f32 v27, v11;
	v16 =	vmul.f32 v18, v18;
	v9 =	vadd.f32 v21, v9;
	v21 =	vld [tilespmem:s11+$0x30]  }
0xca: {  	v28 =	vld [tilespmem:s11+$0x0];
	v12 =	vadd.f32 v20, v12;
	v8 =	vadd.f32 v18, v8  }
0xcb: {  	v26 =	vld [tilespmem:s11+$0x10];
	v10 =	vadd.f32 v22, v10;
	v13 =	vadd.f32 v16, v13;
	v18 =	vmul.f32 v23, v23  }
0xcc: {  	v27 =	vld [tilespmem:s11+$0x70];
	v8 =	vadd.f32 v23, v8;
	v11 =	vadd.f32 v15, v11;
	v20 =	vmul.f32 v17, v17  }
0xcd: {  	v16 =	vld [tilespmem:s11+$0x20];
	v13 =	vadd.f32 v18, v13;
	v18 =	vmul.f32 v22, v22;
	v7 =	vadd.f32 v17, v7  }
0xce: {  	v29 =	vld [tilespmem:s11+$0x40];
	v17 =	vmul.f32 v15, v15;
	v15 =	vmul.f32 v21, v21;
	v21 =	vadd.f32 $0.0e+00, v21  }
0xcf: {  	v19 =	vld [tilespmem:s11+$0x50];
	v14 =	vadd.f32 v20, v14;
	v9 =	vadd.f32 v18, v9  }
0xd0: {  	v24 =	vmul.f32 v28, v28;
	v12 =	vadd.f32 v17, v12;
	v7 =	vadd.f32 v8, v7  }
0xd1: {  	v25 =	vmul.f32 v26, v26;
	v8 =	vadd.f32 v11, v10;
	v10 =	vadd.f32 $0.0e+00, v28  }
0xd2: {  	v20 =	vld [tilespmem:s11+$0x60];
	v23 =	vmul.f32 v16, v16;
	v16 =	vadd.f32 $0.0e+00, v16;
	v21 =	vadd.f32 v27, v21  }
0xd3: {  	v17 =	vld [tilespmem:s11+$0x400];
	v18 =	vmul.f32 v29, v29;
	v13 =	vadd.f32 v13, v14;
	v7 =	vadd.f32 v8, v7  }
0xd4: {  	v11 =	vmul.f32 v19, v19;
	v28 =	vld [tilespmem:s11+$0x430];
	v8 =	vadd.f32 v12, v9;
	v12 =	vadd.f32 $0.0e+00, v26  }
0xd5: {  	v14 =	vld [tilespmem:s11+$0x410];
	v26 =	vmul.f32 v27, v27;
	v10 =	vadd.f32 v29, v10;
	v18 =	vadd.f32 v18, v24  }
0xd6: {  	v9 =	vld [tilespmem:s11+$0x420];
	v11 =	vadd.f32 v11, v25;
	v8 =	vadd.f32 v8, v13  }
0xd7: {  	v27 =	vld [tilespmem:s11+$0x450];
	v13 =	vperm.xlane v7, v3;
	v12 =	vadd.f32 v19, v12;
	v15 =	vadd.f32 v26, v15  }
0xd8: {  	v29 =	vld [tilespmem:s11+$0x470];
	v22 =	vmul.f32 v20, v20;
	v16 =	vadd.f32 v20, v16;
	v10 =	vadd.f32 v17, v10  }
0xd9: {  	v19 =	vmul.f32 v17, v17;
	v21 =	vadd.f32 v28, v21;
	v7 =	vadd.f32 v7, v13  }
0xda: {  	v13 =	vperm.xlane v8, v3;
	v17 =	vmul.f32 v14, v14;
	v12 =	vadd.f32 v14, v12  }
0xdb: {  	v20 =	vld [tilespmem:s11+$0x440];
	v16 =	vadd.f32 v9, v16;
	v9 =	vmul.f32 v9, v9;
	v22 =	vadd.f32 v22, v23  }
0xdc: {  	s0 =	sadd.s32 s4, s15;
	v23 =	vmul.f32 v28, v28;
	v18 =	vadd.f32 v19, v18;
	v19 =	vmul.f32 v27, v27  }
0xdd: {  	v24 =	vld [tilespmem:s0+$0x0];
	v21 =	vadd.f32 v29, v21;
	v14 =	vperm.xlane v7, v4;
	v8 =	vadd.f32 v13, v8  }
0xde: {  	v29 =	vmul.f32 v29, v29;
	v13 =	vld [tilespmem:s11+$0x460];
	v12 =	vadd.f32 v27, v12;
	v11 =	vadd.f32 v17, v11  }
0xdf: {  	v27 =	vld [tilespmem:s0+$0x40];
	v9 =	vadd.f32 v9, v22;
	v7 =	vadd.f32 v7, v14;
	v14 =	vperm.xlane v8, v4  }
0xe0: {  	s10 =	sadd.s32 s4, s10;
	v26 =	vld [tilespmem:s0+$0x20];
	v15 =	vadd.f32 v23, v15;
	v10 =	vadd.f32 v20, v10;
	v20 =	vmul.f32 v20, v20  }
0xe1: {  	v30 =	vld [tilespmem:s10+$0x0];
	v11 =	vadd.f32 v19, v11;
	v25 =	vperm.xlane v7, v5;
	v8 =	vadd.f32 v14, v8  }
0xe2: {  	v22 =	vld [tilespmem:s0+$0x60];
	v10 =	vadd.f32 v24, v10;
	v24 =	vmul.f32 v24, v24;
	v18 =	vadd.f32 v20, v18  }
0xe3: {  	v14 =	vld [tilespmem:s0+$0x10];
	v16 =	vadd.f32 v13, v16;
	v13 =	vmul.f32 v13, v13;
	v7 =	vadd.f32 v7, v25  }
0xe4: {  	v25 =	vperm.xlane v8, v5;
	v10 =	vadd.f32 v27, v10;
	v18 =	vadd.f32 v24, v18  }
0xe5: {  	v19 =	vld [tilespmem:s10+$0x20];
	v27 =	vmul.f32 v27, v27;
	v16 =	vadd.f32 v26, v16;
	v9 =	vadd.f32 v13, v9  }
0xe6: {  	v28 =	vld [tilespmem:s0+$0x30];
	v13 =	vadd.f32 v29, v15;
	v17 =	vperm.xlane v7, v6;
	v8 =	vadd.f32 v25, v8  }
0xe7: {  	v23 =	vld [tilespmem:s0+$0x70];
	v10 =	vadd.f32 v30, v10;
	v18 =	vadd.f32 v27, v18;
	v27 =	vmul.f32 v30, v30  }
0xe8: {  	v25 =	vld [tilespmem:s0+$0x50];
	v12 =	vadd.f32 v14, v12;
	v14 =	vmul.f32 v14, v14;
	v16 =	vadd.f32 v22, v16  }
0xe9: {  	v20 =	vld [tilespmem:s10+$0x10];
	v22 =	vmul.f32 v22, v22;
	v7 =	vadd.f32 v7, v17;
	v17 =	vperm.xlane v8, v6  }
0xea: {  	v15 =	vld [tilespmem:s10+$0x30];
	v11 =	vadd.f32 v14, v11;
	v16 =	vadd.f32 v19, v16;
	v19 =	vmul.f32 v19, v19  }
0xeb: {  	v14 =	vld [tilespmem:s10+$0x50];
	v17 =	vadd.f32 v17, v8;
	v8 =	vmul.f32 $1.302083370e-03, v7;
	v7 =	vadd.f32 v28, v21  }
0xec: {  	v18 =	vadd.f32 v27, v18;
	v21 =	vmul.f32 v26, v26;
	v26 =	vmul.f32 v28, v28;
	v28 =	vld [tilespmem:s10+$0x40]  }
0xed: {  	v12 =	vadd.f32 v25, v12;
	v24 =	vmul.f32 v25, v25;
	v25 =	vld [tilespmem:s10+$0x70];
	v7 =	vadd.f32 v23, v7  }
0xee: {  	s25 =	sadd.s32 s4, s17;
	v9 =	vadd.f32 v21, v9;
	v13 =	vadd.f32 v26, v13;
	v21 =	vld [tilespmem:s10+$0x60];
	v23 =	vmul.f32 v23, v23  }
0xef: {  	v17 =	vmul.f32 $1.302083370e-03, v17;
	v26 =	vld [tilespmem:s25+$0x0];
	v12 =	vadd.f32 v20, v12;
	v11 =	vadd.f32 v24, v11  }
0xf0: {  	v24 =	vld [tilespmem:s25+$0x10];
	v20 =	vmul.f32 v20, v20;
	v7 =	vadd.f32 v15, v7;
	v9 =	vadd.f32 v22, v9  }
0xf1: {  	v13 =	vadd.f32 v23, v13;
	v22 =	vld [tilespmem:s25+$0x20];
	v15 =	vmul.f32 v15, v15;
	v10 =	vadd.f32 v28, v10  }
0xf2: {  	v23 =	vld [tilespmem:s25+$0x30];
	v12 =	vadd.f32 v14, v12;
	v28 =	vmul.f32 v28, v28;
	v11 =	vadd.f32 v20, v11  }
0xf3: {  	v29 =	vld [tilespmem:s25+$0x40];
	v14 =	vmul.f32 v14, v14;
	v7 =	vadd.f32 v25, v7;
	v9 =	vadd.f32 v19, v9  }
0xf4: {  	v27 =	vld [tilespmem:s25+$0x50];
	v13 =	vadd.f32 v15, v13;
	v16 =	vadd.f32 v21, v16;
	v15 =	vmul.f32 v21, v21  }
0xf5: {  	v20 =	vld [tilespmem:s25+$0x70];
	v10 =	vadd.f32 v26, v10;
	v21 =	vmul.f32 v25, v25;
	v18 =	vadd.f32 v28, v18  }
0xf6: {  	s26 =	sadd.s32 s4, s19;
	v19 =	vld [tilespmem:s25+$0x60];
	v26 =	vmul.f32 v26, v26;
	v11 =	vadd.f32 v14, v11;
	v12 =	vadd.f32 v24, v12  }
0xf7: {  	v25 =	vld [tilespmem:s26+$0x0];
	v14 =	vmul.f32 v24, v24;
	v16 =	vadd.f32 v22, v16;
	v7 =	vadd.f32 v23, v7  }
0xf8: {  	v28 =	vld [tilespmem:s26+$0x10];
	v9 =	vadd.f32 v15, v9;
	v13 =	vadd.f32 v21, v13;
	v21 =	vmul.f32 v22, v22  }
0xf9: {  	v24 =	vld [tilespmem:s26+$0x40];
	v10 =	vadd.f32 v29, v10;
	v23 =	vmul.f32 v23, v23;
	v18 =	vadd.f32 v26, v18  }
0xfa: {  	v15 =	vld [tilespmem:s26+$0x20];
	v29 =	vmul.f32 v29, v29;
	v12 =	vadd.f32 v27, v12;
	v11 =	vadd.f32 v14, v11  }
0xfb: {  	v22 =	vld [tilespmem:s26+$0x30];
	v14 =	vmul.f32 v27, v27;
	v16 =	vadd.f32 v19, v16;
	v7 =	vadd.f32 v20, v7  }
0xfc: {  	v26 =	vld [tilespmem:s26+$0x50];
	v9 =	vadd.f32 v21, v9;
	v13 =	vadd.f32 v23, v13;
	v19 =	vmul.f32 v19, v19  }
0xfd: {  	v21 =	vld [tilespmem:s26+$0x60];
	v20 =	vmul.f32 v20, v20;
	v18 =	vadd.f32 v29, v18;
	v10 =	vadd.f32 v25, v10  }
0xfe: {  	v23 =	vld [tilespmem:s26+$0x70];
	v12 =	vadd.f32 v28, v12;
	v25 =	vmul.f32 v25, v25;
	v11 =	vadd.f32 v14, v11  }
0xff: {  	v27 =	vmul.f32 v28, v28;
	v9 =	vadd.f32 v19, v9;
	v13 =	vadd.f32 v20, v13  }
0x100: {  	s3 =	simm.s32 $0x0;
	v19 =	vmul.f32 v24, v24;
	v16 =	vadd.f32 v15, v16;
	v7 =	vadd.f32 v22, v7  }
0x101: {  	s0 =	smul.u32 $0x6000, s3;
	v14 =	vmul.f32 v15, v15;
	v10 =	vadd.f32 v24, v10;
	v12 =	vadd.f32 v26, v12  }
0x102: {  	v15 =	vmul.f32 v22, v22;
	v18 =	vadd.f32 v25, v18;
	v11 =	vadd.f32 v27, v11  }
0x103: {  	s4 =	simm.s32 $0x180;
	s0 =	sshra.s32 s0, $0x2;
	v20 =	vmul.f32 v26, v26;
	v16 =	vadd.f32 v21, v16;
	v7 =	vadd.f32 v23, v7  }
0x104: {  	s19 =	sand.u32 $0x380, s4;
	s10 =	sadd.s32 s0, s23;
	v9 =	vadd.f32 v14, v9;
	v14 =	vmul.f32 v21, v21;
	v13 =	vadd.f32 v15, v13  }
0x105: {  	s0 =	sadd.s32 s19, s10;
	v10 =	vadd.f32 v12, v10;
	v12 =	vmul.f32 v23, v23;
	v15 =	vadd.f32 v19, v18  }
0x106: {  	v22 =	vld [tilespmem:s0+$0x70];
	v11 =	vadd.f32 v20, v11;
	v7 =	vadd.f32 v7, v16;
	v16 =	vmul.f32 v8, v8  }
0x107: {  	v9 =	vadd.f32 v14, v9;
	v12 =	vadd.f32 v12, v13  }
0x108: {  	v19 =	vld [tilespmem:s0+$0x30];
	v7 =	vadd.f32 v7, v10;
	v10 =	vsub.f32 v17, v16  }
0x109: {  	v11 =	vadd.f32 v11, v15;
	v9 =	vadd.f32 v12, v9  }
0x10a: {  	v14 =	vld [tilespmem:s0+$0x0];
	v12 =	vperm.xlane v7, v3;
	v10 =	vadd.f32 $9.999999740e-06, v10  }
0x10b: {  	v15 =	vld [tilespmem:s0+$0x10];
	v32 =	vmul.f32 v22, v22;
	v11 =	vadd.f32 v9, v11  }
0x10c: {  	v31 =	vld [tilespmem:s0+$0x430];
	v12 =	vadd.f32 v7, v12;
	v9 =	vshrl.u32 v10, $0x1;
	v7 =	vmul.f32 $5.000000000e-01, v10  }
0x10d: {  	v20 =	vld [tilespmem:s0+$0x50];
	v27 =	vmul.f32 v19, v19;
	v10 =	vperm.xlane v11, v3;
	v9 =	vsub.s32 $0x5F3759DF, v9  }
0x10e: {  	v16 =	vld [tilespmem:s0+$0x20];
	v17 =	vperm.xlane v12, v4;
	v18 =	vmul.f32 v9, v7  }
0x10f: {  	v13 =	vld [tilespmem:s0+$0x40];
	v19 =	vadd.f32 $0.0e+00, v19;
	v24 =	vmul.f32 v14, v14;
	v10 =	vadd.f32 v10, v11  }
0x110: {  	v25 =	vmul.f32 v15, v15;
	v17 =	vadd.f32 v12, v17;
	v11 =	vmul.f32 v9, v18;
	v18 =	vld [tilespmem:s0+$0x60]  }
0x111: {  	v33 =	vld [tilespmem:s0+$0x440];
	v14 =	vadd.f32 $0.0e+00, v14;
	v15 =	vadd.f32 $0.0e+00, v15;
	v21 =	vperm.xlane v10, v4  }
0x112: {  	v26 =	vld [tilespmem:s0+$0x400];
	v27 =	vadd.f32 v32, v27;
	v23 =	vperm.xlane v17, v5;
	v12 =	vsub.f32 $1.500000000e+00, v11  }
0x113: {  	v28 =	vld [tilespmem:s0+$0x410];
	v11 =	vadd.f32 v21, v10;
	v21 =	vmul.f32 v16, v16;
	v16 =	vadd.f32 $0.0e+00, v16  }
0x114: {  	s21 =	sadd.s32 $0x800, s10;
	v29 =	vld [tilespmem:s0+$0x420];
	v10 =	vadd.f32 v17, v23;
	v17 =	vmul.f32 v13, v13;
	v13 =	vadd.f32 v13, v14  }
0x115: {  	v52 =	vld [tilespmem:s0+$0x460];
	s2 =	sadd.s32 s19, s21;
	v23 =	vmul.f32 v20, v20;
	v14 =	vadd.f32 v20, v15;
	v16 =	vadd.f32 v18, v16  }
0x116: {  	v53 =	vld [tilespmem:s2+$0x10];
	v50 =	vmul.f32 v18, v18;
	v18 =	vadd.f32 v22, v19;
	v17 =	vadd.f32 v17, v24  }
0x117: {  	v20 =	vld [tilespmem:s0+$0x470];
	v19 =	vmul.f32 v31, v31;
	v23 =	vadd.f32 v23, v25;
	v13 =	vadd.f32 v26, v13  }
0x118: {  	v22 =	vld [tilespmem:s2+$0x0];
	v24 =	vmul.f32 v26, v26;
	v14 =	vadd.f32 v28, v14;
	v21 =	vadd.f32 v50, v21  }
0x119: {  	v51 =	vmul.f32 v28, v28;
	v25 =	vld [tilespmem:s0+$0x450];
	v19 =	vadd.f32 v19, v27;
	v16 =	vadd.f32 v29, v16  }
0x11a: {  	v15 =	vmul.f32 v29, v29;
	v28 =	vld [tilespmem:s2+$0x30];
	v18 =	vadd.f32 v31, v18;
	v17 =	vadd.f32 v24, v17  }
0x11b: {  	v27 =	vld [tilespmem:s2+$0x20];
	v23 =	vadd.f32 v51, v23;
	v24 =	vmul.f32 v33, v33;
	v13 =	vadd.f32 v33, v13  }
0x11c: {  	s24 =	sadd.s32 $0xC00, s10;
	v54 =	vld [tilespmem:s2+$0x40];
	v26 =	vmul.f32 v52, v52;
	v15 =	vadd.f32 v15, v21;
	v16 =	vadd.f32 v52, v16  }
0x11d: {  	v55 =	vld [tilespmem:s2+$0x70];
	s25 =	sadd.s32 s19, s24;
	v29 =	vmul.f32 v20, v20;
	v18 =	vadd.f32 v20, v18;
	v17 =	vadd.f32 v24, v17  }
0x11e: {  	v56 =	vld [tilespmem:s25+$0x0];
	v13 =	vadd.f32 v22, v13;
	v21 =	vmul.f32 v25, v25;
	v15 =	vadd.f32 v26, v15  }
0x11f: {  	v57 =	vld [tilespmem:s25+$0x30];
	v19 =	vadd.f32 v29, v19;
	v26 =	vmul.f32 v53, v53;
	v14 =	vadd.f32 v25, v14  }
0x120: {  	v24 =	vld [tilespmem:s2+$0x50];
	v20 =	vmul.f32 v28, v28;
	v18 =	vadd.f32 v28, v18;
	v16 =	vadd.f32 v27, v16  }
0x121: {  	v29 =	vld [tilespmem:s2+$0x60];
	v25 =	vmul.f32 v27, v27;
	v13 =	vadd.f32 v54, v13;
	v21 =	vadd.f32 v21, v23  }
0x122: {  	s26 =	sadd.s32 $0x1000, s10;
	v28 =	vld [tilespmem:s25+$0x40];
	v23 =	vmul.f32 v22, v22;
	v19 =	vadd.f32 v20, v19;
	v14 =	vadd.f32 v53, v14  }
0x123: {  	v58 =	vld [tilespmem:s25+$0x70];
	s15 =	sadd.s32 s19, s26;
	v27 =	vmul.f32 v55, v55;
	v18 =	vadd.f32 v55, v18;
	v15 =	vadd.f32 v25, v15  }
0x124: {  	v59 =	vld [tilespmem:s15+$0x0];
	v13 =	vadd.f32 v56, v13;
	v17 =	vadd.f32 v23, v17  }
0x125: {  	v25 =	vld [tilespmem:s25+$0x20];
	v21 =	vadd.f32 v26, v21;
	v23 =	vmul.f32 v54, v54;
	v19 =	vadd.f32 v27, v19  }
0x126: {  	v60 =	vld [tilespmem:s15+$0x30];
	v20 =	vmul.f32 v24, v24;
	v14 =	vadd.f32 v24, v14;
	v18 =	vadd.f32 v57, v18  }
0x127: {  	v26 =	vld [tilespmem:s25+$0x10];
	v22 =	vmul.f32 v29, v29;
	v16 =	vadd.f32 v29, v16;
	v13 =	vadd.f32 v28, v13  }
0x128: {  	v61 =	vld [tilespmem:s15+$0x40];
	v29 =	vmul.f32 v57, v57;
	v17 =	vadd.f32 v23, v17;
	v20 =	vadd.f32 v20, v21  }
0x129: {  	s16 =	sadd.s32 $0x1400, s10;
	v27 =	vld [tilespmem:s25+$0x60];
	v21 =	vmul.f32 v56, v56;
	v18 =	vadd.f32 v58, v18;
	v15 =	vadd.f32 v22, v15  }
0x12a: {  	s17 =	sadd.s32 s19, s16;
	v23 =	vld [tilespmem:s25+$0x50];
	v19 =	vadd.f32 v29, v19;
	v13 =	vadd.f32 v59, v13;
	v24 =	vmul.f32 v25, v25  }
0x12b: {  	v62 =	vld [tilespmem:s17+$0x0];
	v17 =	vadd.f32 v21, v17;
	v21 =	vmul.f32 v28, v28;
	v16 =	vadd.f32 v25, v16  }
0x12c: {  	v63 =	vld [tilespmem:s17+$0x30];
	v25 =	vmul.f32 v58, v58;
	v18 =	vadd.f32 v60, v18;
	v14 =	vadd.f32 v26, v14  }
0x12d: {  	s19 =	simm.s32 $0x100;
	v29 =	vld [tilespmem:s15+$0x20];
	v22 =	vmul.f32 v26, v26;
	v13 =	vadd.f32 v61, v13;
	v15 =	vadd.f32 v24, v15  }
0x12e: {  	s4 =	sand.u32 $0x300, s19;
	v28 =	vld [tilespmem:s15+$0x70];
	v26 =	vmul.f32 v27, v27;
	v17 =	vadd.f32 v21, v17;
	v19 =	vadd.f32 v25, v19  }
0x12f: {  	s11 =	sadd.s32 s4, s10;
	v16 =	vadd.f32 v27, v16;
	v20 =	vadd.f32 v22, v20;
	v22 =	vld [tilespmem:s15+$0x10];
	v24 =	vmul.f32 v23, v23  }
0x130: {  	v34 =	vld [tilespmem:s11+$0x0];
	v21 =	vmul.f32 v59, v59;
	v14 =	vadd.f32 v23, v14;
	v13 =	vadd.f32 v62, v13  }
0x131: {  	v27 =	vmul.f32 v60, v60;
	v15 =	vadd.f32 v26, v15;
	v20 =	vadd.f32 v24, v20;
	v24 =	vld [tilespmem:s15+$0x50]  }
0x132: {  	v26 =	vld [tilespmem:s15+$0x60];
	v23 =	vmul.f32 v29, v29;
	v17 =	vadd.f32 v21, v17;
	v21 =	vmul.f32 v61, v61  }
0x133: {  	v19 =	vadd.f32 v27, v19;
	v27 =	vld [tilespmem:s17+$0x20];
	v16 =	vadd.f32 v29, v16;
	v29 =	vmul.f32 v28, v28  }
0x134: {  	v18 =	vadd.f32 v28, v18;
	v28 =	vld [tilespmem:s17+$0x60];
	v15 =	vadd.f32 v23, v15;
	v25 =	vmul.f32 v22, v22  }
0x135: {  	v17 =	vadd.f32 v21, v17;
	v21 =	vmul.f32 v62, v62;
	v19 =	vadd.f32 v29, v19;
	v29 =	vld [tilespmem:s17+$0x50]  }
0x136: {  	v14 =	vadd.f32 v22, v14;
	v20 =	vadd.f32 v25, v20;
	v25 =	vld [tilespmem:s17+$0x10];
	v23 =	vmul.f32 v24, v24  }
0x137: {  	v17 =	vadd.f32 v21, v17;
	v21 =	vld [tilespmem:s17+$0x70];
	v22 =	vmul.f32 v26, v26;
	v16 =	vadd.f32 v26, v16  }
0x138: {  	v26 =	vmul.f32 v63, v63;
	v14 =	vadd.f32 v24, v14;
	v20 =	vadd.f32 v23, v20;
	v23 =	vld [tilespmem:s17+$0x40]  }
0x139: {  	v36 =	vld [tilespmem:s11+$0x10];
	v24 =	vmul.f32 v27, v27;
	v15 =	vadd.f32 v22, v15;
	v16 =	vadd.f32 v27, v16  }
0x13a: {  	v18 =	vadd.f32 v63, v18;
	v19 =	vadd.f32 v26, v19;
	v26 =	vld [tilespmem:s11+$0x30]  }
0x13b: {  	v39 =	vld [tilespmem:s11+$0x70];
	v15 =	vadd.f32 v24, v15;
	v16 =	vadd.f32 v28, v16;
	v22 =	vmul.f32 v25, v25  }
0x13c: {  	v35 =	vld [tilespmem:s11+$0x40];
	v37 =	vmul.f32 v34, v34;
	v18 =	vadd.f32 v21, v18;
	v14 =	vadd.f32 v25, v14  }
0x13d: {  	s10 =	sadd.s32 s4, s21;
	v41 =	vld [tilespmem:s11+$0x430];
	v25 =	vmul.f32 v29, v29;
	v20 =	vadd.f32 v22, v20;
	v24 =	vmul.f32 v23, v23  }
0x13e: {  	v49 =	vld [tilespmem:s10+$0x50];
	v13 =	vadd.f32 v23, v13;
	v14 =	vadd.f32 v29, v14;
	v23 =	vmul.f32 v21, v21  }
0x13f: {  	v27 =	vld [tilespmem:s11+$0x50];
	v21 =	vmul.f32 v26, v26;
	v26 =	vadd.f32 $0.0e+00, v26;
	v17 =	vadd.f32 v24, v17  }
0x140: {  	v43 =	vld [tilespmem:s11+$0x470];
	v40 =	vmul.f32 v39, v39;
	v20 =	vadd.f32 v25, v20;
	v19 =	vadd.f32 v23, v19  }
0x141: {  	v22 =	vld [tilespmem:s11+$0x20];
	v24 =	vmul.f32 v28, v28;
	v13 =	vadd.f32 v14, v13;
	v14 =	vadd.f32 v18, v16  }
0x142: {  	v48 =	vld [tilespmem:s10+$0x30];
	v38 =	vmul.f32 v36, v36;
	v16 =	vadd.f32 $0.0e+00, v34;
	v26 =	vadd.f32 v39, v26  }
0x143: {  	v30 =	vmul.f32 v49, v49;
	v25 =	vld [tilespmem:s11+$0x60];
	v21 =	vadd.f32 v40, v21;
	v15 =	vadd.f32 v24, v15  }
0x144: {  	v23 =	vld [tilespmem:s11+$0x400];
	v18 =	vmul.f32 v27, v27;
	v17 =	vadd.f32 v20, v17;
	v13 =	vadd.f32 v14, v13  }
0x145: {  	v24 =	vmul.f32 v35, v35;
	v16 =	vadd.f32 v35, v16;
	v26 =	vadd.f32 v41, v26  }
0x146: {  	v20 =	vld [tilespmem:s11+$0x410];
	v18 =	vadd.f32 v18, v38;
	v29 =	vmul.f32 v22, v22;
	v22 =	vadd.f32 $0.0e+00, v22  }
0x147: {  	v9 =	vmul.f32 v9, v12;
	v14 =	vadd.f32 v19, v15;
	v19 =	vadd.f32 $0.0e+00, v36  }
0x148: {  	v42 =	vld [tilespmem:s11+$0x450];
	v52 =	vmul.f32 v48, v48;
	v24 =	vadd.f32 v24, v37;
	v26 =	vadd.f32 v43, v26  }
0x149: {  	v15 =	vld [tilespmem:s11+$0x420];
	v28 =	vmul.f32 v25, v25;
	v22 =	vadd.f32 v25, v22;
	v16 =	vadd.f32 v23, v16  }
0x14a: {  	v14 =	vadd.f32 v14, v17;
	v17 =	vperm.xlane v13, v3;
	v19 =	vadd.f32 v27, v19  }
0x14b: {  	v25 =	vld [tilespmem:s11+$0x440];
	v27 =	vmul.f32 v23, v23;
	v26 =	vadd.f32 v48, v26;
	v23 =	vmul.f32 v20, v20  }
0x14c: {  	v28 =	vadd.f32 v28, v29;
	v29 =	vmul.f32 v41, v41;
	v13 =	vadd.f32 v13, v17  }
0x14d: {  	v45 =	vld [tilespmem:s10+$0x10];
	v17 =	vperm.xlane v14, v3;
	v19 =	vadd.f32 v20, v19;
	v24 =	vadd.f32 v27, v24  }
0x14e: {  	v27 =	vmul.f32 v42, v42;
	v22 =	vadd.f32 v15, v22;
	v18 =	vadd.f32 v23, v18  }
0x14f: {  	v21 =	vadd.f32 v29, v21;
	v20 =	vperm.xlane v13, v4;
	v14 =	vadd.f32 v17, v14  }
0x150: {  	v17 =	vld [tilespmem:s11+$0x460];
	v16 =	vadd.f32 v25, v16;
	v25 =	vmul.f32 v25, v25;
	v19 =	vadd.f32 v42, v19  }
0x151: {  	v47 =	vld [tilespmem:s10+$0x20];
	s0 =	sadd.s32 s4, s24;
	v15 =	vmul.f32 v15, v15;
	v18 =	vadd.f32 v27, v18;
	v13 =	vadd.f32 v13, v20  }
0x152: {  	v51 =	vld [tilespmem:s0+$0x0];
	v20 =	vperm.xlane v14, v4;
	v24 =	vadd.f32 v25, v24;
	v25 =	vmul.f32 v45, v45  }
0x153: {  	v50 =	vld [tilespmem:s10+$0x60];
	v29 =	vmul.f32 v43, v43;
	v15 =	vadd.f32 v15, v28;
	v19 =	vadd.f32 v45, v19  }
0x154: {  	v44 =	vperm.xlane v13, v5;
	v14 =	vadd.f32 v20, v14;
	v20 =	vld [tilespmem:s10+$0x0];
	v18 =	vadd.f32 v25, v18  }
0x155: {  	v53 =	vld [tilespmem:s0+$0x30];
	v19 =	vadd.f32 v49, v19;
	v22 =	vadd.f32 v17, v22;
	v17 =	vmul.f32 v17, v17  }
0x156: {  	v28 =	vld [tilespmem:s10+$0x40];
	v13 =	vadd.f32 v13, v44;
	v46 =	vperm.xlane v14, v5;
	v18 =	vadd.f32 v30, v18  }
0x157: {  	v55 =	vld [tilespmem:s0+$0x60];
	v31 =	vmul.f32 v51, v51;
	v22 =	vadd.f32 v47, v22;
	v15 =	vadd.f32 v17, v15  }
0x158: {  	v17 =	vadd.f32 v29, v21;
	v21 =	vmul.f32 v47, v47;
	v29 =	vld [tilespmem:s0+$0x10];
	v14 =	vadd.f32 v46, v14  }
0x159: {  	v54 =	vld [tilespmem:s0+$0x40];
	v23 =	vperm.xlane v13, v6;
	v16 =	vadd.f32 v20, v16;
	v22 =	vadd.f32 v50, v22  }
0x15a: {  	v56 =	vld [tilespmem:s0+$0x70];
	v20 =	vmul.f32 v20, v20;
	v15 =	vadd.f32 v21, v15;
	v17 =	vadd.f32 v52, v17  }
0x15b: {  	s2 =	sadd.s32 s4, s26;
	v25 =	vld [tilespmem:s0+$0x50];
	v13 =	vadd.f32 v13, v23;
	v23 =	vperm.xlane v14, v6;
	v16 =	vadd.f32 v28, v16  }
0x15c: {  	v36 =	vld [tilespmem:s2+$0x0];
	v28 =	vmul.f32 v28, v28;
	v20 =	vadd.f32 v20, v24;
	v24 =	vmul.f32 v50, v50  }
0x15d: {  	v13 =	vmul.f32 $1.302083370e-03, v13;
	v14 =	vadd.f32 v23, v14;
	v23 =	vld [tilespmem:s10+$0x70];
	v19 =	vadd.f32 v29, v19  }
0x15e: {  	v57 =	vld [tilespmem:s2+$0x40];
	v33 =	vmul.f32 v53, v53;
	v16 =	vadd.f32 v51, v16;
	v20 =	vadd.f32 v28, v20  }
0x15f: {  	s21 =	sadd.s32 s4, s16;
	v28 =	vld [tilespmem:s2+$0x10];
	v15 =	vadd.f32 v24, v15;
	v14 =	vmul.f32 $1.302083370e-03, v14;
	v27 =	vmul.f32 v13, v13  }
0x160: {  	v59 =	vmul.f32 v55, v55;
	v60 =	vld [tilespmem:s21+$0x0];
	v19 =	vadd.f32 v25, v19;
	v16 =	vadd.f32 v54, v16  }
0x161: {  	v58 =	vld [tilespmem:s2+$0x50];
	v35 =	vmul.f32 v54, v54;
	v20 =	vadd.f32 v31, v20;
	v14 =	vsub.f32 v14, v27  }
0x162: {  	v32 =	vmul.f32 v56, v56;
	v27 =	vld [tilespmem:s0+$0x20];
	v26 =	vadd.f32 v23, v26;
	v16 =	vadd.f32 v36, v16  }
0x163: {  	v23 =	vmul.f32 v23, v23;
	v20 =	vadd.f32 v35, v20;
	v14 =	vadd.f32 $9.999999740e-06, v14  }
0x164: {  	v36 =	vmul.f32 v36, v36;
	v19 =	vadd.f32 v28, v19;
	v26 =	vadd.f32 v53, v26  }
0x165: {  	v61 =	vld [tilespmem:s21+$0x10];
	v41 =	vmul.f32 v60, v60;
	v17 =	vadd.f32 v23, v17;
	v16 =	vadd.f32 v57, v16  }
0x166: {  	v63 =	vld [tilespmem:s21+$0x40];
	v23 =	vmul.f32 v29, v29;
	v20 =	vadd.f32 v36, v20;
	v19 =	vadd.f32 v58, v19  }
0x167: {  	v40 =	vld [tilespmem:s21+$0x50];
	v30 =	vmul.f32 v57, v57;
	v22 =	vadd.f32 v27, v22;
	v26 =	vadd.f32 v56, v26  }
0x168: {  	v25 =	vmul.f32 v25, v25;
	v29 =	vld [tilespmem:s2+$0x30];
	v18 =	vadd.f32 v23, v18;
	v17 =	vadd.f32 v33, v17  }
0x169: {  	v24 =	vld [tilespmem:s2+$0x20];
	v27 =	vmul.f32 v27, v27;
	v16 =	vadd.f32 v60, v16;
	v20 =	vadd.f32 v30, v20  }
0x16a: {  	v42 =	vmul.f32 v61, v61;
	v19 =	vadd.f32 v61, v19;
	v22 =	vadd.f32 v55, v22  }
0x16b: {  	v28 =	vmul.f32 v28, v28;
	v15 =	vadd.f32 v27, v15;
	v18 =	vadd.f32 v25, v18  }
0x16c: {  	v21 =	vshrl.u32 v14, $0x1;
	v23 =	vld [tilespmem:s2+$0x60];
	v17 =	vadd.f32 v32, v17;
	v16 =	vadd.f32 v63, v16  }
0x16d: {  	v14 =	vmul.f32 $5.000000000e-01, v14;
	v27 =	vld [tilespmem:s2+$0x70];
	v20 =	vadd.f32 v41, v20;
	v26 =	vadd.f32 v29, v26  }
0x16e: {  	v25 =	vld [tilespmem:s21+$0x20];
	v29 =	vmul.f32 v29, v29;
	v19 =	vadd.f32 v40, v19;
	v22 =	vadd.f32 v24, v22  }
0x16f: {  	v15 =	vadd.f32 v59, v15;
	v24 =	vmul.f32 v24, v24;
	v18 =	vadd.f32 v28, v18  }
0x170: {  	v62 =	vld [tilespmem:s21+$0x30];
	v28 =	vmul.f32 v58, v58;
	v17 =	vadd.f32 v29, v17;
	v16 =	vadd.f32 v19, v16  }
0x171: {  	v21 =	vsub.s32 $0x5F3759DF, v21;
	v29 =	vld [tilespmem:s21+$0x70];
	v22 =	vadd.f32 v23, v22;
	v15 =	vadd.f32 v24, v15  }
0x172: {  	v24 =	vld [tilespmem:s21+$0x60];
	v23 =	vmul.f32 v23, v23;
	v18 =	vadd.f32 v28, v18;
	v28 =	vmul.f32 v40, v40  }
0x173: {  	v26 =	vadd.f32 v27, v26;
	v27 =	vmul.f32 v27, v27;
	v22 =	vadd.f32 v25, v22  }
0x174: {  	v25 =	vmul.f32 v25, v25;
	v15 =	vadd.f32 v23, v15;
	v18 =	vadd.f32 v42, v18  }
0x175: {  	v37 =	vmul.f32 v21, v14;
	v26 =	vadd.f32 v62, v26;
	v17 =	vadd.f32 v27, v17  }
0x176: {  	v23 =	vmul.f32 v62, v62;
	v15 =	vadd.f32 v25, v15;
	v18 =	vadd.f32 v28, v18  }
0x177: {  	s24 =	simm.s32 $0x0;
	v27 =	vmul.f32 v63, v63;
	v22 =	vadd.f32 v24, v22;
	v26 =	vadd.f32 v29, v26  }
0x178: {  	s0 =	smul.u32 $0x6000, s24;
	v24 =	vmul.f32 v24, v24;
	v17 =	vadd.f32 v23, v17;
	v23 =	vmul.f32 v29, v29  }
0x179: {  	v20 =	vadd.f32 v27, v20;
	v19 =	vadd.f32 v26, v22;
	v22 =	vmul.f32 v21, v37  }
0x17a: {  	v7 =	vmul.f32 v9, v7;
	s25 =	simm.s32 $0x280;
	s0 =	sshra.s32 s0, $0x2;
	v12 =	vadd.f32 v24, v15;
	v15 =	vadd.f32 v23, v17  }
0x17b: {  	s26 =	sadd.s32 s0, s23;
	s2 =	sand.u32 $0x380, s25;
	v18 =	vadd.f32 v18, v20;
	v17 =	vsub.f32 $1.500000000e+00, v22;
	v22 =	vperm.xlane v11, v5  }
0x17c: {  	s0 =	sadd.s32 s2, s26;
	v16 =	vadd.f32 v19, v16;
	v12 =	vadd.f32 v15, v12  }
0x17d: {  	v7 =	vmul.f32 v7, v9;
	v44 =	vld [tilespmem:s0+$0x410];
	v15 =	vperm.xlane v10, v6;
	v19 =	vadd.f32 v22, v11  }
0x17e: {  	v20 =	vperm.xlane v16, v3;
	v11 =	vmul.f32 v21, v17;
	v12 =	vadd.f32 v12, v18;
	v18 =	vld [tilespmem:s0+$0x0]  }
0x17f: {  	v10 =	vadd.f32 v10, v15;
	v22 =	vld [tilespmem:s0+$0x10];
	v15 =	vperm.xlane v19, v6  }
0x180: {  	v45 =	vld [tilespmem:s0+$0x420];
	v16 =	vadd.f32 v16, v20;
	v20 =	vsub.f32 $1.500000000e+00, v7;
	v21 =	vmul.f32 v11, v14  }
0x181: {  	v47 =	vld [tilespmem:s0+$0x430];
	v23 =	vperm.xlane v12, v3;
	v7 =	vmul.f32 $1.302083370e-03, v10  }
0x182: {  	v25 =	vld [tilespmem:s0+$0x60];
	v10 =	vadd.f32 v15, v19;
	v15 =	vperm.xlane v16, v4;
	v14 =	vmul.f32 v20, v9  }
0x183: {  	v19 =	vld [tilespmem:s0+$0x20];
	v9 =	vmul.f32 v21, v11;
	v21 =	vadd.f32 v23, v12;
	v23 =	vmul.f32 v7, v7  }
0x184: {  	v20 =	vld [tilespmem:s0+$0x30];
	v27 =	vmul.f32 v18, v18;
	v28 =	vmul.f32 v22, v22  }
0x185: {  	v17 =	vld [tilespmem:s0+$0x40];
	v18 =	vadd.f32 $0.0e+00, v18;
	v22 =	vadd.f32 $0.0e+00, v22;
	v10 =	vmul.f32 $1.302083370e-03, v10  }
0x186: {  	s3 =	sadd.s32 $0x800, s26;
	v24 =	vld [tilespmem:s0+$0x50];
	v16 =	vadd.f32 v16, v15;
	v15 =	vmul.f32 v14, v8;
	v8 =	vperm.xlane v21, v4  }
0x187: {  	s12 =	sadd.s32 s2, s3;
	v49 =	vld [tilespmem:s0+$0x440];
	v46 =	vmul.f32 v25, v25;
	v12 =	vsub.f32 $1.500000000e+00, v9;
	v10 =	vsub.f32 v10, v23  }
0x188: {  	v58 =	vld [tilespmem:s12+$0x70];
	v26 =	vperm.xlane v16, v5;
	v9 =	vadd.f32 v8, v21;
	v21 =	vmul.f32 v19, v19  }
0x189: {  	v29 =	vld [tilespmem:s0+$0x400];
	v43 =	vmul.f32 v20, v20;
	v19 =	vadd.f32 $0.0e+00, v19;
	v20 =	vadd.f32 $0.0e+00, v20  }
0x18a: {  	v23 =	vld [tilespmem:s0+$0x70];
	v8 =	vadd.f32 v16, v26;
	v16 =	vmul.f32 v17, v17;
	v10 =	vadd.f32 $9.999999740e-06, v10  }
0x18b: {  	v51 =	vld [tilespmem:s0+$0x460];
	v26 =	vmul.f32 v24, v24;
	v17 =	vadd.f32 v17, v18;
	v18 =	vadd.f32 v24, v22  }
0x18c: {  	v52 =	vld [tilespmem:s12+$0x10];
	v50 =	vmul.f32 v44, v44;
	v21 =	vadd.f32 v46, v21;
	v19 =	vadd.f32 v25, v19  }
0x18d: {  	v53 =	vld [tilespmem:s12+$0x20];
	v22 =	vmul.f32 v45, v45;
	v16 =	vadd.f32 v16, v27;
	v26 =	vadd.f32 v26, v28  }
0x18e: {  	v24 =	vld [tilespmem:s0+$0x470];
	v27 =	vmul.f32 v29, v29;
	v17 =	vadd.f32 v29, v17;
	v18 =	vadd.f32 v44, v18  }
0x18f: {  	v61 =	vmul.f32 v58, v58;
	v25 =	vld [tilespmem:s12+$0x0];
	v20 =	vadd.f32 v23, v20;
	v21 =	vadd.f32 v22, v21  }
0x190: {  	v28 =	vld [tilespmem:s0+$0x450];
	v48 =	vmul.f32 v23, v23;
	v19 =	vadd.f32 v45, v19;
	v16 =	vadd.f32 v27, v16  }
0x191: {  	v54 =	vld [tilespmem:s12+$0x30];
	v29 =	vmul.f32 v51, v51;
	v26 =	vadd.f32 v50, v26;
	v17 =	vadd.f32 v49, v17  }
0x192: {  	s15 =	sadd.s32 $0xC00, s26;
	v56 =	vld [tilespmem:s12+$0x40];
	v27 =	vmul.f32 v49, v49;
	v30 =	vadd.f32 v48, v43;
	v20 =	vadd.f32 v47, v20  }
0x193: {  	s16 =	sadd.s32 s2, s15;
	v57 =	vld [tilespmem:s12+$0x60];
	v23 =	vmul.f32 v47, v47;
	v21 =	vadd.f32 v29, v21;
	v19 =	vadd.f32 v51, v19  }
0x194: {  	v59 =	vld [tilespmem:s16+$0x0];
	v55 =	vmul.f32 v24, v24;
	v16 =	vadd.f32 v27, v16;
	v17 =	vadd.f32 v25, v17  }
0x195: {  	v60 =	vld [tilespmem:s16+$0x30];
	v22 =	vadd.f32 v23, v30;
	v23 =	vmul.f32 v28, v28;
	v18 =	vadd.f32 v28, v18  }
0x196: {  	v40 =	vld [tilespmem:s16+$0x70];
	v28 =	vmul.f32 v53, v53;
	v20 =	vadd.f32 v24, v20;
	v19 =	vadd.f32 v53, v19  }
0x197: {  	s17 =	sadd.s32 $0x1000, s26;
	v62 =	vld [tilespmem:s16+$0x40];
	v29 =	vmul.f32 v52, v52;
	v17 =	vadd.f32 v56, v17;
	v23 =	vadd.f32 v23, v26  }
0x198: {  	s19 =	sadd.s32 s2, s17;
	v27 =	vld [tilespmem:s12+$0x50];
	v24 =	vmul.f32 v54, v54;
	v22 =	vadd.f32 v55, v22;
	v21 =	vadd.f32 v28, v21  }
0x199: {  	v46 =	vld [tilespmem:s19+$0x70];
	v26 =	vmul.f32 v25, v25;
	v18 =	vadd.f32 v52, v18;
	v20 =	vadd.f32 v54, v20  }
0x19a: {  	v44 =	vld [tilespmem:s19+$0x30];
	v25 =	vmul.f32 v57, v57;
	v19 =	vadd.f32 v57, v19;
	v17 =	vadd.f32 v59, v17  }
0x19b: {  	v41 =	vmul.f32 v60, v60;
	v28 =	vld [tilespmem:s16+$0x20];
	v16 =	vadd.f32 v26, v16;
	v23 =	vadd.f32 v29, v23  }
0x19c: {  	v42 =	vld [tilespmem:s19+$0x0];
	v26 =	vmul.f32 v56, v56;
	v22 =	vadd.f32 v24, v22;
	v21 =	vadd.f32 v25, v21  }
0x19d: {  	v63 =	vld [tilespmem:s16+$0x60];
	v24 =	vmul.f32 v27, v27;
	v18 =	vadd.f32 v27, v18;
	v20 =	vadd.f32 v58, v20  }
0x19e: {  	v51 =	vmul.f32 v46, v46;
	v29 =	vld [tilespmem:s16+$0x10];
	v17 =	vadd.f32 v62, v17;
	v16 =	vadd.f32 v26, v16  }
0x19f: {  	v45 =	vld [tilespmem:s19+$0x40];
	v23 =	vadd.f32 v24, v23;
	v24 =	vmul.f32 v59, v59;
	v22 =	vadd.f32 v61, v22  }
0x1a0: {  	v47 =	vmul.f32 v44, v44;
	v20 =	vadd.f32 v60, v20;
	v19 =	vadd.f32 v28, v19  }
0x1a1: {  	v26 =	vld [tilespmem:s16+$0x50];
	v27 =	vmul.f32 v28, v28;
	v17 =	vadd.f32 v42, v17;
	v16 =	vadd.f32 v24, v16  }
0x1a2: {  	s21 =	sadd.s32 $0x1400, s26;
	v24 =	vmul.f32 v62, v62;
	v22 =	vadd.f32 v41, v22;
	v20 =	vadd.f32 v40, v20  }
0x1a3: {  	s25 =	simm.s32 $0x200;
	s24 =	sadd.s32 s2, s21;
	v43 =	vld [tilespmem:s19+$0x20];
	v25 =	vmul.f32 v29, v29;
	v21 =	vadd.f32 v27, v21;
	v18 =	vadd.f32 v29, v18  }
0x1a4: {  	s4 =	sand.u32 $0x300, s25;
	v50 =	vld [tilespmem:s24+$0x30];
	v28 =	vmul.f32 v40, v40;
	v19 =	vadd.f32 v63, v19;
	v17 =	vadd.f32 v45, v17  }
0x1a5: {  	s11 =	sadd.s32 s4, s26;
	v29 =	vmul.f32 v63, v63;
	v16 =	vadd.f32 v24, v16;
	v23 =	vadd.f32 v25, v23;
	v25 =	vld [tilespmem:s19+$0x10]  }
0x1a6: {  	v55 =	vld [tilespmem:s11+$0x10];
	v22 =	vadd.f32 v28, v22;
	v20 =	vadd.f32 v44, v20;
	v27 =	vmul.f32 v26, v26  }
0x1a7: {  	v24 =	vmul.f32 v42, v42;
	v21 =	vadd.f32 v29, v21;
	v29 =	vld [tilespmem:s19+$0x60];
	v18 =	vadd.f32 v26, v18  }
0x1a8: {  	v26 =	vmul.f32 v43, v43;
	v19 =	vadd.f32 v43, v19;
	v23 =	vadd.f32 v27, v23;
	v27 =	vld [tilespmem:s19+$0x50]  }
0x1a9: {  	v49 =	vld [tilespmem:s24+$0x20];
	v16 =	vadd.f32 v24, v16;
	v24 =	vmul.f32 v45, v45;
	v22 =	vadd.f32 v47, v22  }
0x1aa: {  	v48 =	vld [tilespmem:s24+$0x0];
	v20 =	vadd.f32 v46, v20;
	v21 =	vadd.f32 v26, v21;
	v28 =	vmul.f32 v25, v25  }
0x1ab: {  	v53 =	vld [tilespmem:s24+$0x50];
	v57 =	vmul.f32 v55, v55;
	v24 =	vadd.f32 v24, v16;
	v22 =	vadd.f32 v51, v22  }
0x1ac: {  	v18 =	vadd.f32 v25, v18;
	v25 =	vmul.f32 v29, v29;
	v23 =	vadd.f32 v28, v23;
	v28 =	vld [tilespmem:s24+$0x10]  }
0x1ad: {  	v59 =	vld [tilespmem:s11+$0x70];
	v20 =	vadd.f32 v50, v20;
	v19 =	vadd.f32 v29, v19;
	v26 =	vmul.f32 v27, v27  }
0x1ae: {  	v52 =	vld [tilespmem:s24+$0x40];
	v29 =	vmul.f32 v50, v50;
	v21 =	vadd.f32 v25, v21;
	v18 =	vadd.f32 v27, v18  }
0x1af: {  	v40 =	vld [tilespmem:s11+$0x440];
	v27 =	vmul.f32 v49, v49;
	v23 =	vadd.f32 v26, v23;
	v26 =	vmul.f32 v48, v48  }
0x1b0: {  	v16 =	vmul.f32 v12, v11;
	v11 =	vld [tilespmem:s24+$0x60];
	v22 =	vadd.f32 v29, v22;
	v19 =	vadd.f32 v49, v19  }
0x1b1: {  	v21 =	vadd.f32 v27, v21;
	v12 =	vadd.f32 v26, v24;
	v24 =	vld [tilespmem:s24+$0x70];
	v25 =	vmul.f32 v28, v28  }
0x1b2: {  	v54 =	vld [tilespmem:s11+$0x0];
	v62 =	vmul.f32 v59, v59;
	v27 =	vadd.f32 v48, v17;
	v18 =	vadd.f32 v28, v18  }
0x1b3: {  	v26 =	vld [tilespmem:s11+$0x20];
	v28 =	vmul.f32 v53, v53;
	v23 =	vadd.f32 v25, v23;
	v25 =	vmul.f32 v52, v52  }
0x1b4: {  	v56 =	vld [tilespmem:s11+$0x40];
	v30 =	vmul.f32 v40, v40;
	v27 =	vadd.f32 v52, v27;
	v18 =	vadd.f32 v53, v18  }
0x1b5: {  	v17 =	vmul.f32 v16, v13;
	v13 =	vld [tilespmem:s11+$0x30];
	v12 =	vadd.f32 v25, v12;
	v23 =	vadd.f32 v28, v23  }
0x1b6: {  	v58 =	vld [tilespmem:s11+$0x60];
	v28 =	vmul.f32 v11, v11;
	v11 =	vadd.f32 v11, v19;
	v19 =	vadd.f32 v24, v20  }
0x1b7: {  	s2 =	sadd.s32 s4, s3;
	v63 =	vld [tilespmem:s11+$0x430];
	v20 =	vmul.f32 v24, v24;
	v18 =	vadd.f32 v18, v27;
	v27 =	vadd.f32 $0.0e+00, v54  }
0x1b8: {  	v44 =	vld [tilespmem:s2+$0x0];
	v24 =	vmul.f32 v26, v26;
	v26 =	vadd.f32 $0.0e+00, v26;
	v21 =	vadd.f32 v28, v21  }
0x1b9: {  	v46 =	vld [tilespmem:s2+$0x10];
	v29 =	vmul.f32 v54, v54;
	v11 =	vadd.f32 v19, v11;
	v20 =	vadd.f32 v20, v22  }
0x1ba: {  	v25 =	vld [tilespmem:s11+$0x50];
	v28 =	vmul.f32 v13, v13;
	v12 =	vadd.f32 v23, v12;
	v13 =	vadd.f32 $0.0e+00, v13  }
0x1bb: {  	v52 =	vld [tilespmem:s2+$0x60];
	v22 =	vmul.f32 v56, v56;
	v27 =	vadd.f32 v56, v27;
	v26 =	vadd.f32 v58, v26  }
0x1bc: {  	v19 =	vld [tilespmem:s11+$0x400];
	v23 =	vmul.f32 v58, v58;
	v11 =	vadd.f32 v11, v18;
	v20 =	vadd.f32 v20, v21  }
0x1bd: {  	s26 =	sadd.s32 s4, s15;
	v34 =	vmul.f32 v44, v44;
	v53 =	vld [tilespmem:s2+$0x70];
	v21 =	vadd.f32 $0.0e+00, v55;
	v13 =	vadd.f32 v59, v13  }
0x1be: {  	v54 =	vmul.f32 v46, v46;
	v56 =	vld [tilespmem:s26+$0x30];
	v22 =	vadd.f32 v22, v29;
	v23 =	vadd.f32 v23, v24  }
0x1bf: {  	v18 =	vld [tilespmem:s11+$0x410];
	v24 =	vmul.f32 v63, v63;
	v28 =	vadd.f32 v62, v28;
	v60 =	vmul.f32 v25, v25  }
0x1c0: {  	v29 =	vld [tilespmem:s11+$0x470];
	v12 =	vadd.f32 v20, v12;
	v20 =	vperm.xlane v11, v3;
	v21 =	vadd.f32 v25, v21  }
0x1c1: {  	v61 =	vld [tilespmem:s11+$0x420];
	v13 =	vadd.f32 v63, v13;
	v24 =	vadd.f32 v24, v28;
	v25 =	vmul.f32 v19, v19  }
0x1c2: {  	v41 =	vld [tilespmem:s11+$0x450];
	v19 =	vadd.f32 v19, v27;
	v31 =	vadd.f32 v60, v57;
	v57 =	vmul.f32 v52, v52  }
0x1c3: {  	v60 =	vmul.f32 v53, v53;
	v11 =	vadd.f32 v11, v20;
	v20 =	vperm.xlane v12, v3  }
0x1c4: {  	v49 =	vld [tilespmem:s2+$0x30];
	v27 =	vmul.f32 v18, v18;
	v18 =	vadd.f32 v18, v21;
	v19 =	vadd.f32 v40, v19  }
0x1c5: {  	v33 =	vmul.f32 v56, v56;
	v22 =	vadd.f32 v25, v22;
	v13 =	vadd.f32 v29, v13  }
0x1c6: {  	v47 =	vld [tilespmem:s2+$0x20];
	v28 =	vmul.f32 v29, v29;
	v12 =	vadd.f32 v20, v12;
	v20 =	vadd.f32 v61, v26  }
0x1c7: {  	v55 =	vld [tilespmem:s26+$0x10];
	v42 =	vperm.xlane v11, v4;
	v18 =	vadd.f32 v41, v18;
	v27 =	vadd.f32 v27, v31  }
0x1c8: {  	v21 =	vld [tilespmem:s11+$0x460];
	v26 =	vmul.f32 v61, v61;
	v19 =	vadd.f32 v44, v19;
	v22 =	vadd.f32 v30, v22  }
0x1c9: {  	v25 =	vmul.f32 v41, v41;
	v29 =	vld [tilespmem:s2+$0x50];
	v13 =	vadd.f32 v49, v13;
	v24 =	vadd.f32 v28, v24  }
0x1ca: {  	s0 =	sadd.s32 s4, s17;
	v31 =	vmul.f32 v49, v49;
	v11 =	vadd.f32 v11, v42;
	v23 =	vadd.f32 v26, v23  }
0x1cb: {  	v63 =	vld [tilespmem:s0+$0x10];
	v43 =	vperm.xlane v12, v4;
	v18 =	vadd.f32 v46, v18;
	v25 =	vadd.f32 v25, v27  }
0x1cc: {  	v38 =	vld [tilespmem:s26+$0x70];
	v32 =	vmul.f32 v55, v55;
	v13 =	vadd.f32 v53, v13;
	v22 =	vadd.f32 v34, v22  }
0x1cd: {  	v28 =	vmul.f32 v47, v47;
	v26 =	vld [tilespmem:s2+$0x40];
	v24 =	vadd.f32 v31, v24;
	v12 =	vadd.f32 v43, v12  }
0x1ce: {  	v59 =	vld [tilespmem:s26+$0x50];
	v45 =	vperm.xlane v11, v5;
	v20 =	vadd.f32 v21, v20;
	v18 =	vadd.f32 v29, v18  }
0x1cf: {  	v21 =	vmul.f32 v21, v21;
	v25 =	vadd.f32 v54, v25;
	v13 =	vadd.f32 v56, v13  }
0x1d0: {  	v30 =	vmul.f32 v63, v63;
	v24 =	vadd.f32 v60, v24;
	v11 =	vadd.f32 v11, v45  }
0x1d1: {  	v61 =	vld [tilespmem:s26+$0x60];
	v29 =	vmul.f32 v29, v29;
	v20 =	vadd.f32 v47, v20;
	v21 =	vadd.f32 v21, v23  }
0x1d2: {  	v43 =	vld [tilespmem:s0+$0x30];
	v48 =	vperm.xlane v12, v5;
	v19 =	vadd.f32 v26, v19;
	v18 =	vadd.f32 v55, v18  }
0x1d3: {  	v31 =	vmul.f32 v59, v59;
	v25 =	vadd.f32 v29, v25;
	v13 =	vadd.f32 v38, v13  }
0x1d4: {  	v23 =	vld [tilespmem:s26+$0x0];
	v26 =	vmul.f32 v26, v26;
	v24 =	vadd.f32 v33, v24;
	v12 =	vadd.f32 v48, v12  }
0x1d5: {  	v39 =	vld [tilespmem:s0+$0x40];
	v47 =	vmul.f32 v38, v38;
	v20 =	vadd.f32 v52, v20;
	v21 =	vadd.f32 v28, v21  }
0x1d6: {  	v44 =	vld [tilespmem:s0+$0x70];
	v50 =	vperm.xlane v11, v6;
	v22 =	vadd.f32 v26, v22;
	v18 =	vadd.f32 v59, v18  }
0x1d7: {  	s3 =	sadd.s32 s4, s21;
	v45 =	vmul.f32 v61, v61;
	v28 =	vld [tilespmem:s26+$0x40];
	v25 =	vadd.f32 v32, v25;
	v13 =	vadd.f32 v43, v13  }
0x1d8: {  	v49 =	vld [tilespmem:s3+$0x30];
	v24 =	vadd.f32 v47, v24;
	v37 =	vmul.f32 v43, v43;
	v11 =	vadd.f32 v11, v50  }
0x1d9: {  	v42 =	vld [tilespmem:s0+$0x20];
	v51 =	vperm.xlane v12, v6;
	v21 =	vadd.f32 v57, v21;
	v19 =	vadd.f32 v23, v19  }
0x1da: {  	v26 =	vld [tilespmem:s0+$0x0];
	v23 =	vmul.f32 v23, v23;
	v18 =	vadd.f32 v63, v18;
	v25 =	vadd.f32 v31, v25  }
0x1db: {  	v46 =	vld [tilespmem:s3+$0x0];
	v13 =	vadd.f32 v44, v13;
	v11 =	vmul.f32 $1.302083370e-03, v11;
	v12 =	vadd.f32 v51, v12  }
0x1dc: {  	v53 =	vld [tilespmem:s3+$0x70];
	v32 =	vmul.f32 v44, v44;
	v24 =	vadd.f32 v37, v24;
	v19 =	vadd.f32 v28, v19  }
0x1dd: {  	v50 =	vld [tilespmem:s3+$0x40];
	v22 =	vadd.f32 v23, v22;
	v12 =	vmul.f32 $1.302083370e-03, v12;
	v27 =	vmul.f32 v11, v11  }
0x1de: {  	v28 =	vmul.f32 v28, v28;
	v23 =	vld [tilespmem:s0+$0x50];
	v25 =	vadd.f32 v30, v25;
	v13 =	vadd.f32 v49, v13  }
0x1df: {  	v35 =	vmul.f32 v42, v42;
	v19 =	vadd.f32 v26, v19;
	v12 =	vsub.f32 v12, v27;
	v27 =	vld [tilespmem:s26+$0x20]  }
0x1e0: {  	v24 =	vadd.f32 v32, v24;
	v22 =	vadd.f32 v28, v22;
	v28 =	vld [tilespmem:s3+$0x10];
	v26 =	vmul.f32 v26, v26  }
0x1e1: {  	v51 =	vmul.f32 v39, v39;
	v13 =	vadd.f32 v53, v13;
	v19 =	vadd.f32 v39, v19  }
0x1e2: {  	v48 =	vld [tilespmem:s3+$0x20];
	v54 =	vmul.f32 v50, v50;
	v22 =	vadd.f32 v26, v22;
	v12 =	vadd.f32 $9.999999740e-06, v12  }
0x1e3: {  	v26 =	vld [tilespmem:s3+$0x50];
	v18 =	vadd.f32 v23, v18;
	v23 =	vmul.f32 v23, v23;
	v19 =	vadd.f32 v46, v19  }
0x1e4: {  	v22 =	vadd.f32 v51, v22;
	v20 =	vadd.f32 v27, v20;
	v27 =	vmul.f32 v27, v27  }
0x1e5: {  	v52 =	vld [tilespmem:s3+$0x60];
	v58 =	vshrl.u32 v12, $0x1;
	v12 =	vmul.f32 $5.000000000e-01, v12;
	v18 =	vadd.f32 v28, v18  }
0x1e6: {  	s4 =	simm.s32 $0x0;
	v28 =	vmul.f32 v28, v28;
	v34 =	vsub.s32 $0x5F3759DF, v58;
	v21 =	vadd.f32 v27, v21;
	v27 =	vld [tilespmem:s0+$0x60]  }
0x1e7: {  	v23 =	vadd.f32 v23, v25;
	v62 =	vmul.f32 v34, v12;
	v20 =	vadd.f32 v61, v20;
	s0 =	smul.u32 $0x6000, s4  }
0x1e8: {  	v25 =	vmul.f32 v48, v48;
	v19 =	vadd.f32 v50, v19;
	v18 =	vadd.f32 v26, v18  }
0x1e9: {  	s24 =	simm.s32 $0x380;
	v23 =	vadd.f32 v28, v23;
	v29 =	vmul.f32 v34, v62;
	v20 =	vadd.f32 v42, v20;
	s0 =	sshra.s32 s0, $0x2  }
0x1ea: {  	s21 =	sand.u32 $0x380, s24;
	v26 =	vmul.f32 v26, v26;
	v18 =	vadd.f32 v18, v19;
	v21 =	vadd.f32 v45, v21;
	s10 =	sadd.s32 s0, s23  }
0x1eb: {  	v28 =	vmul.f32 v52, v52;
	v29 =	vsub.f32 $1.500000000e+00, v29;
	s0 =	sadd.s32 s21, s10;
	v20 =	vadd.f32 v27, v20  }
0x1ec: {  	v19 =	vperm.xlane v9, v5;
	v21 =	vadd.f32 v35, v21;
	v27 =	vmul.f32 v27, v27;
	v57 =	vld [tilespmem:s0+$0x400]  }
0x1ed: {  	v29 =	vmul.f32 v34, v29;
	v34 =	vmul.f32 v46, v46;
	v20 =	vadd.f32 v48, v20  }
0x1ee: {  	v9 =	vadd.f32 v19, v9;
	v21 =	vadd.f32 v27, v21;
	v27 =	vmul.f32 v49, v49  }
0x1ef: {  	v12 =	vmul.f32 v29, v12;
	v22 =	vadd.f32 v34, v22;
	v20 =	vadd.f32 v52, v20  }
0x1f0: {  	v21 =	vadd.f32 v25, v21;
	v24 =	vadd.f32 v27, v24;
	v25 =	vmul.f32 v53, v53  }
0x1f1: {  	v40 =	vld [tilespmem:s0+$0x440];
	v12 =	vmul.f32 v12, v29;
	v45 =	vmul.f32 v57, v57;
	v13 =	vadd.f32 v13, v20  }
0x1f2: {  	v20 =	vadd.f32 v54, v22;
	v22 =	vadd.f32 v26, v23;
	v23 =	vperm.xlane v8, v6  }
0x1f3: {  	v21 =	vadd.f32 v28, v21;
	v24 =	vadd.f32 v25, v24;
	v25 =	vshrl.u32 v10, $0x1;
	v28 =	vld [tilespmem:s0+$0x30]  }
0x1f4: {  	v10 =	vmul.f32 $5.000000000e-01, v10;
	v13 =	vadd.f32 v13, v18;
	v18 =	vadd.f32 v22, v20  }
0x1f5: {  	v20 =	vadd.f32 v24, v21;
	v21 =	vsub.s32 $0x5F3759DF, v25;
	v8 =	vadd.f32 v8, v23;
	v23 =	vld [tilespmem:s0+$0x40]  }
0x1f6: {  	v49 =	vmul.f32 v40, v40;
	v12 =	vsub.f32 $1.500000000e+00, v12;
	v24 =	vld [tilespmem:s0+$0x0];
	v22 =	vmul.f32 v21, v10  }
0x1f7: {  	v19 =	vperm.xlane v13, v3;
	v20 =	vadd.f32 v20, v18;
	v18 =	vperm.xlane v9, v6  }
0x1f8: {  	v59 =	vld [tilespmem:s0+$0x410];
	v8 =	vmul.f32 $1.302083370e-03, v8;
	v58 =	vmul.f32 v28, v28;
	v28 =	vadd.f32 $0.0e+00, v28  }
0x1f9: {  	v62 =	vld [tilespmem:s0+$0x420];
	v13 =	vadd.f32 v13, v19;
	v19 =	vmul.f32 v21, v22;
	v25 =	vperm.xlane v20, v3  }
0x1fa: {  	v22 =	vld [tilespmem:s0+$0x10];
	v9 =	vadd.f32 v18, v9;
	v18 =	vmul.f32 v12, v29;
	v12 =	vmul.f32 v8, v8  }
0x1fb: {  	v29 =	vld [tilespmem:s0+$0x50];
	v55 =	vmul.f32 v24, v24;
	v60 =	vmul.f32 v23, v23;
	v24 =	vadd.f32 $0.0e+00, v24  }
0x1fc: {  	v63 =	vld [tilespmem:s0+$0x430];
	v27 =	vperm.xlane v13, v4;
	v19 =	vsub.f32 $1.500000000e+00, v19;
	v20 =	vadd.f32 v25, v20  }
0x1fd: {  	s25 =	sadd.s32 $0x800, s10;
	v26 =	vld [tilespmem:s0+$0x20];
	v25 =	vmul.f32 $1.302083370e-03, v9;
	v30 =	vadd.f32 v60, v55;
	v23 =	vadd.f32 v23, v24  }
0x1fe: {  	v46 =	vld [tilespmem:s0+$0x450];
	s26 =	sadd.s32 s21, s25;
	v13 =	vadd.f32 v13, v27;
	v9 =	vmul.f32 v21, v19;
	v19 =	vmul.f32 v18, v11  }
0x1ff: {  	v50 =	vld [tilespmem:s26+$0x10];
	v11 =	vperm.xlane v20, v4;
	v25 =	vsub.f32 v25, v12;
	v56 =	vmul.f32 v22, v22  }
0x200: {  	v21 =	vld [tilespmem:s0+$0x60];
	v61 =	vmul.f32 v29, v29;
	v22 =	vadd.f32 $0.0e+00, v22;
	v30 =	vadd.f32 v45, v30  }
0x201: {  	v27 =	vld [tilespmem:s0+$0x70];
	v23 =	vadd.f32 v57, v23;
	v12 =	vperm.xlane v13, v5;
	v11 =	vadd.f32 v11, v20  }
0x202: {  	v48 =	vld [tilespmem:s0+$0x460];
	v20 =	vmul.f32 v26, v26;
	v26 =	vadd.f32 $0.0e+00, v26;
	v31 =	vadd.f32 v61, v56  }
0x203: {  	v52 =	vld [tilespmem:s26+$0x30];
	v22 =	vadd.f32 v29, v22;
	v30 =	vadd.f32 v49, v30  }
0x204: {  	v47 =	vmul.f32 v59, v59;
	v54 =	vld [tilespmem:s26+$0x40];
	v23 =	vadd.f32 v40, v23;
	v12 =	vadd.f32 v13, v12  }
0x205: {  	v60 =	vld [tilespmem:s26+$0x70];
	v13 =	vadd.f32 $9.999999740e-06, v25;
	v25 =	vmul.f32 v21, v21;
	v21 =	vadd.f32 v21, v26  }
0x206: {  	s3 =	sadd.s32 $0xC00, s10;
	v29 =	vld [tilespmem:s0+$0x470];
	v44 =	vmul.f32 v27, v27;
	v26 =	vadd.f32 v27, v28;
	v31 =	vadd.f32 v47, v31  }
0x207: {  	s12 =	sadd.s32 s21, s3;
	v24 =	vmul.f32 v62, v62;
	v28 =	vld [tilespmem:s26+$0x0];
	v22 =	vadd.f32 v59, v22;
	v20 =	vadd.f32 v25, v20  }
0x208: {  	v45 =	vld [tilespmem:s12+$0x30];
	v27 =	vmul.f32 v63, v63;
	v25 =	vadd.f32 v44, v58;
	v21 =	vadd.f32 v62, v21  }
0x209: {  	v56 =	vld [tilespmem:s26+$0x50];
	v26 =	vadd.f32 v63, v26;
	v22 =	vadd.f32 v46, v22  }
0x20a: {  	v51 =	vmul.f32 v48, v48;
	v61 =	vld [tilespmem:s12+$0x0];
	v20 =	vadd.f32 v24, v20;
	v24 =	vadd.f32 v27, v25  }
0x20b: {  	v49 =	vld [tilespmem:s12+$0x70];
	v25 =	vmul.f32 v46, v46;
	v21 =	vadd.f32 v48, v21;
	v26 =	vadd.f32 v29, v26  }
0x20c: {  	v63 =	vld [tilespmem:s12+$0x10];
	v53 =	vmul.f32 v29, v29;
	v22 =	vadd.f32 v50, v22;
	v23 =	vadd.f32 v28, v23  }
0x20d: {  	v27 =	vld [tilespmem:s26+$0x20];
	v55 =	vmul.f32 v28, v28;
	v25 =	vadd.f32 v25, v31;
	v20 =	vadd.f32 v51, v20  }
0x20e: {  	v57 =	vmul.f32 v50, v50;
	v47 =	vld [tilespmem:s12+$0x50];
	v24 =	vadd.f32 v53, v24;
	v26 =	vadd.f32 v52, v26  }
0x20f: {  	v58 =	vld [tilespmem:s26+$0x60];
	v29 =	vmul.f32 v52, v52;
	v22 =	vadd.f32 v56, v22;
	v30 =	vadd.f32 v55, v30  }
0x210: {  	s15 =	sadd.s32 $0x1000, s10;
	v62 =	vmul.f32 v54, v54;
	v44 =	vld [tilespmem:s12+$0x20];
	v23 =	vadd.f32 v54, v23;
	v25 =	vadd.f32 v57, v25  }
0x211: {  	s16 =	sadd.s32 s21, s15;
	v46 =	vld [tilespmem:s12+$0x40];
	v50 =	vmul.f32 v45, v45;
	v24 =	vadd.f32 v29, v24;
	v26 =	vadd.f32 v60, v26  }
0x212: {  	v51 =	vld [tilespmem:s16+$0x0];
	v29 =	vmul.f32 v56, v56;
	v22 =	vadd.f32 v63, v22;
	v21 =	vadd.f32 v27, v21  }
0x213: {  	v52 =	vld [tilespmem:s16+$0x10];
	v59 =	vmul.f32 v27, v27;
	v30 =	vadd.f32 v62, v30;
	v23 =	vadd.f32 v61, v23  }
0x214: {  	v54 =	vld [tilespmem:s16+$0x20];
	v27 =	vmul.f32 v60, v60;
	v25 =	vadd.f32 v29, v25;
	v26 =	vadd.f32 v45, v26  }
0x215: {  	s17 =	sadd.s32 $0x1400, s10;
	v56 =	vld [tilespmem:s16+$0x30];
	v29 =	vmul.f32 v61, v61;
	v22 =	vadd.f32 v47, v22;
	v20 =	vadd.f32 v59, v20  }
0x216: {  	s19 =	sadd.s32 s21, s17;
	v28 =	vmul.f32 v58, v58;
	v61 =	vld [tilespmem:s16+$0x60];
	v24 =	vadd.f32 v27, v24;
	v21 =	vadd.f32 v58, v21  }
0x217: {  	v45 =	vld [tilespmem:s19+$0x10];
	v27 =	vmul.f32 v63, v63;
	v23 =	vadd.f32 v46, v23;
	v29 =	vadd.f32 v29, v30  }
0x218: {  	v53 =	vmul.f32 v47, v47;
	v58 =	vld [tilespmem:s16+$0x40];
	v26 =	vadd.f32 v49, v26;
	v22 =	vadd.f32 v52, v22  }
0x219: {  	v48 =	vmul.f32 v44, v44;
	v59 =	vld [tilespmem:s16+$0x50];
	v20 =	vadd.f32 v28, v20;
	v25 =	vadd.f32 v27, v25  }
0x21a: {  	v63 =	vld [tilespmem:s16+$0x70];
	v27 =	vmul.f32 v46, v46;
	v24 =	vadd.f32 v50, v24;
	v21 =	vadd.f32 v44, v21  }
0x21b: {  	v57 =	vmul.f32 v49, v49;
	v28 =	vld [tilespmem:s12+$0x60];
	v23 =	vadd.f32 v51, v23;
	v26 =	vadd.f32 v56, v26  }
0x21c: {  	v60 =	vmul.f32 v52, v52;
	v44 =	vld [tilespmem:s19+$0x0];
	v20 =	vadd.f32 v48, v20;
	v27 =	vadd.f32 v27, v29  }
0x21d: {  	s21 =	simm.s32 $0x300;
	v46 =	vld [tilespmem:s19+$0x20];
	v25 =	vadd.f32 v53, v25;
	v29 =	vmul.f32 v51, v51;
	v24 =	vadd.f32 v57, v24  }
0x21e: {  	s4 =	sand.u32 $0x300, s21;
	v62 =	vmul.f32 v54, v54;
	v48 =	vld [tilespmem:s19+$0x30];
	v23 =	vadd.f32 v58, v23;
	v22 =	vadd.f32 v59, v22  }
0x21f: {  	s11 =	sadd.s32 s4, s10;
	v47 =	vmul.f32 v61, v61;
	v51 =	vld [tilespmem:s19+$0x50];
	v26 =	vadd.f32 v63, v26;
	v27 =	vadd.f32 v29, v27  }
0x220: {  	v57 =	vld [tilespmem:s11+$0x20];
	v25 =	vadd.f32 v60, v25;
	v29 =	vmul.f32 v58, v58;
	v55 =	vmul.f32 v28, v28  }
0x221: {  	v21 =	vadd.f32 v28, v21;
	v28 =	vmul.f32 v56, v56;
	v23 =	vadd.f32 v44, v23  }
0x222: {  	v50 =	vmul.f32 v45, v45;
	v22 =	vadd.f32 v45, v22;
	v27 =	vadd.f32 v29, v27  }
0x223: {  	v41 =	vld [tilespmem:s11+$0x0];
	v49 =	vmul.f32 v63, v63;
	v20 =	vadd.f32 v55, v20;
	v24 =	vadd.f32 v28, v24  }
0x224: {  	v28 =	vmul.f32 v59, v59;
	v21 =	vadd.f32 v54, v21;
	v26 =	vadd.f32 v48, v26  }
0x225: {  	v53 =	vmul.f32 v46, v46;
	v29 =	vld [tilespmem:s19+$0x40];
	v22 =	vadd.f32 v51, v22;
	v30 =	vadd.f32 $0.0e+00, v57  }
0x226: {  	v59 =	vld [tilespmem:s11+$0x30];
	v20 =	vadd.f32 v62, v20;
	v25 =	vadd.f32 v28, v25;
	v28 =	vmul.f32 v44, v44  }
0x227: {  	v42 =	vld [tilespmem:s11+$0x40];
	v54 =	vmul.f32 v48, v48;
	v24 =	vadd.f32 v49, v24;
	v21 =	vadd.f32 v61, v21  }
0x228: {  	v56 =	vmul.f32 v41, v41;
	v55 =	vld [tilespmem:s19+$0x60];
	v20 =	vadd.f32 v47, v20;
	v27 =	vadd.f32 v28, v27  }
0x229: {  	v52 =	vld [tilespmem:s11+$0x10];
	v60 =	vmul.f32 v51, v51;
	v25 =	vadd.f32 v50, v25;
	v24 =	vadd.f32 v54, v24  }
0x22a: {  	s2 =	sadd.s32 s4, s25;
	v44 =	vld [tilespmem:s11+$0x60];
	v58 =	vmul.f32 v29, v29;
	v21 =	vadd.f32 v46, v21;
	v23 =	vadd.f32 v29, v23  }
0x22b: {  	v45 =	vmul.f32 v57, v57;
	v57 =	vld [tilespmem:s2+$0x10];
	v34 =	vadd.f32 $0.0e+00, v59;
	v20 =	vadd.f32 v53, v20  }
0x22c: {  	v28 =	vld [tilespmem:s19+$0x70];
	v47 =	vmul.f32 v42, v42;
	v27 =	vadd.f32 v58, v27;
	v25 =	vadd.f32 v60, v25  }
0x22d: {  	v46 =	vld [tilespmem:s11+$0x70];
	v63 =	vmul.f32 v55, v55;
	v21 =	vadd.f32 v55, v21;
	v22 =	vadd.f32 v22, v23  }
0x22e: {  	v10 =	vmul.f32 v9, v10;
	v50 =	vld [tilespmem:s11+$0x430];
	v23 =	vadd.f32 $0.0e+00, v41;
	v32 =	vadd.f32 v47, v56  }
0x22f: {  	v61 =	vmul.f32 v52, v52;
	v54 =	vld [tilespmem:s11+$0x470];
	v30 =	vadd.f32 v44, v30;
	v20 =	vadd.f32 v63, v20  }
0x230: {  	v62 =	vld [tilespmem:s11+$0x50];
	v48 =	vmul.f32 v44, v44;
	v25 =	vadd.f32 v25, v27;
	v23 =	vadd.f32 v42, v23  }
0x231: {  	v53 =	vld [tilespmem:s11+$0x450];
	v29 =	vmul.f32 v28, v28;
	v26 =	vadd.f32 v28, v26;
	v28 =	vmul.f32 v59, v59  }
0x232: {  	v49 =	vmul.f32 v46, v46;
	v34 =	vadd.f32 v46, v34;
	v35 =	vadd.f32 v48, v45  }
0x233: {  	v44 =	vld [tilespmem:s2+$0x50];
	v55 =	vmul.f32 v50, v50;
	v24 =	vadd.f32 v29, v24;
	v21 =	vadd.f32 v26, v21  }
0x234: {  	v27 =	vld [tilespmem:s11+$0x410];
	v63 =	vmul.f32 v54, v54;
	v46 =	vmul.f32 v57, v57;
	v34 =	vadd.f32 v50, v34  }
0x235: {  	s25 =	sadd.s32 s4, s3;
	v29 =	vld [tilespmem:s11+$0x400];
	v26 =	vmul.f32 v62, v62;
	v21 =	vadd.f32 v21, v22;
	v20 =	vadd.f32 v24, v20  }
0x236: {  	v48 =	vld [tilespmem:s25+$0x0];
	v28 =	vadd.f32 v49, v28;
	v60 =	vmul.f32 v53, v53;
	v24 =	vadd.f32 $0.0e+00, v52  }
0x237: {  	v22 =	vld [tilespmem:s11+$0x420];
	v26 =	vadd.f32 v26, v61;
	v20 =	vadd.f32 v20, v25;
	v25 =	vperm.xlane v21, v3  }
0x238: {  	v37 =	vmul.f32 v44, v44;
	v52 =	vld [tilespmem:s11+$0x440];
	v34 =	vadd.f32 v54, v34;
	v28 =	vadd.f32 v55, v28  }
0x239: {  	v24 =	vadd.f32 v62, v24;
	v21 =	vadd.f32 v21, v25;
	v25 =	vperm.xlane v20, v3  }
0x23a: {  	v61 =	vld [tilespmem:s2+$0x30];
	v51 =	vmul.f32 v29, v29;
	v23 =	vadd.f32 v29, v23;
	v29 =	vmul.f32 v27, v27  }
0x23b: {  	v24 =	vadd.f32 v27, v24;
	v27 =	vperm.xlane v21, v4;
	v20 =	vadd.f32 v25, v20  }
0x23c: {  	v38 =	vmul.f32 v48, v48;
	v30 =	vadd.f32 v22, v30;
	v22 =	vmul.f32 v22, v22  }
0x23d: {  	v45 =	vld [tilespmem:s2+$0x60];
	v23 =	vadd.f32 v52, v23;
	v21 =	vadd.f32 v21, v27;
	v27 =	vperm.xlane v20, v4  }
0x23e: {  	v59 =	vld [tilespmem:s2+$0x20];
	v33 =	vmul.f32 v52, v52;
	v31 =	vadd.f32 v51, v32;
	v26 =	vadd.f32 v29, v26  }
0x23f: {  	v34 =	vadd.f32 v61, v34;
	v25 =	vld [tilespmem:s11+$0x460];
	v56 =	vperm.xlane v21, v5;
	v20 =	vadd.f32 v27, v20  }
0x240: {  	v49 =	vld [tilespmem:s25+$0x10];
	v50 =	vmul.f32 v61, v61;
	v24 =	vadd.f32 v53, v24;
	v22 =	vadd.f32 v22, v35  }
0x241: {  	v62 =	vld [tilespmem:s2+$0x40];
	v26 =	vadd.f32 v60, v26;
	v21 =	vadd.f32 v21, v56;
	v58 =	vperm.xlane v20, v5  }
0x242: {  	v43 =	vld [tilespmem:s25+$0x70];
	v53 =	vmul.f32 v45, v45;
	v31 =	vadd.f32 v33, v31;
	v24 =	vadd.f32 v57, v24  }
0x243: {  	v55 =	vld [tilespmem:s25+$0x50];
	v26 =	vadd.f32 v46, v26;
	v29 =	vperm.xlane v21, v6;
	v20 =	vadd.f32 v58, v20  }
0x244: {  	v27 =	vld [tilespmem:s2+$0x0];
	v24 =	vadd.f32 v44, v24;
	v30 =	vadd.f32 v25, v30;
	v25 =	vmul.f32 v25, v25  }
0x245: {  	v54 =	vld [tilespmem:s25+$0x40];
	v26 =	vadd.f32 v37, v26;
	v21 =	vadd.f32 v21, v29;
	v29 =	vperm.xlane v20, v6  }
0x246: {  	s26 =	sadd.s32 s4, s15;
	v51 =	vld [tilespmem:s25+$0x20];
	v35 =	vmul.f32 v62, v62;
	v24 =	vadd.f32 v49, v24;
	v30 =	vadd.f32 v59, v30  }
0x247: {  	v60 =	vld [tilespmem:s26+$0x10];
	v22 =	vadd.f32 v25, v22;
	v21 =	vmul.f32 $1.302083370e-03, v21;
	v20 =	vadd.f32 v29, v20  }
0x248: {  	v52 =	vld [tilespmem:s25+$0x30];
	v25 =	vadd.f32 v63, v28;
	v28 =	vmul.f32 v59, v59;
	v24 =	vadd.f32 v55, v24  }
0x249: {  	v59 =	vld [tilespmem:s26+$0x0];
	v23 =	vadd.f32 v27, v23;
	v20 =	vmul.f32 $1.302083370e-03, v20;
	v47 =	vmul.f32 v21, v21  }
0x24a: {  	v33 =	vmul.f32 v54, v54;
	v46 =	vld [tilespmem:s26+$0x50];
	v30 =	vadd.f32 v45, v30;
	v22 =	vadd.f32 v28, v22  }
0x24b: {  	v56 =	vld [tilespmem:s25+$0x60];
	v27 =	vmul.f32 v27, v27;
	v25 =	vadd.f32 v50, v25;
	v20 =	vsub.f32 v20, v47  }
0x24c: {  	v32 =	vmul.f32 v51, v51;
	v63 =	vld [tilespmem:s26+$0x30];
	v24 =	vadd.f32 v60, v24;
	v23 =	vadd.f32 v62, v23  }
0x24d: {  	v61 =	vmul.f32 v52, v52;
	v50 =	vld [tilespmem:s26+$0x70];
	v27 =	vadd.f32 v27, v31;
	v20 =	vadd.f32 $9.999999740e-06, v20  }
0x24e: {  	s0 =	sadd.s32 s4, s17;
	v30 =	vadd.f32 v51, v30;
	v22 =	vadd.f32 v53, v22;
	v62 =	vld [tilespmem:s26+$0x20];
	v51 =	vmul.f32 v59, v59  }
0x24f: {  	v53 =	vld [tilespmem:s0+$0x10];
	v24 =	vadd.f32 v46, v24;
	v28 =	vshrl.u32 v20, $0x1;
	v20 =	vmul.f32 $5.000000000e-01, v20  }
0x250: {  	v29 =	vld [tilespmem:s2+$0x70];
	v23 =	vadd.f32 v48, v23;
	v27 =	vadd.f32 v35, v27;
	v28 =	vsub.s32 $0x5F3759DF, v28  }
0x251: {  	v30 =	vadd.f32 v56, v30;
	v22 =	vadd.f32 v32, v22;
	v57 =	vmul.f32 v28, v20  }
0x252: {  	v48 =	vmul.f32 v43, v43;
	v23 =	vadd.f32 v54, v23;
	v27 =	vadd.f32 v38, v27  }
0x253: {  	v45 =	vld [tilespmem:s26+$0x40];
	v47 =	vmul.f32 v56, v56;
	v30 =	vadd.f32 v62, v30;
	v58 =	vmul.f32 v28, v57  }
0x254: {  	v54 =	vmul.f32 v62, v62;
	v56 =	vmul.f32 v63, v63;
	v24 =	vadd.f32 v53, v24  }
0x255: {  	v62 =	vmul.f32 v50, v50;
	v34 =	vadd.f32 v29, v34;
	v35 =	vsub.f32 $1.500000000e+00, v58  }
0x256: {  	v29 =	vmul.f32 v29, v29;
	v23 =	vadd.f32 v59, v23;
	v27 =	vadd.f32 v33, v27  }
0x257: {  	v22 =	vadd.f32 v47, v22;
	v34 =	vadd.f32 v52, v34;
	v28 =	vmul.f32 v28, v35  }
0x258: {  	v25 =	vadd.f32 v29, v25;
	v29 =	vmul.f32 v49, v49;
	v49 =	vld [tilespmem:s26+$0x60];
	v23 =	vadd.f32 v45, v23  }
0x259: {  	v52 =	vld [tilespmem:s0+$0x0];
	v27 =	vadd.f32 v51, v27;
	v34 =	vadd.f32 v43, v34;
	v20 =	vmul.f32 v28, v20  }
0x25a: {  	v26 =	vadd.f32 v29, v26;
	v29 =	vmul.f32 v55, v55;
	v25 =	vadd.f32 v61, v25;
	v55 =	vld [tilespmem:s0+$0x20]  }
0x25b: {  	v22 =	vadd.f32 v54, v22;
	v34 =	vadd.f32 v63, v34;
	v20 =	vmul.f32 v20, v28  }
0x25c: {  	s28 =	simm.s32 $0x18380;
	v26 =	vadd.f32 v29, v26;
	v29 =	vmul.f32 v60, v60;
	v25 =	vadd.f32 v48, v25;
	v60 =	vld [tilespmem:s0+$0x50]  }
0x25d: {  	s29 =	simm.s32 $0x19380;
	[tilespmem:s28+$0x0] =	vst v16;
	v31 =	vmul.f32 v53, v53;
	v30 =	vadd.f32 v49, v30;
	v57 =	vld [tilespmem:s0+$0x40];
	v20 =	vsub.f32 $1.500000000e+00, v20  }
0x25e: {  	s30 =	simm.s32 $0x18480;
	[tilespmem:s29+$0x0] =	vst v17;
	v61 =	vmul.f32 v49, v49;
	v23 =	vadd.f32 v52, v23;
	v25 =	vadd.f32 v56, v25  }
0x25f: {  	[tilespmem:s30+$0x0] =	vst v18;
	s25 =	simm.s32 $0x18280;
	v58 =	vadd.f32 v50, v34;
	v30 =	vadd.f32 v55, v30;
	v20 =	vmul.f32 v20, v28;
	v28 =	vld [tilespmem:s0+$0x30]  }
0x260: {  	[tilespmem:s25+$0x0] =	vst v14;
	v14 =	vld [tilespmem:s0+$0x70];
	v17 =	vadd.f32 v61, v22;
	v18 =	vadd.f32 v62, v25;
	v35 =	vmul.f32 v45, v45  }
0x261: {  	s31 =	simm.s32 $0x19480;
	v59 =	vmul.f32 v20, v21;
	v21 =	vadd.f32 v29, v26;
	v26 =	vmul.f32 v46, v46;
	v29 =	vld [tilespmem:s0+$0x60]  }
0x262: {  	[tilespmem:s31+$0x0] =	vst v19;
	s26 =	simm.s32 $0x19280;
	v37 =	vmul.f32 v52, v52;
	v22 =	vadd.f32 v60, v24;
	v19 =	vadd.f32 v57, v23  }
0x263: {  	[tilespmem:s26+$0x0] =	vst v15;
	v15 =	vmul.f32 v55, v55;
	v27 =	vadd.f32 v35, v27;
	s0 =	simm.s32 $0x18580;
	v63 =	vadd.f32 v26, v21  }
0x264: {  	v16 =	vmul.f32 v57, v57;
	[tilespmem:s0+$0x0] =	vst v20;
	v20 =	vmul.f32 v60, v60;
	v33 =	vadd.f32 v28, v58  }
0x265: {  	s3 =	simm.s32 $0x19580;
	v26 =	vadd.f32 v37, v27;
	v21 =	vmul.f32 v28, v28;
	v27 =	vadd.f32 v31, v63  }
0x266: {  	s19 =	simm.s32 $0x6;
	[tilespmem:s3+$0x0] =	vst v59;
	v23 =	vadd.f32 v29, v30;
	v25 =	vadd.f32 v14, v33;
	v24 =	vmul.f32 v29, v29  }
.LBB2_7:
0x267: {  	s19 =	sadd.s32 $0x2, s19;
	v15 =	vadd.f32 v15, v17;
	v17 =	vadd.f32 v21, v18;
	v14 =	vmul.f32 v14, v14  }
0x268: {  	v18 =	vadd.f32 v22, v19;
	v19 =	vadd.f32 v25, v23;
	v21 =	vperm.xlane v11, v5;
	s2 =	sshrl.u32 s19, $0x3;
	p0 =	slt.u32 s19, $0x1E  }
0x269: {  	v22 =	vperm.xlane v12, v6;
	v16 =	vadd.f32 v16, v26;
	v20 =	vadd.f32 v20, v27;
	s2 =	smul.u32 $0x6000, s2  }
0x26a: {  	v15 =	vadd.f32 v24, v15;
	v14 =	vadd.f32 v14, v17;
	v17 =	vshrl.u32 v13, $0x1  }
0x26b: {  	s24 =	sadd.s32 $0x100, s24;
	v18 =	vadd.f32 v19, v18;
	v13 =	vmul.f32 $5.000000000e-01, v13;
	v16 =	vadd.f32 v20, v16;
	s2 =	sshra.s32 s2, $0x2  }
0x26c: {  	s10 =	sadd.s32 $0xFFFFFF80, s24;
	v11 =	vadd.f32 v21, v11;
	v14 =	vadd.f32 v14, v15;
	v15 =	vsub.s32 $0x5F3759DF, v17;
	s4 =	sadd.s32 s2, s23;
	s2 =	sand.u32 $0x380, s24  }
0x26d: {  	s21 =	sand.u32 $0x300, s10;
	v12 =	vadd.f32 v12, v22;
	v17 =	vperm.xlane v18, v3;
	v19 =	vmul.f32 v15, v13;
	s11 =	sadd.s32 s2, s4  }
0x26e: {  	v10 =	vmul.f32 v10, v9;
	s10 =	sadd.s32 s21, s4;
	v14 =	vadd.f32 v14, v16;
	v16 =	vperm.xlane v11, v6;
	v20 =	vld [tilespmem:s11+$0x40]  }
0x26f: {  	v12 =	vmul.f32 $1.302083370e-03, v12;
	v17 =	vadd.f32 v18, v17;
	v18 =	vmul.f32 v15, v19;
	v21 =	vld [tilespmem:s11+$0x0]  }
0x270: {  	v10 =	vsub.f32 $1.500000000e+00, v10;
	v22 =	vperm.xlane v14, v3;
	v11 =	vadd.f32 v16, v11;
	v19 =	vld [tilespmem:s11+$0x10]  }
0x271: {  	v24 =	vmul.f32 v12, v12;
	v23 =	vperm.xlane v17, v4;
	v18 =	vsub.f32 $1.500000000e+00, v18;
	v16 =	vld [tilespmem:s11+$0x20]  }
0x272: {  	v10 =	vmul.f32 v10, v9;
	v14 =	vadd.f32 v22, v14;
	v11 =	vmul.f32 $1.302083370e-03, v11;
	v25 =	vld [tilespmem:s11+$0x30]  }
0x273: {  	v17 =	vadd.f32 v17, v23;
	v9 =	vmul.f32 v15, v18;
	v22 =	vld [tilespmem:s11+$0x50]  }
0x274: {  	v18 =	vperm.xlane v14, v4;
	v23 =	vsub.f32 v11, v24;
	v24 =	vmul.f32 v10, v7;
	v15 =	vld [tilespmem:s11+$0x60];
	[tilespmem:s25+$0xFFFFFF80] =	vst v10;
	s25 =	smov.u32 s28;
	s28 =	smov.u32 s30;
	s30 =	smov.u32 s0  }
0x275: {  	v27 =	vperm.xlane v17, v5;
	v7 =	vmovc v8;
	v8 =	vmov v12;
	v10 =	vmul.f32 v9, v13;
	v26 =	vld [tilespmem:s11+$0x70]  }
0x276: {  	v28 =	vmul.f32 v21, v21;
	v29 =	vmul.f32 v19, v19;
	v11 =	vadd.f32 v18, v14;
	v30 =	vld [tilespmem:s11+$0x400];
	[tilespmem:s26+$0xFFFFFF80] =	vst v24;
	s26 =	smov.u32 s29;
	s29 =	smov.u32 s31;
	s31 =	smov.u32 s3  }
0x277: {  	v12 =	vadd.f32 v17, v27;
	v14 =	vmul.f32 v16, v16;
	v18 =	vmul.f32 v25, v25;
	v24 =	vld [tilespmem:s11+$0x410]  }
0x278: {  	v17 =	vmul.f32 v20, v20;
	v13 =	vadd.f32 $9.999999740e-06, v23;
	v27 =	vmul.f32 v22, v22;
	v31 =	vld [tilespmem:s11+$0x420]  }
0x279: {  	v21 =	vadd.f32 $0.0e+00, v21;
	v19 =	vadd.f32 $0.0e+00, v19;
	v23 =	vmul.f32 v15, v15;
	v32 =	vld [tilespmem:s11+$0x430]  }
0x27a: {  	v16 =	vadd.f32 $0.0e+00, v16;
	v25 =	vadd.f32 $0.0e+00, v25;
	v33 =	vmul.f32 v26, v26;
	v34 =	vld [tilespmem:s11+$0x440]  }
0x27b: {  	v17 =	vadd.f32 v17, v28;
	v27 =	vadd.f32 v27, v29;
	v28 =	vmul.f32 v30, v30;
	v29 =	vld [tilespmem:s11+$0x450]  }
0x27c: {  	s15 =	sadd.s32 $0x800, s4;
	v14 =	vadd.f32 v23, v14;
	v18 =	vadd.f32 v33, v18;
	v23 =	vmul.f32 v24, v24;
	v33 =	vld [tilespmem:s11+$0x460]  }
0x27d: {  	s12 =	sadd.s32 s21, s15;
	v20 =	vadd.f32 v20, v21;
	v19 =	vadd.f32 v22, v19;
	v21 =	vmul.f32 v31, v31;
	v22 =	vld [tilespmem:s11+$0x470];
	s11 =	sadd.s32 s2, s15  }
0x27e: {  	v15 =	vadd.f32 v15, v16;
	v16 =	vadd.f32 v26, v25;
	v25 =	vmul.f32 v32, v32;
	v26 =	vld [tilespmem:s11+$0x0]  }
0x27f: {  	v17 =	vadd.f32 v28, v17;
	v23 =	vadd.f32 v23, v27;
	v27 =	vmul.f32 v34, v34;
	v28 =	vld [tilespmem:s11+$0x10]  }
0x280: {  	v14 =	vadd.f32 v21, v14;
	v18 =	vadd.f32 v25, v18;
	v21 =	vmul.f32 v29, v29;
	v25 =	vld [tilespmem:s11+$0x20]  }
0x281: {  	v20 =	vadd.f32 v30, v20;
	v19 =	vadd.f32 v24, v19;
	v24 =	vmul.f32 v33, v33;
	v30 =	vld [tilespmem:s11+$0x30]  }
0x282: {  	v15 =	vadd.f32 v31, v15;
	v16 =	vadd.f32 v32, v16;
	v31 =	vmul.f32 v22, v22;
	v32 =	vld [tilespmem:s11+$0x40]  }
0x283: {  	v17 =	vadd.f32 v27, v17;
	v21 =	vadd.f32 v21, v23;
	v23 =	vmul.f32 v26, v26;
	v27 =	vld [tilespmem:s11+$0x50]  }
0x284: {  	s16 =	sadd.s32 $0xC00, s4;
	v14 =	vadd.f32 v24, v14;
	v18 =	vadd.f32 v31, v18;
	v24 =	vmul.f32 v28, v28;
	v31 =	vld [tilespmem:s11+$0x60]  }
0x285: {  	s15 =	sadd.s32 s21, s16;
	s16 =	sadd.s32 s2, s16;
	v20 =	vadd.f32 v34, v20;
	v19 =	vadd.f32 v29, v19;
	v29 =	vmul.f32 v25, v25;
	v34 =	vld [tilespmem:s11+$0x70]  }
0x286: {  	v15 =	vadd.f32 v33, v15;
	v16 =	vadd.f32 v22, v16;
	v22 =	vmul.f32 v30, v30;
	v33 =	vld [tilespmem:s16+$0x0]  }
0x287: {  	v17 =	vadd.f32 v23, v17;
	v21 =	vadd.f32 v24, v21;
	v23 =	vmul.f32 v32, v32;
	v24 =	vld [tilespmem:s16+$0x10]  }
0x288: {  	v14 =	vadd.f32 v29, v14;
	v18 =	vadd.f32 v22, v18;
	v22 =	vmul.f32 v27, v27;
	v29 =	vld [tilespmem:s16+$0x20]  }
0x289: {  	v20 =	vadd.f32 v26, v20;
	v19 =	vadd.f32 v28, v19;
	v26 =	vmul.f32 v31, v31;
	v28 =	vld [tilespmem:s16+$0x30]  }
0x28a: {  	v15 =	vadd.f32 v25, v15;
	v16 =	vadd.f32 v30, v16;
	v25 =	vmul.f32 v34, v34;
	v30 =	vld [tilespmem:s16+$0x40]  }
0x28b: {  	v17 =	vadd.f32 v23, v17;
	v21 =	vadd.f32 v22, v21;
	v22 =	vmul.f32 v33, v33;
	v23 =	vld [tilespmem:s16+$0x50]  }
0x28c: {  	s17 =	sadd.s32 $0x1000, s4;
	v14 =	vadd.f32 v26, v14;
	v18 =	vadd.f32 v25, v18;
	v25 =	vmul.f32 v24, v24;
	v26 =	vld [tilespmem:s16+$0x60]  }
0x28d: {  	s11 =	sadd.s32 s21, s17;
	v20 =	vadd.f32 v32, v20;
	v19 =	vadd.f32 v27, v19;
	v27 =	vmul.f32 v29, v29;
	v32 =	vld [tilespmem:s16+$0x70];
	s16 =	sadd.s32 s2, s17  }
0x28e: {  	v15 =	vadd.f32 v31, v15;
	v16 =	vadd.f32 v34, v16;
	v31 =	vmul.f32 v28, v28;
	v34 =	vld [tilespmem:s16+$0x0]  }
0x28f: {  	v17 =	vadd.f32 v22, v17;
	v21 =	vadd.f32 v25, v21;
	v22 =	vmul.f32 v30, v30;
	v25 =	vld [tilespmem:s16+$0x10]  }
0x290: {  	v14 =	vadd.f32 v27, v14;
	v18 =	vadd.f32 v31, v18;
	v27 =	vmul.f32 v23, v23;
	v31 =	vld [tilespmem:s16+$0x20]  }
0x291: {  	v20 =	vadd.f32 v33, v20;
	v19 =	vadd.f32 v24, v19;
	v24 =	vmul.f32 v26, v26;
	v33 =	vld [tilespmem:s16+$0x30]  }
0x292: {  	v15 =	vadd.f32 v29, v15;
	v16 =	vadd.f32 v28, v16;
	v28 =	vmul.f32 v32, v32;
	v29 =	vld [tilespmem:s16+$0x40]  }
0x293: {  	v17 =	vadd.f32 v22, v17;
	v21 =	vadd.f32 v27, v21;
	v22 =	vmul.f32 v34, v34;
	v27 =	vld [tilespmem:s16+$0x50]  }
0x294: {  	s4 =	sadd.s32 $0x1400, s4;
	v14 =	vadd.f32 v24, v14;
	v18 =	vadd.f32 v28, v18;
	v24 =	vmul.f32 v25, v25;
	v28 =	vld [tilespmem:s16+$0x60]  }
0x295: {  	s21 =	sadd.s32 s21, s4;
	s2 =	sadd.s32 s2, s4;
	v20 =	vadd.f32 v30, v20;
	v19 =	vadd.f32 v23, v19;
	v23 =	vmul.f32 v31, v31;
	v30 =	vld [tilespmem:s16+$0x70]  }
0x296: {  	v15 =	vadd.f32 v26, v15;
	v16 =	vadd.f32 v32, v16;
	v26 =	vmul.f32 v33, v33;
	v32 =	vld [tilespmem:s2+$0x0]  }
0x297: {  	v17 =	vadd.f32 v22, v17;
	v21 =	vadd.f32 v24, v21;
	v22 =	vmul.f32 v29, v29;
	v24 =	vld [tilespmem:s2+$0x10]  }
0x298: {  	v14 =	vadd.f32 v23, v14;
	v18 =	vadd.f32 v26, v18;
	v23 =	vmul.f32 v27, v27;
	v26 =	vld [tilespmem:s2+$0x20]  }
0x299: {  	v20 =	vadd.f32 v34, v20;
	v19 =	vadd.f32 v25, v19;
	v25 =	vmul.f32 v28, v28;
	v34 =	vld [tilespmem:s2+$0x30]  }
0x29a: {  	v15 =	vadd.f32 v31, v15;
	v16 =	vadd.f32 v33, v16;
	v35 =	vld [tilespmem:s10+$0x0];
	v31 =	vmul.f32 v30, v30  }
0x29b: {  	v17 =	vadd.f32 v22, v17;
	v21 =	vadd.f32 v23, v21;
	v22 =	vmul.f32 v32, v32;
	v23 =	vld [tilespmem:s2+$0x40]  }
0x29c: {  	v14 =	vadd.f32 v25, v14;
	v18 =	vadd.f32 v31, v18;
	v25 =	vmul.f32 v24, v24;
	v31 =	vld [tilespmem:s2+$0x50]  }
0x29d: {  	v20 =	vadd.f32 v29, v20;
	v19 =	vadd.f32 v27, v19;
	v33 =	vld [tilespmem:s10+$0x10];
	v27 =	vmul.f32 v26, v26  }
0x29e: {  	v15 =	vadd.f32 v28, v15;
	v16 =	vadd.f32 v30, v16;
	v28 =	vmul.f32 v34, v34;
	v29 =	vld [tilespmem:s2+$0x60]  }
0x29f: {  	v17 =	vadd.f32 v22, v17;
	v21 =	vadd.f32 v25, v21;
	v30 =	vmul.f32 v35, v35;
	v22 =	vld [tilespmem:s2+$0x70]  }
0x2a0: {  	v14 =	vadd.f32 v27, v14;
	v25 =	vld [tilespmem:s10+$0x20];
	v18 =	vadd.f32 v28, v18;
	v27 =	vmul.f32 v23, v23  }
0x2a1: {  	v20 =	vadd.f32 v32, v20;
	v19 =	vadd.f32 v24, v19;
	v28 =	vld [tilespmem:s10+$0x30];
	v24 =	vmul.f32 v31, v31  }
0x2a2: {  	v15 =	vadd.f32 v26, v15;
	v16 =	vadd.f32 v34, v16;
	v32 =	vmul.f32 v33, v33;
	v36 =	vld [tilespmem:s10+$0x40]  }
0x2a3: {  	v17 =	vadd.f32 v27, v17;
	v26 =	vld [tilespmem:s10+$0x50];
	v21 =	vadd.f32 v24, v21;
	v24 =	vmul.f32 v29, v29  }
0x2a4: {  	v20 =	vadd.f32 v23, v20;
	v19 =	vadd.f32 v31, v19;
	v27 =	vld [tilespmem:s10+$0x60];
	v23 =	vmul.f32 v22, v22  }
0x2a5: {  	v15 =	vadd.f32 v29, v15;
	v16 =	vadd.f32 v22, v16;
	v31 =	vmul.f32 v25, v25;
	v34 =	vld [tilespmem:s10+$0x70]  }
0x2a6: {  	v14 =	vadd.f32 v24, v14;
	v22 =	vmul.f32 v28, v28;
	v29 =	vld [tilespmem:s10+$0x400];
	v18 =	vadd.f32 v23, v18  }
0x2a7: {  	v19 =	vadd.f32 v19, v20;
	v15 =	vadd.f32 v16, v15;
	v23 =	vmul.f32 v36, v36;
	v24 =	vld [tilespmem:s10+$0x410]  }
0x2a8: {  	v17 =	vadd.f32 v21, v17;
	v16 =	vadd.f32 $0.0e+00, v35;
	v20 =	vmul.f32 v26, v26;
	v35 =	vld [tilespmem:s10+$0x420]  }
0x2a9: {  	v15 =	vadd.f32 v15, v19;
	v14 =	vadd.f32 v18, v14;
	v21 =	vmul.f32 v27, v27;
	v37 =	vld [tilespmem:s10+$0x430]  }
0x2aa: {  	v18 =	vadd.f32 $0.0e+00, v33;
	v19 =	vadd.f32 $0.0e+00, v25;
	v25 =	vmul.f32 v34, v34;
	v33 =	vld [tilespmem:s10+$0x440]  }
0x2ab: {  	v28 =	vadd.f32 $0.0e+00, v28;
	v14 =	vadd.f32 v14, v17;
	v17 =	vperm.xlane v15, v3;
	v38 =	vld [tilespmem:s10+$0x450]  }
0x2ac: {  	v16 =	vadd.f32 v36, v16;
	v18 =	vadd.f32 v26, v18;
	v26 =	vmul.f32 v29, v29;
	v36 =	vld [tilespmem:s10+$0x460]  }
0x2ad: {  	v19 =	vadd.f32 v27, v19;
	v15 =	vadd.f32 v15, v17;
	v17 =	vperm.xlane v14, v3;
	v27 =	vld [tilespmem:s10+$0x470]  }
0x2ae: {  	v28 =	vadd.f32 v34, v28;
	v16 =	vadd.f32 v29, v16;
	v29 =	vmul.f32 v24, v24;
	v34 =	vld [tilespmem:s12+$0x0]  }
0x2af: {  	v18 =	vadd.f32 v24, v18;
	v39 =	vperm.xlane v15, v4;
	v14 =	vadd.f32 v17, v14;
	v24 =	vld [tilespmem:s12+$0x10]  }
0x2b0: {  	v17 =	vadd.f32 v35, v19;
	v19 =	vmul.f32 v35, v35;
	v28 =	vadd.f32 v37, v28;
	v35 =	vld [tilespmem:s12+$0x20]  }
0x2b1: {  	v23 =	vadd.f32 v23, v30;
	v15 =	vadd.f32 v15, v39;
	v39 =	vperm.xlane v14, v4;
	v30 =	vld [tilespmem:s12+$0x30]  }
0x2b2: {  	v20 =	vadd.f32 v20, v32;
	v21 =	vadd.f32 v21, v31;
	v31 =	vmul.f32 v37, v37;
	v32 =	vld [tilespmem:s12+$0x40]  }
0x2b3: {  	v22 =	vadd.f32 v25, v22;
	v37 =	vperm.xlane v15, v5;
	v14 =	vadd.f32 v39, v14;
	v25 =	vld [tilespmem:s12+$0x50]  }
0x2b4: {  	v16 =	vadd.f32 v33, v16;
	v33 =	vmul.f32 v33, v33;
	v18 =	vadd.f32 v38, v18;
	v39 =	vld [tilespmem:s12+$0x60]  }
0x2b5: {  	v17 =	vadd.f32 v36, v17;
	v15 =	vadd.f32 v15, v37;
	v37 =	vperm.xlane v14, v5;
	v40 =	vld [tilespmem:s12+$0x70]  }
0x2b6: {  	v23 =	vadd.f32 v26, v23;
	v26 =	vmul.f32 v38, v38;
	v28 =	vadd.f32 v27, v28;
	v38 =	vld [tilespmem:s15+$0x0]  }
0x2b7: {  	v20 =	vadd.f32 v29, v20;
	v41 =	vperm.xlane v15, v6;
	v14 =	vadd.f32 v37, v14;
	v29 =	vld [tilespmem:s15+$0x10]  }
0x2b8: {  	v19 =	vadd.f32 v19, v21;
	v21 =	vadd.f32 v31, v22;
	v22 =	vmul.f32 v36, v36;
	v31 =	vld [tilespmem:s15+$0x20]  }
0x2b9: {  	v27 =	vmul.f32 v27, v27;
	v15 =	vadd.f32 v15, v41;
	v37 =	vperm.xlane v14, v6;
	v36 =	vld [tilespmem:s15+$0x30]  }
0x2ba: {  	v16 =	vadd.f32 v34, v16;
	v34 =	vmul.f32 v34, v34;
	v18 =	vadd.f32 v24, v18;
	v41 =	vld [tilespmem:s15+$0x40]  }
0x2bb: {  	v17 =	vadd.f32 v35, v17;
	v15 =	vmul.f32 $1.302083370e-03, v15;
	v14 =	vadd.f32 v37, v14;
	v42 =	vld [tilespmem:s15+$0x50]  }
0x2bc: {  	v23 =	vadd.f32 v33, v23;
	v24 =	vmul.f32 v24, v24;
	v28 =	vadd.f32 v30, v28;
	v33 =	vld [tilespmem:s15+$0x60]  }
0x2bd: {  	v20 =	vadd.f32 v26, v20;
	v14 =	vmul.f32 $1.302083370e-03, v14;
	v37 =	vmul.f32 v15, v15;
	v26 =	vld [tilespmem:s15+$0x70]  }
0x2be: {  	v19 =	vadd.f32 v22, v19;
	v21 =	vadd.f32 v27, v21;
	v22 =	vmul.f32 v35, v35;
	v27 =	vld [tilespmem:s11+$0x0]  }
0x2bf: {  	v30 =	vmul.f32 v30, v30;
	v16 =	vadd.f32 v32, v16;
	v14 =	vsub.f32 v14, v37;
	v35 =	vld [tilespmem:s11+$0x10]  }
0x2c0: {  	v32 =	vmul.f32 v32, v32;
	v18 =	vadd.f32 v25, v18;
	v17 =	vadd.f32 v39, v17;
	v37 =	vld [tilespmem:s11+$0x20]  }
0x2c1: {  	v25 =	vmul.f32 v25, v25;
	v28 =	vadd.f32 v40, v28;
	v14 =	vadd.f32 $9.999999740e-06, v14;
	v43 =	vld [tilespmem:s11+$0x30]  }
0x2c2: {  	v23 =	vadd.f32 v34, v23;
	v20 =	vadd.f32 v24, v20;
	v24 =	vmul.f32 v39, v39;
	v34 =	vld [tilespmem:s11+$0x40]  }
0x2c3: {  	v19 =	vadd.f32 v22, v19;
	v39 =	vshrl.u32 v14, $0x1;
	v44 =	vmul.f32 $5.000000000e-01, v14;
	v22 =	vld [tilespmem:s11+$0x50]  }
0x2c4: {  	v14 =	vadd.f32 v30, v21;
	v21 =	vmul.f32 v40, v40;
	v39 =	vsub.s32 $0x5F3759DF, v39;
	v30 =	vld [tilespmem:s11+$0x60]  }
0x2c5: {  	v16 =	vadd.f32 v38, v16;
	v18 =	vadd.f32 v29, v18;
	v45 =	vmul.f32 v39, v44;
	v40 =	vld [tilespmem:s11+$0x70]  }
0x2c6: {  	v38 =	vmul.f32 v38, v38;
	v17 =	vadd.f32 v31, v17;
	v28 =	vadd.f32 v36, v28;
	v46 =	vld [tilespmem:s21+$0x0]  }
0x2c7: {  	v23 =	vadd.f32 v32, v23;
	v20 =	vadd.f32 v25, v20;
	v32 =	vmul.f32 v39, v45;
	v25 =	vld [tilespmem:s21+$0x10]  }
0x2c8: {  	v19 =	vadd.f32 v24, v19;
	v14 =	vadd.f32 v21, v14;
	v21 =	vmul.f32 v29, v29;
	v24 =	vld [tilespmem:s21+$0x20]  }
0x2c9: {  	v29 =	vmul.f32 v31, v31;
	v31 =	vmul.f32 v36, v36;
	v32 =	vsub.f32 $1.500000000e+00, v32;
	v36 =	vld [tilespmem:s21+$0x30]  }
0x2ca: {  	v16 =	vadd.f32 v41, v16;
	v41 =	vmul.f32 v41, v41;
	v18 =	vadd.f32 v42, v18;
	v45 =	vld [tilespmem:s21+$0x40]  }
0x2cb: {  	v17 =	vadd.f32 v33, v17;
	v28 =	vadd.f32 v26, v28;
	v32 =	vmul.f32 v39, v32;
	v47 =	vld [tilespmem:s21+$0x50]  }
0x2cc: {  	v23 =	vadd.f32 v38, v23;
	v20 =	vadd.f32 v21, v20;
	v21 =	vmul.f32 v42, v42;
	v38 =	vld [tilespmem:s21+$0x60]  }
0x2cd: {  	v19 =	vadd.f32 v29, v19;
	v29 =	vadd.f32 v31, v14;
	v31 =	vmul.f32 v32, v44;
	v14 =	vld [tilespmem:s21+$0x70]  }
0x2ce: {  	v33 =	vmul.f32 v33, v33;
	v26 =	vmul.f32 v26, v26;
	v16 =	vadd.f32 v27, v16  }
0x2cf: {  	v18 =	vadd.f32 v35, v18;
	v17 =	vadd.f32 v37, v17;
	v31 =	vmul.f32 v31, v32  }
0x2d0: {  	v23 =	vadd.f32 v41, v23;
	v27 =	vmul.f32 v27, v27;
	v28 =	vadd.f32 v43, v28  }
0x2d1: {  	v20 =	vadd.f32 v21, v20;
	v21 =	vmul.f32 v35, v35;
	v31 =	vsub.f32 $1.500000000e+00, v31  }
0x2d2: {  	v19 =	vadd.f32 v33, v19;
	v26 =	vadd.f32 v26, v29;
	v29 =	vmul.f32 v37, v37  }
0x2d3: {  	v16 =	vadd.f32 v34, v16;
	v33 =	vmul.f32 v43, v43;
	v31 =	vmul.f32 v31, v32  }
0x2d4: {  	v18 =	vadd.f32 v22, v18;
	v17 =	vadd.f32 v30, v17;
	v32 =	vmul.f32 v34, v34  }
0x2d5: {  	s0 =	sadd.s32 $0x100, s0;
	v23 =	vadd.f32 v27, v23;
	v27 =	vadd.f32 v40, v28;
	v15 =	vmul.f32 v31, v15  }
0x2d6: {  	s3 =	sadd.s32 $0x100, s3;
	v20 =	vadd.f32 v21, v20;
	v19 =	vadd.f32 v29, v19;
	v21 =	vmul.f32 v22, v22;
	[tilespmem:s0+$0x0] =	vst v31  }
0x2d7: {  	v22 =	vadd.f32 v33, v26;
	v26 =	vmul.f32 v30, v30;
	v28 =	vmul.f32 v40, v40;
	[tilespmem:s3+$0x0] =	vst v15  }
0x2d8: {  	v16 =	vadd.f32 v46, v16;
	v29 =	vmul.f32 v46, v46;
	v30 =	vadd.f32 v25, v18  }
0x2d9: {  	v27 =	vadd.f32 v36, v27;
	v31 =	vmul.f32 v25, v25;
	v25 =	vadd.f32 v24, v17  }
.Ltmp3:
0x2da: {  	v33 =	vadd.f32 v21, v20;
	v32 =	vadd.f32 v32, v23;
	v15 =	vmul.f32 v24, v24;
	(pc) =	sbr.rel @p0 .LBB2_7-.Ltmp3, $4  }
0x2db: {  	v18 =	vadd.f32 v28, v22;
	v21 =	vmul.f32 v36, v36;
	v17 =	vadd.f32 v26, v19  }
0x2dc: {  	v22 =	vadd.f32 v47, v30;
	v19 =	vadd.f32 v45, v16;
	v16 =	vmul.f32 v45, v45  }
0x2dd: {  	v20 =	vmul.f32 v47, v47;
	v23 =	vadd.f32 v38, v25;
	v25 =	vadd.f32 v14, v27  }
0x2de: {  	v26 =	vadd.f32 v29, v32;
	v24 =	vmul.f32 v38, v38;
	v27 =	vadd.f32 v31, v33  }
0x2df: {  	v15 =	vadd.f32 v15, v17;
	v17 =	vadd.f32 v21, v18  }
0x2e0: {  	v14 =	vmul.f32 v14, v14;
	v18 =	vadd.f32 v22, v19;
	v19 =	vadd.f32 v25, v23  }
0x2e1: {  	v16 =	vadd.f32 v16, v26;
	v20 =	vadd.f32 v20, v27  }
0x2e2: {  	v15 =	vadd.f32 v24, v15;
	v14 =	vadd.f32 v14, v17  }
0x2e3: {  	v17 =	vadd.f32 v19, v18  }
0x2e4: {  	v16 =	vadd.f32 v20, v16;
	v14 =	vadd.f32 v14, v15;
	_ =	sdelay $0x1  }
0x2e5: {  	v15 =	vperm.xlane v17, v3;
	v14 =	vadd.f32 v14, v16;
	_ =	sdelay $0x1  }
0x2e6: {  	v15 =	vadd.f32 v17, v15;
	v16 =	vperm.xlane v14, v3;
	_ =	sdelay $0x1  }
0x2e7: {  	v17 =	vperm.xlane v15, v4;
	v14 =	vadd.f32 v16, v14;
	_ =	sdelay $0x1  }
0x2e8: {  	v15 =	vadd.f32 v15, v17;
	v16 =	vperm.xlane v14, v4;
	_ =	sdelay $0x1  }
0x2e9: {  	v17 =	vperm.xlane v11, v5;
	v18 =	vperm.xlane v15, v5;
	v14 =	vadd.f32 v16, v14  }
0x2ea: {  	v16 =	vperm.xlane v12, v6  }
0x2eb: {  	v11 =	vadd.f32 v17, v11;
	v15 =	vadd.f32 v15, v18;
	v17 =	vperm.xlane v14, v5  }
0x2ec: {  	v12 =	vadd.f32 v12, v16  }
0x2ed: {  	v16 =	vperm.xlane v11, v6;
	v18 =	vperm.xlane v15, v6;
	v14 =	vadd.f32 v17, v14  }
0x2ee: {  	v12 =	vmul.f32 $1.302083370e-03, v12  }
0x2ef: {  	v11 =	vadd.f32 v16, v11;
	v15 =	vadd.f32 v15, v18;
	v16 =	vperm.xlane v14, v6  }
0x2f0: {  	v17 =	vmul.f32 v12, v12  }
0x2f1: {  	v11 =	vmul.f32 $1.302083370e-03, v11;
	v15 =	vmul.f32 $1.302083370e-03, v15;
	v14 =	vadd.f32 v16, v14;
	_ =	sdelay $0x1  }
0x2f2: {  	v11 =	vsub.f32 v11, v17;
	v16 =	vmul.f32 v15, v15;
	v14 =	vmul.f32 $1.302083370e-03, v14  }
0x2f3: {  	v17 =	vshrl.u32 v13, $0x1;
	v13 =	vmul.f32 $5.000000000e-01, v13  }
0x2f4: {  	v17 =	vsub.s32 $0x5F3759DF, v17;
	v11 =	vadd.f32 $9.999999740e-06, v11;
	v14 =	vsub.f32 v14, v16  }
0x2f5: {  	v16 =	vmul.f32 v17, v13  }
0x2f6: {  	v18 =	vshrl.u32 v11, $0x1;
	v11 =	vmul.f32 $5.000000000e-01, v11;
	v14 =	vadd.f32 $9.999999740e-06, v14  }
0x2f7: {  	v18 =	vsub.s32 $0x5F3759DF, v18;
	v16 =	vmul.f32 v17, v16  }
0x2f8: {  	v19 =	vmul.f32 v18, v11;
	v20 =	vshrl.u32 v14, $0x1;
	v14 =	vmul.f32 $5.000000000e-01, v14  }
0x2f9: {  	v16 =	vsub.f32 $1.500000000e+00, v16;
	v20 =	vsub.s32 $0x5F3759DF, v20  }
0x2fa: {  	v19 =	vmul.f32 v18, v19;
	v21 =	vmul.f32 v20, v14  }
0x2fb: {  	v16 =	vmul.f32 v17, v16  }
0x2fc: {  	v17 =	vsub.f32 $1.500000000e+00, v19;
	v19 =	vmul.f32 v20, v21  }
0x2fd: {  	v10 =	vmul.f32 v10, v9;
	v13 =	vmul.f32 v16, v13  }
0x2fe: {  	v17 =	vmul.f32 v18, v17;
	v18 =	vsub.f32 $1.500000000e+00, v19  }
0x2ff: {  	v10 =	vsub.f32 $1.500000000e+00, v10;
	v13 =	vmul.f32 v13, v16  }
0x300: {  	v11 =	vmul.f32 v17, v11;
	v18 =	vmul.f32 v20, v18  }
0x301: {  	v9 =	vmul.f32 v10, v9  }
0x302: {  	v10 =	vsub.f32 $1.500000000e+00, v13;
	v11 =	vmul.f32 v11, v17;
	v13 =	vmul.f32 v18, v14  }
0x303: {  	v7 =	vmul.f32 v9, v7  }
0x304: {  	v10 =	vmul.f32 v10, v16;
	v11 =	vsub.f32 $1.500000000e+00, v11;
	v13 =	vmul.f32 v13, v18  }
0x305: {  	[tilespmem:s25+$0xFFFFFF80] =	vst v9  }
0x306: {  	[tilespmem:s26+$0xFFFFFF80] =	vst v7;
	v7 =	vmul.f32 v10, v8;
	v8 =	vmul.f32 v11, v17;
	v9 =	vsub.f32 $1.500000000e+00, v13  }
0x307: {  	[tilespmem:s28+$0xFFFFFF80] =	vst v10  }
0x308: {  	[tilespmem:s29+$0xFFFFFF80] =	vst v7;
	v7 =	vmul.f32 v8, v12;
	v9 =	vmul.f32 v9, v18  }
0x309: {  	[tilespmem:s30+$0xFFFFFF80] =	vst v8  }
0x30a: {  	[tilespmem:s31+$0xFFFFFF80] =	vst v7;
	v7 =	vmul.f32 v9, v15  }
0x30b: {  	[tilespmem:s0+$0xFFFFFF80] =	vst v9  }
0x30c: {  	[tilespmem:s3+$0xFFFFFF80] =	vst v7  }
0x30d: {  	v7 =	vld [tilespmem:$0x1A200]  }
0x30e: {  	v13 =	vld [tilespmem:$0x1A210]  }
0x30f: {  	v29 =	vld [tilespmem:$0x1A220]  }
0x310: {  	v8 =	vld [tilespmem:$0x1A230]  }
0x311: {  	v28 =	vld [tilespmem:$0x1A240]  }
0x312: {  	v23 =	vld [tilespmem:$0x1A250]  }
0x313: {  	v9 =	vld [tilespmem:$0x1A260]  }
0x314: {  	v22 =	vld [tilespmem:$0x1A270]  }
0x315: {  	v20 =	vld [tilespmem:$0x1A280]  }
0x316: {  	v16 =	vld [tilespmem:$0x1A290]  }
0x317: {  	v15 =	vld [tilespmem:$0x1A2A0]  }
0x318: {  	v35 =	vld [tilespmem:$0x1A2B0]  }
0x319: {  	v14 =	vld [tilespmem:$0x1A2C0]  }
0x31a: {  	v38 =	vld [tilespmem:$0x1A2D0]  }
0x31b: {  	v39 =	vld [tilespmem:$0x1A2E0]  }
0x31c: {  	v32 =	vld [tilespmem:$0x1A2F0]  }
0x31d: {  	v10 =	vld [tilespmem:$0x1A500]  }
0x31e: {  	v17 =	vld [tilespmem:$0x1A510]  }
0x31f: {  	v31 =	vld [tilespmem:$0x1A520]  }
0x320: {  	v11 =	vld [tilespmem:$0x1A530]  }
0x321: {  	v30 =	vld [tilespmem:$0x1A540]  }
0x322: {  	v27 =	vld [tilespmem:$0x1A550]  }
0x323: {  	v12 =	vld [tilespmem:$0x1A560]  }
0x324: {  	v26 =	vld [tilespmem:$0x1A570]  }
0x325: {  	v24 =	vld [tilespmem:$0x1A580]  }
0x326: {  	v21 =	vld [tilespmem:$0x1A590]  }
0x327: {  	v19 =	vld [tilespmem:$0x1A5A0]  }
0x328: {  	v37 =	vld [tilespmem:$0x1A5B0]  }
0x329: {  	s28 =	simm.s32 $0x0;
	v18 =	vld [tilespmem:$0x1A5C0]  }
0x32a: {  	s19 =	simm.s32 $0x19280;
	s0 =	smul.u32 $0x6000, s28;
	v40 =	vld [tilespmem:$0x1A5E0]  }
0x32b: {  	v33 =	vld [tilespmem:s19+$0x0]  }
0x32c: {  	s2 =	simm.s32 $0x18280;
	s29 =	simm.s32 $0x80;
	s0 =	sshra.s32 s0, $0x2;
	v34 =	vld [tilespmem:s19+$0xFFFFFF80]  }
0x32d: {  	s30 =	sand.u32 $0x380, s29;
	s4 =	sadd.s32 s0, s23;
	v48 =	vld [tilespmem:s2+$0x0]  }
0x32e: {  	v42 =	vld [tilespmem:s2+$0xFFFFFF80];
	s0 =	sadd.s32 s30, s4  }
0x32f: {  	v44 =	vld [tilespmem:s0+$0x430]  }
0x330: {  	v41 =	vld [tilespmem:s0+$0x460]  }
0x331: {  	v43 =	vld [tilespmem:s0+$0x20]  }
0x332: {  	v45 =	vld [tilespmem:s0+$0x450]  }
0x333: {  	s31 =	simm.s32 $0x0;
	v46 =	vld [tilespmem:s0+$0x470]  }
0x334: {  	s2 =	sand.u32 $0x300, s31;
	v50 =	vld [tilespmem:s0+$0x440]  }
0x335: {  	s3 =	sadd.s32 s2, s4;
	v51 =	vld [tilespmem:s0+$0x0]  }
0x336: {  	v54 =	vld [tilespmem:s3+$0x30]  }
0x337: {  	v55 =	vld [tilespmem:s3+$0x460]  }
0x338: {  	v49 =	vld [tilespmem:s0+$0x420];
	v41 =	vmul.f32 v41, v48  }
0x339: {  	v52 =	vld [tilespmem:s3+$0x10];
	v45 =	vmul.f32 v45, v48;
	v46 =	vmul.f32 v46, v48  }
0x33a: {  	v53 =	vld [tilespmem:s0+$0x410];
	v50 =	vmul.f32 v50, v48;
	v51 =	vmul.f32 v51, v48  }
0x33b: {  	v36 =	vld [tilespmem:$0x1A5F0];
	v43 =	vmul.f32 v43, v48;
	v61 =	vmul.f32 v44, v48  }
0x33c: {  	v47 =	vld [tilespmem:s0+$0x30];
	v55 =	vmul.f32 v55, v42;
	v54 =	vmul.f32 v54, v42  }
0x33d: {  	v63 =	vld [tilespmem:s3+$0x50];
	v49 =	vmul.f32 v49, v48;
	v41 =	vsub.f32 v41, v33;
	v45 =	vsub.f32 v45, v33  }
0x33e: {  	v58 =	vld [tilespmem:s3+$0x450];
	v57 =	vsub.f32 v46, v33;
	v46 =	vmul.f32 v52, v42;
	v51 =	vsub.f32 v51, v33  }
0x33f: {  	v56 =	vld [tilespmem:s3+$0x420];
	v3 =	vsub.f32 v43, v33;
	v43 =	vmul.f32 v53, v48;
	v55 =	vsub.f32 v55, v34  }
0x340: {  	v52 =	vld [tilespmem:s3+$0x60];
	v44 =	vsub.f32 v54, v34;
	v59 =	vmul.f32 v41, v39;
	v41 =	vmul.f32 v45, v38  }
0x341: {  	v53 =	vld [tilespmem:s0+$0x50];
	v49 =	vsub.f32 v49, v33;
	v2 =	vmul.f32 v57, v32;
	v51 =	vmul.f32 v51, v7  }
0x342: {  	v60 =	vld [tilespmem:s0+$0x40];
	v0 =	vmul.f32 v3, v29;
	v45 =	vsub.f32 v50, v33;
	v57 =	vmul.f32 v63, v42  }
0x343: {  	v62 =	vld [tilespmem:s0+$0x60];
	v55 =	vmul.f32 v55, v39;
	v1 =	vadd.f32 v2, v36;
	v2 =	vmul.f32 v58, v42  }
0x344: {  	v25 =	vld [tilespmem:$0x1A5D0];
	v49 =	vmul.f32 v49, v15;
	v51 =	vadd.f32 v51, v10;
	v3 =	vadd.f32 v0, v31  }
0x345: {  	v0 =	vmul.f32 v47, v48;
	v47 =	vmul.f32 v56, v42;
	[tilespmem:s0+$0x470] =	vst v1;
	v50 =	vsub.f32 v2, v34;
	v2 =	vld [tilespmem:s0+$0x70]  }
0x346: {  	v59 =	vadd.f32 v59, v40;
	v53 =	vmul.f32 v53, v48;
	[tilespmem:s0+$0x0] =	vst v51;
	v51 =	vmul.f32 v52, v42  }
0x347: {  	[tilespmem:s0+$0x20] =	vst v3;
	v1 =	vmul.f32 v60, v48;
	v52 =	vsub.f32 v0, v33;
	v3 =	vld [tilespmem:s0+$0x400];
	v60 =	vsub.f32 v61, v33  }
0x348: {  	v0 =	vmul.f32 v62, v48;
	v53 =	vsub.f32 v53, v33;
	v50 =	vmul.f32 v50, v38  }
0x349: {  	v63 =	vld [tilespmem:s3+$0x430];
	v54 =	vsub.f32 v1, v33;
	v52 =	vmul.f32 v52, v8;
	v60 =	vmul.f32 v60, v35  }
0x34a: {  	[tilespmem:s0+$0x460] =	vst v59;
	v62 =	vld [tilespmem:s0+$0x10];
	v59 =	vsub.f32 v0, v33;
	v53 =	vmul.f32 v53, v23;
	v56 =	vmul.f32 v2, v48  }
0x34b: {  	v61 =	vld [tilespmem:s3+$0x470];
	v54 =	vmul.f32 v54, v28;
	v52 =	vadd.f32 v52, v11;
	v60 =	vadd.f32 v60, v37  }
0x34c: {  	v0 =	vld [tilespmem:s3+$0x70];
	v58 =	vmul.f32 v3, v48;
	v53 =	vadd.f32 v53, v27;
	v56 =	vsub.f32 v56, v33  }
0x34d: {  	v59 =	vmul.f32 v59, v9;
	v2 =	vld [tilespmem:s3+$0x20];
	v54 =	vadd.f32 v54, v30;
	[tilespmem:s0+$0x30] =	vst v52;
	v52 =	vadd.f32 v50, v25  }
0x34e: {  	v50 =	vsub.f32 v57, v34;
	v57 =	vld [tilespmem:s3+$0x40];
	[tilespmem:s0+$0x430] =	vst v60;
	v58 =	vsub.f32 v58, v33;
	v56 =	vmul.f32 v56, v22  }
0x34f: {  	v55 =	vadd.f32 v55, v40;
	v48 =	vmul.f32 v62, v48;
	v59 =	vadd.f32 v59, v12;
	[tilespmem:s0+$0x50] =	vst v53;
	v53 =	vld [tilespmem:s3+$0x410]  }
0x350: {  	[tilespmem:s0+$0x40] =	vst v54;
	v54 =	vadd.f32 v49, v19;
	v1 =	vmul.f32 v58, v20;
	v3 =	vadd.f32 v56, v26  }
0x351: {  	[tilespmem:s0+$0x60] =	vst v59;
	v59 =	vmul.f32 v63, v42;
	v49 =	vsub.f32 v51, v34;
	v58 =	vmul.f32 v61, v42  }
0x352: {  	s10 =	simm.s32 $0x0;
	s11 =	simm.s32 $0x18380;
	s12 =	simm.s32 $0x180;
	v51 =	vmul.f32 v0, v42;
	v60 =	vmul.f32 v2, v42;
	v56 =	vadd.f32 v1, v24;
	[tilespmem:s0+$0x70] =	vst v3  }
.LBB2_9:
0x353: {  	s10 =	sadd.s32 $0x2, s10;
	s2 =	sadd.s32 $0xFFFFFF80, s12;
	v0 =	vmul.f32 v57, v42;
	v2 =	vld [tilespmem:s3+$0x400];
	v57 =	vsub.f32 v59, v34;
	v58 =	vsub.f32 v58, v34;
	[tilespmem:s0+$0x420] =	vst v54;
	s19 =	sadd.s32 $0x100, s19  }
0x354: {  	s4 =	sshrl.u32 s10, $0x3;
	s2 =	sand.u32 $0x300, s2;
	p0 =	slt.u32 s10, $0x1E;
	v54 =	vld [tilespmem:s3+$0x0];
	v59 =	vsub.f32 v60, v34;
	v53 =	vmul.f32 v53, v42;
	v48 =	vsub.f32 v48, v33;
	[tilespmem:s0+$0x400] =	vst v56  }
0x355: {  	v46 =	vsub.f32 v46, v34;
	s4 =	smul.u32 $0x6000, s4;
	v56 =	vmul.f32 v57, v35;
	v57 =	vld [tilespmem:s3+$0x440];
	[tilespmem:s3+$0x460] =	vst v55;
	v55 =	vmul.f32 v58, v32  }
0x356: {  	v0 =	vsub.f32 v0, v34;
	v58 =	vld [tilespmem:s19+$0x0];
	v53 =	vsub.f32 v53, v34;
	v60 =	vmul.f32 v48, v13  }
0x357: {  	v59 =	vmul.f32 v59, v29;
	v61 =	vld [tilespmem:s19+$0xFFFFFF80];
	s4 =	sshra.s32 s4, $0x2;
	v56 =	vadd.f32 v56, v37;
	[tilespmem:s3+$0x450] =	vst v52;
	v52 =	vadd.f32 v55, v36  }
0x358: {  	s15 =	sand.u32 $0x380, s12;
	v0 =	vmul.f32 v0, v28;
	v55 =	vmul.f32 v50, v23;
	s4 =	sadd.s32 s4, s23;
	v48 =	vld [tilespmem:s11+$0x0];
	v60 =	vadd.f32 v60, v17  }
0x359: {  	v59 =	vadd.f32 v59, v31;
	v53 =	vmul.f32 v53, v16;
	v62 =	vld [tilespmem:s11+$0xFFFFFF80];
	s2 =	sadd.s32 s2, s4;
	s4 =	sadd.s32 s15, s4;
	v54 =	vmul.f32 v54, v42;
	[tilespmem:s3+$0x430] =	vst v56  }
0x35a: {  	v0 =	vadd.f32 v0, v30;
	v55 =	vadd.f32 v55, v27;
	v50 =	vld [tilespmem:s4+$0x30];
	v56 =	vmul.f32 v57, v42;
	[tilespmem:s0+$0x10] =	vst v60  }
0x35b: {  	v51 =	vsub.f32 v51, v34;
	v2 =	vmul.f32 v2, v42;
	v57 =	vld [tilespmem:s4+$0x430];
	v54 =	vsub.f32 v54, v34;
	[tilespmem:s3+$0x20] =	vst v59  }
0x35c: {  	v45 =	vmul.f32 v45, v14;
	v59 =	vld [tilespmem:s4+$0x420];
	[tilespmem:s3+$0x40] =	vst v0;
	v0 =	vadd.f32 v53, v21;
	v42 =	vsub.f32 v56, v34  }
0x35d: {  	v51 =	vmul.f32 v51, v22;
	v2 =	vsub.f32 v2, v34;
	v53 =	vld [tilespmem:s4+$0x460];
	v54 =	vmul.f32 v54, v7;
	[tilespmem:s3+$0x470] =	vst v52  }
0x35e: {  	v52 =	vld [tilespmem:s4+$0x20];
	[tilespmem:s3+$0x410] =	vst v0;
	v0 =	vsub.f32 v47, v34;
	v1 =	vmul.f32 v42, v14;
	v42 =	vsub.f32 v43, v33  }
0x35f: {  	v2 =	vmul.f32 v2, v20;
	v47 =	vmul.f32 v49, v9;
	v49 =	vadd.f32 v51, v26;
	v43 =	vld [tilespmem:s4+$0x450];
	[tilespmem:s3+$0x50] =	vst v55  }
0x360: {  	v33 =	vmovc v58;
	v54 =	vadd.f32 v54, v10;
	v51 =	vld [tilespmem:s4+$0x470];
	v0 =	vmul.f32 v0, v15;
	v55 =	vadd.f32 v1, v18  }
0x361: {  	v44 =	vmul.f32 v44, v8;
	v2 =	vadd.f32 v2, v24;
	v34 =	vmovc v61;
	v47 =	vadd.f32 v47, v12;
	v56 =	vld [tilespmem:s4+$0x440]  }
0x362: {  	v46 =	vmul.f32 v46, v13;
	v58 =	vld [tilespmem:s4+$0x0];
	v53 =	vmul.f32 v53, v48;
	[tilespmem:s3+$0x70] =	vst v49;
	v0 =	vadd.f32 v0, v19  }
0x363: {  	v41 =	vadd.f32 v41, v25;
	v44 =	vadd.f32 v44, v11;
	v42 =	vmul.f32 v42, v16;
	v49 =	vld [tilespmem:s2+$0x10];
	[tilespmem:s3+$0x440] =	vst v55  }
0x364: {  	v46 =	vadd.f32 v46, v17;
	v55 =	vld [tilespmem:s4+$0x410];
	v43 =	vmul.f32 v43, v48;
	v53 =	vsub.f32 v53, v33;
	[tilespmem:s3+$0x400] =	vst v2  }
0x365: {  	v45 =	vadd.f32 v45, v18;
	v1 =	vadd.f32 v42, v21;
	v2 =	vld [tilespmem:s2+$0x30];
	v51 =	vmul.f32 v51, v48;
	[tilespmem:s0+$0x450] =	vst v41  }
0x366: {  	v60 =	vld [tilespmem:s2+$0x460];
	v56 =	vmul.f32 v56, v48;
	v41 =	vsub.f32 v43, v33;
	v43 =	vmul.f32 v53, v39;
	[tilespmem:s3+$0x10] =	vst v46  }
0x367: {  	v42 =	vmov v62;
	v53 =	vld [tilespmem:s2+$0x420];
	v58 =	vmul.f32 v58, v48;
	v51 =	vsub.f32 v51, v33;
	[tilespmem:s0+$0x410] =	vst v1  }
0x368: {  	v52 =	vmul.f32 v52, v48;
	v46 =	vmul.f32 v49, v42;
	v49 =	vld [tilespmem:s2+$0x450];
	v61 =	vadd.f32 v43, v40;
	[tilespmem:s3+$0x420] =	vst v0  }
0x369: {  	v41 =	vmul.f32 v41, v38;
	v0 =	vld [tilespmem:s2+$0x50];
	v58 =	vsub.f32 v58, v33;
	v51 =	vmul.f32 v51, v32;
	[tilespmem:s0+$0x440] =	vst v45;
	s0 =	smov.u32 s4  }
0x36a: {  	v52 =	vsub.f32 v52, v33;
	v43 =	vmul.f32 v55, v48;
	v55 =	vmul.f32 v57, v48;
	v62 =	vld [tilespmem:s2+$0x60];
	[tilespmem:s3+$0x0] =	vst v54  }
0x36b: {  	v45 =	vsub.f32 v56, v33;
	v54 =	vmul.f32 v60, v42;
	v57 =	vmul.f32 v58, v7;
	v58 =	vld [tilespmem:s0+$0x40];
	[tilespmem:s3+$0x30] =	vst v44  }
0x36c: {  	v52 =	vmul.f32 v52, v29;
	v2 =	vmul.f32 v2, v42;
	v51 =	vadd.f32 v51, v36;
	v56 =	vld [tilespmem:s0+$0x50];
	[tilespmem:s3+$0x60] =	vst v47;
	s3 =	smov.u32 s2  }
0x36d: {  	v47 =	vmul.f32 v49, v42;
	v49 =	vsub.f32 v54, v34;
	v54 =	vadd.f32 v57, v10;
	v57 =	vld [tilespmem:s0+$0x60];
	[tilespmem:s0+$0x460] =	vst v61  }
0x36e: {  	v44 =	vsub.f32 v2, v34;
	v2 =	vadd.f32 v52, v31;
	v52 =	vmul.f32 v59, v48;
	[tilespmem:s0+$0x470] =	vst v51  }
0x36f: {  	v50 =	vmul.f32 v50, v48;
	v51 =	vmul.f32 v62, v42;
	v59 =	vsub.f32 v47, v34;
	[tilespmem:s0+$0x0] =	vst v54  }
0x370: {  	v52 =	vsub.f32 v52, v33;
	v47 =	vmul.f32 v53, v42;
	[tilespmem:s0+$0x20] =	vst v2;
	v2 =	vmul.f32 v58, v48;
	v53 =	vld [tilespmem:s0+$0x70]  }
0x371: {  	v50 =	vsub.f32 v50, v33;
	v0 =	vmul.f32 v0, v42;
	v54 =	vmul.f32 v56, v48;
	v56 =	vld [tilespmem:s0+$0x400]  }
0x372: {  	v58 =	vmul.f32 v59, v38;
	v2 =	vsub.f32 v2, v33;
	v57 =	vmul.f32 v57, v48  }
0x373: {  	v61 =	vmul.f32 v49, v39;
	v49 =	vmul.f32 v50, v8;
	v50 =	vsub.f32 v54, v33  }
0x374: {  	v55 =	vsub.f32 v55, v33;
	v62 =	vld [tilespmem:s0+$0x10];
	v2 =	vmul.f32 v2, v28;
	v54 =	vsub.f32 v57, v33  }
0x375: {  	v49 =	vadd.f32 v49, v11;
	v60 =	vld [tilespmem:s3+$0x470];
	v50 =	vmul.f32 v50, v23;
	v53 =	vmul.f32 v53, v48  }
0x376: {  	v59 =	vld [tilespmem:s3+$0x430];
	v2 =	vadd.f32 v2, v30;
	v54 =	vmul.f32 v54, v9;
	v56 =	vmul.f32 v56, v48  }
0x377: {  	v63 =	vld [tilespmem:s3+$0x70];
	[tilespmem:s0+$0x30] =	vst v49;
	v49 =	vadd.f32 v50, v27;
	v50 =	vsub.f32 v53, v33;
	v53 =	vmul.f32 v55, v35  }
0x378: {  	v55 =	vld [tilespmem:s3+$0x20];
	[tilespmem:s0+$0x40] =	vst v2;
	v2 =	vadd.f32 v54, v12;
	v54 =	vsub.f32 v56, v33;
	v56 =	vmul.f32 v52, v15  }
.Ltmp4:
0x379: {  	v52 =	vadd.f32 v58, v25;
	v57 =	vld [tilespmem:s3+$0x40];
	[tilespmem:s0+$0x50] =	vst v49;
	v49 =	vmul.f32 v50, v22;
	v1 =	vadd.f32 v53, v37;
	(pc) =	sbr.rel @p0 .LBB2_9-.Ltmp4, $4  }
0x37a: {  	v50 =	vsub.f32 v0, v34;
	v53 =	vld [tilespmem:s3+$0x410];
	[tilespmem:s0+$0x60] =	vst v2;
	v0 =	vmul.f32 v54, v20;
	v54 =	vadd.f32 v56, v19  }
0x37b: {  	v58 =	vmul.f32 v60, v42;
	v59 =	vmul.f32 v59, v42;
	v2 =	vadd.f32 v49, v26;
	[tilespmem:s0+$0x430] =	vst v1  }
0x37c: {  	v49 =	vsub.f32 v51, v34;
	v51 =	vmul.f32 v63, v42;
	v56 =	vadd.f32 v0, v24  }
0x37d: {  	s12 =	sadd.s32 $0x100, s12;
	s11 =	sadd.s32 $0x100, s11;
	v48 =	vmul.f32 v62, v48;
	v60 =	vmul.f32 v55, v42;
	v55 =	vadd.f32 v61, v40;
	[tilespmem:s0+$0x70] =	vst v2  }
0x37e: {  	v0 =	vsub.f32 v59, v34;
	v1 =	vmul.f32 v57, v42;
	v62 =	vsub.f32 v58, v34  }
0x37f: {  	v38 =	vld [tilespmem:s3+$0x440];
	[tilespmem:s0+$0x420] =	vst v54;
	v23 =	vmul.f32 v50, v23;
	v50 =	vadd.f32 v41, v25;
	v2 =	vsub.f32 v48, v33  }
0x380: {  	v39 =	vld [tilespmem:s3+$0x400];
	[tilespmem:s0+$0x400] =	vst v56;
	v40 =	vsub.f32 v60, v34;
	v61 =	vmul.f32 v53, v42;
	v0 =	vmul.f32 v0, v35  }
0x381: {  	[tilespmem:s3+$0x450] =	vst v52;
	v1 =	vsub.f32 v1, v34;
	v32 =	vmul.f32 v62, v32;
	v23 =	vadd.f32 v23, v27  }
0x382: {  	[tilespmem:s3+$0x460] =	vst v55;
	v27 =	vsub.f32 v46, v34;
	v2 =	vmul.f32 v2, v13;
	v29 =	vmul.f32 v40, v29  }
0x383: {  	[tilespmem:s0+$0x450] =	vst v50;
	v48 =	vsub.f32 v61, v34;
	v0 =	vadd.f32 v0, v37;
	v1 =	vmul.f32 v1, v28  }
0x384: {  	[tilespmem:s3+$0x50] =	vst v23;
	v2 =	vadd.f32 v2, v17;
	v28 =	vadd.f32 v29, v31;
	v37 =	vmul.f32 v38, v42  }
0x385: {  	v63 =	vld [tilespmem:s3+$0x0];
	v38 =	vsub.f32 v51, v34;
	[tilespmem:s3+$0x430] =	vst v0;
	v1 =	vadd.f32 v1, v30;
	v30 =	vmul.f32 v39, v42  }
0x386: {  	v13 =	vmul.f32 v27, v13;
	v29 =	vmul.f32 v48, v16;
	v31 =	vadd.f32 v32, v36;
	[tilespmem:s0+$0x10] =	vst v2  }
0x387: {  	[tilespmem:s3+$0x20] =	vst v28;
	v0 =	vsub.f32 v37, v34;
	v2 =	vmul.f32 v38, v22;
	v22 =	vsub.f32 v30, v34  }
0x388: {  	v13 =	vadd.f32 v13, v17;
	v39 =	vadd.f32 v29, v21;
	[tilespmem:s3+$0x470] =	vst v31  }
0x389: {  	[tilespmem:s3+$0x40] =	vst v1;
	v0 =	vmul.f32 v0, v14;
	v46 =	vmul.f32 v22, v20;
	v22 =	vsub.f32 v43, v33  }
0x38a: {  	v23 =	vsub.f32 v47, v34;
	[tilespmem:s3+$0x10] =	vst v13;
	v40 =	vadd.f32 v2, v26;
	v20 =	vmul.f32 v63, v42  }
0x38b: {  	[tilespmem:s3+$0x410] =	vst v39;
	v0 =	vadd.f32 v0, v18;
	v48 =	vmul.f32 v22, v16  }
0x38c: {  	v15 =	vmul.f32 v23, v15;
	[tilespmem:s3+$0x70] =	vst v40;
	v2 =	vadd.f32 v46, v24;
	v16 =	vsub.f32 v20, v34  }
0x38d: {  	v51 =	vmul.f32 v45, v14;
	[tilespmem:s3+$0x440] =	vst v0;
	v0 =	vadd.f32 v48, v21  }
0x38e: {  	[tilespmem:s3+$0x400] =	vst v2;
	v52 =	vmul.f32 v16, v7;
	v7 =	vadd.f32 v15, v19  }
0x38f: {  	v8 =	vmul.f32 v44, v8;
	v2 =	vadd.f32 v51, v18;
	[tilespmem:s0+$0x410] =	vst v0  }
0x390: {  	v53 =	vmul.f32 v49, v9;
	v1 =	vadd.f32 v52, v10;
	[tilespmem:s3+$0x420] =	vst v7  }
0x391: {  	v7 =	vadd.f32 v8, v11;
	[tilespmem:s0+$0x440] =	vst v2  }
0x392: {  	v0 =	vadd.f32 v53, v12;
	[tilespmem:s3+$0x0] =	vst v1  }
0x393: {  	[tilespmem:s3+$0x30] =	vst v7  }
0x394: {  	[tilespmem:s3+$0x60] =	vst v0  }
0x395: {  	v21 =	vld [tilespmem:$0x1A300]  }
0x396: {  	v7 =	vld [tilespmem:$0x1A310]  }
0x397: {  	v8 =	vld [tilespmem:$0x1A320]  }
0x398: {  	v26 =	vld [tilespmem:$0x1A330]  }
0x399: {  	v12 =	vld [tilespmem:$0x1A340]  }
0x39a: {  	v20 =	vld [tilespmem:$0x1A350]  }
0x39b: {  	v14 =	vld [tilespmem:$0x1A360]  }
0x39c: {  	v18 =	vld [tilespmem:$0x1A370]  }
0x39d: {  	v16 =	vld [tilespmem:$0x1A380]  }
0x39e: {  	v32 =	vld [tilespmem:$0x1A390]  }
0x39f: {  	v33 =	vld [tilespmem:$0x1A3A0]  }
0x3a0: {  	v11 =	vld [tilespmem:$0x1A3B0]  }
0x3a1: {  	v34 =	vld [tilespmem:$0x1A3C0]  }
0x3a2: {  	v25 =	vld [tilespmem:$0x1A3D0]  }
0x3a3: {  	v30 =	vld [tilespmem:$0x1A3E0]  }
0x3a4: {  	v29 =	vld [tilespmem:$0x1A3F0]  }
0x3a5: {  	v24 =	vld [tilespmem:$0x1A600]  }
0x3a6: {  	v9 =	vld [tilespmem:$0x1A610]  }
0x3a7: {  	v10 =	vld [tilespmem:$0x1A620]  }
0x3a8: {  	v13 =	vld [tilespmem:$0x1A630]  }
0x3a9: {  	v19 =	vld [tilespmem:$0x1A640]  }
0x3aa: {  	v23 =	vld [tilespmem:$0x1A650]  }
0x3ab: {  	v17 =	vld [tilespmem:$0x1A660]  }
0x3ac: {  	v22 =	vld [tilespmem:$0x1A670]  }
0x3ad: {  	s29 =	simm.s32 $0x0;
	v36 =	vld [tilespmem:$0x1A690]  }
0x3ae: {  	s0 =	smul.u32 $0x6000, s29;
	v37 =	vld [tilespmem:$0x1A6A0]  }
0x3af: {  	v15 =	vld [tilespmem:$0x1A6B0]  }
0x3b0: {  	s2 =	simm.s32 $0x18280;
	s0 =	sshra.s32 s0, $0x2;
	v38 =	vld [tilespmem:$0x1A6C0]  }
0x3b1: {  	s25 =	simm.s32 $0x19280;
	s30 =	simm.s32 $0x80;
	v43 =	vld [tilespmem:s2+$0xFFFFFF80];
	s0 =	sadd.s32 s0, s23  }
0x3b2: {  	s3 =	sand.u32 $0x380, s30;
	v35 =	vld [tilespmem:s25+$0x0];
	s4 =	sadd.s32 $0x800, s0;
	s10 =	sadd.s32 $0xC00, s0  }
0x3b3: {  	v41 =	vld [tilespmem:s2+$0x0];
	s0 =	sadd.s32 s3, s4;
	s3 =	sadd.s32 s3, s10  }
0x3b4: {  	v1 =	vld [tilespmem:s3+$0x60]  }
0x3b5: {  	v2 =	vld [tilespmem:s3+$0x70]  }
0x3b6: {  	v54 =	vld [tilespmem:s3+$0x40]  }
0x3b7: {  	v55 =	vld [tilespmem:s3+$0x30]  }
0x3b8: {  	v56 =	vld [tilespmem:s3+$0x50]  }
0x3b9: {  	v57 =	vld [tilespmem:s3+$0x20]  }
0x3ba: {  	v58 =	vld [tilespmem:s3+$0x10]  }
0x3bb: {  	s31 =	simm.s32 $0x0;
	v59 =	vld [tilespmem:s3+$0x0]  }
0x3bc: {  	s2 =	sand.u32 $0x300, s31;
	v60 =	vld [tilespmem:s0+$0x20]  }
0x3bd: {  	s19 =	sadd.s32 s2, s10;
	v61 =	vld [tilespmem:s0+$0x40]  }
0x3be: {  	v62 =	vld [tilespmem:s19+$0x70]  }
0x3bf: {  	v51 =	vld [tilespmem:s19+$0x20];
	v1 =	vmul.f32 v1, v41;
	v2 =	vmul.f32 v2, v41  }
0x3c0: {  	v52 =	vld [tilespmem:s19+$0x0];
	v39 =	vmul.f32 v54, v41;
	v40 =	vmul.f32 v55, v41  }
0x3c1: {  	v0 =	vld [tilespmem:s0+$0x60];
	v42 =	vmul.f32 v56, v41;
	v44 =	vmul.f32 v57, v41  }
0x3c2: {  	v28 =	vld [tilespmem:$0x1A6D0];
	v46 =	vmul.f32 v59, v41;
	v45 =	vmul.f32 v58, v41  }
0x3c3: {  	v31 =	vld [tilespmem:$0x1A6E0];
	v48 =	vmul.f32 v61, v41;
	v47 =	vmul.f32 v60, v41  }
0x3c4: {  	v27 =	vld [tilespmem:s25+$0xFFFFFF80];
	v49 =	vmul.f32 v62, v43;
	v51 =	vmul.f32 v51, v43;
	v1 =	vsub.f32 v1, v35  }
0x3c5: {  	v3 =	vld [tilespmem:s19+$0x30];
	v52 =	vmul.f32 v52, v43;
	v2 =	vsub.f32 v2, v35;
	v39 =	vsub.f32 v39, v35  }
0x3c6: {  	v54 =	vld [tilespmem:s19+$0x40];
	v0 =	vmul.f32 v0, v41;
	v63 =	vsub.f32 v40, v35;
	v44 =	vsub.f32 v44, v35  }
0x3c7: {  	v57 =	vld [tilespmem:s0+$0x50];
	v45 =	vsub.f32 v45, v35;
	v42 =	vsub.f32 v42, v35;
	v1 =	vmul.f32 v1, v30  }
0x3c8: {  	s24 =	sadd.s32 s2, s4;
	v59 =	vld [tilespmem:s19+$0x10];
	v48 =	vsub.f32 v48, v35;
	v39 =	vmul.f32 v39, v34;
	v50 =	vmul.f32 v63, v11  }
0x3c9: {  	v61 =	vld [tilespmem:s24+$0x50];
	v51 =	vsub.f32 v51, v27;
	v62 =	vmul.f32 v44, v33;
	v58 =	vmul.f32 v45, v32  }
0x3ca: {  	v60 =	vld [tilespmem:s24+$0x30];
	v44 =	vsub.f32 v46, v35;
	v42 =	vmul.f32 v42, v25;
	v45 =	vmul.f32 v3, v43  }
0x3cb: {  	v55 =	vld [tilespmem:s0+$0x30];
	v46 =	vsub.f32 v49, v27;
	v49 =	vmul.f32 v48, v12;
	v53 =	vadd.f32 v39, v38  }
0x3cc: {  	v54 =	vmul.f32 v54, v43;
	v57 =	vmul.f32 v57, v41;
	v1 =	vadd.f32 v1, v31;
	v39 =	vld [tilespmem:$0x1A680]  }
0x3cd: {  	v63 =	vmul.f32 v59, v43;
	v50 =	vadd.f32 v50, v15;
	v48 =	vadd.f32 v42, v28;
	v42 =	vld [tilespmem:$0x1A6F0];
	[tilespmem:s3+$0x40] =	vst v53  }
0x3ce: {  	v3 =	vmul.f32 v61, v43;
	v61 =	vld [tilespmem:s19+$0x60];
	v56 =	vadd.f32 v62, v37;
	v57 =	vsub.f32 v57, v35;
	[tilespmem:s3+$0x60] =	vst v1  }
0x3cf: {  	v58 =	vadd.f32 v58, v36;
	v54 =	vsub.f32 v54, v27;
	v1 =	vmul.f32 v60, v43;
	[tilespmem:s3+$0x30] =	vst v50  }
0x3d0: {  	v50 =	vsub.f32 v63, v27;
	[tilespmem:s3+$0x20] =	vst v56;
	v60 =	vld [tilespmem:s24+$0x0];
	v63 =	vmul.f32 v57, v20;
	v57 =	vmul.f32 v51, v33  }
0x3d1: {  	v0 =	vsub.f32 v0, v35;
	v40 =	vmul.f32 v2, v29;
	[tilespmem:s3+$0x50] =	vst v48;
	v4 =	vmul.f32 v54, v34;
	v54 =	vld [tilespmem:s24+$0x20]  }
0x3d2: {  	v2 =	vld [tilespmem:s24+$0x10];
	[tilespmem:s3+$0x10] =	vst v58;
	v53 =	vsub.f32 v1, v27;
	v50 =	vmul.f32 v50, v32;
	v1 =	vadd.f32 v57, v37  }
0x3d3: {  	v0 =	vmul.f32 v0, v14;
	v59 =	vld [tilespmem:s24+$0x40];
	[tilespmem:$0x1FF90] =	vst v61;
	v61 =	vadd.f32 v63, v23  }
0x3d4: {  	v48 =	vsub.f32 v52, v27;
	v63 =	vadd.f32 v50, v36;
	[tilespmem:s19+$0x20] =	vst v1  }
0x3d5: {  	v55 =	vmul.f32 v55, v41;
	v57 =	vadd.f32 v0, v17;
	v0 =	vmul.f32 v60, v43;
	[tilespmem:s0+$0x50] =	vst v61  }
0x3d6: {  	v60 =	vmul.f32 v48, v16;
	v48 =	vmul.f32 v54, v43;
	v54 =	vld [tilespmem:s24+$0x60];
	[tilespmem:s19+$0x10] =	vst v63  }
0x3d7: {  	v47 =	vsub.f32 v47, v35;
	v2 =	vmul.f32 v2, v43;
	v63 =	vld [tilespmem:$0x1FF90]  }
0x3d8: {  	v51 =	vsub.f32 v55, v35;
	v58 =	vld [tilespmem:s0+$0x70]  }
0x3d9: {  	v47 =	vmul.f32 v47, v8;
	v62 =	vsub.f32 v2, v27;
	v56 =	vld [tilespmem:s19+$0x50]  }
0x3da: {  	v2 =	vmul.f32 v59, v43;
	v55 =	vld [tilespmem:s0+$0x0];
	v50 =	vmul.f32 v51, v26  }
0x3db: {  	v51 =	vsub.f32 v3, v27;
	v59 =	vmul.f32 v62, v7;
	v62 =	vadd.f32 v4, v38  }
0x3dc: {  	s11 =	simm.s32 $0x18380;
	s12 =	simm.s32 $0x180;
	s10 =	simm.s32 $0x0;
	v52 =	vsub.f32 v2, v27;
	v61 =	vsub.f32 v0, v27;
	v63 =	vmul.f32 v63, v43  }
.LBB2_11:
0x3dd: {  	s10 =	sadd.s32 $0x2, s10;
	s2 =	sadd.s32 $0xFFFFFF80, s12;
	v0 =	vadd.f32 v59, v9;
	v1 =	vmul.f32 v53, v26;
	[tilespmem:s19+$0x40] =	vst v62;
	v2 =	vmul.f32 v58, v41;
	s25 =	sadd.s32 $0x100, s25  }
0x3de: {  	v58 =	vadd.f32 v60, v39;
	s4 =	sshrl.u32 s10, $0x3;
	s15 =	sand.u32 $0x300, s2;
	p0 =	slt.u32 s10, $0x1E;
	v53 =	vmul.f32 v61, v21;
	v59 =	vsub.f32 v63, v27;
	[tilespmem:s0+$0x60] =	vst v57  }
0x3df: {  	v49 =	vadd.f32 v49, v19;
	v55 =	vmul.f32 v55, v41;
	s2 =	smul.u32 $0x6000, s4;
	v56 =	vmul.f32 v56, v43;
	v57 =	vld [tilespmem:s0+$0x10]  }
0x3e0: {  	v2 =	vsub.f32 v2, v35;
	v53 =	vadd.f32 v53, v24;
	v60 =	vld [tilespmem:s24+$0x70];
	[tilespmem:s19+$0x0] =	vst v58;
	v58 =	vmul.f32 v59, v30  }
0x3e1: {  	v55 =	vsub.f32 v55, v35;
	v59 =	vld [tilespmem:s25+$0xFFFFFF80];
	s2 =	sshra.s32 s2, $0x2;
	[tilespmem:s24+$0x10] =	vst v0;
	v0 =	vmul.f32 v54, v43;
	v54 =	vsub.f32 v56, v27  }
0x3e2: {  	v47 =	vadd.f32 v47, v10;
	v2 =	vmul.f32 v2, v18;
	v56 =	vld [tilespmem:s11+$0xFFFFFF80];
	s2 =	sadd.s32 s2, s23;
	[tilespmem:s24+$0x0] =	vst v53;
	v53 =	vadd.f32 v58, v31  }
0x3e3: {  	s21 =	sand.u32 $0x380, s12;
	v55 =	vmul.f32 v55, v21;
	s16 =	sadd.s32 $0x800, s2;
	s17 =	sadd.s32 $0xC00, s2;
	v58 =	vld [tilespmem:s25+$0x0];
	v0 =	vsub.f32 v0, v27;
	v54 =	vmul.f32 v54, v25;
	[tilespmem:s0+$0x40] =	vst v49  }
0x3e4: {  	v46 =	vmul.f32 v46, v29;
	v61 =	vmul.f32 v51, v20;
	v2 =	vadd.f32 v2, v22;
	s4 =	sadd.s32 s15, s16;
	v49 =	vld [tilespmem:s11+$0x0];
	s2 =	sadd.s32 s21, s16;
	s21 =	sadd.s32 s21, s17;
	[tilespmem:s0+$0x20] =	vst v47  }
0x3e5: {  	v1 =	vadd.f32 v1, v13;
	v51 =	vld [tilespmem:s2+$0x60];
	v43 =	vmul.f32 v60, v43;
	v47 =	vadd.f32 v54, v28;
	[tilespmem:s19+$0x60] =	vst v53  }
0x3e6: {  	v52 =	vmul.f32 v52, v12;
	v46 =	vadd.f32 v46, v42;
	v54 =	vadd.f32 v61, v23;
	v53 =	vld [tilespmem:s21+$0x60];
	[tilespmem:s0+$0x70] =	vst v2  }
0x3e7: {  	s15 =	sadd.s32 s15, s17;
	v0 =	vmul.f32 v0, v14;
	v2 =	vld [tilespmem:s21+$0x70];
	[tilespmem:s24+$0x30] =	vst v1;
	v1 =	vsub.f32 v43, v27;
	v43 =	vadd.f32 v55, v24  }
0x3e8: {  	v52 =	vadd.f32 v52, v19;
	v41 =	vmul.f32 v57, v41;
	v55 =	vld [tilespmem:s21+$0x40];
	[tilespmem:s19+$0x70] =	vst v46;
	v46 =	vadd.f32 v50, v13  }
0x3e9: {  	v45 =	vsub.f32 v45, v27;
	v0 =	vadd.f32 v0, v17;
	v50 =	vld [tilespmem:s21+$0x30];
	[tilespmem:s0+$0x0] =	vst v43;
	v43 =	vmul.f32 v44, v16  }
0x3ea: {  	v48 =	vsub.f32 v48, v27;
	v40 =	vadd.f32 v40, v42;
	v1 =	vmul.f32 v1, v18;
	v44 =	vld [tilespmem:s21+$0x50];
	[tilespmem:s19+$0x50] =	vst v47  }
0x3eb: {  	v35 =	vsub.f32 v41, v35;
	v27 =	vmovc v59;
	v47 =	vld [tilespmem:s21+$0x20];
	v53 =	vmul.f32 v53, v49;
	v41 =	vadd.f32 v43, v39  }
0x3ec: {  	v43 =	vmul.f32 v48, v8;
	v1 =	vadd.f32 v1, v22;
	v57 =	vld [tilespmem:s21+$0x10];
	v2 =	vmul.f32 v2, v49;
	[tilespmem:s3+$0x70] =	vst v40  }
0x3ed: {  	v45 =	vmul.f32 v45, v11;
	v48 =	vld [tilespmem:s21+$0x0];
	v40 =	vmul.f32 v55, v49;
	v53 =	vsub.f32 v53, v58;
	[tilespmem:s24+$0x50] =	vst v54  }
0x3ee: {  	v55 =	vadd.f32 v43, v10;
	v54 =	vld [tilespmem:s2+$0x20];
	v50 =	vmul.f32 v50, v49;
	v2 =	vsub.f32 v2, v58;
	[tilespmem:s24+$0x70] =	vst v1  }
0x3ef: {  	v45 =	vadd.f32 v45, v15;
	v1 =	vld [tilespmem:s2+$0x40];
	v3 =	vsub.f32 v40, v58;
	v44 =	vmul.f32 v44, v49;
	[tilespmem:s3+$0x0] =	vst v41;
	s3 =	smov.u32 s21  }
0x3f0: {  	v59 =	vld [tilespmem:s15+$0x70];
	v41 =	vsub.f32 v50, v58;
	v50 =	vmul.f32 v53, v30;
	v40 =	vmul.f32 v2, v29;
	[tilespmem:s24+$0x40] =	vst v52  }
0x3f1: {  	v43 =	vmovc v56;
	v2 =	vld [tilespmem:s4+$0x10];
	v52 =	vmul.f32 v3, v34;
	[tilespmem:s24+$0x60] =	vst v0;
	v0 =	vmul.f32 v35, v7;
	v35 =	vmov v58  }
0x3f2: {  	v47 =	vmul.f32 v47, v49;
	v53 =	vld [tilespmem:s15+$0x20];
	v56 =	vmul.f32 v41, v11;
	v50 =	vadd.f32 v50, v31;
	[tilespmem:s0+$0x30] =	vst v46  }
0x3f3: {  	v46 =	vmul.f32 v48, v49;
	v48 =	vmul.f32 v57, v49;
	v58 =	vld [tilespmem:s15+$0x0];
	v52 =	vadd.f32 v52, v38;
	[tilespmem:s19+$0x30] =	vst v45;
	s19 =	smov.u32 s15  }
0x3f4: {  	v47 =	vsub.f32 v47, v35;
	v0 =	vadd.f32 v0, v9;
	v45 =	vld [tilespmem:s19+$0x30];
	v1 =	vmul.f32 v1, v49;
	v41 =	vmovc v49  }
0x3f5: {  	v48 =	vsub.f32 v48, v35;
	v56 =	vadd.f32 v56, v15;
	v49 =	vld [tilespmem:s19+$0x40];
	v54 =	vmul.f32 v54, v41;
	[tilespmem:s24+$0x20] =	vst v55;
	s24 =	smov.u32 s4  }
0x3f6: {  	v47 =	vmul.f32 v47, v33;
	v55 =	vmul.f32 v59, v43;
	v59 =	vsub.f32 v44, v35;
	v57 =	vld [tilespmem:s2+$0x30];
	[tilespmem:s0+$0x10] =	vst v0;
	s0 =	smov.u32 s2  }
0x3f7: {  	v44 =	vsub.f32 v46, v35;
	v0 =	vsub.f32 v1, v35;
	v48 =	vmul.f32 v48, v32;
	v1 =	vld [tilespmem:s0+$0x50];
	[tilespmem:s3+$0x40] =	vst v52  }
0x3f8: {  	v47 =	vadd.f32 v47, v37;
	v54 =	vsub.f32 v54, v35;
	v59 =	vmul.f32 v59, v25;
	v52 =	vld [tilespmem:s19+$0x10];
	[tilespmem:s3+$0x60] =	vst v50  }
0x3f9: {  	v53 =	vmul.f32 v53, v43;
	v46 =	vsub.f32 v55, v27;
	v50 =	vld [tilespmem:s24+$0x30];
	v45 =	vmul.f32 v45, v43;
	[tilespmem:s3+$0x30] =	vst v56  }
0x3fa: {  	v55 =	vmul.f32 v49, v43;
	v49 =	vmul.f32 v0, v12;
	[tilespmem:s3+$0x20] =	vst v47;
	v0 =	vadd.f32 v59, v28  }
0x3fb: {  	v2 =	vmul.f32 v2, v43;
	v58 =	vmul.f32 v58, v43;
	v48 =	vadd.f32 v48, v36;
	v56 =	vld [tilespmem:s24+$0x50]  }
0x3fc: {  	v47 =	vmul.f32 v54, v8;
	v55 =	vsub.f32 v55, v27;
	v1 =	vmul.f32 v1, v41;
	[tilespmem:s3+$0x50] =	vst v0  }
0x3fd: {  	v0 =	vsub.f32 v2, v27;
	v2 =	vmul.f32 v52, v43;
	v52 =	vmul.f32 v57, v41;
	[tilespmem:s3+$0x10] =	vst v48  }
0x3fe: {  	v51 =	vmul.f32 v51, v41;
	v48 =	vmul.f32 v50, v43;
	v50 =	vld [tilespmem:s24+$0x40];
	v1 =	vsub.f32 v1, v35  }
0x3ff: {  	v54 =	vsub.f32 v53, v27;
	v61 =	vmul.f32 v55, v34;
	v2 =	vsub.f32 v2, v27  }
0x400: {  	v51 =	vsub.f32 v51, v35;
	v60 =	vld [tilespmem:s24+$0x0];
	v63 =	vmul.f32 v56, v43;
	v1 =	vmul.f32 v1, v20  }
0x401: {  	v53 =	vsub.f32 v48, v27;
	v48 =	vmul.f32 v54, v33;
	v54 =	vsub.f32 v52, v35;
	v62 =	vld [tilespmem:s24+$0x20]  }
0x402: {  	v51 =	vmul.f32 v51, v14;
	v2 =	vmul.f32 v2, v32;
	v3 =	vld [tilespmem:s19+$0x60];
	v1 =	vadd.f32 v1, v23  }
.Ltmp5:
0x403: {  	v56 =	vsub.f32 v58, v27;
	v4 =	vadd.f32 v48, v37;
	v50 =	vmul.f32 v50, v43;
	v58 =	vld [tilespmem:s0+$0x70];
	(pc) =	sbr.rel @p0 .LBB2_11-.Ltmp5, $4  }
0x404: {  	v57 =	vadd.f32 v51, v17;
	v59 =	vmul.f32 v0, v7;
	v0 =	vadd.f32 v2, v36;
	v55 =	vld [tilespmem:s0+$0x0];
	[tilespmem:s0+$0x50] =	vst v1  }
0x405: {  	v1 =	vmul.f32 v60, v43;
	v52 =	vsub.f32 v50, v27;
	v60 =	vmul.f32 v56, v16;
	v56 =	vld [tilespmem:s19+$0x50]  }
0x406: {  	v50 =	vmul.f32 v54, v26;
	v48 =	vmul.f32 v62, v43;
	[tilespmem:s19+$0x20] =	vst v4;
	v62 =	vadd.f32 v61, v38  }
0x407: {  	s12 =	sadd.s32 $0x100, s12;
	s11 =	sadd.s32 $0x100, s11;
	v51 =	vsub.f32 v63, v27;
	v61 =	vsub.f32 v1, v27;
	v54 =	vld [tilespmem:s24+$0x60];
	[tilespmem:s19+$0x10] =	vst v0;
	v63 =	vmul.f32 v3, v43  }
0x408: {  	[tilespmem:s19+$0x40] =	vst v62;
	v0 =	vmul.f32 v58, v41;
	v2 =	vadd.f32 v60, v39  }
0x409: {  	[tilespmem:s0+$0x60] =	vst v57;
	v33 =	vadd.f32 v49, v19;
	v4 =	vsub.f32 v63, v27  }
0x40a: {  	v3 =	vadd.f32 v59, v9;
	v1 =	vmul.f32 v61, v21;
	v32 =	vld [tilespmem:s24+$0x70];
	[tilespmem:s19+$0x0] =	vst v2;
	v0 =	vsub.f32 v0, v35  }
0x40b: {  	v61 =	vmul.f32 v55, v41;
	v63 =	vadd.f32 v47, v10;
	[tilespmem:s0+$0x40] =	vst v33;
	v4 =	vmul.f32 v4, v30  }
0x40c: {  	v62 =	vmul.f32 v56, v43;
	v1 =	vadd.f32 v1, v24;
	[tilespmem:s24+$0x10] =	vst v3;
	v0 =	vmul.f32 v0, v18  }
0x40d: {  	v26 =	vmul.f32 v53, v26;
	v2 =	vsub.f32 v61, v35;
	[tilespmem:s0+$0x20] =	vst v63;
	v4 =	vadd.f32 v4, v31  }
0x40e: {  	v29 =	vmul.f32 v46, v29;
	v3 =	vsub.f32 v62, v27;
	[tilespmem:s24+$0x0] =	vst v1;
	v0 =	vadd.f32 v0, v22  }
0x40f: {  	v34 =	vadd.f32 v26, v13;
	v33 =	vmul.f32 v2, v21;
	[tilespmem:s19+$0x60] =	vst v4  }
0x410: {  	v3 =	vmul.f32 v3, v25;
	v4 =	vadd.f32 v29, v42;
	[tilespmem:s0+$0x70] =	vst v0  }
0x411: {  	v30 =	vld [tilespmem:s0+$0x10];
	v36 =	vmul.f32 v54, v43;
	v1 =	vadd.f32 v33, v24;
	[tilespmem:s24+$0x30] =	vst v34  }
0x412: {  	v20 =	vmul.f32 v51, v20;
	v21 =	vmul.f32 v32, v43;
	v3 =	vadd.f32 v3, v28;
	[tilespmem:s19+$0x70] =	vst v4  }
0x413: {  	v16 =	vmul.f32 v44, v16;
	v43 =	vadd.f32 v40, v42;
	v0 =	vsub.f32 v36, v27;
	[tilespmem:s0+$0x0] =	vst v1  }
0x414: {  	v46 =	vmul.f32 v52, v12;
	v37 =	vsub.f32 v21, v27;
	v4 =	vadd.f32 v20, v23;
	[tilespmem:s19+$0x50] =	vst v3  }
0x415: {  	v12 =	vsub.f32 v45, v27;
	v0 =	vmul.f32 v0, v14;
	[tilespmem:s3+$0x70] =	vst v43;
	v14 =	vadd.f32 v16, v39  }
0x416: {  	v47 =	vmul.f32 v30, v41;
	v38 =	vmul.f32 v37, v18;
	v3 =	vadd.f32 v46, v19;
	[tilespmem:s24+$0x50] =	vst v4  }
0x417: {  	v49 =	vmul.f32 v12, v11;
	v11 =	vadd.f32 v50, v13;
	v4 =	vsub.f32 v48, v27;
	[tilespmem:s3+$0x0] =	vst v14  }
0x418: {  	v48 =	vsub.f32 v47, v35;
	v1 =	vadd.f32 v38, v22;
	[tilespmem:s24+$0x40] =	vst v3  }
0x419: {  	v0 =	vadd.f32 v0, v17;
	v4 =	vmul.f32 v4, v8;
	[tilespmem:s0+$0x30] =	vst v11  }
0x41a: {  	v2 =	vadd.f32 v49, v15;
	v51 =	vmul.f32 v48, v7;
	[tilespmem:s24+$0x70] =	vst v1  }
0x41b: {  	[tilespmem:s24+$0x60] =	vst v0;
	v52 =	vadd.f32 v4, v10  }
0x41c: {  	[tilespmem:s19+$0x30] =	vst v2;
	v0 =	vadd.f32 v51, v9  }
0x41d: {  	[tilespmem:s24+$0x20] =	vst v52  }
0x41e: {  	[tilespmem:s0+$0x10] =	vst v0  }
0x41f: {  	v21 =	vld [tilespmem:$0x1A400]  }
0x420: {  	v7 =	vld [tilespmem:$0x1A410]  }
0x421: {  	v8 =	vld [tilespmem:$0x1A420]  }
0x422: {  	v26 =	vld [tilespmem:$0x1A430]  }
0x423: {  	v12 =	vld [tilespmem:$0x1A440]  }
0x424: {  	v20 =	vld [tilespmem:$0x1A450]  }
0x425: {  	v14 =	vld [tilespmem:$0x1A460]  }
0x426: {  	v18 =	vld [tilespmem:$0x1A470]  }
0x427: {  	v16 =	vld [tilespmem:$0x1A480]  }
0x428: {  	v32 =	vld [tilespmem:$0x1A490]  }
0x429: {  	v33 =	vld [tilespmem:$0x1A4A0]  }
0x42a: {  	v11 =	vld [tilespmem:$0x1A4B0]  }
0x42b: {  	v34 =	vld [tilespmem:$0x1A4C0]  }
0x42c: {  	v25 =	vld [tilespmem:$0x1A4D0]  }
0x42d: {  	v30 =	vld [tilespmem:$0x1A4E0]  }
0x42e: {  	v29 =	vld [tilespmem:$0x1A4F0]  }
0x42f: {  	v24 =	vld [tilespmem:$0x1A700]  }
0x430: {  	v9 =	vld [tilespmem:$0x1A710]  }
0x431: {  	v10 =	vld [tilespmem:$0x1A720]  }
0x432: {  	v13 =	vld [tilespmem:$0x1A730]  }
0x433: {  	v19 =	vld [tilespmem:$0x1A740]  }
0x434: {  	v23 =	vld [tilespmem:$0x1A750]  }
0x435: {  	v17 =	vld [tilespmem:$0x1A760]  }
0x436: {  	s29 =	simm.s32 $0x0;
	v22 =	vld [tilespmem:$0x1A770]  }
0x437: {  	s0 =	smul.u32 $0x6000, s29;
	v36 =	vld [tilespmem:$0x1A790]  }
0x438: {  	s25 =	simm.s32 $0x19280;
	v37 =	vld [tilespmem:$0x1A7A0]  }
0x439: {  	s2 =	simm.s32 $0x18280;
	v27 =	vld [tilespmem:s25+$0xFFFFFF80];
	s0 =	sshra.s32 s0, $0x2  }
0x43a: {  	s30 =	simm.s32 $0x80;
	v43 =	vld [tilespmem:s2+$0xFFFFFF80];
	s0 =	sadd.s32 s0, s23  }
0x43b: {  	s3 =	sand.u32 $0x380, s30;
	v35 =	vld [tilespmem:s25+$0x0];
	s4 =	sadd.s32 $0x1000, s0  }
0x43c: {  	v41 =	vld [tilespmem:s2+$0x0];
	s10 =	sadd.s32 $0x1400, s0;
	s0 =	sadd.s32 s3, s4  }
0x43d: {  	s3 =	sadd.s32 s3, s10;
	v0 =	vld [tilespmem:s0+$0x60]  }
0x43e: {  	v1 =	vld [tilespmem:s3+$0x60]  }
0x43f: {  	v2 =	vld [tilespmem:s3+$0x70]  }
0x440: {  	v3 =	vld [tilespmem:s3+$0x40]  }
0x441: {  	v4 =	vld [tilespmem:s3+$0x30]  }
0x442: {  	v53 =	vld [tilespmem:s3+$0x50]  }
0x443: {  	v54 =	vld [tilespmem:s3+$0x20]  }
0x444: {  	v55 =	vld [tilespmem:s3+$0x10]  }
0x445: {  	s31 =	simm.s32 $0x0;
	v56 =	vld [tilespmem:s3+$0x0]  }
0x446: {  	s2 =	sand.u32 $0x300, s31;
	v57 =	vld [tilespmem:s0+$0x20]  }
0x447: {  	s19 =	sadd.s32 s2, s10;
	v58 =	vld [tilespmem:s0+$0x40]  }
0x448: {  	v59 =	vld [tilespmem:s19+$0x70];
	v1 =	vmul.f32 v1, v41;
	v2 =	vmul.f32 v2, v41  }
0x449: {  	v60 =	vld [tilespmem:s19+$0x20];
	v3 =	vmul.f32 v3, v41;
	v4 =	vmul.f32 v4, v41  }
0x44a: {  	v50 =	vld [tilespmem:s19+$0x0];
	v39 =	vmul.f32 v53, v41;
	v42 =	vmul.f32 v54, v41  }
0x44b: {  	v51 =	vld [tilespmem:s19+$0x30];
	v45 =	vmul.f32 v56, v41;
	v44 =	vmul.f32 v55, v41  }
0x44c: {  	v52 =	vld [tilespmem:s19+$0x40];
	v47 =	vmul.f32 v58, v41;
	v46 =	vmul.f32 v57, v41;
	v1 =	vsub.f32 v1, v35  }
0x44d: {  	v15 =	vld [tilespmem:$0x1A7B0];
	v48 =	vmul.f32 v59, v43;
	v2 =	vsub.f32 v2, v35;
	v3 =	vsub.f32 v3, v35  }
0x44e: {  	v38 =	vld [tilespmem:$0x1A7C0];
	v60 =	vmul.f32 v60, v43;
	v4 =	vsub.f32 v4, v35;
	v42 =	vsub.f32 v42, v35  }
0x44f: {  	v28 =	vld [tilespmem:$0x1A7D0];
	v50 =	vmul.f32 v50, v43;
	v61 =	vsub.f32 v44, v35;
	v39 =	vsub.f32 v39, v35  }
0x450: {  	v31 =	vld [tilespmem:$0x1A7E0];
	v0 =	vmul.f32 v0, v41;
	v44 =	vsub.f32 v45, v35;
	v57 =	vsub.f32 v46, v35  }
0x451: {  	v54 =	vld [tilespmem:s0+$0x30];
	v45 =	vmul.f32 v51, v43;
	v46 =	vsub.f32 v48, v27;
	v48 =	vmul.f32 v52, v43  }
0x452: {  	v55 =	vld [tilespmem:s0+$0x50];
	v47 =	vsub.f32 v47, v35;
	v1 =	vmul.f32 v1, v30;
	v40 =	vmul.f32 v2, v29  }
0x453: {  	s24 =	sadd.s32 s2, s4;
	v56 =	vld [tilespmem:s19+$0x10];
	v0 =	vsub.f32 v0, v35;
	v3 =	vmul.f32 v3, v34;
	v4 =	vmul.f32 v4, v11  }
0x454: {  	v59 =	vld [tilespmem:s24+$0x30];
	v50 =	vsub.f32 v50, v27;
	v42 =	vmul.f32 v42, v33;
	v53 =	vmul.f32 v61, v32  }
0x455: {  	v52 =	vld [tilespmem:s24+$0x50];
	v49 =	vmul.f32 v47, v12;
	v48 =	vsub.f32 v48, v27;
	v47 =	vmul.f32 v57, v8  }
0x456: {  	v2 =	vld [tilespmem:s24+$0x10];
	v3 =	vadd.f32 v3, v38;
	v58 =	vadd.f32 v42, v37;
	v42 =	vmul.f32 v39, v25  }
0x457: {  	v0 =	vmul.f32 v0, v14;
	v62 =	vmul.f32 v55, v41;
	v1 =	vadd.f32 v1, v31;
	v39 =	vld [tilespmem:$0x1A780]  }
0x458: {  	v63 =	vmul.f32 v56, v43;
	v4 =	vadd.f32 v4, v15;
	v51 =	vadd.f32 v42, v28;
	v42 =	vld [tilespmem:$0x1A7F0];
	[tilespmem:s3+$0x40] =	vst v3  }
0x459: {  	v54 =	vmul.f32 v54, v41;
	v55 =	vld [tilespmem:s24+$0x40];
	v61 =	vadd.f32 v53, v36;
	v53 =	vsub.f32 v62, v35;
	[tilespmem:s3+$0x60] =	vst v1  }
0x45a: {  	v62 =	vmul.f32 v48, v34;
	v1 =	vmul.f32 v59, v43;
	[tilespmem:s3+$0x30] =	vst v4;
	v3 =	vsub.f32 v63, v27  }
0x45b: {  	v48 =	vld [tilespmem:s24+$0x0];
	v4 =	vsub.f32 v60, v27;
	[tilespmem:s3+$0x20] =	vst v58;
	v63 =	vmul.f32 v52, v43;
	v2 =	vmul.f32 v2, v43  }
0x45c: {  	v59 =	vmul.f32 v53, v20;
	v62 =	vadd.f32 v62, v38;
	[tilespmem:s3+$0x50] =	vst v51;
	v51 =	vld [tilespmem:s24+$0x20];
	v53 =	vsub.f32 v1, v27  }
0x45d: {  	[tilespmem:s3+$0x10] =	vst v61;
	v60 =	vmul.f32 v4, v33;
	v3 =	vmul.f32 v3, v32;
	v57 =	vsub.f32 v2, v27;
	v2 =	vld [tilespmem:s19+$0x60]  }
0x45e: {  	v4 =	vsub.f32 v54, v35;
	v61 =	vmul.f32 v55, v43;
	v54 =	vadd.f32 v59, v23;
	v58 =	vld [tilespmem:s0+$0x70]  }
0x45f: {  	v56 =	vld [tilespmem:s19+$0x50];
	v1 =	vadd.f32 v60, v37;
	v3 =	vadd.f32 v3, v36;
	v60 =	vmul.f32 v50, v16  }
0x460: {  	v55 =	vld [tilespmem:s0+$0x0];
	v59 =	vmul.f32 v57, v7;
	v57 =	vadd.f32 v0, v17;
	v0 =	vmul.f32 v48, v43;
	[tilespmem:s0+$0x50] =	vst v54  }
0x461: {  	v52 =	vsub.f32 v61, v27;
	v50 =	vmul.f32 v4, v26;
	[tilespmem:s19+$0x20] =	vst v1;
	v48 =	vmul.f32 v51, v43  }
0x462: {  	s11 =	simm.s32 $0x18380;
	s12 =	simm.s32 $0x180;
	s10 =	simm.s32 $0x0;
	v54 =	vld [tilespmem:s24+$0x60];
	v61 =	vsub.f32 v0, v27;
	v51 =	vsub.f32 v63, v27;
	[tilespmem:s19+$0x10] =	vst v3;
	v63 =	vmul.f32 v2, v43  }
.LBB2_13:
0x463: {  	s10 =	sadd.s32 $0x2, s10;
	s2 =	sadd.s32 $0xFFFFFF80, s12;
	v0 =	vadd.f32 v59, v9;
	v1 =	vmul.f32 v53, v26;
	[tilespmem:s19+$0x40] =	vst v62;
	v2 =	vmul.f32 v58, v41;
	s25 =	sadd.s32 $0x100, s25  }
0x464: {  	v4 =	vadd.f32 v60, v39;
	s4 =	sshrl.u32 s10, $0x3;
	s15 =	sand.u32 $0x300, s2;
	p0 =	slt.u32 s10, $0x1E;
	v3 =	vmul.f32 v61, v21;
	v53 =	vsub.f32 v63, v27;
	[tilespmem:s0+$0x60] =	vst v57  }
0x465: {  	v49 =	vadd.f32 v49, v19;
	v55 =	vmul.f32 v55, v41;
	s2 =	smul.u32 $0x6000, s4;
	v56 =	vmul.f32 v56, v43;
	v57 =	vld [tilespmem:s0+$0x10]  }
0x466: {  	v2 =	vsub.f32 v2, v35;
	v3 =	vadd.f32 v3, v24;
	v58 =	vld [tilespmem:s24+$0x70];
	[tilespmem:s19+$0x0] =	vst v4;
	v4 =	vmul.f32 v53, v30  }
0x467: {  	v55 =	vsub.f32 v55, v35;
	v53 =	vld [tilespmem:s25+$0xFFFFFF80];
	s2 =	sshra.s32 s2, $0x2;
	[tilespmem:s24+$0x10] =	vst v0;
	v0 =	vmul.f32 v54, v43;
	v54 =	vsub.f32 v56, v27  }
0x468: {  	v2 =	vmul.f32 v2, v18;
	v56 =	vld [tilespmem:s11+$0xFFFFFF80];
	s2 =	sadd.s32 s2, s23;
	[tilespmem:s24+$0x0] =	vst v3;
	v3 =	vadd.f32 v4, v31;
	v4 =	vadd.f32 v47, v10  }
0x469: {  	s21 =	sand.u32 $0x380, s12;
	v55 =	vmul.f32 v55, v21;
	s16 =	sadd.s32 $0x1000, s2;
	s17 =	sadd.s32 $0x1400, s2;
	v47 =	vld [tilespmem:s25+$0x0];
	v0 =	vsub.f32 v0, v27;
	v54 =	vmul.f32 v54, v25;
	[tilespmem:s0+$0x40] =	vst v49  }
0x46a: {  	v46 =	vmul.f32 v46, v29;
	v59 =	vmul.f32 v51, v20;
	v2 =	vadd.f32 v2, v22;
	s4 =	sadd.s32 s15, s16;
	v49 =	vld [tilespmem:s11+$0x0];
	s2 =	sadd.s32 s21, s16;
	s21 =	sadd.s32 s21, s17;
	[tilespmem:s0+$0x20] =	vst v4  }
0x46b: {  	v1 =	vadd.f32 v1, v13;
	v51 =	vld [tilespmem:s2+$0x60];
	v4 =	vmul.f32 v58, v43;
	v43 =	vadd.f32 v54, v28;
	[tilespmem:s19+$0x60] =	vst v3  }
0x46c: {  	v52 =	vmul.f32 v52, v12;
	v46 =	vadd.f32 v46, v42;
	v54 =	vadd.f32 v59, v23;
	v3 =	vld [tilespmem:s21+$0x60];
	[tilespmem:s0+$0x70] =	vst v2  }
0x46d: {  	s15 =	sadd.s32 s15, s17;
	v0 =	vmul.f32 v0, v14;
	v2 =	vld [tilespmem:s21+$0x70];
	[tilespmem:s24+$0x30] =	vst v1;
	v1 =	vsub.f32 v4, v27;
	v4 =	vadd.f32 v55, v24  }
0x46e: {  	v52 =	vadd.f32 v52, v19;
	v41 =	vmul.f32 v57, v41;
	v55 =	vld [tilespmem:s21+$0x40];
	[tilespmem:s19+$0x70] =	vst v46;
	v46 =	vadd.f32 v50, v13  }
0x46f: {  	v45 =	vsub.f32 v45, v27;
	v0 =	vadd.f32 v0, v17;
	v50 =	vld [tilespmem:s21+$0x30];
	[tilespmem:s0+$0x0] =	vst v4;
	v4 =	vmul.f32 v44, v16  }
0x470: {  	v48 =	vsub.f32 v48, v27;
	v40 =	vadd.f32 v40, v42;
	v1 =	vmul.f32 v1, v18;
	v44 =	vld [tilespmem:s21+$0x50];
	[tilespmem:s19+$0x50] =	vst v43  }
0x471: {  	v35 =	vsub.f32 v41, v35;
	v27 =	vmovc v53;
	v57 =	vld [tilespmem:s21+$0x20];
	v3 =	vmul.f32 v3, v49;
	v4 =	vadd.f32 v4, v39  }
0x472: {  	v43 =	vmul.f32 v48, v8;
	v1 =	vadd.f32 v1, v22;
	v41 =	vld [tilespmem:s21+$0x10];
	v2 =	vmul.f32 v2, v49;
	[tilespmem:s3+$0x70] =	vst v40  }
0x473: {  	v45 =	vmul.f32 v45, v11;
	v48 =	vld [tilespmem:s21+$0x0];
	v40 =	vmul.f32 v55, v49;
	v3 =	vsub.f32 v3, v47;
	[tilespmem:s24+$0x50] =	vst v54  }
0x474: {  	v54 =	vadd.f32 v43, v10;
	v53 =	vld [tilespmem:s2+$0x20];
	v50 =	vmul.f32 v50, v49;
	v2 =	vsub.f32 v2, v47;
	[tilespmem:s24+$0x70] =	vst v1  }
0x475: {  	v45 =	vadd.f32 v45, v15;
	v1 =	vld [tilespmem:s2+$0x40];
	v5 =	vsub.f32 v40, v47;
	v44 =	vmul.f32 v44, v49;
	[tilespmem:s3+$0x0] =	vst v4;
	s3 =	smov.u32 s21  }
0x476: {  	v3 =	vmul.f32 v3, v30;
	v4 =	vld [tilespmem:s15+$0x70];
	v50 =	vsub.f32 v50, v47;
	v40 =	vmul.f32 v2, v29;
	[tilespmem:s24+$0x40] =	vst v52  }
0x477: {  	v43 =	vmovc v56;
	v2 =	vld [tilespmem:s4+$0x10];
	v52 =	vmul.f32 v5, v34;
	[tilespmem:s24+$0x60] =	vst v0;
	v0 =	vmul.f32 v35, v7;
	v35 =	vmov v47  }
0x478: {  	v55 =	vmul.f32 v57, v49;
	v3 =	vadd.f32 v3, v31;
	v47 =	vld [tilespmem:s15+$0x20];
	v50 =	vmul.f32 v50, v11;
	[tilespmem:s0+$0x30] =	vst v46  }
0x479: {  	v46 =	vmul.f32 v48, v49;
	v48 =	vmul.f32 v41, v49;
	v56 =	vld [tilespmem:s15+$0x0];
	v52 =	vadd.f32 v52, v38;
	[tilespmem:s19+$0x30] =	vst v45;
	s19 =	smov.u32 s15  }
0x47a: {  	v55 =	vsub.f32 v55, v35;
	v41 =	vmovc v49;
	v0 =	vadd.f32 v0, v9;
	v45 =	vld [tilespmem:s19+$0x30];
	v1 =	vmul.f32 v1, v49  }
0x47b: {  	v53 =	vmul.f32 v53, v41;
	v48 =	vsub.f32 v48, v35;
	v50 =	vadd.f32 v50, v15;
	v49 =	vld [tilespmem:s19+$0x40];
	[tilespmem:s24+$0x20] =	vst v54;
	s24 =	smov.u32 s4  }
0x47c: {  	v57 =	vsub.f32 v44, v35;
	v55 =	vmul.f32 v55, v33;
	v4 =	vmul.f32 v4, v43;
	v54 =	vld [tilespmem:s2+$0x30];
	[tilespmem:s0+$0x10] =	vst v0;
	s0 =	smov.u32 s2  }
0x47d: {  	v44 =	vsub.f32 v46, v35;
	v0 =	vsub.f32 v1, v35;
	v48 =	vmul.f32 v48, v32;
	v1 =	vld [tilespmem:s0+$0x50];
	[tilespmem:s3+$0x40] =	vst v52  }
0x47e: {  	v57 =	vmul.f32 v57, v25;
	v53 =	vsub.f32 v53, v35;
	v55 =	vadd.f32 v55, v37;
	v52 =	vld [tilespmem:s19+$0x10];
	[tilespmem:s3+$0x60] =	vst v3  }
0x47f: {  	v58 =	vmul.f32 v47, v43;
	v46 =	vsub.f32 v4, v27;
	v3 =	vld [tilespmem:s24+$0x30];
	v45 =	vmul.f32 v45, v43;
	[tilespmem:s3+$0x30] =	vst v50  }
0x480: {  	v4 =	vmul.f32 v49, v43;
	v49 =	vmul.f32 v0, v12;
	[tilespmem:s3+$0x20] =	vst v55;
	v0 =	vadd.f32 v57, v28  }
0x481: {  	v2 =	vmul.f32 v2, v43;
	v48 =	vadd.f32 v48, v36;
	v55 =	vmul.f32 v56, v43;
	v50 =	vld [tilespmem:s24+$0x50]  }
0x482: {  	v47 =	vmul.f32 v53, v8;
	v4 =	vsub.f32 v4, v27;
	v1 =	vmul.f32 v1, v41;
	[tilespmem:s3+$0x50] =	vst v0  }
0x483: {  	v0 =	vsub.f32 v2, v27;
	v2 =	vmul.f32 v52, v43;
	v52 =	vmul.f32 v54, v41;
	[tilespmem:s3+$0x10] =	vst v48  }
0x484: {  	v51 =	vmul.f32 v51, v41;
	v3 =	vmul.f32 v3, v43;
	v48 =	vld [tilespmem:s24+$0x40];
	v1 =	vsub.f32 v1, v35  }
0x485: {  	v54 =	vsub.f32 v58, v27;
	v4 =	vmul.f32 v4, v34;
	v2 =	vsub.f32 v2, v27  }
0x486: {  	v56 =	vld [tilespmem:s24+$0x0];
	v63 =	vmul.f32 v50, v43;
	v1 =	vmul.f32 v1, v20;
	v50 =	vsub.f32 v51, v35  }
0x487: {  	v53 =	vsub.f32 v3, v27;
	v3 =	vmul.f32 v54, v33;
	v54 =	vsub.f32 v52, v35;
	v51 =	vld [tilespmem:s24+$0x20]  }
0x488: {  	v2 =	vmul.f32 v2, v32;
	v5 =	vld [tilespmem:s19+$0x60];
	v1 =	vadd.f32 v1, v23;
	v50 =	vmul.f32 v50, v14  }
.Ltmp6:
0x489: {  	v60 =	vsub.f32 v55, v27;
	v3 =	vadd.f32 v3, v37;
	v48 =	vmul.f32 v48, v43;
	v58 =	vld [tilespmem:s0+$0x70];
	(pc) =	sbr.rel @p0 .LBB2_13-.Ltmp6, $4  }
0x48a: {  	v59 =	vmul.f32 v0, v7;
	v0 =	vadd.f32 v2, v36;
	v55 =	vld [tilespmem:s0+$0x0];
	[tilespmem:s0+$0x50] =	vst v1;
	v57 =	vadd.f32 v50, v17  }
0x48b: {  	v60 =	vmul.f32 v60, v16;
	v1 =	vmul.f32 v56, v43;
	v52 =	vsub.f32 v48, v27;
	v56 =	vld [tilespmem:s19+$0x50]  }
0x48c: {  	v62 =	vadd.f32 v4, v38;
	v50 =	vmul.f32 v54, v26;
	v48 =	vmul.f32 v51, v43;
	[tilespmem:s19+$0x20] =	vst v3  }
0x48d: {  	s12 =	sadd.s32 $0x100, s12;
	s11 =	sadd.s32 $0x100, s11;
	v51 =	vsub.f32 v63, v27;
	v61 =	vsub.f32 v1, v27;
	v54 =	vld [tilespmem:s24+$0x60];
	[tilespmem:s19+$0x10] =	vst v0;
	v63 =	vmul.f32 v5, v43  }
0x48e: {  	_ = 	snop  }
0x48f: {  	[tilespmem:s19+$0x40] =	vst v62;
	v0 =	vmul.f32 v58, v41;
	v2 =	vadd.f32 v60, v39;
	v1 =	vmul.f32 v61, v21  }
0x490: {  	v3 =	vadd.f32 v59, v9;
	[tilespmem:s0+$0x60] =	vst v57;
	v4 =	vsub.f32 v63, v27  }
0x491: {  	v5 =	vld [tilespmem:s24+$0x70];
	[tilespmem:s19+$0x0] =	vst v2;
	v0 =	vsub.f32 v0, v35;
	v1 =	vadd.f32 v1, v24  }
0x492: {  	v32 =	vadd.f32 v49, v19;
	v2 =	vmul.f32 v55, v41;
	v4 =	vmul.f32 v4, v30;
	[tilespmem:s24+$0x10] =	vst v3  }
0x493: {  	v3 =	vmul.f32 v56, v43;
	v0 =	vmul.f32 v0, v18;
	[tilespmem:s24+$0x0] =	vst v1;
	v1 =	vadd.f32 v47, v10  }
0x494: {  	v26 =	vmul.f32 v53, v26;
	[tilespmem:s0+$0x40] =	vst v32;
	v2 =	vsub.f32 v2, v35;
	v4 =	vadd.f32 v4, v31  }
0x495: {  	v29 =	vmul.f32 v46, v29;
	v3 =	vsub.f32 v3, v27;
	v0 =	vadd.f32 v0, v22;
	[tilespmem:s0+$0x20] =	vst v1  }
0x496: {  	v5 =	vmul.f32 v5, v43;
	v1 =	vmul.f32 v2, v21;
	v2 =	vadd.f32 v26, v13;
	[tilespmem:s19+$0x60] =	vst v4  }
0x497: {  	v3 =	vmul.f32 v3, v25;
	v4 =	vadd.f32 v29, v42;
	[tilespmem:s0+$0x70] =	vst v0  }
0x498: {  	v62 =	vld [tilespmem:s0+$0x10];
	[tilespmem:s24+$0x30] =	vst v2;
	v2 =	vsub.f32 v5, v27;
	v1 =	vadd.f32 v1, v24  }
0x499: {  	v0 =	vmul.f32 v54, v43;
	v5 =	vmul.f32 v51, v20;
	v3 =	vadd.f32 v3, v28;
	[tilespmem:s19+$0x70] =	vst v4  }
0x49a: {  	[tilespmem:s0+$0x0] =	vst v1;
	v1 =	vmul.f32 v2, v18;
	v2 =	vadd.f32 v40, v42  }
0x49b: {  	v0 =	vsub.f32 v0, v27;
	v4 =	vadd.f32 v5, v23;
	v5 =	vmul.f32 v44, v16;
	[tilespmem:s19+$0x50] =	vst v3  }
0x49c: {  	v63 =	vsub.f32 v45, v27;
	v3 =	vmul.f32 v52, v12;
	v1 =	vadd.f32 v1, v22;
	[tilespmem:s3+$0x70] =	vst v2  }
0x49d: {  	v0 =	vmul.f32 v0, v14;
	v2 =	vmul.f32 v62, v41;
	v5 =	vadd.f32 v5, v39;
	[tilespmem:s24+$0x50] =	vst v4  }
0x49e: {  	v3 =	vadd.f32 v3, v19;
	v4 =	vsub.f32 v48, v27;
	[tilespmem:s24+$0x70] =	vst v1  }
0x49f: {  	v0 =	vadd.f32 v0, v17;
	v1 =	vsub.f32 v2, v35;
	v2 =	vmul.f32 v63, v11;
	[tilespmem:s3+$0x0] =	vst v5  }
0x4a0: {  	v5 =	vadd.f32 v50, v13;
	v4 =	vmul.f32 v4, v8;
	[tilespmem:s24+$0x40] =	vst v3  }
0x4a1: {  	[tilespmem:s24+$0x60] =	vst v0;
	v2 =	vadd.f32 v2, v15;
	v0 =	vmul.f32 v1, v7  }
0x4a2: {  	v1 =	vadd.f32 v4, v10;
	[tilespmem:s0+$0x30] =	vst v5  }
0x4a3: {  	s2 =	sshll.u32 s20, $0x5;
	[tilespmem:s19+$0x30] =	vst v2;
	v0 =	vadd.f32 v0, v9  }
0x4a4: {  	p0 =	sne.s32 s22, $0x10;
	s2 =	sadd.s32 s8, s2;
	[tilespmem:s24+$0x20] =	vst v1  }
.Ltmp7:
0x4a5: {  	s2 =	sshrl.u32 s2, $0x3;
	[tilespmem:s0+$0x10] =	vst v0;
	(pc) =	sbr.rel @p0 .LBB2_2-.Ltmp7, $3  }
0x4a6: {  	s2 =	smul.u32 $0x300, s2;
	v5 =	vld [tilespmem:$0x1FFF0];
	_ =	sdelay $0x1  }
0x4a7: {  	s20 =	smov.u32 s22;
	s31 =	sadd.s32 s5, s2;
	v3 =	vld [tilespmem:$0x1FFD0]  }
0x4a8: {  	[hbm4b:s31+s6] =	stream.linear.scatter [tilespmem:s23], [sflag:s18], $0x6000, $0x38;
	v4 =	vld [tilespmem:$0x1FFE0]  }
0x4a9: {  	s0 =	simm.s32 $0x3  }
0x4aa: {  	_ =	swait.ge [sflag:s0], $0x6000  }
0x4ab: {  	[sflag:s0] =	ssyncset.done $0x0  }
0x4ac: {  	s2 =	simm.s32 $0x4;
	[sflag:s0] =	ssyncadd.s32 $0xFFFFA000  }
0x4ad: {  	_ =	swait.ge [sflag:s2], $0x6000  }
0x4ae: {  	s3 =	rddreg [dreg:$0xa]  }
0x4af: {  	s31 =	rddreg [dreg:$0x9];
	s3 =	sadd.s32 $0x1, s3  }
0x4b0: {  	p0 =	sne.s32 s3, s31  }
.Ltmp8:
0x4b1: {  	_ = 	snop;
	(pc) =	sbr.rel @p0 .LBB2_1-.Ltmp8, $3  }
0x4b2: {  	_ =	sdelay $0x1  }
0x4b3: {  	[sflag:s2] =	ssyncset.done $0x0  }
0x4b4: {  	[sflag:s2] =	ssyncadd.s32 $0xFFFFA000  }
0x4b5: {  	_ =	sfence.sel $0x180000  }
0x4b6: {  	[bflag:$0x0] =	sbarrier.arrive $0xFFFF  }
0x4b7: {  	_ =	strace $0x90000047  }
0x4b8: {  	s0 =	stileid.u32;
	[bflag:$0x2] =	sbarrier.arrive $0xFFFF  }
0x4b9: {  	p0 =	sne.s32 s0, $0x0;
	s0 =	rddreg [dreg:$0x5]  }
0x4ba: {  	s0 =	sadd.s32 @!p0 $0x100000, s0  }
0x4bb: {  	[sflag:s0] =	ssyncadd.tile.s32 @!p0 $0x1;
	_ =	shalt  }
.Lfunc_end2:
_tile_overlayer_lowered:
.L_overlay_start_2:
0x4bc: {  	(tag) =	ssettag $0x2  }
0x4bd: {  	s0 =	rddreg [dreg:$0x0];
	s2 =	stileid.u32  }
0x4be: {  	s1 =	rddreg [dreg:$0x1];
	p0 =	sne.s32 s2, $0x0  }
0x4bf: {  	s3 =	rddreg [dreg:$0x2];
	[bflag:$0x3] =	sbarrier.arrive $0xFFFF;
	s2 =	simm.s32 @!p0 $0x1C05  }
0x4c0: {  	[timem:s3], [sflag:s2] =	dma.local @!p0 [hbm:s0], s1  }
0x4c1: {  	s0 =	simm.s32 @!p0 $0x5  }
0x4c2: {  	_ =	swait.ge @!p0 [sflag:s0], s1  }
0x4c3: {  	s1 =	ssub.s32 @!p0 $0x0, s1;
	[sflag:s0] =	ssyncset.done @!p0 $0x0  }
0x4c4: {  	[sflag:s0] =	ssyncadd.s32 @!p0 s1  }
0x4c5: {  	[bflag:$0x3] =	sbarrier.arrive $0xFFFF  }
0x4c6: {  	_ =	shalt  }

</sc_bundles>
